<compile_context>
chip_gen: v7x
topology: tpu7x:2x2x1
jax: 0.10.2.dev20260603
libtpu: 0.0.44.dev20260713+nightly
codegen_flags: <defaults>
</compile_context>

<pallas_src>
import functools

import jax
import jax.numpy as jnp
from jax import lax
from jax.experimental import pallas as pl
from jax.experimental.pallas import tpu as pltpu
from jax.experimental.pallas import tpu_sc as plsc

B = 16384
NC, NS, LANES = 2, 16, 16
NW = NC * NS
PB = B // NW
CHUNK = 128
NJ = PB // CHUNK
NUM_GENDERS = 3
NUM_DEVICES = 4


def _lin_body(x_ref, o_ref):
  y = jnp.transpose(x_ref[...])
  y3 = y.reshape(y.shape[0] // 8, 8, 16)
  parts = [y3[:, p, :] for p in range(8)]
  o_ref[...] = jnp.concatenate(parts, axis=1)


def _linearize(t_tr, n):
  cb = 2048
  grid = (pl.cdiv(n, cb),)
  return pl.pallas_call(
      _lin_body,
      grid=grid,
      in_specs=[pl.BlockSpec((16, cb), lambda g: (0, g))],
      out_specs=pl.BlockSpec((cb // 8, 128), lambda g: (g, 0)),
      out_shape=jax.ShapeDtypeStruct((n // 8, 128), jnp.float32),
  )(t_tr)


def _sc_gather_big(uid, iid, user_l, item_l):
  mesh = plsc.VectorSubcoreMesh(core_axis_name="c", subcore_axis_name="s")
  f32 = jnp.float32
  i32 = jnp.int32
  out_type = [jax.ShapeDtypeStruct((B, 128), f32)] * 2
  scratch = (
      [pltpu.VMEM((NJ, CHUNK), i32) for _ in range(4)]
      + [pltpu.VMEM((PB, 128), f32)]
      + [pltpu.SemaphoreType.DMA, pltpu.SemaphoreType.DMA,
         pltpu.SemaphoreType.DMA]
  )

  def body(uid_h, iid_h, ut, itt, o_u, o_i,
           x_u, x_i, q_u, q_i, rbuf, sem_i, sem_g, sem_o):
    wid = lax.axis_index("s") * NC + lax.axis_index("c")
    rbase = wid * NJ
    base = wid * PB

    waits = [pltpu.async_copy(src.at[pl.ds(rbase, NJ)], dst, sem_i)
             for src, dst in ((uid_h, x_u), (iid_h, x_i))]
    for w in waits:
      w.wait()

    for xs, qs in ((x_u, q_u), (x_i, q_i)):
      for r in range(NJ):
        for c in range(CHUNK // LANES):
          s = pl.ds(c * LANES, LANES)
          qs[r, s] = lax.shift_right_logical(xs[r, s], 3)

    for table, qs, out in ((ut, q_u, o_u), (itt, q_i, o_i)):
      waits = [pltpu.async_copy(table.at[qs.at[j]],
                                rbuf.at[pl.ds(j * CHUNK, CHUNK)], sem_g)
               for j in range(NJ)]
      for w in waits:
        w.wait()
      pltpu.async_copy(rbuf, out.at[pl.ds(base, PB)], sem_o).wait()

  f = pl.kernel(body, mesh=mesh, out_type=out_type, scratch_types=scratch,
                compiler_params=pltpu.CompilerParams(use_tc_tiling_on_sc=True))
  return f(uid, iid, user_l, item_l)


def _sc_gather_small(age, gen, city, cat, brand, hour, dev,
                     age_t, gen_t, city_t, cat_t, brand_t,
                     hour_t, dev_t, cag_t, ccg_t, chd_t):
  mesh = plsc.VectorSubcoreMesh(core_axis_name="c", subcore_axis_name="s")
  f32 = jnp.float32
  i32 = jnp.int32
  out_type = [jax.ShapeDtypeStruct((B, 8), f32)] * 10
  scratch = (
      [pltpu.VMEM((NJ, CHUNK), i32) for _ in range(10)]
      + [pltpu.VMEM((PB, 8), f32) for _ in range(10)]
      + [pltpu.SemaphoreType.DMA, pltpu.SemaphoreType.DMA,
         pltpu.SemaphoreType.DMA]
  )

  def body(age_h, gen_h, city_h, cat_h, brand_h, hour_h, dev_h,
           at, gt, ct, catt, bt, ht, dt, cagt, ccgt, chdt,
           o_a, o_g, o_c, o_cat, o_b, o_h, o_d, o_c1, o_c2, o_c3,
           x_a, x_g, x_c, x_cat, x_b, x_h, x_d, c1, c2, c3,
           r_a, r_g, r_c, r_cat, r_b, r_h, r_d, r_c1, r_c2, r_c3,
           sem_i, sem_g, sem_o):
    wid = lax.axis_index("s") * NC + lax.axis_index("c")
    rbase = wid * NJ
    base = wid * PB

    idx_pairs = ((age_h, x_a), (gen_h, x_g), (city_h, x_c), (cat_h, x_cat),
                 (brand_h, x_b), (hour_h, x_h), (dev_h, x_d))
    waits = [pltpu.async_copy(src.at[pl.ds(rbase, NJ)], dst, sem_i)
             for src, dst in idx_pairs]
    for w in waits:
      w.wait()

    for xa, mult, xb, cid in ((x_a, NUM_GENDERS, x_g, c1),
                              (x_cat, NUM_GENDERS, x_g, c2),
                              (x_h, NUM_DEVICES, x_d, c3)):
      for r in range(NJ):
        for c in range(CHUNK // LANES):
          s = pl.ds(c * LANES, LANES)
          cid[r, s] = xa[r, s] * mult + xb[r, s]

    gathers = ((at, x_a, r_a), (gt, x_g, r_g), (ct, x_c, r_c),
               (catt, x_cat, r_cat), (bt, x_b, r_b), (ht, x_h, r_h),
               (dt, x_d, r_d), (cagt, c1, r_c1), (ccgt, c2, r_c2),
               (chdt, c3, r_c3))
    waits = [pltpu.async_copy(table.at[xidx.at[j]],
                              rbuf.at[pl.ds(j * CHUNK, CHUNK)], sem_g)
             for table, xidx, rbuf in gathers
             for j in range(NJ)]
    for w in waits:
      w.wait()

    outs = (o_a, o_g, o_c, o_cat, o_b, o_h, o_d, o_c1, o_c2, o_c3)
    rbufs = (r_a, r_g, r_c, r_cat, r_b, r_h, r_d, r_c1, r_c2, r_c3)
    waits = [pltpu.async_copy(rbuf, out.at[pl.ds(base, PB)], sem_o)
             for rbuf, out in zip(rbufs, outs)]
    for w in waits:
      w.wait()

  f = pl.kernel(body, mesh=mesh, out_type=out_type, scratch_types=scratch,
                compiler_params=pltpu.CompilerParams(use_tc_tiling_on_sc=False))
  return f(age, gen, city, cat, brand, hour, dev,
           age_t, gen_t, city_t, cat_t, brand_t, hour_t, dev_t,
           cag_t, ccg_t, chd_t)


def _mlp_body(uraw, iraw, umod, imod, ae, ge, ce, cae, bre, he, de, pr,
              c1, c2, c3,
              w1u, w1i, w1a, w1g, w1c, w1cat, w1b, w1h, w1d, w1p,
              b1, w2, b2, w3, b3, wd, bd_, ww, bw_, o):
  f32 = jnp.float32
  dot = functools.partial(jnp.dot, preferred_element_type=f32)

  def select16(raw_ref, mod_ref):
    raw = raw_ref[...]
    mod = mod_ref[...]
    acc = jnp.zeros((raw.shape[0], 16), f32)
    for p in range(8):
      acc = acc + jnp.where(mod == p, raw[:, 16 * p:16 * p + 16], 0.0)
    return acc

  xu = select16(uraw, umod)
  xi = select16(iraw, imod)
  x = (dot(xu, w1u[...]) + dot(xi, w1i[...])
       + dot(ae[...], w1a[...]) + dot(ge[...], w1g[...])
       + dot(ce[...], w1c[...]) + dot(cae[...], w1cat[...])
       + dot(bre[...], w1b[...]) + dot(he[...], w1h[...])
       + dot(de[...], w1d[...]) + pr[...] * w1p[...])
  h = jnp.maximum(x + b1[...], 0.0)
  h = jnp.maximum(dot(h, w2[...]) + b2[...], 0.0)
  h = jnp.maximum(dot(h, w3[...]) + b3[...], 0.0)
  deep = dot(h, wd[...]) + bd_[...]
  wide = (jnp.sum(c1[...], axis=1, keepdims=True) * ww[0, 0]
          + jnp.sum(c2[...], axis=1, keepdims=True) * ww[0, 1]
          + jnp.sum(c3[...], axis=1, keepdims=True) * ww[0, 2]
          + bw_[...])
  o[...] = deep + wide


def _tc_mlp(uraw, iraw, umod, imod, ae, ge, ce, cae, bre, he, de, pr,
            c1, c2, c3,
            w1u, w1i, w1a, w1g, w1c, w1cat, w1b, w1h, w1d, w1p,
            b1, w2, b2, w3, b3, wd, bd_, ww, bw_):
  bB = 1024
  grid = (B // bB,)
  def rowspec(d):
    return pl.BlockSpec((bB, d), lambda i: (i, 0))
  def full(a):
    return pl.BlockSpec(a.shape, lambda i: tuple(0 for _ in a.shape))
  data = [uraw, iraw, umod, imod, ae, ge, ce, cae, bre, he, de, pr, c1, c2, c3]
  weights = [w1u, w1i, w1a, w1g, w1c, w1cat, w1b, w1h, w1d, w1p,
             b1, w2, b2, w3, b3, wd, bd_, ww, bw_]
  in_specs = [rowspec(a.shape[1]) for a in data] + [full(a) for a in weights]
  return pl.pallas_call(
      _mlp_body,
      grid=grid,
      in_specs=in_specs,
      out_specs=rowspec(1),
      out_shape=jax.ShapeDtypeStruct((B, 1), jnp.float32),
  )(*data, *weights)


def _pad8(t):
  d = t.shape[1]
  return t if d >= 8 else jnp.pad(t, ((0, 0), (0, 8 - d)))


def _padrows(w, rows):
  return jnp.pad(w, ((0, rows - w.shape[0]), (0, 0)))


def kernel(user_id, item_id, age, gender, city, category, brand, price, hour,
           device, user_table, item_table, age_table, gender_table, city_table,
           category_table, brand_table, hour_table, device_table,
           W1, b1, W2, b2, W3, b3, Wd, bd,
           cross_age_gender, cross_category_gender, cross_hour_device, Ww, bw):
  i32 = jnp.int32
  f32 = jnp.float32
  def slab(a):
    return a.reshape(B // CHUNK, CHUNK).astype(i32)

  user_l = _linearize(user_table.T, user_table.shape[0])
  item_l = _linearize(item_table.T, item_table.shape[0])
  uraw, iraw = _sc_gather_big(slab(user_id), slab(item_id), user_l, item_l)

  (ae, ge, ce, cae, bre, he, de, c1, c2, c3) = _sc_gather_small(
      slab(age), slab(gender), slab(city), slab(category), slab(brand),
      slab(hour), slab(device),
      age_table, _pad8(gender_table), city_table, category_table, brand_table,
      _pad8(hour_table), _pad8(device_table),
      _pad8(cross_age_gender), _pad8(cross_category_gender),
      _pad8(cross_hour_device))

  w1t = W1.T
  offs = [0, 16, 32, 40, 44, 52, 60, 68, 72, 76, 77]
  w1s = [w1t[offs[k]:offs[k + 1]] for k in range(10)]
  w1s = [w1s[0], w1s[1], w1s[2], _padrows(w1s[3], 8), w1s[4], w1s[5],
         w1s[6], _padrows(w1s[7], 8), _padrows(w1s[8], 8), w1s[9]]
  umod = (user_id & 7).astype(i32)
  imod = (item_id & 7).astype(i32)
  out = _tc_mlp(uraw, iraw, umod, imod, ae, ge, ce, cae, bre, he, de,
                price.astype(f32), c1, c2, c3,
                *w1s,
                b1.reshape(1, 256), W2.T, b2.reshape(1, 128),
                W3.T, b3.reshape(1, 64), Wd.T, bd.reshape(1, 1),
                Ww, bw.reshape(1, 1))
  return out[:, 0]

# --- scband reference (transcript-rebuilt; emitter-appended) ---
"""Pipeline reference for scband-wide-and-deep-model-22273700397290 (READ-ONLY COPY).

The authoritative reference and input builder live on the scoring server;
editing this copy changes nothing except your own understanding.
"""

import jax, jax.numpy as jnp
import numpy as np

NUM_USERS = 1000000
NUM_ITEMS = 100000
NUM_AGES = 10
NUM_GENDERS = 3
NUM_CITIES = 1000
NUM_CATEGORIES = 100
NUM_BRANDS = 10000
NUM_HOURS = 24
NUM_DEVICES = 4
ED = 16
B = 16384


def _k(i):
    return jax.random.fold_in(jax.random.key(0), i)


def setup_inputs():
    inp = {}
    inp["user_id"] = jax.random.randint(_k(0), (B, 1), 0, NUM_USERS)
    inp["item_id"] = jax.random.randint(_k(1), (B, 1), 0, NUM_ITEMS)
    inp["age"] = jax.random.randint(_k(2), (B, 1), 0, NUM_AGES)
    inp["gender"] = jax.random.randint(_k(3), (B, 1), 0, NUM_GENDERS)
    inp["city"] = jax.random.randint(_k(4), (B, 1), 0, NUM_CITIES)
    inp["category"] = jax.random.randint(_k(5), (B, 1), 0, NUM_CATEGORIES)
    inp["brand"] = jax.random.randint(_k(6), (B, 1), 0, NUM_BRANDS)
    inp["price"] = jax.random.uniform(_k(7), (B, 1), dtype=jnp.float32)
    inp["hour"] = jax.random.randint(_k(8), (B, 1), 0, NUM_HOURS)
    inp["device"] = jax.random.randint(_k(9), (B, 1), 0, NUM_DEVICES)
    # embedding tables
    inp["user_table"] = 0.02 * jax.random.normal(_k(10), (NUM_USERS, ED), dtype=jnp.float32)
    inp["item_table"] = 0.02 * jax.random.normal(_k(11), (NUM_ITEMS, ED), dtype=jnp.float32)
    inp["age_table"] = 0.02 * jax.random.normal(_k(12), (NUM_AGES, ED // 2), dtype=jnp.float32)
    inp["gender_table"] = 0.02 * jax.random.normal(_k(13), (NUM_GENDERS, ED // 4), dtype=jnp.float32)
    inp["city_table"] = 0.02 * jax.random.normal(_k(14), (NUM_CITIES, ED // 2), dtype=jnp.float32)
    inp["category_table"] = 0.02 * jax.random.normal(_k(15), (NUM_CATEGORIES, ED // 2), dtype=jnp.float32)
    inp["brand_table"] = 0.02 * jax.random.normal(_k(16), (NUM_BRANDS, ED // 2), dtype=jnp.float32)
    inp["hour_table"] = 0.02 * jax.random.normal(_k(17), (NUM_HOURS, ED // 4), dtype=jnp.float32)
    inp["device_table"] = 0.02 * jax.random.normal(_k(18), (NUM_DEVICES, ED // 4), dtype=jnp.float32)
    # deep MLP: input dim = 2*16 + 4*8 + 3*4 + 1 = 77
    din = ED * 2 + (ED // 2) * 4 + (ED // 4) * 3 + 1
    inp["W1"] = jax.random.normal(_k(19), (256, din), dtype=jnp.float32) * (1.0 / np.sqrt(din))
    inp["b1"] = jnp.zeros((256,), dtype=jnp.float32)
    inp["W2"] = jax.random.normal(_k(20), (128, 256), dtype=jnp.float32) * (1.0 / np.sqrt(256))
    inp["b2"] = jnp.zeros((128,), dtype=jnp.float32)
    inp["W3"] = jax.random.normal(_k(21), (64, 128), dtype=jnp.float32) * (1.0 / np.sqrt(128))
    inp["b3"] = jnp.zeros((64,), dtype=jnp.float32)
    inp["Wd"] = jax.random.normal(_k(22), (1, 64), dtype=jnp.float32) * (1.0 / np.sqrt(64))
    inp["bd"] = jnp.zeros((1,), dtype=jnp.float32)
    # wide cross tables (dim 1)
    inp["cross_age_gender"] = 0.02 * jax.random.normal(_k(23), (NUM_AGES * NUM_GENDERS, 1), dtype=jnp.float32)
    inp["cross_category_gender"] = 0.02 * jax.random.normal(_k(24), (NUM_CATEGORIES * NUM_GENDERS, 1), dtype=jnp.float32)
    inp["cross_hour_device"] = 0.02 * jax.random.normal(_k(25), (NUM_HOURS * NUM_DEVICES, 1), dtype=jnp.float32)
    inp["Ww"] = jax.random.normal(_k(26), (1, 3), dtype=jnp.float32) * (1.0 / np.sqrt(3))
    inp["bw"] = jnp.zeros((1,), dtype=jnp.float32)
    return inp


def reference(user_id, item_id, age, gender, city, category, brand, price, hour, device,
              user_table, item_table, age_table, gender_table, city_table, category_table,
              brand_table, hour_table, device_table,
              W1, b1, W2, b2, W3, b3, Wd, bd,
              cross_age_gender, cross_category_gender, cross_hour_device, Ww, bw):
    # embedding lookups ([B,1] -> gather -> squeeze(1) -> [B, dim])
    user_emb = jnp.take(user_table, user_id[:, 0], axis=0)
    item_emb = jnp.take(item_table, item_id[:, 0], axis=0)
    age_emb = jnp.take(age_table, age[:, 0], axis=0)
    gender_emb = jnp.take(gender_table, gender[:, 0], axis=0)
    city_emb = jnp.take(city_table, city[:, 0], axis=0)
    category_emb = jnp.take(category_table, category[:, 0], axis=0)
    brand_emb = jnp.take(brand_table, brand[:, 0], axis=0)
    hour_emb = jnp.take(hour_table, hour[:, 0], axis=0)
    device_emb = jnp.take(device_table, device[:, 0], axis=0)
    deep_input = jnp.concatenate([user_emb, item_emb, age_emb, gender_emb, city_emb,
                                  category_emb, brand_emb, hour_emb, device_emb, price], axis=1)
    # deep MLP (dropout is identity at inference)
    h = jax.nn.relu(deep_input @ W1.T + b1)
    h = jax.nn.relu(h @ W2.T + b2)
    h = jax.nn.relu(h @ W3.T + b3)
    logit_deep = (h @ Wd.T + bd)[:, 0]
    # wide cross features
    cross_id_1 = (age * NUM_GENDERS + gender)[:, 0]
    cross_id_2 = (category * NUM_GENDERS + gender)[:, 0]
    cross_id_3 = (hour * NUM_DEVICES + device)[:, 0]
    cross_feat_1 = jnp.take(cross_age_gender, cross_id_1, axis=0)[:, 0]
    cross_feat_2 = jnp.take(cross_category_gender, cross_id_2, axis=0)[:, 0]
    cross_feat_3 = jnp.take(cross_hour_device, cross_id_3, axis=0)[:, 0]
    wide_input = jnp.stack([cross_feat_1, cross_feat_2, cross_feat_3], axis=1)
    logit_wide = (wide_input @ Ww.T + bw)[:, 0]
    return logit_wide + logit_deep

if __name__ == "__main__":
    import jax
    _d = setup_inputs()
    print(jax.jit(kernel)(*tuple(_d.values())))

</pallas_src>

<mosaic_0001>
#map = affine_map<(d0, d1) -> (0, 0)>
module attributes {stable_mosaic.version = 14 : i64} {
  func.func @body(%arg0: i32, %arg1: i32, %arg2: memref<128x128xi32, #tpu.memory_space<hbm>>, %arg3: memref<128x128xi32, #tpu.memory_space<hbm>>, %arg4: memref<125000x128xf32, #tpu.memory_space<hbm>>, %arg5: memref<12500x128xf32, #tpu.memory_space<hbm>>, %arg6: memref<16384x128xf32, #tpu.memory_space<hbm>>, %arg7: memref<16384x128xf32, #tpu.memory_space<hbm>>, %arg8: memref<4x128xi32, #tpu.memory_space<vmem>>, %arg9: memref<4x128xi32, #tpu.memory_space<vmem>>, %arg10: memref<4x128xi32, #tpu.memory_space<vmem>>, %arg11: memref<4x128xi32, #tpu.memory_space<vmem>>, %arg12: memref<512x128xf32, #tpu.memory_space<vmem>>, %arg13: memref<!tpu.dma_semaphore, #tpu.memory_space<semaphore_mem>>, %arg14: memref<!tpu.dma_semaphore, #tpu.memory_space<semaphore_mem>>, %arg15: memref<!tpu.dma_semaphore, #tpu.memory_space<semaphore_mem>>) attributes {dimension_semantics = [#tpu.dimension_semantics<core_parallel>, #tpu.dimension_semantics<subcore_parallel>], iteration_bounds = array<i64: 2, 16>, scalar_prefetch = 0 : i64, scratch_operands = 8 : i64, tpu.core_type = #tpu.core_type<sc_vector_subcore>, window_params = [{transform_indices = #map}, {transform_indices = #map}, {transform_indices = #map}, {transform_indices = #map}, {transform_indices = #map}, {transform_indices = #map}]} {
    %mul3A = arith.constant 2 : i32
    %mul3A_0 = arith.muli %arg1, %mul3A : i32
    %add3A = arith.addi %mul3A_0, %arg0 : i32
    %mul3A_1 = arith.constant 4 : i32
    %mul3A_2 = arith.muli %add3A, %mul3A_1 : i32
    %mul3A_3 = arith.constant 512 : i32
    %mul3A_4 = arith.muli %add3A, %mul3A_3 : i32
    %dma_start3A = arith.constant 0 : i32
    %dma_start3A_5 = tpu.memref_slice %arg2[%mul3A_2, %dma_start3A] : memref<128x128xi32, #tpu.memory_space<hbm>> -> memref<4x128xi32, #tpu.memory_space<hbm>>
    %dma_start3A_6 = arith.constant 0 : i32
    %dma_start3A_7 = tpu.memref_slice %arg2[%mul3A_2, %dma_start3A_6] : memref<128x128xi32, #tpu.memory_space<hbm>> -> memref<4x128xi32, #tpu.memory_space<hbm>>
    tpu.enqueue_dma source(%dma_start3A_7 : memref<4x128xi32, #tpu.memory_space<hbm>>) target(%arg8 : memref<4x128xi32, #tpu.memory_space<vmem>>) target_semaphore(%arg13 : memref<!tpu.dma_semaphore, #tpu.memory_space<semaphore_mem>>)
    %dma_start3A_8 = arith.constant 0 : i32
    %dma_start3A_9 = tpu.memref_slice %arg3[%mul3A_2, %dma_start3A_8] : memref<128x128xi32, #tpu.memory_space<hbm>> -> memref<4x128xi32, #tpu.memory_space<hbm>>
    %dma_start3A_10 = arith.constant 0 : i32
    %dma_start3A_11 = tpu.memref_slice %arg3[%mul3A_2, %dma_start3A_10] : memref<128x128xi32, #tpu.memory_space<hbm>> -> memref<4x128xi32, #tpu.memory_space<hbm>>
    tpu.enqueue_dma source(%dma_start3A_11 : memref<4x128xi32, #tpu.memory_space<hbm>>) target(%arg9 : memref<4x128xi32, #tpu.memory_space<vmem>>) target_semaphore(%arg13 : memref<!tpu.dma_semaphore, #tpu.memory_space<semaphore_mem>>)
    %dma_wait3A = arith.constant 0 : i32
    %dma_wait3A_12 = tpu.memref_slice %arg2[%mul3A_2, %dma_wait3A] : memref<128x128xi32, #tpu.memory_space<hbm>> -> memref<4x128xi32, #tpu.memory_space<hbm>>
    %dma_wait3A_13 = arith.constant 0 : i32
    %dma_wait3A_14 = tpu.memref_slice %arg2[%mul3A_2, %dma_wait3A_13] : memref<128x128xi32, #tpu.memory_space<hbm>> -> memref<4x128xi32, #tpu.memory_space<hbm>>
    tpu.wait_dma2 semaphore(%arg13 : memref<!tpu.dma_semaphore, #tpu.memory_space<semaphore_mem>>) src(%dma_wait3A_14 : memref<4x128xi32, #tpu.memory_space<hbm>>) dst(%arg8 : memref<4x128xi32, #tpu.memory_space<vmem>>)
    %dma_wait3A_15 = arith.constant 0 : i32
    %dma_wait3A_16 = tpu.memref_slice %arg3[%mul3A_2, %dma_wait3A_15] : memref<128x128xi32, #tpu.memory_space<hbm>> -> memref<4x128xi32, #tpu.memory_space<hbm>>
    %dma_wait3A_17 = arith.constant 0 : i32
    %dma_wait3A_18 = tpu.memref_slice %arg3[%mul3A_2, %dma_wait3A_17] : memref<128x128xi32, #tpu.memory_space<hbm>> -> memref<4x128xi32, #tpu.memory_space<hbm>>
    tpu.wait_dma2 semaphore(%arg13 : memref<!tpu.dma_semaphore, #tpu.memory_space<semaphore_mem>>) src(%dma_wait3A_18 : memref<4x128xi32, #tpu.memory_space<hbm>>) dst(%arg9 : memref<4x128xi32, #tpu.memory_space<vmem>>)
    %get3A = arith.constant 0 : i32
    %get3A_19 = arith.index_cast %get3A : i32 to index
    %get3A_20 = arith.constant 0 : index
    %get3A_21 = tpu.vector_load %arg8[%get3A_19, %get3A_20] {strides = array<i32>} : memref<4x128xi32, #tpu.memory_space<vmem>>, vector<1x16xi32>,
    %get3A_22 = vector.shape_cast %get3A_21 : vector<1x16xi32> to vector<16xi32>
    %shift_right_logical3A = arith.constant 3 : i32
    %shift_right_logical3A_23 = vector.broadcast %shift_right_logical3A : i32 to vector<16xi32>
    %shift_right_logical3A_24 = arith.shrui %get3A_22, %shift_right_logical3A_23 : vector<16xi32>
    %swap3A = arith.constant 0 : i32
    %swap3A_25 = arith.index_cast %swap3A : i32 to index
    %swap3A_26 = arith.constant 0 : index
    %swap3A_27 = tpu.vector_load %arg10[%swap3A_25, %swap3A_26] {strides = array<i32>} : memref<4x128xi32, #tpu.memory_space<vmem>>, vector<1x16xi32>,
    %swap3A_28 = vector.shape_cast %swap3A_27 : vector<1x16xi32> to vector<16xi32>
    %swap3A_29 = vector.shape_cast %shift_right_logical3A_24 : vector<16xi32> to vector<1x16xi32>
    tpu.vector_store %arg10[%swap3A_25, %swap3A_26], %swap3A_29 {strides = array<i32>} : memref<4x128xi32, #tpu.memory_space<vmem>>, vector<1x16xi32>,
    %get3A_30 = arith.constant 0 : i32
    %get3A_31 = arith.index_cast %get3A_30 : i32 to index
    %get3A_32 = arith.constant 16 : index
    %get3A_33 = tpu.vector_load %arg8[%get3A_31, %get3A_32] {strides = array<i32>} : memref<4x128xi32, #tpu.memory_space<vmem>>, vector<1x16xi32>,
    %get3A_34 = vector.shape_cast %get3A_33 : vector<1x16xi32> to vector<16xi32>
    %shift_right_logical3A_35 = arith.constant 3 : i32
    %shift_right_logical3A_36 = vector.broadcast %shift_right_logical3A_35 : i32 to vector<16xi32>
    %shift_right_logical3A_37 = arith.shrui %get3A_34, %shift_right_logical3A_36 : vector<16xi32>
    %swap3A_38 = arith.constant 0 : i32
    %swap3A_39 = arith.index_cast %swap3A_38 : i32 to index
    %swap3A_40 = arith.constant 16 : index
    %swap3A_41 = tpu.vector_load %arg10[%swap3A_39, %swap3A_40] {strides = array<i32>} : memref<4x128xi32, #tpu.memory_space<vmem>>, vector<1x16xi32>,
    %swap3A_42 = vector.shape_cast %swap3A_41 : vector<1x16xi32> to vector<16xi32>
    %swap3A_43 = vector.shape_cast %shift_right_logical3A_37 : vector<16xi32> to vector<1x16xi32>
    tpu.vector_store %arg10[%swap3A_39, %swap3A_40], %swap3A_43 {strides = array<i32>} : memref<4x128xi32, #tpu.memory_space<vmem>>, vector<1x16xi32>,
    %get3A_44 = arith.constant 0 : i32
    %get3A_45 = arith.index_cast %get3A_44 : i32 to index
    %get3A_46 = arith.constant 32 : index
    %get3A_47 = tpu.vector_load %arg8[%get3A_45, %get3A_46] {strides = array<i32>} : memref<4x128xi32, #tpu.memory_space<vmem>>, vector<1x16xi32>,
    %get3A_48 = vector.shape_cast %get3A_47 : vector<1x16xi32> to vector<16xi32>
    %shift_right_logical3A_49 = arith.constant 3 : i32
    %shift_right_logical3A_50 = vector.broadcast %shift_right_logical3A_49 : i32 to vector<16xi32>
    %shift_right_logical3A_51 = arith.shrui %get3A_48, %shift_right_logical3A_50 : vector<16xi32>
    %swap3A_52 = arith.constant 0 : i32
    %swap3A_53 = arith.index_cast %swap3A_52 : i32 to index
    %swap3A_54 = arith.constant 32 : index
    %swap3A_55 = tpu.vector_load %arg10[%swap3A_53, %swap3A_54] {strides = array<i32>} : memref<4x128xi32, #tpu.memory_space<vmem>>, vector<1x16xi32>,
    %swap3A_56 = vector.shape_cast %swap3A_55 : vector<1x16xi32> to vector<16xi32>
    %swap3A_57 = vector.shape_cast %shift_right_logical3A_51 : vector<16xi32> to vector<1x16xi32>
    tpu.vector_store %arg10[%swap3A_53, %swap3A_54], %swap3A_57 {strides = array<i32>} : memref<4x128xi32, #tpu.memory_space<vmem>>, vector<1x16xi32>,
    %get3A_58 = arith.constant 0 : i32
    %get3A_59 = arith.index_cast %get3A_58 : i32 to index
    %get3A_60 = arith.constant 48 : index
    %get3A_61 = tpu.vector_load %arg8[%get3A_59, %get3A_60] {strides = array<i32>} : memref<4x128xi32, #tpu.memory_space<vmem>>, vector<1x16xi32>,
    %get3A_62 = vector.shape_cast %get3A_61 : vector<1x16xi32> to vector<16xi32>
    %shift_right_logical3A_63 = arith.constant 3 : i32
    %shift_right_logical3A_64 = vector.broadcast %shift_right_logical3A_63 : i32 to vector<16xi32>
    %shift_right_logical3A_65 = arith.shrui %get3A_62, %shift_right_logical3A_64 : vector<16xi32>
    %swap3A_66 = arith.constant 0 : i32
    %swap3A_67 = arith.index_cast %swap3A_66 : i32 to index
    %swap3A_68 = arith.constant 48 : index
    %swap3A_69 = tpu.vector_load %arg10[%swap3A_67, %swap3A_68] {strides = array<i32>} : memref<4x128xi32, #tpu.memory_space<vmem>>, vector<1x16xi32>,
    %swap3A_70 = vector.shape_cast %swap3A_69 : vector<1x16xi32> to vector<16xi32>
    %swap3A_71 = vector.shape_cast %shift_right_logical3A_65 : vector<16xi32> to vector<1x16xi32>
    tpu.vector_store %arg10[%swap3A_67, %swap3A_68], %swap3A_71 {strides = array<i32>} : memref<4x128xi32, #tpu.memory_space<vmem>>, vector<1x16xi32>,
    %get3A_72 = arith.constant 0 : i32
    %get3A_73 = arith.index_cast %get3A_72 : i32 to index
    %get3A_74 = arith.constant 64 : index
    %get3A_75 = tpu.vector_load %arg8[%get3A_73, %get3A_74] {strides = array<i32>} : memref<4x128xi32, #tpu.memory_space<vmem>>, vector<1x16xi32>,
    %get3A_76 = vector.shape_cast %get3A_75 : vector<1x16xi32> to vector<16xi32>
    %shift_right_logical3A_77 = arith.constant 3 : i32
    %shift_right_logical3A_78 = vector.broadcast %shift_right_logical3A_77 : i32 to vector<16xi32>
    %shift_right_logical3A_79 = arith.shrui %get3A_76, %shift_right_logical3A_78 : vector<16xi32>
    %swap3A_80 = arith.constant 0 : i32
    %swap3A_81 = arith.index_cast %swap3A_80 : i32 to index
    %swap3A_82 = arith.constant 64 : index
    %swap3A_83 = tpu.vector_load %arg10[%swap3A_81, %swap3A_82] {strides = array<i32>} : memref<4x128xi32, #tpu.memory_space<vmem>>, vector<1x16xi32>,
    %swap3A_84 = vector.shape_cast %swap3A_83 : vector<1x16xi32> to vector<16xi32>
    %swap3A_85 = vector.shape_cast %shift_right_logical3A_79 : vector<16xi32> to vector<1x16xi32>
    tpu.vector_store %arg10[%swap3A_81, %swap3A_82], %swap3A_85 {strides = array<i32>} : memref<4x128xi32, #tpu.memory_space<vmem>>, vector<1x16xi32>,
    %get3A_86 = arith.constant 0 : i32
    %get3A_87 = arith.index_cast %get3A_86 : i32 to index
    %get3A_88 = arith.constant 80 : index
    %get3A_89 = tpu.vector_load %arg8[%get3A_87, %get3A_88] {strides = array<i32>} : memref<4x128xi32, #tpu.memory_space<vmem>>, vector<1x16xi32>,
    %get3A_90 = vector.shape_cast %get3A_89 : vector<1x16xi32> to vector<16xi32>
    %shift_right_logical3A_91 = arith.constant 3 : i32
    %shift_right_logical3A_92 = vector.broadcast %shift_right_logical3A_91 : i32 to vector<16xi32>
    %shift_right_logical3A_93 = arith.shrui %get3A_90, %shift_right_logical3A_92 : vector<16xi32>
    %swap3A_94 = arith.constant 0 : i32
    %swap3A_95 = arith.index_cast %swap3A_94 : i32 to index
    %swap3A_96 = arith.constant 80 : index
    %swap3A_97 = tpu.vector_load %arg10[%swap3A_95, %swap3A_96] {strides = array<i32>} : memref<4x128xi32, #tpu.memory_space<vmem>>, vector<1x16xi32>,
    %swap3A_98 = vector.shape_cast %swap3A_97 : vector<1x16xi32> to vector<16xi32>
    %swap3A_99 = vector.shape_cast %shift_right_logical3A_93 : vector<16xi32> to vector<1x16xi32>
    tpu.vector_store %arg10[%swap3A_95, %swap3A_96], %swap3A_99 {strides = array<i32>} : memref<4x128xi32, #tpu.memory_space<vmem>>, vector<1x16xi32>,
    %get3A_100 = arith.constant 0 : i32
    %get3A_101 = arith.index_cast %get3A_100 : i32 to index
    %get3A_102 = arith.constant 96 : index
    %get3A_103 = tpu.vector_load %arg8[%get3A_101, %get3A_102] {strides = array<i32>} : memref<4x128xi32, #tpu.memory_space<vmem>>, vector<1x16xi32>,
    %get3A_104 = vector.shape_cast %get3A_103 : vector<1x16xi32> to vector<16xi32>
    %shift_right_logical3A_105 = arith.constant 3 : i32
    %shift_right_logical3A_106 = vector.broadcast %shift_right_logical3A_105 : i32 to vector<16xi32>
    %shift_right_logical3A_107 = arith.shrui %get3A_104, %shift_right_logical3A_106 : vector<16xi32>
    %swap3A_108 = arith.constant 0 : i32
    %swap3A_109 = arith.index_cast %swap3A_108 : i32 to index
    %swap3A_110 = arith.constant 96 : index
    %swap3A_111 = tpu.vector_load %arg10[%swap3A_109, %swap3A_110] {strides = array<i32>} : memref<4x128xi32, #tpu.memory_space<vmem>>, vector<1x16xi32>,
    %swap3A_112 = vector.shape_cast %swap3A_111 : vector<1x16xi32> to vector<16xi32>
    %swap3A_113 = vector.shape_cast %shift_right_logical3A_107 : vector<16xi32> to vector<1x16xi32>
    tpu.vector_store %arg10[%swap3A_109, %swap3A_110], %swap3A_113 {strides = array<i32>} : memref<4x128xi32, #tpu.memory_space<vmem>>, vector<1x16xi32>,
    %get3A_114 = arith.constant 0 : i32
    %get3A_115 = arith.index_cast %get3A_114 : i32 to index
    %get3A_116 = arith.constant 112 : index
    %get3A_117 = tpu.vector_load %arg8[%get3A_115, %get3A_116] {strides = array<i32>} : memref<4x128xi32, #tpu.memory_space<vmem>>, vector<1x16xi32>,
    %get3A_118 = vector.shape_cast %get3A_117 : vector<1x16xi32> to vector<16xi32>
    %shift_right_logical3A_119 = arith.constant 3 : i32
    %shift_right_logical3A_120 = vector.broadcast %shift_right_logical3A_119 : i32 to vector<16xi32>
    %shift_right_logical3A_121 = arith.shrui %get3A_118, %shift_right_logical3A_120 : vector<16xi32>
    %swap3A_122 = arith.constant 0 : i32
    %swap3A_123 = arith.index_cast %swap3A_122 : i32 to index
    %swap3A_124 = arith.constant 112 : index
    %swap3A_125 = tpu.vector_load %arg10[%swap3A_123, %swap3A_124] {strides = array<i32>} : memref<4x128xi32, #tpu.memory_space<vmem>>, vector<1x16xi32>,
    %swap3A_126 = vector.shape_cast %swap3A_125 : vector<1x16xi32> to vector<16xi32>
    %swap3A_127 = vector.shape_cast %shift_right_logical3A_121 : vector<16xi32> to vector<1x16xi32>
    tpu.vector_store %arg10[%swap3A_123, %swap3A_124], %swap3A_127 {strides = array<i32>} : memref<4x128xi32, #tpu.memory_space<vmem>>, vector<1x16xi32>,
    %get3A_128 = arith.constant 1 : i32
    %get3A_129 = arith.index_cast %get3A_128 : i32 to index
    %get3A_130 = arith.constant 0 : index
    %get3A_131 = tpu.vector_load %arg8[%get3A_129, %get3A_130] {strides = array<i32>} : memref<4x128xi32, #tpu.memory_space<vmem>>, vector<1x16xi32>,
    %get3A_132 = vector.shape_cast %get3A_131 : vector<1x16xi32> to vector<16xi32>
    %shift_right_logical3A_133 = arith.constant 3 : i32
    %shift_right_logical3A_134 = vector.broadcast %shift_right_logical3A_133 : i32 to vector<16xi32>
    %shift_right_logical3A_135 = arith.shrui %get3A_132, %shift_right_logical3A_134 : vector<16xi32>
    %swap3A_136 = arith.constant 1 : i32
    %swap3A_137 = arith.index_cast %swap3A_136 : i32 to index
    %swap3A_138 = arith.constant 0 : index
    %swap3A_139 = tpu.vector_load %arg10[%swap3A_137, %swap3A_138] {strides = array<i32>} : memref<4x128xi32, #tpu.memory_space<vmem>>, vector<1x16xi32>,
    %swap3A_140 = vector.shape_cast %swap3A_139 : vector<1x16xi32> to vector<16xi32>
    %swap3A_141 = vector.shape_cast %shift_right_logical3A_135 : vector<16xi32> to vector<1x16xi32>
    tpu.vector_store %arg10[%swap3A_137, %swap3A_138], %swap3A_141 {strides = array<i32>} : memref<4x128xi32, #tpu.memory_space<vmem>>, vector<1x16xi32>,
    %get3A_142 = arith.constant 1 : i32
    %get3A_143 = arith.index_cast %get3A_142 : i32 to index
    %get3A_144 = arith.constant 16 : index
    %get3A_145 = tpu.vector_load %arg8[%get3A_143, %get3A_144] {strides = array<i32>} : memref<4x128xi32, #tpu.memory_space<vmem>>, vector<1x16xi32>,
    %get3A_146 = vector.shape_cast %get3A_145 : vector<1x16xi32> to vector<16xi32>
    %shift_right_logical3A_147 = arith.constant 3 : i32
    %shift_right_logical3A_148 = vector.broadcast %shift_right_logical3A_147 : i32 to vector<16xi32>
    %shift_right_logical3A_149 = arith.shrui %get3A_146, %shift_right_logical3A_148 : vector<16xi32>
    %swap3A_150 = arith.constant 1 : i32
    %swap3A_151 = arith.index_cast %swap3A_150 : i32 to index
    %swap3A_152 = arith.constant 16 : index
    %swap3A_153 = tpu.vector_load %arg10[%swap3A_151, %swap3A_152] {strides = array<i32>} : memref<4x128xi32, #tpu.memory_space<vmem>>, vector<1x16xi32>,
    %swap3A_154 = vector.shape_cast %swap3A_153 : vector<1x16xi32> to vector<16xi32>
    %swap3A_155 = vector.shape_cast %shift_right_logical3A_149 : vector<16xi32> to vector<1x16xi32>
    tpu.vector_store %arg10[%swap3A_151, %swap3A_152], %swap3A_155 {strides = array<i32>} : memref<4x128xi32, #tpu.memory_space<vmem>>, vector<1x16xi32>,
    %get3A_156 = arith.constant 1 : i32
    %get3A_157 = arith.index_cast %get3A_156 : i32 to index
    %get3A_158 = arith.constant 32 : index
    %get3A_159 = tpu.vector_load %arg8[%get3A_157, %get3A_158] {strides = array<i32>} : memref<4x128xi32, #tpu.memory_space<vmem>>, vector<1x16xi32>,
    %get3A_160 = vector.shape_cast %get3A_159 : vector<1x16xi32> to vector<16xi32>
    %shift_right_logical3A_161 = arith.constant 3 : i32
    %shift_right_logical3A_162 = vector.broadcast %shift_right_logical3A_161 : i32 to vector<16xi32>
    %shift_right_logical3A_163 = arith.shrui %get3A_160, %shift_right_logical3A_162 : vector<16xi32>
    %swap3A_164 = arith.constant 1 : i32
    %swap3A_165 = arith.index_cast %swap3A_164 : i32 to index
    %swap3A_166 = arith.constant 32 : index
    %swap3A_167 = tpu.vector_load %arg10[%swap3A_165, %swap3A_166] {strides = array<i32>} : memref<4x128xi32, #tpu.memory_space<vmem>>, vector<1x16xi32>,
    %swap3A_168 = vector.shape_cast %swap3A_167 : vector<1x16xi32> to vector<16xi32>
    %swap3A_169 = vector.shape_cast %shift_right_logical3A_163 : vector<16xi32> to vector<1x16xi32>
    tpu.vector_store %arg10[%swap3A_165, %swap3A_166], %swap3A_169 {strides = array<i32>} : memref<4x128xi32, #tpu.memory_space<vmem>>, vector<1x16xi32>,
    %get3A_170 = arith.constant 1 : i32
    %get3A_171 = arith.index_cast %get3A_170 : i32 to index
    %get3A_172 = arith.constant 48 : index
    %get3A_173 = tpu.vector_load %arg8[%get3A_171, %get3A_172] {strides = array<i32>} : memref<4x128xi32, #tpu.memory_space<vmem>>, vector<1x16xi32>,
    %get3A_174 = vector.shape_cast %get3A_173 : vector<1x16xi32> to vector<16xi32>
    %shift_right_logical3A_175 = arith.constant 3 : i32
    %shift_right_logical3A_176 = vector.broadcast %shift_right_logical3A_175 : i32 to vector<16xi32>
    %shift_right_logical3A_177 = arith.shrui %get3A_174, %shift_right_logical3A_176 : vector<16xi32>
    %swap3A_178 = arith.constant 1 : i32
    %swap3A_179 = arith.index_cast %swap3A_178 : i32 to index
    %swap3A_180 = arith.constant 48 : index
    %swap3A_181 = tpu.vector_load %arg10[%swap3A_179, %swap3A_180] {strides = array<i32>} : memref<4x128xi32, #tpu.memory_space<vmem>>, vector<1x16xi32>,
    %swap3A_182 = vector.shape_cast %swap3A_181 : vector<1x16xi32> to vector<16xi32>
    %swap3A_183 = vector.shape_cast %shift_right_logical3A_177 : vector<16xi32> to vector<1x16xi32>
    tpu.vector_store %arg10[%swap3A_179, %swap3A_180], %swap3A_183 {strides = array<i32>} : memref<4x128xi32, #tpu.memory_space<vmem>>, vector<1x16xi32>,
    %get3A_184 = arith.constant 1 : i32
    %get3A_185 = arith.index_cast %get3A_184 : i32 to index
    %get3A_186 = arith.constant 64 : index
    %get3A_187 = tpu.vector_load %arg8[%get3A_185, %get3A_186] {strides = array<i32>} : memref<4x128xi32, #tpu.memory_space<vmem>>, vector<1x16xi32>,
    %get3A_188 = vector.shape_cast %get3A_187 : vector<1x16xi32> to vector<16xi32>
    %shift_right_logical3A_189 = arith.constant 3 : i32
    %shift_right_logical3A_190 = vector.broadcast %shift_right_logical3A_189 : i32 to vector<16xi32>
    %shift_right_logical3A_191 = arith.shrui %get3A_188, %shift_right_logical3A_190 : vector<16xi32>
    %swap3A_192 = arith.constant 1 : i32
    %swap3A_193 = arith.index_cast %swap3A_192 : i32 to index
    %swap3A_194 = arith.constant 64 : index
    %swap3A_195 = tpu.vector_load %arg10[%swap3A_193, %swap3A_194] {strides = array<i32>} : memref<4x128xi32, #tpu.memory_space<vmem>>, vector<1x16xi32>,
    %swap3A_196 = vector.shape_cast %swap3A_195 : vector<1x16xi32> to vector<16xi32>
    %swap3A_197 = vector.shape_cast %shift_right_logical3A_191 : vector<16xi32> to vector<1x16xi32>
    tpu.vector_store %arg10[%swap3A_193, %swap3A_194], %swap3A_197 {strides = array<i32>} : memref<4x128xi32, #tpu.memory_space<vmem>>, vector<1x16xi32>,
    %get3A_198 = arith.constant 1 : i32
    %get3A_199 = arith.index_cast %get3A_198 : i32 to index
    %get3A_200 = arith.constant 80 : index
    %get3A_201 = tpu.vector_load %arg8[%get3A_199, %get3A_200] {strides = array<i32>} : memref<4x128xi32, #tpu.memory_space<vmem>>, vector<1x16xi32>,
    %get3A_202 = vector.shape_cast %get3A_201 : vector<1x16xi32> to vector<16xi32>
    %shift_right_logical3A_203 = arith.constant 3 : i32
    %shift_right_logical3A_204 = vector.broadcast %shift_right_logical3A_203 : i32 to vector<16xi32>
    %shift_right_logical3A_205 = arith.shrui %get3A_202, %shift_right_logical3A_204 : vector<16xi32>
    %swap3A_206 = arith.constant 1 : i32
    %swap3A_207 = arith.index_cast %swap3A_206 : i32 to index
    %swap3A_208 = arith.constant 80 : index
    %swap3A_209 = tpu.vector_load %arg10[%swap3A_207, %swap3A_208] {strides = array<i32>} : memref<4x128xi32, #tpu.memory_space<vmem>>, vector<1x16xi32>,
    %swap3A_210 = vector.shape_cast %swap3A_209 : vector<1x16xi32> to vector<16xi32>
    %swap3A_211 = vector.shape_cast %shift_right_logical3A_205 : vector<16xi32> to vector<1x16xi32>
    tpu.vector_store %arg10[%swap3A_207, %swap3A_208], %swap3A_211 {strides = array<i32>} : memref<4x128xi32, #tpu.memory_space<vmem>>, vector<1x16xi32>,
    %get3A_212 = arith.constant 1 : i32
    %get3A_213 = arith.index_cast %get3A_212 : i32 to index
    %get3A_214 = arith.constant 96 : index
    %get3A_215 = tpu.vector_load %arg8[%get3A_213, %get3A_214] {strides = array<i32>} : memref<4x128xi32, #tpu.memory_space<vmem>>, vector<1x16xi32>,
    %get3A_216 = vector.shape_cast %get3A_215 : vector<1x16xi32> to vector<16xi32>
    %shift_right_logical3A_217 = arith.constant 3 : i32
    %shift_right_logical3A_218 = vector.broadcast %shift_right_logical3A_217 : i32 to vector<16xi32>
    %shift_right_logical3A_219 = arith.shrui %get3A_216, %shift_right_logical3A_218 : vector<16xi32>
    %swap3A_220 = arith.constant 1 : i32
    %swap3A_221 = arith.index_cast %swap3A_220 : i32 to index
    %swap3A_222 = arith.constant 96 : index
    %swap3A_223 = tpu.vector_load %arg10[%swap3A_221, %swap3A_222] {strides = array<i32>} : memref<4x128xi32, #tpu.memory_space<vmem>>, vector<1x16xi32>,
    %swap3A_224 = vector.shape_cast %swap3A_223 : vector<1x16xi32> to vector<16xi32>
    %swap3A_225 = vector.shape_cast %shift_right_logical3A_219 : vector<16xi32> to vector<1x16xi32>
    tpu.vector_store %arg10[%swap3A_221, %swap3A_222], %swap3A_225 {strides = array<i32>} : memref<4x128xi32, #tpu.memory_space<vmem>>, vector<1x16xi32>,
    %get3A_226 = arith.constant 1 : i32
    %get3A_227 = arith.index_cast %get3A_226 : i32 to index
    %get3A_228 = arith.constant 112 : index
    %get3A_229 = tpu.vector_load %arg8[%get3A_227, %get3A_228] {strides = array<i32>} : memref<4x128xi32, #tpu.memory_space<vmem>>, vector<1x16xi32>,
    %get3A_230 = vector.shape_cast %get3A_229 : vector<1x16xi32> to vector<16xi32>
    %shift_right_logical3A_231 = arith.constant 3 : i32
    %shift_right_logical3A_232 = vector.broadcast %shift_right_logical3A_231 : i32 to vector<16xi32>
    %shift_right_logical3A_233 = arith.shrui %get3A_230, %shift_right_logical3A_232 : vector<16xi32>
    %swap3A_234 = arith.constant 1 : i32
    %swap3A_235 = arith.index_cast %swap3A_234 : i32 to index
    %swap3A_236 = arith.constant 112 : index
    %swap3A_237 = tpu.vector_load %arg10[%swap3A_235, %swap3A_236] {strides = array<i32>} : memref<4x128xi32, #tpu.memory_space<vmem>>, vector<1x16xi32>,
    %swap3A_238 = vector.shape_cast %swap3A_237 : vector<1x16xi32> to vector<16xi32>
    %swap3A_239 = vector.shape_cast %shift_right_logical3A_233 : vector<16xi32> to vector<1x16xi32>
    tpu.vector_store %arg10[%swap3A_235, %swap3A_236], %swap3A_239 {strides = array<i32>} : memref<4x128xi32, #tpu.memory_space<vmem>>, vector<1x16xi32>,
    %get3A_240 = arith.constant 2 : i32
    %get3A_241 = arith.index_cast %get3A_240 : i32 to index
    %get3A_242 = arith.constant 0 : index
    %get3A_243 = tpu.vector_load %arg8[%get3A_241, %get3A_242] {strides = array<i32>} : memref<4x128xi32, #tpu.memory_space<vmem>>, vector<1x16xi32>,
    %get3A_244 = vector.shape_cast %get3A_243 : vector<1x16xi32> to vector<16xi32>
    %shift_right_logical3A_245 = arith.constant 3 : i32
    %shift_right_logical3A_246 = vector.broadcast %shift_right_logical3A_245 : i32 to vector<16xi32>
    %shift_right_logical3A_247 = arith.shrui %get3A_244, %shift_right_logical3A_246 : vector<16xi32>
    %swap3A_248 = arith.constant 2 : i32
    %swap3A_249 = arith.index_cast %swap3A_248 : i32 to index
    %swap3A_250 = arith.constant 0 : index
    %swap3A_251 = tpu.vector_load %arg10[%swap3A_249, %swap3A_250] {strides = array<i32>} : memref<4x128xi32, #tpu.memory_space<vmem>>, vector<1x16xi32>,
    %swap3A_252 = vector.shape_cast %swap3A_251 : vector<1x16xi32> to vector<16xi32>
    %swap3A_253 = vector.shape_cast %shift_right_logical3A_247 : vector<16xi32> to vector<1x16xi32>
    tpu.vector_store %arg10[%swap3A_249, %swap3A_250], %swap3A_253 {strides = array<i32>} : memref<4x128xi32, #tpu.memory_space<vmem>>, vector<1x16xi32>,
    %get3A_254 = arith.constant 2 : i32
    %get3A_255 = arith.index_cast %get3A_254 : i32 to index
    %get3A_256 = arith.constant 16 : index
    %get3A_257 = tpu.vector_load %arg8[%get3A_255, %get3A_256] {strides = array<i32>} : memref<4x128xi32, #tpu.memory_space<vmem>>, vector<1x16xi32>,
    %get3A_258 = vector.shape_cast %get3A_257 : vector<1x16xi32> to vector<16xi32>
    %shift_right_logical3A_259 = arith.constant 3 : i32
    %shift_right_logical3A_260 = vector.broadcast %shift_right_logical3A_259 : i32 to vector<16xi32>
    %shift_right_logical3A_261 = arith.shrui %get3A_258, %shift_right_logical3A_260 : vector<16xi32>
    %swap3A_262 = arith.constant 2 : i32
    %swap3A_263 = arith.index_cast %swap3A_262 : i32 to index
    %swap3A_264 = arith.constant 16 : index
    %swap3A_265 = tpu.vector_load %arg10[%swap3A_263, %swap3A_264] {strides = array<i32>} : memref<4x128xi32, #tpu.memory_space<vmem>>, vector<1x16xi32>,
    %swap3A_266 = vector.shape_cast %swap3A_265 : vector<1x16xi32> to vector<16xi32>
    %swap3A_267 = vector.shape_cast %shift_right_logical3A_261 : vector<16xi32> to vector<1x16xi32>
    tpu.vector_store %arg10[%swap3A_263, %swap3A_264], %swap3A_267 {strides = array<i32>} : memref<4x128xi32, #tpu.memory_space<vmem>>, vector<1x16xi32>,
    %get3A_268 = arith.constant 2 : i32
    %get3A_269 = arith.index_cast %get3A_268 : i32 to index
    %get3A_270 = arith.constant 32 : index
    %get3A_271 = tpu.vector_load %arg8[%get3A_269, %get3A_270] {strides = array<i32>} : memref<4x128xi32, #tpu.memory_space<vmem>>, vector<1x16xi32>,
    %get3A_272 = vector.shape_cast %get3A_271 : vector<1x16xi32> to vector<16xi32>
    %shift_right_logical3A_273 = arith.constant 3 : i32
    %shift_right_logical3A_274 = vector.broadcast %shift_right_logical3A_273 : i32 to vector<16xi32>
    %shift_right_logical3A_275 = arith.shrui %get3A_272, %shift_right_logical3A_274 : vector<16xi32>
    %swap3A_276 = arith.constant 2 : i32
    %swap3A_277 = arith.index_cast %swap3A_276 : i32 to index
    %swap3A_278 = arith.constant 32 : index
    %swap3A_279 = tpu.vector_load %arg10[%swap3A_277, %swap3A_278] {strides = array<i32>} : memref<4x128xi32, #tpu.memory_space<vmem>>, vector<1x16xi32>,
    %swap3A_280 = vector.shape_cast %swap3A_279 : vector<1x16xi32> to vector<16xi32>
    %swap3A_281 = vector.shape_cast %shift_right_logical3A_275 : vector<16xi32> to vector<1x16xi32>
    tpu.vector_store %arg10[%swap3A_277, %swap3A_278], %swap3A_281 {strides = array<i32>} : memref<4x128xi32, #tpu.memory_space<vmem>>, vector<1x16xi32>,
    %get3A_282 = arith.constant 2 : i32
    %get3A_283 = arith.index_cast %get3A_282 : i32 to index
    %get3A_284 = arith.constant 48 : index
    %get3A_285 = tpu.vector_load %arg8[%get3A_283, %get3A_284] {strides = array<i32>} : memref<4x128xi32, #tpu.memory_space<vmem>>, vector<1x16xi32>,
    %get3A_286 = vector.shape_cast %get3A_285 : vector<1x16xi32> to vector<16xi32>
    %shift_right_logical3A_287 = arith.constant 3 : i32
    %shift_right_logical3A_288 = vector.broadcast %shift_right_logical3A_287 : i32 to vector<16xi32>
    %shift_right_logical3A_289 = arith.shrui %get3A_286, %shift_right_logical3A_288 : vector<16xi32>
    %swap3A_290 = arith.constant 2 : i32
    %swap3A_291 = arith.index_cast %swap3A_290 : i32 to index
    %swap3A_292 = arith.constant 48 : index
    %swap3A_293 = tpu.vector_load %arg10[%swap3A_291, %swap3A_292] {strides = array<i32>} : memref<4x128xi32, #tpu.memory_space<vmem>>, vector<1x16xi32>,
    %swap3A_294 = vector.shape_cast %swap3A_293 : vector<1x16xi32> to vector<16xi32>
    %swap3A_295 = vector.shape_cast %shift_right_logical3A_289 : vector<16xi32> to vector<1x16xi32>
    tpu.vector_store %arg10[%swap3A_291, %swap3A_292], %swap3A_295 {strides = array<i32>} : memref<4x128xi32, #tpu.memory_space<vmem>>, vector<1x16xi32>,
    %get3A_296 = arith.constant 2 : i32
    %get3A_297 = arith.index_cast %get3A_296 : i32 to index
    %get3A_298 = arith.constant 64 : index
    %get3A_299 = tpu.vector_load %arg8[%get3A_297, %get3A_298] {strides = array<i32>} : memref<4x128xi32, #tpu.memory_space<vmem>>, vector<1x16xi32>,
    %get3A_300 = vector.shape_cast %get3A_299 : vector<1x16xi32> to vector<16xi32>
    %shift_right_logical3A_301 = arith.constant 3 : i32
    %shift_right_logical3A_302 = vector.broadcast %shift_right_logical3A_301 : i32 to vector<16xi32>
    %shift_right_logical3A_303 = arith.shrui %get3A_300, %shift_right_logical3A_302 : vector<16xi32>
    %swap3A_304 = arith.constant 2 : i32
    %swap3A_305 = arith.index_cast %swap3A_304 : i32 to index
    %swap3A_306 = arith.constant 64 : index
    %swap3A_307 = tpu.vector_load %arg10[%swap3A_305, %swap3A_306] {strides = array<i32>} : memref<4x128xi32, #tpu.memory_space<vmem>>, vector<1x16xi32>,
    %swap3A_308 = vector.shape_cast %swap3A_307 : vector<1x16xi32> to vector<16xi32>
    %swap3A_309 = vector.shape_cast %shift_right_logical3A_303 : vector<16xi32> to vector<1x16xi32>
    tpu.vector_store %arg10[%swap3A_305, %swap3A_306], %swap3A_309 {strides = array<i32>} : memref<4x128xi32, #tpu.memory_space<vmem>>, vector<1x16xi32>,
    %get3A_310 = arith.constant 2 : i32
    %get3A_311 = arith.index_cast %get3A_310 : i32 to index
    %get3A_312 = arith.constant 80 : index
    %get3A_313 = tpu.vector_load %arg8[%get3A_311, %get3A_312] {strides = array<i32>} : memref<4x128xi32, #tpu.memory_space<vmem>>, vector<1x16xi32>,
    %get3A_314 = vector.shape_cast %get3A_313 : vector<1x16xi32> to vector<16xi32>
    %shift_right_logical3A_315 = arith.constant 3 : i32
    %shift_right_logical3A_316 = vector.broadcast %shift_right_logical3A_315 : i32 to vector<16xi32>
    %shift_right_logical3A_317 = arith.shrui %get3A_314, %shift_right_logical3A_316 : vector<16xi32>
    %swap3A_318 = arith.constant 2 : i32
    %swap3A_319 = arith.index_cast %swap3A_318 : i32 to index
    %swap3A_320 = arith.constant 80 : index
    %swap3A_321 = tpu.vector_load %arg10[%swap3A_319, %swap3A_320] {strides = array<i32>} : memref<4x128xi32, #tpu.memory_space<vmem>>, vector<1x16xi32>,
    %swap3A_322 = vector.shape_cast %swap3A_321 : vector<1x16xi32> to vector<16xi32>
    %swap3A_323 = vector.shape_cast %shift_right_logical3A_317 : vector<16xi32> to vector<1x16xi32>
    tpu.vector_store %arg10[%swap3A_319, %swap3A_320], %swap3A_323 {strides = array<i32>} : memref<4x128xi32, #tpu.memory_space<vmem>>, vector<1x16xi32>,
    %get3A_324 = arith.constant 2 : i32
    %get3A_325 = arith.index_cast %get3A_324 : i32 to index
    %get3A_326 = arith.constant 96 : index
    %get3A_327 = tpu.vector_load %arg8[%get3A_325, %get3A_326] {strides = array<i32>} : memref<4x128xi32, #tpu.memory_space<vmem>>, vector<1x16xi32>,
    %get3A_328 = vector.shape_cast %get3A_327 : vector<1x16xi32> to vector<16xi32>
    %shift_right_logical3A_329 = arith.constant 3 : i32
    %shift_right_logical3A_330 = vector.broadcast %shift_right_logical3A_329 : i32 to vector<16xi32>
    %shift_right_logical3A_331 = arith.shrui %get3A_328, %shift_right_logical3A_330 : vector<16xi32>
    %swap3A_332 = arith.constant 2 : i32
    %swap3A_333 = arith.index_cast %swap3A_332 : i32 to index
    %swap3A_334 = arith.constant 96 : index
    %swap3A_335 = tpu.vector_load %arg10[%swap3A_333, %swap3A_334] {strides = array<i32>} : memref<4x128xi32, #tpu.memory_space<vmem>>, vector<1x16xi32>,
    %swap3A_336 = vector.shape_cast %swap3A_335 : vector<1x16xi32> to vector<16xi32>
    %swap3A_337 = vector.shape_cast %shift_right_logical3A_331 : vector<16xi32> to vector<1x16xi32>
    tpu.vector_store %arg10[%swap3A_333, %swap3A_334], %swap3A_337 {strides = array<i32>} : memref<4x128xi32, #tpu.memory_space<vmem>>, vector<1x16xi32>,
    %get3A_338 = arith.constant 2 : i32
    %get3A_339 = arith.index_cast %get3A_338 : i32 to index
    %get3A_340 = arith.constant 112 : index
    %get3A_341 = tpu.vector_load %arg8[%get3A_339, %get3A_340] {strides = array<i32>} : memref<4x128xi32, #tpu.memory_space<vmem>>, vector<1x16xi32>,
    %get3A_342 = vector.shape_cast %get3A_341 : vector<1x16xi32> to vector<16xi32>
    %shift_right_logical3A_343 = arith.constant 3 : i32
    %shift_right_logical3A_344 = vector.broadcast %shift_right_logical3A_343 : i32 to vector<16xi32>
    %shift_right_logical3A_345 = arith.shrui %get3A_342, %shift_right_logical3A_344 : vector<16xi32>
    %swap3A_346 = arith.constant 2 : i32
    %swap3A_347 = arith.index_cast %swap3A_346 : i32 to index
    %swap3A_348 = arith.constant 112 : index
    %swap3A_349 = tpu.vector_load %arg10[%swap3A_347, %swap3A_348] {strides = array<i32>} : memref<4x128xi32, #tpu.memory_space<vmem>>, vector<1x16xi32>,
    %swap3A_350 = vector.shape_cast %swap3A_349 : vector<1x16xi32> to vector<16xi32>
    %swap3A_351 = vector.shape_cast %shift_right_logical3A_345 : vector<16xi32> to vector<1x16xi32>
    tpu.vector_store %arg10[%swap3A_347, %swap3A_348], %swap3A_351 {strides = array<i32>} : memref<4x128xi32, #tpu.memory_space<vmem>>, vector<1x16xi32>,
    %get3A_352 = arith.constant 3 : i32
    %get3A_353 = arith.index_cast %get3A_352 : i32 to index
    %get3A_354 = arith.constant 0 : index
    %get3A_355 = tpu.vector_load %arg8[%get3A_353, %get3A_354] {strides = array<i32>} : memref<4x128xi32, #tpu.memory_space<vmem>>, vector<1x16xi32>,
    %get3A_356 = vector.shape_cast %get3A_355 : vector<1x16xi32> to vector<16xi32>
    %shift_right_logical3A_357 = arith.constant 3 : i32
    %shift_right_logical3A_358 = vector.broadcast %shift_right_logical3A_357 : i32 to vector<16xi32>
    %shift_right_logical3A_359 = arith.shrui %get3A_356, %shift_right_logical3A_358 : vector<16xi32>
    %swap3A_360 = arith.constant 3 : i32
    %swap3A_361 = arith.index_cast %swap3A_360 : i32 to index
    %swap3A_362 = arith.constant 0 : index
    %swap3A_363 = tpu.vector_load %arg10[%swap3A_361, %swap3A_362] {strides = array<i32>} : memref<4x128xi32, #tpu.memory_space<vmem>>, vector<1x16xi32>,
    %swap3A_364 = vector.shape_cast %swap3A_363 : vector<1x16xi32> to vector<16xi32>
    %swap3A_365 = vector.shape_cast %shift_right_logical3A_359 : vector<16xi32> to vector<1x16xi32>
    tpu.vector_store %arg10[%swap3A_361, %swap3A_362], %swap3A_365 {strides = array<i32>} : memref<4x128xi32, #tpu.memory_space<vmem>>, vector<1x16xi32>,
    %get3A_366 = arith.constant 3 : i32
    %get3A_367 = arith.index_cast %get3A_366 : i32 to index
    %get3A_368 = arith.constant 16 : index
    %get3A_369 = tpu.vector_load %arg8[%get3A_367, %get3A_368] {strides = array<i32>} : memref<4x128xi32, #tpu.memory_space<vmem>>, vector<1x16xi32>,
    %get3A_370 = vector.shape_cast %get3A_369 : vector<1x16xi32> to vector<16xi32>
    %shift_right_logical3A_371 = arith.constant 3 : i32
    %shift_right_logical3A_372 = vector.broadcast %shift_right_logical3A_371 : i32 to vector<16xi32>
    %shift_right_logical3A_373 = arith.shrui %get3A_370, %shift_right_logical3A_372 : vector<16xi32>
    %swap3A_374 = arith.constant 3 : i32
    %swap3A_375 = arith.index_cast %swap3A_374 : i32 to index
    %swap3A_376 = arith.constant 16 : index
    %swap3A_377 = tpu.vector_load %arg10[%swap3A_375, %swap3A_376] {strides = array<i32>} : memref<4x128xi32, #tpu.memory_space<vmem>>, vector<1x16xi32>,
    %swap3A_378 = vector.shape_cast %swap3A_377 : vector<1x16xi32> to vector<16xi32>
    %swap3A_379 = vector.shape_cast %shift_right_logical3A_373 : vector<16xi32> to vector<1x16xi32>
    tpu.vector_store %arg10[%swap3A_375, %swap3A_376], %swap3A_379 {strides = array<i32>} : memref<4x128xi32, #tpu.memory_space<vmem>>, vector<1x16xi32>,
    %get3A_380 = arith.constant 3 : i32
    %get3A_381 = arith.index_cast %get3A_380 : i32 to index
    %get3A_382 = arith.constant 32 : index
    %get3A_383 = tpu.vector_load %arg8[%get3A_381, %get3A_382] {strides = array<i32>} : memref<4x128xi32, #tpu.memory_space<vmem>>, vector<1x16xi32>,
    %get3A_384 = vector.shape_cast %get3A_383 : vector<1x16xi32> to vector<16xi32>
    %shift_right_logical3A_385 = arith.constant 3 : i32
    %shift_right_logical3A_386 = vector.broadcast %shift_right_logical3A_385 : i32 to vector<16xi32>
    %shift_right_logical3A_387 = arith.shrui %get3A_384, %shift_right_logical3A_386 : vector<16xi32>
    %swap3A_388 = arith.constant 3 : i32
    %swap3A_389 = arith.index_cast %swap3A_388 : i32 to index
    %swap3A_390 = arith.constant 32 : index
    %swap3A_391 = tpu.vector_load %arg10[%swap3A_389, %swap3A_390] {strides = array<i32>} : memref<4x128xi32, #tpu.memory_space<vmem>>, vector<1x16xi32>,
    %swap3A_392 = vector.shape_cast %swap3A_391 : vector<1x16xi32> to vector<16xi32>
    %swap3A_393 = vector.shape_cast %shift_right_logical3A_387 : vector<16xi32> to vector<1x16xi32>
    tpu.vector_store %arg10[%swap3A_389, %swap3A_390], %swap3A_393 {strides = array<i32>} : memref<4x128xi32, #tpu.memory_space<vmem>>, vector<1x16xi32>,
    %get3A_394 = arith.constant 3 : i32
    %get3A_395 = arith.index_cast %get3A_394 : i32 to index
    %get3A_396 = arith.constant 48 : index
    %get3A_397 = tpu.vector_load %arg8[%get3A_395, %get3A_396] {strides = array<i32>} : memref<4x128xi32, #tpu.memory_space<vmem>>, vector<1x16xi32>,
    %get3A_398 = vector.shape_cast %get3A_397 : vector<1x16xi32> to vector<16xi32>
    %shift_right_logical3A_399 = arith.constant 3 : i32
    %shift_right_logical3A_400 = vector.broadcast %shift_right_logical3A_399 : i32 to vector<16xi32>
    %shift_right_logical3A_401 = arith.shrui %get3A_398, %shift_right_logical3A_400 : vector<16xi32>
    %swap3A_402 = arith.constant 3 : i32
    %swap3A_403 = arith.index_cast %swap3A_402 : i32 to index
    %swap3A_404 = arith.constant 48 : index
    %swap3A_405 = tpu.vector_load %arg10[%swap3A_403, %swap3A_404] {strides = array<i32>} : memref<4x128xi32, #tpu.memory_space<vmem>>, vector<1x16xi32>,
    %swap3A_406 = vector.shape_cast %swap3A_405 : vector<1x16xi32> to vector<16xi32>
    %swap3A_407 = vector.shape_cast %shift_right_logical3A_401 : vector<16xi32> to vector<1x16xi32>
    tpu.vector_store %arg10[%swap3A_403, %swap3A_404], %swap3A_407 {strides = array<i32>} : memref<4x128xi32, #tpu.memory_space<vmem>>, vector<1x16xi32>,
    %get3A_408 = arith.constant 3 : i32
    %get3A_409 = arith.index_cast %get3A_408 : i32 to index
    %get3A_410 = arith.constant 64 : index
    %get3A_411 = tpu.vector_load %arg8[%get3A_409, %get3A_410] {strides = array<i32>} : memref<4x128xi32, #tpu.memory_space<vmem>>, vector<1x16xi32>,
    %get3A_412 = vector.shape_cast %get3A_411 : vector<1x16xi32> to vector<16xi32>
    %shift_right_logical3A_413 = arith.constant 3 : i32
    %shift_right_logical3A_414 = vector.broadcast %shift_right_logical3A_413 : i32 to vector<16xi32>
    %shift_right_logical3A_415 = arith.shrui %get3A_412, %shift_right_logical3A_414 : vector<16xi32>
    %swap3A_416 = arith.constant 3 : i32
    %swap3A_417 = arith.index_cast %swap3A_416 : i32 to index
    %swap3A_418 = arith.constant 64 : index
    %swap3A_419 = tpu.vector_load %arg10[%swap3A_417, %swap3A_418] {strides = array<i32>} : memref<4x128xi32, #tpu.memory_space<vmem>>, vector<1x16xi32>,
    %swap3A_420 = vector.shape_cast %swap3A_419 : vector<1x16xi32> to vector<16xi32>
    %swap3A_421 = vector.shape_cast %shift_right_logical3A_415 : vector<16xi32> to vector<1x16xi32>
    tpu.vector_store %arg10[%swap3A_417, %swap3A_418], %swap3A_421 {strides = array<i32>} : memref<4x128xi32, #tpu.memory_space<vmem>>, vector<1x16xi32>,
    %get3A_422 = arith.constant 3 : i32
    %get3A_423 = arith.index_cast %get3A_422 : i32 to index
    %get3A_424 = arith.constant 80 : index
    %get3A_425 = tpu.vector_load %arg8[%get3A_423, %get3A_424] {strides = array<i32>} : memref<4x128xi32, #tpu.memory_space<vmem>>, vector<1x16xi32>,
    %get3A_426 = vector.shape_cast %get3A_425 : vector<1x16xi32> to vector<16xi32>
    %shift_right_logical3A_427 = arith.constant 3 : i32
    %shift_right_logical3A_428 = vector.broadcast %shift_right_logical3A_427 : i32 to vector<16xi32>
    %shift_right_logical3A_429 = arith.shrui %get3A_426, %shift_right_logical3A_428 : vector<16xi32>
    %swap3A_430 = arith.constant 3 : i32
    %swap3A_431 = arith.index_cast %swap3A_430 : i32 to index
    %swap3A_432 = arith.constant 80 : index
    %swap3A_433 = tpu.vector_load %arg10[%swap3A_431, %swap3A_432] {strides = array<i32>} : memref<4x128xi32, #tpu.memory_space<vmem>>, vector<1x16xi32>,
    %swap3A_434 = vector.shape_cast %swap3A_433 : vector<1x16xi32> to vector<16xi32>
    %swap3A_435 = vector.shape_cast %shift_right_logical3A_429 : vector<16xi32> to vector<1x16xi32>
    tpu.vector_store %arg10[%swap3A_431, %swap3A_432], %swap3A_435 {strides = array<i32>} : memref<4x128xi32, #tpu.memory_space<vmem>>, vector<1x16xi32>,
    %get3A_436 = arith.constant 3 : i32
    %get3A_437 = arith.index_cast %get3A_436 : i32 to index
    %get3A_438 = arith.constant 96 : index
    %get3A_439 = tpu.vector_load %arg8[%get3A_437, %get3A_438] {strides = array<i32>} : memref<4x128xi32, #tpu.memory_space<vmem>>, vector<1x16xi32>,
    %get3A_440 = vector.shape_cast %get3A_439 : vector<1x16xi32> to vector<16xi32>
    %shift_right_logical3A_441 = arith.constant 3 : i32
    %shift_right_logical3A_442 = vector.broadcast %shift_right_logical3A_441 : i32 to vector<16xi32>
    %shift_right_logical3A_443 = arith.shrui %get3A_440, %shift_right_logical3A_442 : vector<16xi32>
    %swap3A_444 = arith.constant 3 : i32
    %swap3A_445 = arith.index_cast %swap3A_444 : i32 to index
    %swap3A_446 = arith.constant 96 : index
    %swap3A_447 = tpu.vector_load %arg10[%swap3A_445, %swap3A_446] {strides = array<i32>} : memref<4x128xi32, #tpu.memory_space<vmem>>, vector<1x16xi32>,
    %swap3A_448 = vector.shape_cast %swap3A_447 : vector<1x16xi32> to vector<16xi32>
    %swap3A_449 = vector.shape_cast %shift_right_logical3A_443 : vector<16xi32> to vector<1x16xi32>
    tpu.vector_store %arg10[%swap3A_445, %swap3A_446], %swap3A_449 {strides = array<i32>} : memref<4x128xi32, #tpu.memory_space<vmem>>, vector<1x16xi32>,
    %get3A_450 = arith.constant 3 : i32
    %get3A_451 = arith.index_cast %get3A_450 : i32 to index
    %get3A_452 = arith.constant 112 : index
    %get3A_453 = tpu.vector_load %arg8[%get3A_451, %get3A_452] {strides = array<i32>} : memref<4x128xi32, #tpu.memory_space<vmem>>, vector<1x16xi32>,
    %get3A_454 = vector.shape_cast %get3A_453 : vector<1x16xi32> to vector<16xi32>
    %shift_right_logical3A_455 = arith.constant 3 : i32
    %shift_right_logical3A_456 = vector.broadcast %shift_right_logical3A_455 : i32 to vector<16xi32>
    %shift_right_logical3A_457 = arith.shrui %get3A_454, %shift_right_logical3A_456 : vector<16xi32>
    %swap3A_458 = arith.constant 3 : i32
    %swap3A_459 = arith.index_cast %swap3A_458 : i32 to index
    %swap3A_460 = arith.constant 112 : index
    %swap3A_461 = tpu.vector_load %arg10[%swap3A_459, %swap3A_460] {strides = array<i32>} : memref<4x128xi32, #tpu.memory_space<vmem>>, vector<1x16xi32>,
    %swap3A_462 = vector.shape_cast %swap3A_461 : vector<1x16xi32> to vector<16xi32>
    %swap3A_463 = vector.shape_cast %shift_right_logical3A_457 : vector<16xi32> to vector<1x16xi32>
    tpu.vector_store %arg10[%swap3A_459, %swap3A_460], %swap3A_463 {strides = array<i32>} : memref<4x128xi32, #tpu.memory_space<vmem>>, vector<1x16xi32>,
    %get3A_464 = arith.constant 0 : i32
    %get3A_465 = arith.index_cast %get3A_464 : i32 to index
    %get3A_466 = arith.constant 0 : index
    %get3A_467 = tpu.vector_load %arg9[%get3A_465, %get3A_466] {strides = array<i32>} : memref<4x128xi32, #tpu.memory_space<vmem>>, vector<1x16xi32>,
    %get3A_468 = vector.shape_cast %get3A_467 : vector<1x16xi32> to vector<16xi32>
    %shift_right_logical3A_469 = arith.constant 3 : i32
    %shift_right_logical3A_470 = vector.broadcast %shift_right_logical3A_469 : i32 to vector<16xi32>
    %shift_right_logical3A_471 = arith.shrui %get3A_468, %shift_right_logical3A_470 : vector<16xi32>
    %swap3A_472 = arith.constant 0 : i32
    %swap3A_473 = arith.index_cast %swap3A_472 : i32 to index
    %swap3A_474 = arith.constant 0 : index
    %swap3A_475 = tpu.vector_load %arg11[%swap3A_473, %swap3A_474] {strides = array<i32>} : memref<4x128xi32, #tpu.memory_space<vmem>>, vector<1x16xi32>,
    %swap3A_476 = vector.shape_cast %swap3A_475 : vector<1x16xi32> to vector<16xi32>
    %swap3A_477 = vector.shape_cast %shift_right_logical3A_471 : vector<16xi32> to vector<1x16xi32>
    tpu.vector_store %arg11[%swap3A_473, %swap3A_474], %swap3A_477 {strides = array<i32>} : memref<4x128xi32, #tpu.memory_space<vmem>>, vector<1x16xi32>,
    %get3A_478 = arith.constant 0 : i32
    %get3A_479 = arith.index_cast %get3A_478 : i32 to index
    %get3A_480 = arith.constant 16 : index
    %get3A_481 = tpu.vector_load %arg9[%get3A_479, %get3A_480] {strides = array<i32>} : memref<4x128xi32, #tpu.memory_space<vmem>>, vector<1x16xi32>,
    %get3A_482 = vector.shape_cast %get3A_481 : vector<1x16xi32> to vector<16xi32>
    %shift_right_logical3A_483 = arith.constant 3 : i32
    %shift_right_logical3A_484 = vector.broadcast %shift_right_logical3A_483 : i32 to vector<16xi32>
    %shift_right_logical3A_485 = arith.shrui %get3A_482, %shift_right_logical3A_484 : vector<16xi32>
    %swap3A_486 = arith.constant 0 : i32
    %swap3A_487 = arith.index_cast %swap3A_486 : i32 to index
    %swap3A_488 = arith.constant 16 : index
    %swap3A_489 = tpu.vector_load %arg11[%swap3A_487, %swap3A_488] {strides = array<i32>} : memref<4x128xi32, #tpu.memory_space<vmem>>, vector<1x16xi32>,
    %swap3A_490 = vector.shape_cast %swap3A_489 : vector<1x16xi32> to vector<16xi32>
    %swap3A_491 = vector.shape_cast %shift_right_logical3A_485 : vector<16xi32> to vector<1x16xi32>
    tpu.vector_store %arg11[%swap3A_487, %swap3A_488], %swap3A_491 {strides = array<i32>} : memref<4x128xi32, #tpu.memory_space<vmem>>, vector<1x16xi32>,
    %get3A_492 = arith.constant 0 : i32
    %get3A_493 = arith.index_cast %get3A_492 : i32 to index
    %get3A_494 = arith.constant 32 : index
    %get3A_495 = tpu.vector_load %arg9[%get3A_493, %get3A_494] {strides = array<i32>} : memref<4x128xi32, #tpu.memory_space<vmem>>, vector<1x16xi32>,
    %get3A_496 = vector.shape_cast %get3A_495 : vector<1x16xi32> to vector<16xi32>
    %shift_right_logical3A_497 = arith.constant 3 : i32
    %shift_right_logical3A_498 = vector.broadcast %shift_right_logical3A_497 : i32 to vector<16xi32>
    %shift_right_logical3A_499 = arith.shrui %get3A_496, %shift_right_logical3A_498 : vector<16xi32>
    %swap3A_500 = arith.constant 0 : i32
    %swap3A_501 = arith.index_cast %swap3A_500 : i32 to index
    %swap3A_502 = arith.constant 32 : index
    %swap3A_503 = tpu.vector_load %arg11[%swap3A_501, %swap3A_502] {strides = array<i32>} : memref<4x128xi32, #tpu.memory_space<vmem>>, vector<1x16xi32>,
    %swap3A_504 = vector.shape_cast %swap3A_503 : vector<1x16xi32> to vector<16xi32>
    %swap3A_505 = vector.shape_cast %shift_right_logical3A_499 : vector<16xi32> to vector<1x16xi32>
    tpu.vector_store %arg11[%swap3A_501, %swap3A_502], %swap3A_505 {strides = array<i32>} : memref<4x128xi32, #tpu.memory_space<vmem>>, vector<1x16xi32>,
    %get3A_506 = arith.constant 0 : i32
    %get3A_507 = arith.index_cast %get3A_506 : i32 to index
    %get3A_508 = arith.constant 48 : index
    %get3A_509 = tpu.vector_load %arg9[%get3A_507, %get3A_508] {strides = array<i32>} : memref<4x128xi32, #tpu.memory_space<vmem>>, vector<1x16xi32>,
    %get3A_510 = vector.shape_cast %get3A_509 : vector<1x16xi32> to vector<16xi32>
    %shift_right_logical3A_511 = arith.constant 3 : i32
    %shift_right_logical3A_512 = vector.broadcast %shift_right_logical3A_511 : i32 to vector<16xi32>
    %shift_right_logical3A_513 = arith.shrui %get3A_510, %shift_right_logical3A_512 : vector<16xi32>
    %swap3A_514 = arith.constant 0 : i32
    %swap3A_515 = arith.index_cast %swap3A_514 : i32 to index
    %swap3A_516 = arith.constant 48 : index
    %swap3A_517 = tpu.vector_load %arg11[%swap3A_515, %swap3A_516] {strides = array<i32>} : memref<4x128xi32, #tpu.memory_space<vmem>>, vector<1x16xi32>,
    %swap3A_518 = vector.shape_cast %swap3A_517 : vector<1x16xi32> to vector<16xi32>
    %swap3A_519 = vector.shape_cast %shift_right_logical3A_513 : vector<16xi32> to vector<1x16xi32>
    tpu.vector_store %arg11[%swap3A_515, %swap3A_516], %swap3A_519 {strides = array<i32>} : memref<4x128xi32, #tpu.memory_space<vmem>>, vector<1x16xi32>,
    %get3A_520 = arith.constant 0 : i32
    %get3A_521 = arith.index_cast %get3A_520 : i32 to index
    %get3A_522 = arith.constant 64 : index
    %get3A_523 = tpu.vector_load %arg9[%get3A_521, %get3A_522] {strides = array<i32>} : memref<4x128xi32, #tpu.memory_space<vmem>>, vector<1x16xi32>,
    %get3A_524 = vector.shape_cast %get3A_523 : vector<1x16xi32> to vector<16xi32>
    %shift_right_logical3A_525 = arith.constant 3 : i32
    %shift_right_logical3A_526 = vector.broadcast %shift_right_logical3A_525 : i32 to vector<16xi32>
    %shift_right_logical3A_527 = arith.shrui %get3A_524, %shift_right_logical3A_526 : vector<16xi32>
    %swap3A_528 = arith.constant 0 : i32
    %swap3A_529 = arith.index_cast %swap3A_528 : i32 to index
    %swap3A_530 = arith.constant 64 : index
    %swap3A_531 = tpu.vector_load %arg11[%swap3A_529, %swap3A_530] {strides = array<i32>} : memref<4x128xi32, #tpu.memory_space<vmem>>, vector<1x16xi32>,
    %swap3A_532 = vector.shape_cast %swap3A_531 : vector<1x16xi32> to vector<16xi32>
    %swap3A_533 = vector.shape_cast %shift_right_logical3A_527 : vector<16xi32> to vector<1x16xi32>
    tpu.vector_store %arg11[%swap3A_529, %swap3A_530], %swap3A_533 {strides = array<i32>} : memref<4x128xi32, #tpu.memory_space<vmem>>, vector<1x16xi32>,
    %get3A_534 = arith.constant 0 : i32
    %get3A_535 = arith.index_cast %get3A_534 : i32 to index
    %get3A_536 = arith.constant 80 : index
    %get3A_537 = tpu.vector_load %arg9[%get3A_535, %get3A_536] {strides = array<i32>} : memref<4x128xi32, #tpu.memory_space<vmem>>, vector<1x16xi32>,
    %get3A_538 = vector.shape_cast %get3A_537 : vector<1x16xi32> to vector<16xi32>
    %shift_right_logical3A_539 = arith.constant 3 : i32
    %shift_right_logical3A_540 = vector.broadcast %shift_right_logical3A_539 : i32 to vector<16xi32>
    %shift_right_logical3A_541 = arith.shrui %get3A_538, %shift_right_logical3A_540 : vector<16xi32>
    %swap3A_542 = arith.constant 0 : i32
    %swap3A_543 = arith.index_cast %swap3A_542 : i32 to index
    %swap3A_544 = arith.constant 80 : index
    %swap3A_545 = tpu.vector_load %arg11[%swap3A_543, %swap3A_544] {strides = array<i32>} : memref<4x128xi32, #tpu.memory_space<vmem>>, vector<1x16xi32>,
    %swap3A_546 = vector.shape_cast %swap3A_545 : vector<1x16xi32> to vector<16xi32>
    %swap3A_547 = vector.shape_cast %shift_right_logical3A_541 : vector<16xi32> to vector<1x16xi32>
    tpu.vector_store %arg11[%swap3A_543, %swap3A_544], %swap3A_547 {strides = array<i32>} : memref<4x128xi32, #tpu.memory_space<vmem>>, vector<1x16xi32>,
    %get3A_548 = arith.constant 0 : i32
    %get3A_549 = arith.index_cast %get3A_548 : i32 to index
    %get3A_550 = arith.constant 96 : index
    %get3A_551 = tpu.vector_load %arg9[%get3A_549, %get3A_550] {strides = array<i32>} : memref<4x128xi32, #tpu.memory_space<vmem>>, vector<1x16xi32>,
    %get3A_552 = vector.shape_cast %get3A_551 : vector<1x16xi32> to vector<16xi32>
    %shift_right_logical3A_553 = arith.constant 3 : i32
    %shift_right_logical3A_554 = vector.broadcast %shift_right_logical3A_553 : i32 to vector<16xi32>
    %shift_right_logical3A_555 = arith.shrui %get3A_552, %shift_right_logical3A_554 : vector<16xi32>
    %swap3A_556 = arith.constant 0 : i32
    %swap3A_557 = arith.index_cast %swap3A_556 : i32 to index
    %swap3A_558 = arith.constant 96 : index
    %swap3A_559 = tpu.vector_load %arg11[%swap3A_557, %swap3A_558] {strides = array<i32>} : memref<4x128xi32, #tpu.memory_space<vmem>>, vector<1x16xi32>,
    %swap3A_560 = vector.shape_cast %swap3A_559 : vector<1x16xi32> to vector<16xi32>
    %swap3A_561 = vector.shape_cast %shift_right_logical3A_555 : vector<16xi32> to vector<1x16xi32>
    tpu.vector_store %arg11[%swap3A_557, %swap3A_558], %swap3A_561 {strides = array<i32>} : memref<4x128xi32, #tpu.memory_space<vmem>>, vector<1x16xi32>,
    %get3A_562 = arith.constant 0 : i32
    %get3A_563 = arith.index_cast %get3A_562 : i32 to index
    %get3A_564 = arith.constant 112 : index
    %get3A_565 = tpu.vector_load %arg9[%get3A_563, %get3A_564] {strides = array<i32>} : memref<4x128xi32, #tpu.memory_space<vmem>>, vector<1x16xi32>,
    %get3A_566 = vector.shape_cast %get3A_565 : vector<1x16xi32> to vector<16xi32>
    %shift_right_logical3A_567 = arith.constant 3 : i32
    %shift_right_logical3A_568 = vector.broadcast %shift_right_logical3A_567 : i32 to vector<16xi32>
    %shift_right_logical3A_569 = arith.shrui %get3A_566, %shift_right_logical3A_568 : vector<16xi32>
    %swap3A_570 = arith.constant 0 : i32
    %swap3A_571 = arith.index_cast %swap3A_570 : i32 to index
    %swap3A_572 = arith.constant 112 : index
    %swap3A_573 = tpu.vector_load %arg11[%swap3A_571, %swap3A_572] {strides = array<i32>} : memref<4x128xi32, #tpu.memory_space<vmem>>, vector<1x16xi32>,
    %swap3A_574 = vector.shape_cast %swap3A_573 : vector<1x16xi32> to vector<16xi32>
    %swap3A_575 = vector.shape_cast %shift_right_logical3A_569 : vector<16xi32> to vector<1x16xi32>
    tpu.vector_store %arg11[%swap3A_571, %swap3A_572], %swap3A_575 {strides = array<i32>} : memref<4x128xi32, #tpu.memory_space<vmem>>, vector<1x16xi32>,
    %get3A_576 = arith.constant 1 : i32
    %get3A_577 = arith.index_cast %get3A_576 : i32 to index
    %get3A_578 = arith.constant 0 : index
    %get3A_579 = tpu.vector_load %arg9[%get3A_577, %get3A_578] {strides = array<i32>} : memref<4x128xi32, #tpu.memory_space<vmem>>, vector<1x16xi32>,
    %get3A_580 = vector.shape_cast %get3A_579 : vector<1x16xi32> to vector<16xi32>
    %shift_right_logical3A_581 = arith.constant 3 : i32
    %shift_right_logical3A_582 = vector.broadcast %shift_right_logical3A_581 : i32 to vector<16xi32>
    %shift_right_logical3A_583 = arith.shrui %get3A_580, %shift_right_logical3A_582 : vector<16xi32>
    %swap3A_584 = arith.constant 1 : i32
    %swap3A_585 = arith.index_cast %swap3A_584 : i32 to index
    %swap3A_586 = arith.constant 0 : index
    %swap3A_587 = tpu.vector_load %arg11[%swap3A_585, %swap3A_586] {strides = array<i32>} : memref<4x128xi32, #tpu.memory_space<vmem>>, vector<1x16xi32>,
    %swap3A_588 = vector.shape_cast %swap3A_587 : vector<1x16xi32> to vector<16xi32>
    %swap3A_589 = vector.shape_cast %shift_right_logical3A_583 : vector<16xi32> to vector<1x16xi32>
    tpu.vector_store %arg11[%swap3A_585, %swap3A_586], %swap3A_589 {strides = array<i32>} : memref<4x128xi32, #tpu.memory_space<vmem>>, vector<1x16xi32>,
    %get3A_590 = arith.constant 1 : i32
    %get3A_591 = arith.index_cast %get3A_590 : i32 to index
    %get3A_592 = arith.constant 16 : index
    %get3A_593 = tpu.vector_load %arg9[%get3A_591, %get3A_592] {strides = array<i32>} : memref<4x128xi32, #tpu.memory_space<vmem>>, vector<1x16xi32>,
    %get3A_594 = vector.shape_cast %get3A_593 : vector<1x16xi32> to vector<16xi32>
    %shift_right_logical3A_595 = arith.constant 3 : i32
    %shift_right_logical3A_596 = vector.broadcast %shift_right_logical3A_595 : i32 to vector<16xi32>
    %shift_right_logical3A_597 = arith.shrui %get3A_594, %shift_right_logical3A_596 : vector<16xi32>
    %swap3A_598 = arith.constant 1 : i32
    %swap3A_599 = arith.index_cast %swap3A_598 : i32 to index
    %swap3A_600 = arith.constant 16 : index
    %swap3A_601 = tpu.vector_load %arg11[%swap3A_599, %swap3A_600] {strides = array<i32>} : memref<4x128xi32, #tpu.memory_space<vmem>>, vector<1x16xi32>,
    %swap3A_602 = vector.shape_cast %swap3A_601 : vector<1x16xi32> to vector<16xi32>
    %swap3A_603 = vector.shape_cast %shift_right_logical3A_597 : vector<16xi32> to vector<1x16xi32>
    tpu.vector_store %arg11[%swap3A_599, %swap3A_600], %swap3A_603 {strides = array<i32>} : memref<4x128xi32, #tpu.memory_space<vmem>>, vector<1x16xi32>,
    %get3A_604 = arith.constant 1 : i32
    %get3A_605 = arith.index_cast %get3A_604 : i32 to index
    %get3A_606 = arith.constant 32 : index
    %get3A_607 = tpu.vector_load %arg9[%get3A_605, %get3A_606] {strides = array<i32>} : memref<4x128xi32, #tpu.memory_space<vmem>>, vector<1x16xi32>,
    %get3A_608 = vector.shape_cast %get3A_607 : vector<1x16xi32> to vector<16xi32>
    %shift_right_logical3A_609 = arith.constant 3 : i32
    %shift_right_logical3A_610 = vector.broadcast %shift_right_logical3A_609 : i32 to vector<16xi32>
    %shift_right_logical3A_611 = arith.shrui %get3A_608, %shift_right_logical3A_610 : vector<16xi32>
    %swap3A_612 = arith.constant 1 : i32
    %swap3A_613 = arith.index_cast %swap3A_612 : i32 to index
    %swap3A_614 = arith.constant 32 : index
    %swap3A_615 = tpu.vector_load %arg11[%swap3A_613, %swap3A_614] {strides = array<i32>} : memref<4x128xi32, #tpu.memory_space<vmem>>, vector<1x16xi32>,
    %swap3A_616 = vector.shape_cast %swap3A_615 : vector<1x16xi32> to vector<16xi32>
    %swap3A_617 = vector.shape_cast %shift_right_logical3A_611 : vector<16xi32> to vector<1x16xi32>
    tpu.vector_store %arg11[%swap3A_613, %swap3A_614], %swap3A_617 {strides = array<i32>} : memref<4x128xi32, #tpu.memory_space<vmem>>, vector<1x16xi32>,
    %get3A_618 = arith.constant 1 : i32
    %get3A_619 = arith.index_cast %get3A_618 : i32 to index
    %get3A_620 = arith.constant 48 : index
    %get3A_621 = tpu.vector_load %arg9[%get3A_619, %get3A_620] {strides = array<i32>} : memref<4x128xi32, #tpu.memory_space<vmem>>, vector<1x16xi32>,
    %get3A_622 = vector.shape_cast %get3A_621 : vector<1x16xi32> to vector<16xi32>
    %shift_right_logical3A_623 = arith.constant 3 : i32
    %shift_right_logical3A_624 = vector.broadcast %shift_right_logical3A_623 : i32 to vector<16xi32>
    %shift_right_logical3A_625 = arith.shrui %get3A_622, %shift_right_logical3A_624 : vector<16xi32>
    %swap3A_626 = arith.constant 1 : i32
    %swap3A_627 = arith.index_cast %swap3A_626 : i32 to index
    %swap3A_628 = arith.constant 48 : index
    %swap3A_629 = tpu.vector_load %arg11[%swap3A_627, %swap3A_628] {strides = array<i32>} : memref<4x128xi32, #tpu.memory_space<vmem>>, vector<1x16xi32>,
    %swap3A_630 = vector.shape_cast %swap3A_629 : vector<1x16xi32> to vector<16xi32>
    %swap3A_631 = vector.shape_cast %shift_right_logical3A_625 : vector<16xi32> to vector<1x16xi32>
    tpu.vector_store %arg11[%swap3A_627, %swap3A_628], %swap3A_631 {strides = array<i32>} : memref<4x128xi32, #tpu.memory_space<vmem>>, vector<1x16xi32>,
    %get3A_632 = arith.constant 1 : i32
    %get3A_633 = arith.index_cast %get3A_632 : i32 to index
    %get3A_634 = arith.constant 64 : index
    %get3A_635 = tpu.vector_load %arg9[%get3A_633, %get3A_634] {strides = array<i32>} : memref<4x128xi32, #tpu.memory_space<vmem>>, vector<1x16xi32>,
    %get3A_636 = vector.shape_cast %get3A_635 : vector<1x16xi32> to vector<16xi32>
    %shift_right_logical3A_637 = arith.constant 3 : i32
    %shift_right_logical3A_638 = vector.broadcast %shift_right_logical3A_637 : i32 to vector<16xi32>
    %shift_right_logical3A_639 = arith.shrui %get3A_636, %shift_right_logical3A_638 : vector<16xi32>
    %swap3A_640 = arith.constant 1 : i32
    %swap3A_641 = arith.index_cast %swap3A_640 : i32 to index
    %swap3A_642 = arith.constant 64 : index
    %swap3A_643 = tpu.vector_load %arg11[%swap3A_641, %swap3A_642] {strides = array<i32>} : memref<4x128xi32, #tpu.memory_space<vmem>>, vector<1x16xi32>,
    %swap3A_644 = vector.shape_cast %swap3A_643 : vector<1x16xi32> to vector<16xi32>
    %swap3A_645 = vector.shape_cast %shift_right_logical3A_639 : vector<16xi32> to vector<1x16xi32>
    tpu.vector_store %arg11[%swap3A_641, %swap3A_642], %swap3A_645 {strides = array<i32>} : memref<4x128xi32, #tpu.memory_space<vmem>>, vector<1x16xi32>,
    %get3A_646 = arith.constant 1 : i32
    %get3A_647 = arith.index_cast %get3A_646 : i32 to index
    %get3A_648 = arith.constant 80 : index
    %get3A_649 = tpu.vector_load %arg9[%get3A_647, %get3A_648] {strides = array<i32>} : memref<4x128xi32, #tpu.memory_space<vmem>>, vector<1x16xi32>,
    %get3A_650 = vector.shape_cast %get3A_649 : vector<1x16xi32> to vector<16xi32>
    %shift_right_logical3A_651 = arith.constant 3 : i32
    %shift_right_logical3A_652 = vector.broadcast %shift_right_logical3A_651 : i32 to vector<16xi32>
    %shift_right_logical3A_653 = arith.shrui %get3A_650, %shift_right_logical3A_652 : vector<16xi32>
    %swap3A_654 = arith.constant 1 : i32
    %swap3A_655 = arith.index_cast %swap3A_654 : i32 to index
    %swap3A_656 = arith.constant 80 : index
    %swap3A_657 = tpu.vector_load %arg11[%swap3A_655, %swap3A_656] {strides = array<i32>} : memref<4x128xi32, #tpu.memory_space<vmem>>, vector<1x16xi32>,
    %swap3A_658 = vector.shape_cast %swap3A_657 : vector<1x16xi32> to vector<16xi32>
    %swap3A_659 = vector.shape_cast %shift_right_logical3A_653 : vector<16xi32> to vector<1x16xi32>
    tpu.vector_store %arg11[%swap3A_655, %swap3A_656], %swap3A_659 {strides = array<i32>} : memref<4x128xi32, #tpu.memory_space<vmem>>, vector<1x16xi32>,
    %get3A_660 = arith.constant 1 : i32
    %get3A_661 = arith.index_cast %get3A_660 : i32 to index
    %get3A_662 = arith.constant 96 : index
    %get3A_663 = tpu.vector_load %arg9[%get3A_661, %get3A_662] {strides = array<i32>} : memref<4x128xi32, #tpu.memory_space<vmem>>, vector<1x16xi32>,
    %get3A_664 = vector.shape_cast %get3A_663 : vector<1x16xi32> to vector<16xi32>
    %shift_right_logical3A_665 = arith.constant 3 : i32
    %shift_right_logical3A_666 = vector.broadcast %shift_right_logical3A_665 : i32 to vector<16xi32>
    %shift_right_logical3A_667 = arith.shrui %get3A_664, %shift_right_logical3A_666 : vector<16xi32>
    %swap3A_668 = arith.constant 1 : i32
    %swap3A_669 = arith.index_cast %swap3A_668 : i32 to index
    %swap3A_670 = arith.constant 96 : index
    %swap3A_671 = tpu.vector_load %arg11[%swap3A_669, %swap3A_670] {strides = array<i32>} : memref<4x128xi32, #tpu.memory_space<vmem>>, vector<1x16xi32>,
    %swap3A_672 = vector.shape_cast %swap3A_671 : vector<1x16xi32> to vector<16xi32>
    %swap3A_673 = vector.shape_cast %shift_right_logical3A_667 : vector<16xi32> to vector<1x16xi32>
    tpu.vector_store %arg11[%swap3A_669, %swap3A_670], %swap3A_673 {strides = array<i32>} : memref<4x128xi32, #tpu.memory_space<vmem>>, vector<1x16xi32>,
    %get3A_674 = arith.constant 1 : i32
    %get3A_675 = arith.index_cast %get3A_674 : i32 to index
    %get3A_676 = arith.constant 112 : index
    %get3A_677 = tpu.vector_load %arg9[%get3A_675, %get3A_676] {strides = array<i32>} : memref<4x128xi32, #tpu.memory_space<vmem>>, vector<1x16xi32>,
    %get3A_678 = vector.shape_cast %get3A_677 : vector<1x16xi32> to vector<16xi32>
    %shift_right_logical3A_679 = arith.constant 3 : i32
    %shift_right_logical3A_680 = vector.broadcast %shift_right_logical3A_679 : i32 to vector<16xi32>
    %shift_right_logical3A_681 = arith.shrui %get3A_678, %shift_right_logical3A_680 : vector<16xi32>
    %swap3A_682 = arith.constant 1 : i32
    %swap3A_683 = arith.index_cast %swap3A_682 : i32 to index
    %swap3A_684 = arith.constant 112 : index
    %swap3A_685 = tpu.vector_load %arg11[%swap3A_683, %swap3A_684] {strides = array<i32>} : memref<4x128xi32, #tpu.memory_space<vmem>>, vector<1x16xi32>,
    %swap3A_686 = vector.shape_cast %swap3A_685 : vector<1x16xi32> to vector<16xi32>
    %swap3A_687 = vector.shape_cast %shift_right_logical3A_681 : vector<16xi32> to vector<1x16xi32>
    tpu.vector_store %arg11[%swap3A_683, %swap3A_684], %swap3A_687 {strides = array<i32>} : memref<4x128xi32, #tpu.memory_space<vmem>>, vector<1x16xi32>,
    %get3A_688 = arith.constant 2 : i32
    %get3A_689 = arith.index_cast %get3A_688 : i32 to index
    %get3A_690 = arith.constant 0 : index
    %get3A_691 = tpu.vector_load %arg9[%get3A_689, %get3A_690] {strides = array<i32>} : memref<4x128xi32, #tpu.memory_space<vmem>>, vector<1x16xi32>,
    %get3A_692 = vector.shape_cast %get3A_691 : vector<1x16xi32> to vector<16xi32>
    %shift_right_logical3A_693 = arith.constant 3 : i32
    %shift_right_logical3A_694 = vector.broadcast %shift_right_logical3A_693 : i32 to vector<16xi32>
    %shift_right_logical3A_695 = arith.shrui %get3A_692, %shift_right_logical3A_694 : vector<16xi32>
    %swap3A_696 = arith.constant 2 : i32
    %swap3A_697 = arith.index_cast %swap3A_696 : i32 to index
    %swap3A_698 = arith.constant 0 : index
    %swap3A_699 = tpu.vector_load %arg11[%swap3A_697, %swap3A_698] {strides = array<i32>} : memref<4x128xi32, #tpu.memory_space<vmem>>, vector<1x16xi32>,
    %swap3A_700 = vector.shape_cast %swap3A_699 : vector<1x16xi32> to vector<16xi32>
    %swap3A_701 = vector.shape_cast %shift_right_logical3A_695 : vector<16xi32> to vector<1x16xi32>
    tpu.vector_store %arg11[%swap3A_697, %swap3A_698], %swap3A_701 {strides = array<i32>} : memref<4x128xi32, #tpu.memory_space<vmem>>, vector<1x16xi32>,
    %get3A_702 = arith.constant 2 : i32
    %get3A_703 = arith.index_cast %get3A_702 : i32 to index
    %get3A_704 = arith.constant 16 : index
    %get3A_705 = tpu.vector_load %arg9[%get3A_703, %get3A_704] {strides = array<i32>} : memref<4x128xi32, #tpu.memory_space<vmem>>, vector<1x16xi32>,
    %get3A_706 = vector.shape_cast %get3A_705 : vector<1x16xi32> to vector<16xi32>
    %shift_right_logical3A_707 = arith.constant 3 : i32
    %shift_right_logical3A_708 = vector.broadcast %shift_right_logical3A_707 : i32 to vector<16xi32>
    %shift_right_logical3A_709 = arith.shrui %get3A_706, %shift_right_logical3A_708 : vector<16xi32>
    %swap3A_710 = arith.constant 2 : i32
    %swap3A_711 = arith.index_cast %swap3A_710 : i32 to index
    %swap3A_712 = arith.constant 16 : index
    %swap3A_713 = tpu.vector_load %arg11[%swap3A_711, %swap3A_712] {strides = array<i32>} : memref<4x128xi32, #tpu.memory_space<vmem>>, vector<1x16xi32>,
    %swap3A_714 = vector.shape_cast %swap3A_713 : vector<1x16xi32> to vector<16xi32>
    %swap3A_715 = vector.shape_cast %shift_right_logical3A_709 : vector<16xi32> to vector<1x16xi32>
    tpu.vector_store %arg11[%swap3A_711, %swap3A_712], %swap3A_715 {strides = array<i32>} : memref<4x128xi32, #tpu.memory_space<vmem>>, vector<1x16xi32>,
    %get3A_716 = arith.constant 2 : i32
    %get3A_717 = arith.index_cast %get3A_716 : i32 to index
    %get3A_718 = arith.constant 32 : index
    %get3A_719 = tpu.vector_load %arg9[%get3A_717, %get3A_718] {strides = array<i32>} : memref<4x128xi32, #tpu.memory_space<vmem>>, vector<1x16xi32>,
    %get3A_720 = vector.shape_cast %get3A_719 : vector<1x16xi32> to vector<16xi32>
    %shift_right_logical3A_721 = arith.constant 3 : i32
    %shift_right_logical3A_722 = vector.broadcast %shift_right_logical3A_721 : i32 to vector<16xi32>
    %shift_right_logical3A_723 = arith.shrui %get3A_720, %shift_right_logical3A_722 : vector<16xi32>
    %swap3A_724 = arith.constant 2 : i32
    %swap3A_725 = arith.index_cast %swap3A_724 : i32 to index
    %swap3A_726 = arith.constant 32 : index
    %swap3A_727 = tpu.vector_load %arg11[%swap3A_725, %swap3A_726] {strides = array<i32>} : memref<4x128xi32, #tpu.memory_space<vmem>>, vector<1x16xi32>,
    %swap3A_728 = vector.shape_cast %swap3A_727 : vector<1x16xi32> to vector<16xi32>
    %swap3A_729 = vector.shape_cast %shift_right_logical3A_723 : vector<16xi32> to vector<1x16xi32>
    tpu.vector_store %arg11[%swap3A_725, %swap3A_726], %swap3A_729 {strides = array<i32>} : memref<4x128xi32, #tpu.memory_space<vmem>>, vector<1x16xi32>,
    %get3A_730 = arith.constant 2 : i32
    %get3A_731 = arith.index_cast %get3A_730 : i32 to index
    %get3A_732 = arith.constant 48 : index
    %get3A_733 = tpu.vector_load %arg9[%get3A_731, %get3A_732] {strides = array<i32>} : memref<4x128xi32, #tpu.memory_space<vmem>>, vector<1x16xi32>,
    %get3A_734 = vector.shape_cast %get3A_733 : vector<1x16xi32> to vector<16xi32>
    %shift_right_logical3A_735 = arith.constant 3 : i32
    %shift_right_logical3A_736 = vector.broadcast %shift_right_logical3A_735 : i32 to vector<16xi32>
    %shift_right_logical3A_737 = arith.shrui %get3A_734, %shift_right_logical3A_736 : vector<16xi32>
    %swap3A_738 = arith.constant 2 : i32
    %swap3A_739 = arith.index_cast %swap3A_738 : i32 to index
    %swap3A_740 = arith.constant 48 : index
    %swap3A_741 = tpu.vector_load %arg11[%swap3A_739, %swap3A_740] {strides = array<i32>} : memref<4x128xi32, #tpu.memory_space<vmem>>, vector<1x16xi32>,
    %swap3A_742 = vector.shape_cast %swap3A_741 : vector<1x16xi32> to vector<16xi32>
    %swap3A_743 = vector.shape_cast %shift_right_logical3A_737 : vector<16xi32> to vector<1x16xi32>
    tpu.vector_store %arg11[%swap3A_739, %swap3A_740], %swap3A_743 {strides = array<i32>} : memref<4x128xi32, #tpu.memory_space<vmem>>, vector<1x16xi32>,
    %get3A_744 = arith.constant 2 : i32
    %get3A_745 = arith.index_cast %get3A_744 : i32 to index
    %get3A_746 = arith.constant 64 : index
    %get3A_747 = tpu.vector_load %arg9[%get3A_745, %get3A_746] {strides = array<i32>} : memref<4x128xi32, #tpu.memory_space<vmem>>, vector<1x16xi32>,
    %get3A_748 = vector.shape_cast %get3A_747 : vector<1x16xi32> to vector<16xi32>
    %shift_right_logical3A_749 = arith.constant 3 : i32
    %shift_right_logical3A_750 = vector.broadcast %shift_right_logical3A_749 : i32 to vector<16xi32>
    %shift_right_logical3A_751 = arith.shrui %get3A_748, %shift_right_logical3A_750 : vector<16xi32>
    %swap3A_752 = arith.constant 2 : i32
    %swap3A_753 = arith.index_cast %swap3A_752 : i32 to index
    %swap3A_754 = arith.constant 64 : index
    %swap3A_755 = tpu.vector_load %arg11[%swap3A_753, %swap3A_754] {strides = array<i32>} : memref<4x128xi32, #tpu.memory_space<vmem>>, vector<1x16xi32>,
    %swap3A_756 = vector.shape_cast %swap3A_755 : vector<1x16xi32> to vector<16xi32>
    %swap3A_757 = vector.shape_cast %shift_right_logical3A_751 : vector<16xi32> to vector<1x16xi32>
    tpu.vector_store %arg11[%swap3A_753, %swap3A_754], %swap3A_757 {strides = array<i32>} : memref<4x128xi32, #tpu.memory_space<vmem>>, vector<1x16xi32>,
    %get3A_758 = arith.constant 2 : i32
    %get3A_759 = arith.index_cast %get3A_758 : i32 to index
    %get3A_760 = arith.constant 80 : index
    %get3A_761 = tpu.vector_load %arg9[%get3A_759, %get3A_760] {strides = array<i32>} : memref<4x128xi32, #tpu.memory_space<vmem>>, vector<1x16xi32>,
    %get3A_762 = vector.shape_cast %get3A_761 : vector<1x16xi32> to vector<16xi32>
    %shift_right_logical3A_763 = arith.constant 3 : i32
    %shift_right_logical3A_764 = vector.broadcast %shift_right_logical3A_763 : i32 to vector<16xi32>
    %shift_right_logical3A_765 = arith.shrui %get3A_762, %shift_right_logical3A_764 : vector<16xi32>
    %swap3A_766 = arith.constant 2 : i32
    %swap3A_767 = arith.index_cast %swap3A_766 : i32 to index
    %swap3A_768 = arith.constant 80 : index
    %swap3A_769 = tpu.vector_load %arg11[%swap3A_767, %swap3A_768] {strides = array<i32>} : memref<4x128xi32, #tpu.memory_space<vmem>>, vector<1x16xi32>,
    %swap3A_770 = vector.shape_cast %swap3A_769 : vector<1x16xi32> to vector<16xi32>
    %swap3A_771 = vector.shape_cast %shift_right_logical3A_765 : vector<16xi32> to vector<1x16xi32>
    tpu.vector_store %arg11[%swap3A_767, %swap3A_768], %swap3A_771 {strides = array<i32>} : memref<4x128xi32, #tpu.memory_space<vmem>>, vector<1x16xi32>,
    %get3A_772 = arith.constant 2 : i32
    %get3A_773 = arith.index_cast %get3A_772 : i32 to index
    %get3A_774 = arith.constant 96 : index
    %get3A_775 = tpu.vector_load %arg9[%get3A_773, %get3A_774] {strides = array<i32>} : memref<4x128xi32, #tpu.memory_space<vmem>>, vector<1x16xi32>,
    %get3A_776 = vector.shape_cast %get3A_775 : vector<1x16xi32> to vector<16xi32>
    %shift_right_logical3A_777 = arith.constant 3 : i32
    %shift_right_logical3A_778 = vector.broadcast %shift_right_logical3A_777 : i32 to vector<16xi32>
    %shift_right_logical3A_779 = arith.shrui %get3A_776, %shift_right_logical3A_778 : vector<16xi32>
    %swap3A_780 = arith.constant 2 : i32
    %swap3A_781 = arith.index_cast %swap3A_780 : i32 to index
    %swap3A_782 = arith.constant 96 : index
    %swap3A_783 = tpu.vector_load %arg11[%swap3A_781, %swap3A_782] {strides = array<i32>} : memref<4x128xi32, #tpu.memory_space<vmem>>, vector<1x16xi32>,
    %swap3A_784 = vector.shape_cast %swap3A_783 : vector<1x16xi32> to vector<16xi32>
    %swap3A_785 = vector.shape_cast %shift_right_logical3A_779 : vector<16xi32> to vector<1x16xi32>
    tpu.vector_store %arg11[%swap3A_781, %swap3A_782], %swap3A_785 {strides = array<i32>} : memref<4x128xi32, #tpu.memory_space<vmem>>, vector<1x16xi32>,
    %get3A_786 = arith.constant 2 : i32
    %get3A_787 = arith.index_cast %get3A_786 : i32 to index
    %get3A_788 = arith.constant 112 : index
    %get3A_789 = tpu.vector_load %arg9[%get3A_787, %get3A_788] {strides = array<i32>} : memref<4x128xi32, #tpu.memory_space<vmem>>, vector<1x16xi32>,
    %get3A_790 = vector.shape_cast %get3A_789 : vector<1x16xi32> to vector<16xi32>
    %shift_right_logical3A_791 = arith.constant 3 : i32
    %shift_right_logical3A_792 = vector.broadcast %shift_right_logical3A_791 : i32 to vector<16xi32>
    %shift_right_logical3A_793 = arith.shrui %get3A_790, %shift_right_logical3A_792 : vector<16xi32>
    %swap3A_794 = arith.constant 2 : i32
    %swap3A_795 = arith.index_cast %swap3A_794 : i32 to index
    %swap3A_796 = arith.constant 112 : index
    %swap3A_797 = tpu.vector_load %arg11[%swap3A_795, %swap3A_796] {strides = array<i32>} : memref<4x128xi32, #tpu.memory_space<vmem>>, vector<1x16xi32>,
    %swap3A_798 = vector.shape_cast %swap3A_797 : vector<1x16xi32> to vector<16xi32>
    %swap3A_799 = vector.shape_cast %shift_right_logical3A_793 : vector<16xi32> to vector<1x16xi32>
    tpu.vector_store %arg11[%swap3A_795, %swap3A_796], %swap3A_799 {strides = array<i32>} : memref<4x128xi32, #tpu.memory_space<vmem>>, vector<1x16xi32>,
    %get3A_800 = arith.constant 3 : i32
    %get3A_801 = arith.index_cast %get3A_800 : i32 to index
    %get3A_802 = arith.constant 0 : index
    %get3A_803 = tpu.vector_load %arg9[%get3A_801, %get3A_802] {strides = array<i32>} : memref<4x128xi32, #tpu.memory_space<vmem>>, vector<1x16xi32>,
    %get3A_804 = vector.shape_cast %get3A_803 : vector<1x16xi32> to vector<16xi32>
    %shift_right_logical3A_805 = arith.constant 3 : i32
    %shift_right_logical3A_806 = vector.broadcast %shift_right_logical3A_805 : i32 to vector<16xi32>
    %shift_right_logical3A_807 = arith.shrui %get3A_804, %shift_right_logical3A_806 : vector<16xi32>
    %swap3A_808 = arith.constant 3 : i32
    %swap3A_809 = arith.index_cast %swap3A_808 : i32 to index
    %swap3A_810 = arith.constant 0 : index
    %swap3A_811 = tpu.vector_load %arg11[%swap3A_809, %swap3A_810] {strides = array<i32>} : memref<4x128xi32, #tpu.memory_space<vmem>>, vector<1x16xi32>,
    %swap3A_812 = vector.shape_cast %swap3A_811 : vector<1x16xi32> to vector<16xi32>
    %swap3A_813 = vector.shape_cast %shift_right_logical3A_807 : vector<16xi32> to vector<1x16xi32>
    tpu.vector_store %arg11[%swap3A_809, %swap3A_810], %swap3A_813 {strides = array<i32>} : memref<4x128xi32, #tpu.memory_space<vmem>>, vector<1x16xi32>,
    %get3A_814 = arith.constant 3 : i32
    %get3A_815 = arith.index_cast %get3A_814 : i32 to index
    %get3A_816 = arith.constant 16 : index
    %get3A_817 = tpu.vector_load %arg9[%get3A_815, %get3A_816] {strides = array<i32>} : memref<4x128xi32, #tpu.memory_space<vmem>>, vector<1x16xi32>,
    %get3A_818 = vector.shape_cast %get3A_817 : vector<1x16xi32> to vector<16xi32>
    %shift_right_logical3A_819 = arith.constant 3 : i32
    %shift_right_logical3A_820 = vector.broadcast %shift_right_logical3A_819 : i32 to vector<16xi32>
    %shift_right_logical3A_821 = arith.shrui %get3A_818, %shift_right_logical3A_820 : vector<16xi32>
    %swap3A_822 = arith.constant 3 : i32
    %swap3A_823 = arith.index_cast %swap3A_822 : i32 to index
    %swap3A_824 = arith.constant 16 : index
    %swap3A_825 = tpu.vector_load %arg11[%swap3A_823, %swap3A_824] {strides = array<i32>} : memref<4x128xi32, #tpu.memory_space<vmem>>, vector<1x16xi32>,
    %swap3A_826 = vector.shape_cast %swap3A_825 : vector<1x16xi32> to vector<16xi32>
    %swap3A_827 = vector.shape_cast %shift_right_logical3A_821 : vector<16xi32> to vector<1x16xi32>
    tpu.vector_store %arg11[%swap3A_823, %swap3A_824], %swap3A_827 {strides = array<i32>} : memref<4x128xi32, #tpu.memory_space<vmem>>, vector<1x16xi32>,
    %get3A_828 = arith.constant 3 : i32
    %get3A_829 = arith.index_cast %get3A_828 : i32 to index
    %get3A_830 = arith.constant 32 : index
    %get3A_831 = tpu.vector_load %arg9[%get3A_829, %get3A_830] {strides = array<i32>} : memref<4x128xi32, #tpu.memory_space<vmem>>, vector<1x16xi32>,
    %get3A_832 = vector.shape_cast %get3A_831 : vector<1x16xi32> to vector<16xi32>
    %shift_right_logical3A_833 = arith.constant 3 : i32
    %shift_right_logical3A_834 = vector.broadcast %shift_right_logical3A_833 : i32 to vector<16xi32>
    %shift_right_logical3A_835 = arith.shrui %get3A_832, %shift_right_logical3A_834 : vector<16xi32>
    %swap3A_836 = arith.constant 3 : i32
    %swap3A_837 = arith.index_cast %swap3A_836 : i32 to index
    %swap3A_838 = arith.constant 32 : index
    %swap3A_839 = tpu.vector_load %arg11[%swap3A_837, %swap3A_838] {strides = array<i32>} : memref<4x128xi32, #tpu.memory_space<vmem>>, vector<1x16xi32>,
    %swap3A_840 = vector.shape_cast %swap3A_839 : vector<1x16xi32> to vector<16xi32>
    %swap3A_841 = vector.shape_cast %shift_right_logical3A_835 : vector<16xi32> to vector<1x16xi32>
    tpu.vector_store %arg11[%swap3A_837, %swap3A_838], %swap3A_841 {strides = array<i32>} : memref<4x128xi32, #tpu.memory_space<vmem>>, vector<1x16xi32>,
    %get3A_842 = arith.constant 3 : i32
    %get3A_843 = arith.index_cast %get3A_842 : i32 to index
    %get3A_844 = arith.constant 48 : index
    %get3A_845 = tpu.vector_load %arg9[%get3A_843, %get3A_844] {strides = array<i32>} : memref<4x128xi32, #tpu.memory_space<vmem>>, vector<1x16xi32>,
    %get3A_846 = vector.shape_cast %get3A_845 : vector<1x16xi32> to vector<16xi32>
    %shift_right_logical3A_847 = arith.constant 3 : i32
    %shift_right_logical3A_848 = vector.broadcast %shift_right_logical3A_847 : i32 to vector<16xi32>
    %shift_right_logical3A_849 = arith.shrui %get3A_846, %shift_right_logical3A_848 : vector<16xi32>
    %swap3A_850 = arith.constant 3 : i32
    %swap3A_851 = arith.index_cast %swap3A_850 : i32 to index
    %swap3A_852 = arith.constant 48 : index
    %swap3A_853 = tpu.vector_load %arg11[%swap3A_851, %swap3A_852] {strides = array<i32>} : memref<4x128xi32, #tpu.memory_space<vmem>>, vector<1x16xi32>,
    %swap3A_854 = vector.shape_cast %swap3A_853 : vector<1x16xi32> to vector<16xi32>
    %swap3A_855 = vector.shape_cast %shift_right_logical3A_849 : vector<16xi32> to vector<1x16xi32>
    tpu.vector_store %arg11[%swap3A_851, %swap3A_852], %swap3A_855 {strides = array<i32>} : memref<4x128xi32, #tpu.memory_space<vmem>>, vector<1x16xi32>,
    %get3A_856 = arith.constant 3 : i32
    %get3A_857 = arith.index_cast %get3A_856 : i32 to index
    %get3A_858 = arith.constant 64 : index
    %get3A_859 = tpu.vector_load %arg9[%get3A_857, %get3A_858] {strides = array<i32>} : memref<4x128xi32, #tpu.memory_space<vmem>>, vector<1x16xi32>,
    %get3A_860 = vector.shape_cast %get3A_859 : vector<1x16xi32> to vector<16xi32>
    %shift_right_logical3A_861 = arith.constant 3 : i32
    %shift_right_logical3A_862 = vector.broadcast %shift_right_logical3A_861 : i32 to vector<16xi32>
    %shift_right_logical3A_863 = arith.shrui %get3A_860, %shift_right_logical3A_862 : vector<16xi32>
    %swap3A_864 = arith.constant 3 : i32
    %swap3A_865 = arith.index_cast %swap3A_864 : i32 to index
    %swap3A_866 = arith.constant 64 : index
    %swap3A_867 = tpu.vector_load %arg11[%swap3A_865, %swap3A_866] {strides = array<i32>} : memref<4x128xi32, #tpu.memory_space<vmem>>, vector<1x16xi32>,
    %swap3A_868 = vector.shape_cast %swap3A_867 : vector<1x16xi32> to vector<16xi32>
    %swap3A_869 = vector.shape_cast %shift_right_logical3A_863 : vector<16xi32> to vector<1x16xi32>
    tpu.vector_store %arg11[%swap3A_865, %swap3A_866], %swap3A_869 {strides = array<i32>} : memref<4x128xi32, #tpu.memory_space<vmem>>, vector<1x16xi32>,
    %get3A_870 = arith.constant 3 : i32
    %get3A_871 = arith.index_cast %get3A_870 : i32 to index
    %get3A_872 = arith.constant 80 : index
    %get3A_873 = tpu.vector_load %arg9[%get3A_871, %get3A_872] {strides = array<i32>} : memref<4x128xi32, #tpu.memory_space<vmem>>, vector<1x16xi32>,
    %get3A_874 = vector.shape_cast %get3A_873 : vector<1x16xi32> to vector<16xi32>
    %shift_right_logical3A_875 = arith.constant 3 : i32
    %shift_right_logical3A_876 = vector.broadcast %shift_right_logical3A_875 : i32 to vector<16xi32>
    %shift_right_logical3A_877 = arith.shrui %get3A_874, %shift_right_logical3A_876 : vector<16xi32>
    %swap3A_878 = arith.constant 3 : i32
    %swap3A_879 = arith.index_cast %swap3A_878 : i32 to index
    %swap3A_880 = arith.constant 80 : index
    %swap3A_881 = tpu.vector_load %arg11[%swap3A_879, %swap3A_880] {strides = array<i32>} : memref<4x128xi32, #tpu.memory_space<vmem>>, vector<1x16xi32>,
    %swap3A_882 = vector.shape_cast %swap3A_881 : vector<1x16xi32> to vector<16xi32>
    %swap3A_883 = vector.shape_cast %shift_right_logical3A_877 : vector<16xi32> to vector<1x16xi32>
    tpu.vector_store %arg11[%swap3A_879, %swap3A_880], %swap3A_883 {strides = array<i32>} : memref<4x128xi32, #tpu.memory_space<vmem>>, vector<1x16xi32>,
    %get3A_884 = arith.constant 3 : i32
    %get3A_885 = arith.index_cast %get3A_884 : i32 to index
    %get3A_886 = arith.constant 96 : index
    %get3A_887 = tpu.vector_load %arg9[%get3A_885, %get3A_886] {strides = array<i32>} : memref<4x128xi32, #tpu.memory_space<vmem>>, vector<1x16xi32>,
    %get3A_888 = vector.shape_cast %get3A_887 : vector<1x16xi32> to vector<16xi32>
    %shift_right_logical3A_889 = arith.constant 3 : i32
    %shift_right_logical3A_890 = vector.broadcast %shift_right_logical3A_889 : i32 to vector<16xi32>
    %shift_right_logical3A_891 = arith.shrui %get3A_888, %shift_right_logical3A_890 : vector<16xi32>
    %swap3A_892 = arith.constant 3 : i32
    %swap3A_893 = arith.index_cast %swap3A_892 : i32 to index
    %swap3A_894 = arith.constant 96 : index
    %swap3A_895 = tpu.vector_load %arg11[%swap3A_893, %swap3A_894] {strides = array<i32>} : memref<4x128xi32, #tpu.memory_space<vmem>>, vector<1x16xi32>,
    %swap3A_896 = vector.shape_cast %swap3A_895 : vector<1x16xi32> to vector<16xi32>
    %swap3A_897 = vector.shape_cast %shift_right_logical3A_891 : vector<16xi32> to vector<1x16xi32>
    tpu.vector_store %arg11[%swap3A_893, %swap3A_894], %swap3A_897 {strides = array<i32>} : memref<4x128xi32, #tpu.memory_space<vmem>>, vector<1x16xi32>,
    %get3A_898 = arith.constant 3 : i32
    %get3A_899 = arith.index_cast %get3A_898 : i32 to index
    %get3A_900 = arith.constant 112 : index
    %get3A_901 = tpu.vector_load %arg9[%get3A_899, %get3A_900] {strides = array<i32>} : memref<4x128xi32, #tpu.memory_space<vmem>>, vector<1x16xi32>,
    %get3A_902 = vector.shape_cast %get3A_901 : vector<1x16xi32> to vector<16xi32>
    %shift_right_logical3A_903 = arith.constant 3 : i32
    %shift_right_logical3A_904 = vector.broadcast %shift_right_logical3A_903 : i32 to vector<16xi32>
    %shift_right_logical3A_905 = arith.shrui %get3A_902, %shift_right_logical3A_904 : vector<16xi32>
    %swap3A_906 = arith.constant 3 : i32
    %swap3A_907 = arith.index_cast %swap3A_906 : i32 to index
    %swap3A_908 = arith.constant 112 : index
    %swap3A_909 = tpu.vector_load %arg11[%swap3A_907, %swap3A_908] {strides = array<i32>} : memref<4x128xi32, #tpu.memory_space<vmem>>, vector<1x16xi32>,
    %swap3A_910 = vector.shape_cast %swap3A_909 : vector<1x16xi32> to vector<16xi32>
    %swap3A_911 = vector.shape_cast %shift_right_logical3A_905 : vector<16xi32> to vector<1x16xi32>
    tpu.vector_store %arg11[%swap3A_907, %swap3A_908], %swap3A_911 {strides = array<i32>} : memref<4x128xi32, #tpu.memory_space<vmem>>, vector<1x16xi32>,
    %dma_start3A_912 = arith.constant 0 : i32
    %dma_start3A_913 = arith.constant 0 : i32
    %dma_start3A_914 = arith.constant 0 : i32
    %dma_start3A_915 = tpu.memref_slice %arg12[%dma_start3A_913, %dma_start3A_914] : memref<512x128xf32, #tpu.memory_space<vmem>> -> memref<128x128xf32, #tpu.memory_space<vmem>>
    %dma_start3A_916 = arith.constant 0 : i32
    %dma_start3A_917 = tpu.memref_slice %arg10[%dma_start3A_912, %dma_start3A_916] : memref<4x128xi32, #tpu.memory_space<vmem>> -> memref<1x128xi32, #tpu.memory_space<vmem>>
    %dma_start3A_918 = tpu.memref_squeeze %dma_start3A_917 : memref<1x128xi32, #tpu.memory_space<vmem>> -> memref<128xi32, #tpu.memory_space<vmem>>
    %dma_start3A_919 = arith.constant 0 : i32
    %dma_start3A_920 = arith.constant 0 : i32
    %dma_start3A_921 = tpu.memref_slice %arg4[%dma_start3A_919, %dma_start3A_920] : memref<125000x128xf32, #tpu.memory_space<hbm>> -> memref<125000x128xf32, #tpu.memory_space<hbm>>
    tpu.enqueue_indirect_dma source(%dma_start3A_921 : memref<125000x128xf32, #tpu.memory_space<hbm>>) target(%dma_start3A_915 : memref<128x128xf32, #tpu.memory_space<vmem>>) offsets(%dma_start3A_918 : memref<128xi32, #tpu.memory_space<vmem>>) semaphore(%arg14 : memref<!tpu.dma_semaphore, #tpu.memory_space<semaphore_mem>>)
    %dma_start3A_922 = arith.constant 1 : i32
    %dma_start3A_923 = arith.constant 128 : i32
    %dma_start3A_924 = arith.constant 0 : i32
    %dma_start3A_925 = tpu.memref_slice %arg12[%dma_start3A_923, %dma_start3A_924] : memref<512x128xf32, #tpu.memory_space<vmem>> -> memref<128x128xf32, #tpu.memory_space<vmem>>
    %dma_start3A_926 = arith.constant 0 : i32
    %dma_start3A_927 = tpu.memref_slice %arg10[%dma_start3A_922, %dma_start3A_926] : memref<4x128xi32, #tpu.memory_space<vmem>> -> memref<1x128xi32, #tpu.memory_space<vmem>>
    %dma_start3A_928 = tpu.memref_squeeze %dma_start3A_927 : memref<1x128xi32, #tpu.memory_space<vmem>> -> memref<128xi32, #tpu.memory_space<vmem>>
    %dma_start3A_929 = arith.constant 0 : i32
    %dma_start3A_930 = arith.constant 0 : i32
    %dma_start3A_931 = tpu.memref_slice %arg4[%dma_start3A_929, %dma_start3A_930] : memref<125000x128xf32, #tpu.memory_space<hbm>> -> memref<125000x128xf32, #tpu.memory_space<hbm>>
    tpu.enqueue_indirect_dma source(%dma_start3A_931 : memref<125000x128xf32, #tpu.memory_space<hbm>>) target(%dma_start3A_925 : memref<128x128xf32, #tpu.memory_space<vmem>>) offsets(%dma_start3A_928 : memref<128xi32, #tpu.memory_space<vmem>>) semaphore(%arg14 : memref<!tpu.dma_semaphore, #tpu.memory_space<semaphore_mem>>)
    %dma_start3A_932 = arith.constant 2 : i32
    %dma_start3A_933 = arith.constant 256 : i32
    %dma_start3A_934 = arith.constant 0 : i32
    %dma_start3A_935 = tpu.memref_slice %arg12[%dma_start3A_933, %dma_start3A_934] : memref<512x128xf32, #tpu.memory_space<vmem>> -> memref<128x128xf32, #tpu.memory_space<vmem>>
    %dma_start3A_936 = arith.constant 0 : i32
    %dma_start3A_937 = tpu.memref_slice %arg10[%dma_start3A_932, %dma_start3A_936] : memref<4x128xi32, #tpu.memory_space<vmem>> -> memref<1x128xi32, #tpu.memory_space<vmem>>
    %dma_start3A_938 = tpu.memref_squeeze %dma_start3A_937 : memref<1x128xi32, #tpu.memory_space<vmem>> -> memref<128xi32, #tpu.memory_space<vmem>>
    %dma_start3A_939 = arith.constant 0 : i32
    %dma_start3A_940 = arith.constant 0 : i32
    %dma_start3A_941 = tpu.memref_slice %arg4[%dma_start3A_939, %dma_start3A_940] : memref<125000x128xf32, #tpu.memory_space<hbm>> -> memref<125000x128xf32, #tpu.memory_space<hbm>>
    tpu.enqueue_indirect_dma source(%dma_start3A_941 : memref<125000x128xf32, #tpu.memory_space<hbm>>) target(%dma_start3A_935 : memref<128x128xf32, #tpu.memory_space<vmem>>) offsets(%dma_start3A_938 : memref<128xi32, #tpu.memory_space<vmem>>) semaphore(%arg14 : memref<!tpu.dma_semaphore, #tpu.memory_space<semaphore_mem>>)
    %dma_start3A_942 = arith.constant 3 : i32
    %dma_start3A_943 = arith.constant 384 : i32
    %dma_start3A_944 = arith.constant 0 : i32
    %dma_start3A_945 = tpu.memref_slice %arg12[%dma_start3A_943, %dma_start3A_944] : memref<512x128xf32, #tpu.memory_space<vmem>> -> memref<128x128xf32, #tpu.memory_space<vmem>>
    %dma_start3A_946 = arith.constant 0 : i32
    %dma_start3A_947 = tpu.memref_slice %arg10[%dma_start3A_942, %dma_start3A_946] : memref<4x128xi32, #tpu.memory_space<vmem>> -> memref<1x128xi32, #tpu.memory_space<vmem>>
    %dma_start3A_948 = tpu.memref_squeeze %dma_start3A_947 : memref<1x128xi32, #tpu.memory_space<vmem>> -> memref<128xi32, #tpu.memory_space<vmem>>
    %dma_start3A_949 = arith.constant 0 : i32
    %dma_start3A_950 = arith.constant 0 : i32
    %dma_start3A_951 = tpu.memref_slice %arg4[%dma_start3A_949, %dma_start3A_950] : memref<125000x128xf32, #tpu.memory_space<hbm>> -> memref<125000x128xf32, #tpu.memory_space<hbm>>
    tpu.enqueue_indirect_dma source(%dma_start3A_951 : memref<125000x128xf32, #tpu.memory_space<hbm>>) target(%dma_start3A_945 : memref<128x128xf32, #tpu.memory_space<vmem>>) offsets(%dma_start3A_948 : memref<128xi32, #tpu.memory_space<vmem>>) semaphore(%arg14 : memref<!tpu.dma_semaphore, #tpu.memory_space<semaphore_mem>>)
    %dma_wait3A_952 = arith.constant 0 : i32
    %dma_wait3A_953 = arith.constant 0 : i32
    %dma_wait3A_954 = arith.constant 0 : i32
    %dma_wait3A_955 = tpu.memref_slice %arg12[%dma_wait3A_953, %dma_wait3A_954] : memref<512x128xf32, #tpu.memory_space<vmem>> -> memref<128x128xf32, #tpu.memory_space<vmem>>
    %dma_wait3A_956 = arith.constant 0 : i32
    %dma_wait3A_957 = tpu.memref_slice %arg10[%dma_wait3A_952, %dma_wait3A_956] : memref<4x128xi32, #tpu.memory_space<vmem>> -> memref<1x128xi32, #tpu.memory_space<vmem>>
    %dma_wait3A_958 = tpu.memref_squeeze %dma_wait3A_957 : memref<1x128xi32, #tpu.memory_space<vmem>> -> memref<128xi32, #tpu.memory_space<vmem>>
    %dma_wait3A_959 = arith.constant 0 : i32
    %dma_wait3A_960 = arith.constant 0 : i32
    %dma_wait3A_961 = tpu.memref_slice %arg4[%dma_wait3A_959, %dma_wait3A_960] : memref<125000x128xf32, #tpu.memory_space<hbm>> -> memref<125000x128xf32, #tpu.memory_space<hbm>>
    tpu.wait_indirect_dma semaphore(%arg14 : memref<!tpu.dma_semaphore, #tpu.memory_space<semaphore_mem>>) src(%dma_wait3A_961 : memref<125000x128xf32, #tpu.memory_space<hbm>>) dst(%dma_wait3A_955 : memref<128x128xf32, #tpu.memory_space<vmem>>)
    %dma_wait3A_962 = arith.constant 1 : i32
    %dma_wait3A_963 = arith.constant 128 : i32
    %dma_wait3A_964 = arith.constant 0 : i32
    %dma_wait3A_965 = tpu.memref_slice %arg12[%dma_wait3A_963, %dma_wait3A_964] : memref<512x128xf32, #tpu.memory_space<vmem>> -> memref<128x128xf32, #tpu.memory_space<vmem>>
    %dma_wait3A_966 = arith.constant 0 : i32
    %dma_wait3A_967 = tpu.memref_slice %arg10[%dma_wait3A_962, %dma_wait3A_966] : memref<4x128xi32, #tpu.memory_space<vmem>> -> memref<1x128xi32, #tpu.memory_space<vmem>>
    %dma_wait3A_968 = tpu.memref_squeeze %dma_wait3A_967 : memref<1x128xi32, #tpu.memory_space<vmem>> -> memref<128xi32, #tpu.memory_space<vmem>>
    %dma_wait3A_969 = arith.constant 0 : i32
    %dma_wait3A_970 = arith.constant 0 : i32
    %dma_wait3A_971 = tpu.memref_slice %arg4[%dma_wait3A_969, %dma_wait3A_970] : memref<125000x128xf32, #tpu.memory_space<hbm>> -> memref<125000x128xf32, #tpu.memory_space<hbm>>
    tpu.wait_indirect_dma semaphore(%arg14 : memref<!tpu.dma_semaphore, #tpu.memory_space<semaphore_mem>>) src(%dma_wait3A_971 : memref<125000x128xf32, #tpu.memory_space<hbm>>) dst(%dma_wait3A_965 : memref<128x128xf32, #tpu.memory_space<vmem>>)
    %dma_wait3A_972 = arith.constant 2 : i32
    %dma_wait3A_973 = arith.constant 256 : i32
    %dma_wait3A_974 = arith.constant 0 : i32
    %dma_wait3A_975 = tpu.memref_slice %arg12[%dma_wait3A_973, %dma_wait3A_974] : memref<512x128xf32, #tpu.memory_space<vmem>> -> memref<128x128xf32, #tpu.memory_space<vmem>>
    %dma_wait3A_976 = arith.constant 0 : i32
    %dma_wait3A_977 = tpu.memref_slice %arg10[%dma_wait3A_972, %dma_wait3A_976] : memref<4x128xi32, #tpu.memory_space<vmem>> -> memref<1x128xi32, #tpu.memory_space<vmem>>
    %dma_wait3A_978 = tpu.memref_squeeze %dma_wait3A_977 : memref<1x128xi32, #tpu.memory_space<vmem>> -> memref<128xi32, #tpu.memory_space<vmem>>
    %dma_wait3A_979 = arith.constant 0 : i32
    %dma_wait3A_980 = arith.constant 0 : i32
    %dma_wait3A_981 = tpu.memref_slice %arg4[%dma_wait3A_979, %dma_wait3A_980] : memref<125000x128xf32, #tpu.memory_space<hbm>> -> memref<125000x128xf32, #tpu.memory_space<hbm>>
    tpu.wait_indirect_dma semaphore(%arg14 : memref<!tpu.dma_semaphore, #tpu.memory_space<semaphore_mem>>) src(%dma_wait3A_981 : memref<125000x128xf32, #tpu.memory_space<hbm>>) dst(%dma_wait3A_975 : memref<128x128xf32, #tpu.memory_space<vmem>>)
    %dma_wait3A_982 = arith.constant 3 : i32
    %dma_wait3A_983 = arith.constant 384 : i32
    %dma_wait3A_984 = arith.constant 0 : i32
    %dma_wait3A_985 = tpu.memref_slice %arg12[%dma_wait3A_983, %dma_wait3A_984] : memref<512x128xf32, #tpu.memory_space<vmem>> -> memref<128x128xf32, #tpu.memory_space<vmem>>
    %dma_wait3A_986 = arith.constant 0 : i32
    %dma_wait3A_987 = tpu.memref_slice %arg10[%dma_wait3A_982, %dma_wait3A_986] : memref<4x128xi32, #tpu.memory_space<vmem>> -> memref<1x128xi32, #tpu.memory_space<vmem>>
    %dma_wait3A_988 = tpu.memref_squeeze %dma_wait3A_987 : memref<1x128xi32, #tpu.memory_space<vmem>> -> memref<128xi32, #tpu.memory_space<vmem>>
    %dma_wait3A_989 = arith.constant 0 : i32
    %dma_wait3A_990 = arith.constant 0 : i32
    %dma_wait3A_991 = tpu.memref_slice %arg4[%dma_wait3A_989, %dma_wait3A_990] : memref<125000x128xf32, #tpu.memory_space<hbm>> -> memref<125000x128xf32, #tpu.memory_space<hbm>>
    tpu.wait_indirect_dma semaphore(%arg14 : memref<!tpu.dma_semaphore, #tpu.memory_space<semaphore_mem>>) src(%dma_wait3A_991 : memref<125000x128xf32, #tpu.memory_space<hbm>>) dst(%dma_wait3A_985 : memref<128x128xf32, #tpu.memory_space<vmem>>)
    %dma_start3A_992 = arith.constant 0 : i32
    %dma_start3A_993 = tpu.memref_slice %arg6[%mul3A_4, %dma_start3A_992] : memref<16384x128xf32, #tpu.memory_space<hbm>> -> memref<512x128xf32, #tpu.memory_space<hbm>>
    %dma_start3A_994 = arith.constant 0 : i32
    %dma_start3A_995 = tpu.memref_slice %arg6[%mul3A_4, %dma_start3A_994] : memref<16384x128xf32, #tpu.memory_space<hbm>> -> memref<512x128xf32, #tpu.memory_space<hbm>>
    tpu.enqueue_dma source(%arg12 : memref<512x128xf32, #tpu.memory_space<vmem>>) target(%dma_start3A_995 : memref<512x128xf32, #tpu.memory_space<hbm>>) target_semaphore(%arg15 : memref<!tpu.dma_semaphore, #tpu.memory_space<semaphore_mem>>)
    %dma_wait3A_996 = arith.constant 0 : i32
    %dma_wait3A_997 = tpu.memref_slice %arg6[%mul3A_4, %dma_wait3A_996] : memref<16384x128xf32, #tpu.memory_space<hbm>> -> memref<512x128xf32, #tpu.memory_space<hbm>>
    %dma_wait3A_998 = arith.constant 0 : i32
    %dma_wait3A_999 = tpu.memref_slice %arg6[%mul3A_4, %dma_wait3A_998] : memref<16384x128xf32, #tpu.memory_space<hbm>> -> memref<512x128xf32, #tpu.memory_space<hbm>>
    tpu.wait_dma2 semaphore(%arg15 : memref<!tpu.dma_semaphore, #tpu.memory_space<semaphore_mem>>) src(%arg12 : memref<512x128xf32, #tpu.memory_space<vmem>>) dst(%dma_wait3A_999 : memref<512x128xf32, #tpu.memory_space<hbm>>)
    %dma_start3A_1000 = arith.constant 0 : i32
    %dma_start3A_1001 = arith.constant 0 : i32
    %dma_start3A_1002 = arith.constant 0 : i32
    %dma_start3A_1003 = tpu.memref_slice %arg12[%dma_start3A_1001, %dma_start3A_1002] : memref<512x128xf32, #tpu.memory_space<vmem>> -> memref<128x128xf32, #tpu.memory_space<vmem>>
    %dma_start3A_1004 = arith.constant 0 : i32
    %dma_start3A_1005 = tpu.memref_slice %arg11[%dma_start3A_1000, %dma_start3A_1004] : memref<4x128xi32, #tpu.memory_space<vmem>> -> memref<1x128xi32, #tpu.memory_space<vmem>>
    %dma_start3A_1006 = tpu.memref_squeeze %dma_start3A_1005 : memref<1x128xi32, #tpu.memory_space<vmem>> -> memref<128xi32, #tpu.memory_space<vmem>>
    %dma_start3A_1007 = arith.constant 0 : i32
    %dma_start3A_1008 = arith.constant 0 : i32
    %dma_start3A_1009 = tpu.memref_slice %arg5[%dma_start3A_1007, %dma_start3A_1008] : memref<12500x128xf32, #tpu.memory_space<hbm>> -> memref<12500x128xf32, #tpu.memory_space<hbm>>
    tpu.enqueue_indirect_dma source(%dma_start3A_1009 : memref<12500x128xf32, #tpu.memory_space<hbm>>) target(%dma_start3A_1003 : memref<128x128xf32, #tpu.memory_space<vmem>>) offsets(%dma_start3A_1006 : memref<128xi32, #tpu.memory_space<vmem>>) semaphore(%arg14 : memref<!tpu.dma_semaphore, #tpu.memory_space<semaphore_mem>>)
    %dma_start3A_1010 = arith.constant 1 : i32
    %dma_start3A_1011 = arith.constant 128 : i32
    %dma_start3A_1012 = arith.constant 0 : i32
    %dma_start3A_1013 = tpu.memref_slice %arg12[%dma_start3A_1011, %dma_start3A_1012] : memref<512x128xf32, #tpu.memory_space<vmem>> -> memref<128x128xf32, #tpu.memory_space<vmem>>
    %dma_start3A_1014 = arith.constant 0 : i32
    %dma_start3A_1015 = tpu.memref_slice %arg11[%dma_start3A_1010, %dma_start3A_1014] : memref<4x128xi32, #tpu.memory_space<vmem>> -> memref<1x128xi32, #tpu.memory_space<vmem>>
    %dma_start3A_1016 = tpu.memref_squeeze %dma_start3A_1015 : memref<1x128xi32, #tpu.memory_space<vmem>> -> memref<128xi32, #tpu.memory_space<vmem>>
    %dma_start3A_1017 = arith.constant 0 : i32
    %dma_start3A_1018 = arith.constant 0 : i32
    %dma_start3A_1019 = tpu.memref_slice %arg5[%dma_start3A_1017, %dma_start3A_1018] : memref<12500x128xf32, #tpu.memory_space<hbm>> -> memref<12500x128xf32, #tpu.memory_space<hbm>>
    tpu.enqueue_indirect_dma source(%dma_start3A_1019 : memref<12500x128xf32, #tpu.memory_space<hbm>>) target(%dma_start3A_1013 : memref<128x128xf32, #tpu.memory_space<vmem>>) offsets(%dma_start3A_1016 : memref<128xi32, #tpu.memory_space<vmem>>) semaphore(%arg14 : memref<!tpu.dma_semaphore, #tpu.memory_space<semaphore_mem>>)
    %dma_start3A_1020 = arith.constant 2 : i32
    %dma_start3A_1021 = arith.constant 256 : i32
    %dma_start3A_1022 = arith.constant 0 : i32
    %dma_start3A_1023 = tpu.memref_slice %arg12[%dma_start3A_1021, %dma_start3A_1022] : memref<512x128xf32, #tpu.memory_space<vmem>> -> memref<128x128xf32, #tpu.memory_space<vmem>>
    %dma_start3A_1024 = arith.constant 0 : i32
    %dma_start3A_1025 = tpu.memref_slice %arg11[%dma_start3A_1020, %dma_start3A_1024] : memref<4x128xi32, #tpu.memory_space<vmem>> -> memref<1x128xi32, #tpu.memory_space<vmem>>
    %dma_start3A_1026 = tpu.memref_squeeze %dma_start3A_1025 : memref<1x128xi32, #tpu.memory_space<vmem>> -> memref<128xi32, #tpu.memory_space<vmem>>
    %dma_start3A_1027 = arith.constant 0 : i32
    %dma_start3A_1028 = arith.constant 0 : i32
    %dma_start3A_1029 = tpu.memref_slice %arg5[%dma_start3A_1027, %dma_start3A_1028] : memref<12500x128xf32, #tpu.memory_space<hbm>> -> memref<12500x128xf32, #tpu.memory_space<hbm>>
    tpu.enqueue_indirect_dma source(%dma_start3A_1029 : memref<12500x128xf32, #tpu.memory_space<hbm>>) target(%dma_start3A_1023 : memref<128x128xf32, #tpu.memory_space<vmem>>) offsets(%dma_start3A_1026 : memref<128xi32, #tpu.memory_space<vmem>>) semaphore(%arg14 : memref<!tpu.dma_semaphore, #tpu.memory_space<semaphore_mem>>)
    %dma_start3A_1030 = arith.constant 3 : i32
    %dma_start3A_1031 = arith.constant 384 : i32
    %dma_start3A_1032 = arith.constant 0 : i32
    %dma_start3A_1033 = tpu.memref_slice %arg12[%dma_start3A_1031, %dma_start3A_1032] : memref<512x128xf32, #tpu.memory_space<vmem>> -> memref<128x128xf32, #tpu.memory_space<vmem>>
    %dma_start3A_1034 = arith.constant 0 : i32
    %dma_start3A_1035 = tpu.memref_slice %arg11[%dma_start3A_1030, %dma_start3A_1034] : memref<4x128xi32, #tpu.memory_space<vmem>> -> memref<1x128xi32, #tpu.memory_space<vmem>>
    %dma_start3A_1036 = tpu.memref_squeeze %dma_start3A_1035 : memref<1x128xi32, #tpu.memory_space<vmem>> -> memref<128xi32, #tpu.memory_space<vmem>>
    %dma_start3A_1037 = arith.constant 0 : i32
    %dma_start3A_1038 = arith.constant 0 : i32
    %dma_start3A_1039 = tpu.memref_slice %arg5[%dma_start3A_1037, %dma_start3A_1038] : memref<12500x128xf32, #tpu.memory_space<hbm>> -> memref<12500x128xf32, #tpu.memory_space<hbm>>
    tpu.enqueue_indirect_dma source(%dma_start3A_1039 : memref<12500x128xf32, #tpu.memory_space<hbm>>) target(%dma_start3A_1033 : memref<128x128xf32, #tpu.memory_space<vmem>>) offsets(%dma_start3A_1036 : memref<128xi32, #tpu.memory_space<vmem>>) semaphore(%arg14 : memref<!tpu.dma_semaphore, #tpu.memory_space<semaphore_mem>>)
    %dma_wait3A_1040 = arith.constant 0 : i32
    %dma_wait3A_1041 = arith.constant 0 : i32
    %dma_wait3A_1042 = arith.constant 0 : i32
    %dma_wait3A_1043 = tpu.memref_slice %arg12[%dma_wait3A_1041, %dma_wait3A_1042] : memref<512x128xf32, #tpu.memory_space<vmem>> -> memref<128x128xf32, #tpu.memory_space<vmem>>
    %dma_wait3A_1044 = arith.constant 0 : i32
    %dma_wait3A_1045 = tpu.memref_slice %arg11[%dma_wait3A_1040, %dma_wait3A_1044] : memref<4x128xi32, #tpu.memory_space<vmem>> -> memref<1x128xi32, #tpu.memory_space<vmem>>
    %dma_wait3A_1046 = tpu.memref_squeeze %dma_wait3A_1045 : memref<1x128xi32, #tpu.memory_space<vmem>> -> memref<128xi32, #tpu.memory_space<vmem>>
    %dma_wait3A_1047 = arith.constant 0 : i32
    %dma_wait3A_1048 = arith.constant 0 : i32
    %dma_wait3A_1049 = tpu.memref_slice %arg5[%dma_wait3A_1047, %dma_wait3A_1048] : memref<12500x128xf32, #tpu.memory_space<hbm>> -> memref<12500x128xf32, #tpu.memory_space<hbm>>
    tpu.wait_indirect_dma semaphore(%arg14 : memref<!tpu.dma_semaphore, #tpu.memory_space<semaphore_mem>>) src(%dma_wait3A_1049 : memref<12500x128xf32, #tpu.memory_space<hbm>>) dst(%dma_wait3A_1043 : memref<128x128xf32, #tpu.memory_space<vmem>>)
    %dma_wait3A_1050 = arith.constant 1 : i32
    %dma_wait3A_1051 = arith.constant 128 : i32
    %dma_wait3A_1052 = arith.constant 0 : i32
    %dma_wait3A_1053 = tpu.memref_slice %arg12[%dma_wait3A_1051, %dma_wait3A_1052] : memref<512x128xf32, #tpu.memory_space<vmem>> -> memref<128x128xf32, #tpu.memory_space<vmem>>
    %dma_wait3A_1054 = arith.constant 0 : i32
    %dma_wait3A_1055 = tpu.memref_slice %arg11[%dma_wait3A_1050, %dma_wait3A_1054] : memref<4x128xi32, #tpu.memory_space<vmem>> -> memref<1x128xi32, #tpu.memory_space<vmem>>
    %dma_wait3A_1056 = tpu.memref_squeeze %dma_wait3A_1055 : memref<1x128xi32, #tpu.memory_space<vmem>> -> memref<128xi32, #tpu.memory_space<vmem>>
    %dma_wait3A_1057 = arith.constant 0 : i32
    %dma_wait3A_1058 = arith.constant 0 : i32
    %dma_wait3A_1059 = tpu.memref_slice %arg5[%dma_wait3A_1057, %dma_wait3A_1058] : memref<12500x128xf32, #tpu.memory_space<hbm>> -> memref<12500x128xf32, #tpu.memory_space<hbm>>
    tpu.wait_indirect_dma semaphore(%arg14 : memref<!tpu.dma_semaphore, #tpu.memory_space<semaphore_mem>>) src(%dma_wait3A_1059 : memref<12500x128xf32, #tpu.memory_space<hbm>>) dst(%dma_wait3A_1053 : memref<128x128xf32, #tpu.memory_space<vmem>>)
    %dma_wait3A_1060 = arith.constant 2 : i32
    %dma_wait3A_1061 = arith.constant 256 : i32
    %dma_wait3A_1062 = arith.constant 0 : i32
    %dma_wait3A_1063 = tpu.memref_slice %arg12[%dma_wait3A_1061, %dma_wait3A_1062] : memref<512x128xf32, #tpu.memory_space<vmem>> -> memref<128x128xf32, #tpu.memory_space<vmem>>
    %dma_wait3A_1064 = arith.constant 0 : i32
    %dma_wait3A_1065 = tpu.memref_slice %arg11[%dma_wait3A_1060, %dma_wait3A_1064] : memref<4x128xi32, #tpu.memory_space<vmem>> -> memref<1x128xi32, #tpu.memory_space<vmem>>
    %dma_wait3A_1066 = tpu.memref_squeeze %dma_wait3A_1065 : memref<1x128xi32, #tpu.memory_space<vmem>> -> memref<128xi32, #tpu.memory_space<vmem>>
    %dma_wait3A_1067 = arith.constant 0 : i32
    %dma_wait3A_1068 = arith.constant 0 : i32
    %dma_wait3A_1069 = tpu.memref_slice %arg5[%dma_wait3A_1067, %dma_wait3A_1068] : memref<12500x128xf32, #tpu.memory_space<hbm>> -> memref<12500x128xf32, #tpu.memory_space<hbm>>
    tpu.wait_indirect_dma semaphore(%arg14 : memref<!tpu.dma_semaphore, #tpu.memory_space<semaphore_mem>>) src(%dma_wait3A_1069 : memref<12500x128xf32, #tpu.memory_space<hbm>>) dst(%dma_wait3A_1063 : memref<128x128xf32, #tpu.memory_space<vmem>>)
    %dma_wait3A_1070 = arith.constant 3 : i32
    %dma_wait3A_1071 = arith.constant 384 : i32
    %dma_wait3A_1072 = arith.constant 0 : i32
    %dma_wait3A_1073 = tpu.memref_slice %arg12[%dma_wait3A_1071, %dma_wait3A_1072] : memref<512x128xf32, #tpu.memory_space<vmem>> -> memref<128x128xf32, #tpu.memory_space<vmem>>
    %dma_wait3A_1074 = arith.constant 0 : i32
    %dma_wait3A_1075 = tpu.memref_slice %arg11[%dma_wait3A_1070, %dma_wait3A_1074] : memref<4x128xi32, #tpu.memory_space<vmem>> -> memref<1x128xi32, #tpu.memory_space<vmem>>
    %dma_wait3A_1076 = tpu.memref_squeeze %dma_wait3A_1075 : memref<1x128xi32, #tpu.memory_space<vmem>> -> memref<128xi32, #tpu.memory_space<vmem>>
    %dma_wait3A_1077 = arith.constant 0 : i32
    %dma_wait3A_1078 = arith.constant 0 : i32
    %dma_wait3A_1079 = tpu.memref_slice %arg5[%dma_wait3A_1077, %dma_wait3A_1078] : memref<12500x128xf32, #tpu.memory_space<hbm>> -> memref<12500x128xf32, #tpu.memory_space<hbm>>
    tpu.wait_indirect_dma semaphore(%arg14 : memref<!tpu.dma_semaphore, #tpu.memory_space<semaphore_mem>>) src(%dma_wait3A_1079 : memref<12500x128xf32, #tpu.memory_space<hbm>>) dst(%dma_wait3A_1073 : memref<128x128xf32, #tpu.memory_space<vmem>>)
    %dma_start3A_1080 = arith.constant 0 : i32
    %dma_start3A_1081 = tpu.memref_slice %arg7[%mul3A_4, %dma_start3A_1080] : memref<16384x128xf32, #tpu.memory_space<hbm>> -> memref<512x128xf32, #tpu.memory_space<hbm>>
    %dma_start3A_1082 = arith.constant 0 : i32
    %dma_start3A_1083 = tpu.memref_slice %arg7[%mul3A_4, %dma_start3A_1082] : memref<16384x128xf32, #tpu.memory_space<hbm>> -> memref<512x128xf32, #tpu.memory_space<hbm>>
    tpu.enqueue_dma source(%arg12 : memref<512x128xf32, #tpu.memory_space<vmem>>) target(%dma_start3A_1083 : memref<512x128xf32, #tpu.memory_space<hbm>>) target_semaphore(%arg15 : memref<!tpu.dma_semaphore, #tpu.memory_space<semaphore_mem>>)
    %dma_wait3A_1084 = arith.constant 0 : i32
    %dma_wait3A_1085 = tpu.memref_slice %arg7[%mul3A_4, %dma_wait3A_1084] : memref<16384x128xf32, #tpu.memory_space<hbm>> -> memref<512x128xf32, #tpu.memory_space<hbm>>
    %dma_wait3A_1086 = arith.constant 0 : i32
    %dma_wait3A_1087 = tpu.memref_slice %arg7[%mul3A_4, %dma_wait3A_1086] : memref<16384x128xf32, #tpu.memory_space<hbm>> -> memref<512x128xf32, #tpu.memory_space<hbm>>
    tpu.wait_dma2 semaphore(%arg15 : memref<!tpu.dma_semaphore, #tpu.memory_space<semaphore_mem>>) src(%arg12 : memref<512x128xf32, #tpu.memory_space<vmem>>) dst(%dma_wait3A_1087 : memref<512x128xf32, #tpu.memory_space<hbm>>)
    return
  }
}

#map = affine_map<(d0, d1) -> (0, 0)>
module attributes {stable_mosaic.version = 14 : i64} {
  func.func @body(%arg0: i32, %arg1: i32, %arg2: memref<128x128xi32, #tpu.memory_space<hbm>>, %arg3: memref<128x128xi32, #tpu.memory_space<hbm>>, %arg4: memref<128x128xi32, #tpu.memory_space<hbm>>, %arg5: memref<128x128xi32, #tpu.memory_space<hbm>>, %arg6: memref<128x128xi32, #tpu.memory_space<hbm>>, %arg7: memref<128x128xi32, #tpu.memory_space<hbm>>, %arg8: memref<128x128xi32, #tpu.memory_space<hbm>>, %arg9: memref<10x8xf32, #tpu.memory_space<hbm>>, %arg10: memref<3x8xf32, #tpu.memory_space<hbm>>, %arg11: memref<1000x8xf32, #tpu.memory_space<hbm>>, %arg12: memref<100x8xf32, #tpu.memory_space<hbm>>, %arg13: memref<10000x8xf32, #tpu.memory_space<hbm>>, %arg14: memref<24x8xf32, #tpu.memory_space<hbm>>, %arg15: memref<4x8xf32, #tpu.memory_space<hbm>>, %arg16: memref<30x8xf32, #tpu.memory_space<hbm>>, %arg17: memref<300x8xf32, #tpu.memory_space<hbm>>, %arg18: memref<96x8xf32, #tpu.memory_space<hbm>>, %arg19: memref<16384x8xf32, #tpu.memory_space<hbm>>, %arg20: memref<16384x8xf32, #tpu.memory_space<hbm>>, %arg21: memref<16384x8xf32, #tpu.memory_space<hbm>>, %arg22: memref<16384x8xf32, #tpu.memory_space<hbm>>, %arg23: memref<16384x8xf32, #tpu.memory_space<hbm>>, %arg24: memref<16384x8xf32, #tpu.memory_space<hbm>>, %arg25: memref<16384x8xf32, #tpu.memory_space<hbm>>, %arg26: memref<16384x8xf32, #tpu.memory_space<hbm>>, %arg27: memref<16384x8xf32, #tpu.memory_space<hbm>>, %arg28: memref<16384x8xf32, #tpu.memory_space<hbm>>, %arg29: memref<4x128xi32, #tpu.memory_space<vmem>>, %arg30: memref<4x128xi32, #tpu.memory_space<vmem>>, %arg31: memref<4x128xi32, #tpu.memory_space<vmem>>, %arg32: memref<4x128xi32, #tpu.memory_space<vmem>>, %arg33: memref<4x128xi32, #tpu.memory_space<vmem>>, %arg34: memref<4x128xi32, #tpu.memory_space<vmem>>, %arg35: memref<4x128xi32, #tpu.memory_space<vmem>>, %arg36: memref<4x128xi32, #tpu.memory_space<vmem>>, %arg37: memref<4x128xi32, #tpu.memory_space<vmem>>, %arg38: memref<4x128xi32, #tpu.memory_space<vmem>>, %arg39: memref<512x8xf32, #tpu.memory_space<vmem>>, %arg40: memref<512x8xf32, #tpu.memory_space<vmem>>, %arg41: memref<512x8xf32, #tpu.memory_space<vmem>>, %arg42: memref<512x8xf32, #tpu.memory_space<vmem>>, %arg43: memref<512x8xf32, #tpu.memory_space<vmem>>, %arg44: memref<512x8xf32, #tpu.memory_space<vmem>>, %arg45: memref<512x8xf32, #tpu.memory_space<vmem>>, %arg46: memref<512x8xf32, #tpu.memory_space<vmem>>, %arg47: memref<512x8xf32, #tpu.memory_space<vmem>>, %arg48: memref<512x8xf32, #tpu.memory_space<vmem>>, %arg49: memref<!tpu.dma_semaphore, #tpu.memory_space<semaphore_mem>>, %arg50: memref<!tpu.dma_semaphore, #tpu.memory_space<semaphore_mem>>, %arg51: memref<!tpu.dma_semaphore, #tpu.memory_space<semaphore_mem>>) attributes {dimension_semantics = [#tpu.dimension_semantics<core_parallel>, #tpu.dimension_semantics<subcore_parallel>], iteration_bounds = array<i64: 2, 16>, scalar_prefetch = 0 : i64, scratch_operands = 23 : i64, tpu.core_type = #tpu.core_type<sc_vector_subcore>, window_params = [{transform_indices = #map}, {transform_indices = #map}, {transform_indices = #map}, {transform_indices = #map}, {transform_indices = #map}, {transform_indices = #map}, {transform_indices = #map}, {transform_indices = #map}, {transform_indices = #map}, {transform_indices = #map}, {transform_indices = #map}, {transform_indices = #map}, {transform_indices = #map}, {transform_indices = #map}, {transform_indices = #map}, {transform_indices = #map}, {transform_indices = #map}, {transform_indices = #map}, {transform_indices = #map}, {transform_indices = #map}, {transform_indices = #map}, {transform_indices = #map}, {transform_indices = #map}, {transform_indices = #map}, {transform_indices = #map}, {transform_indices = #map}, {transform_indices = #map}]} {
    %mul3A = arith.constant 2 : i32
    %mul3A_0 = arith.muli %arg1, %mul3A : i32
    %add3A = arith.addi %mul3A_0, %arg0 : i32
    %mul3A_1 = arith.constant 4 : i32
    %mul3A_2 = arith.muli %add3A, %mul3A_1 : i32
    %mul3A_3 = arith.constant 512 : i32
    %mul3A_4 = arith.muli %add3A, %mul3A_3 : i32
    %dma_start3A = arith.constant 0 : i32
    %dma_start3A_5 = tpu.memref_slice %arg2[%mul3A_2, %dma_start3A] : memref<128x128xi32, #tpu.memory_space<hbm>> -> memref<4x128xi32, #tpu.memory_space<hbm>>
    %dma_start3A_6 = arith.constant 0 : i32
    %dma_start3A_7 = tpu.memref_slice %arg2[%mul3A_2, %dma_start3A_6] : memref<128x128xi32, #tpu.memory_space<hbm>> -> memref<4x128xi32, #tpu.memory_space<hbm>>
    tpu.enqueue_dma source(%dma_start3A_7 : memref<4x128xi32, #tpu.memory_space<hbm>>) target(%arg29 : memref<4x128xi32, #tpu.memory_space<vmem>>) target_semaphore(%arg49 : memref<!tpu.dma_semaphore, #tpu.memory_space<semaphore_mem>>)
    %dma_start3A_8 = arith.constant 0 : i32
    %dma_start3A_9 = tpu.memref_slice %arg3[%mul3A_2, %dma_start3A_8] : memref<128x128xi32, #tpu.memory_space<hbm>> -> memref<4x128xi32, #tpu.memory_space<hbm>>
    %dma_start3A_10 = arith.constant 0 : i32
    %dma_start3A_11 = tpu.memref_slice %arg3[%mul3A_2, %dma_start3A_10] : memref<128x128xi32, #tpu.memory_space<hbm>> -> memref<4x128xi32, #tpu.memory_space<hbm>>
    tpu.enqueue_dma source(%dma_start3A_11 : memref<4x128xi32, #tpu.memory_space<hbm>>) target(%arg30 : memref<4x128xi32, #tpu.memory_space<vmem>>) target_semaphore(%arg49 : memref<!tpu.dma_semaphore, #tpu.memory_space<semaphore_mem>>)
    %dma_start3A_12 = arith.constant 0 : i32
    %dma_start3A_13 = tpu.memref_slice %arg4[%mul3A_2, %dma_start3A_12] : memref<128x128xi32, #tpu.memory_space<hbm>> -> memref<4x128xi32, #tpu.memory_space<hbm>>
    %dma_start3A_14 = arith.constant 0 : i32
    %dma_start3A_15 = tpu.memref_slice %arg4[%mul3A_2, %dma_start3A_14] : memref<128x128xi32, #tpu.memory_space<hbm>> -> memref<4x128xi32, #tpu.memory_space<hbm>>
    tpu.enqueue_dma source(%dma_start3A_15 : memref<4x128xi32, #tpu.memory_space<hbm>>) target(%arg31 : memref<4x128xi32, #tpu.memory_space<vmem>>) target_semaphore(%arg49 : memref<!tpu.dma_semaphore, #tpu.memory_space<semaphore_mem>>)
    %dma_start3A_16 = arith.constant 0 : i32
    %dma_start3A_17 = tpu.memref_slice %arg5[%mul3A_2, %dma_start3A_16] : memref<128x128xi32, #tpu.memory_space<hbm>> -> memref<4x128xi32, #tpu.memory_space<hbm>>
    %dma_start3A_18 = arith.constant 0 : i32
    %dma_start3A_19 = tpu.memref_slice %arg5[%mul3A_2, %dma_start3A_18] : memref<128x128xi32, #tpu.memory_space<hbm>> -> memref<4x128xi32, #tpu.memory_space<hbm>>
    tpu.enqueue_dma source(%dma_start3A_19 : memref<4x128xi32, #tpu.memory_space<hbm>>) target(%arg32 : memref<4x128xi32, #tpu.memory_space<vmem>>) target_semaphore(%arg49 : memref<!tpu.dma_semaphore, #tpu.memory_space<semaphore_mem>>)
    %dma_start3A_20 = arith.constant 0 : i32
    %dma_start3A_21 = tpu.memref_slice %arg6[%mul3A_2, %dma_start3A_20] : memref<128x128xi32, #tpu.memory_space<hbm>> -> memref<4x128xi32, #tpu.memory_space<hbm>>
    %dma_start3A_22 = arith.constant 0 : i32
    %dma_start3A_23 = tpu.memref_slice %arg6[%mul3A_2, %dma_start3A_22] : memref<128x128xi32, #tpu.memory_space<hbm>> -> memref<4x128xi32, #tpu.memory_space<hbm>>
    tpu.enqueue_dma source(%dma_start3A_23 : memref<4x128xi32, #tpu.memory_space<hbm>>) target(%arg33 : memref<4x128xi32, #tpu.memory_space<vmem>>) target_semaphore(%arg49 : memref<!tpu.dma_semaphore, #tpu.memory_space<semaphore_mem>>)
    %dma_start3A_24 = arith.constant 0 : i32
    %dma_start3A_25 = tpu.memref_slice %arg7[%mul3A_2, %dma_start3A_24] : memref<128x128xi32, #tpu.memory_space<hbm>> -> memref<4x128xi32, #tpu.memory_space<hbm>>
    %dma_start3A_26 = arith.constant 0 : i32
    %dma_start3A_27 = tpu.memref_slice %arg7[%mul3A_2, %dma_start3A_26] : memref<128x128xi32, #tpu.memory_space<hbm>> -> memref<4x128xi32, #tpu.memory_space<hbm>>
    tpu.enqueue_dma source(%dma_start3A_27 : memref<4x128xi32, #tpu.memory_space<hbm>>) target(%arg34 : memref<4x128xi32, #tpu.memory_space<vmem>>) target_semaphore(%arg49 : memref<!tpu.dma_semaphore, #tpu.memory_space<semaphore_mem>>)
    %dma_start3A_28 = arith.constant 0 : i32
    %dma_start3A_29 = tpu.memref_slice %arg8[%mul3A_2, %dma_start3A_28] : memref<128x128xi32, #tpu.memory_space<hbm>> -> memref<4x128xi32, #tpu.memory_space<hbm>>
    %dma_start3A_30 = arith.constant 0 : i32
    %dma_start3A_31 = tpu.memref_slice %arg8[%mul3A_2, %dma_start3A_30] : memref<128x128xi32, #tpu.memory_space<hbm>> -> memref<4x128xi32, #tpu.memory_space<hbm>>
    tpu.enqueue_dma source(%dma_start3A_31 : memref<4x128xi32, #tpu.memory_space<hbm>>) target(%arg35 : memref<4x128xi32, #tpu.memory_space<vmem>>) target_semaphore(%arg49 : memref<!tpu.dma_semaphore, #tpu.memory_space<semaphore_mem>>)
    %dma_wait3A = arith.constant 0 : i32
    %dma_wait3A_32 = tpu.memref_slice %arg2[%mul3A_2, %dma_wait3A] : memref<128x128xi32, #tpu.memory_space<hbm>> -> memref<4x128xi32, #tpu.memory_space<hbm>>
    %dma_wait3A_33 = arith.constant 0 : i32
    %dma_wait3A_34 = tpu.memref_slice %arg2[%mul3A_2, %dma_wait3A_33] : memref<128x128xi32, #tpu.memory_space<hbm>> -> memref<4x128xi32, #tpu.memory_space<hbm>>
    tpu.wait_dma2 semaphore(%arg49 : memref<!tpu.dma_semaphore, #tpu.memory_space<semaphore_mem>>) src(%dma_wait3A_34 : memref<4x128xi32, #tpu.memory_space<hbm>>) dst(%arg29 : memref<4x128xi32, #tpu.memory_space<vmem>>)
    %dma_wait3A_35 = arith.constant 0 : i32
    %dma_wait3A_36 = tpu.memref_slice %arg3[%mul3A_2, %dma_wait3A_35] : memref<128x128xi32, #tpu.memory_space<hbm>> -> memref<4x128xi32, #tpu.memory_space<hbm>>
    %dma_wait3A_37 = arith.constant 0 : i32
    %dma_wait3A_38 = tpu.memref_slice %arg3[%mul3A_2, %dma_wait3A_37] : memref<128x128xi32, #tpu.memory_space<hbm>> -> memref<4x128xi32, #tpu.memory_space<hbm>>
    tpu.wait_dma2 semaphore(%arg49 : memref<!tpu.dma_semaphore, #tpu.memory_space<semaphore_mem>>) src(%dma_wait3A_38 : memref<4x128xi32, #tpu.memory_space<hbm>>) dst(%arg30 : memref<4x128xi32, #tpu.memory_space<vmem>>)
    %dma_wait3A_39 = arith.constant 0 : i32
    %dma_wait3A_40 = tpu.memref_slice %arg4[%mul3A_2, %dma_wait3A_39] : memref<128x128xi32, #tpu.memory_space<hbm>> -> memref<4x128xi32, #tpu.memory_space<hbm>>
    %dma_wait3A_41 = arith.constant 0 : i32
    %dma_wait3A_42 = tpu.memref_slice %arg4[%mul3A_2, %dma_wait3A_41] : memref<128x128xi32, #tpu.memory_space<hbm>> -> memref<4x128xi32, #tpu.memory_space<hbm>>
    tpu.wait_dma2 semaphore(%arg49 : memref<!tpu.dma_semaphore, #tpu.memory_space<semaphore_mem>>) src(%dma_wait3A_42 : memref<4x128xi32, #tpu.memory_space<hbm>>) dst(%arg31 : memref<4x128xi32, #tpu.memory_space<vmem>>)
    %dma_wait3A_43 = arith.constant 0 : i32
    %dma_wait3A_44 = tpu.memref_slice %arg5[%mul3A_2, %dma_wait3A_43] : memref<128x128xi32, #tpu.memory_space<hbm>> -> memref<4x128xi32, #tpu.memory_space<hbm>>
    %dma_wait3A_45 = arith.constant 0 : i32
    %dma_wait3A_46 = tpu.memref_slice %arg5[%mul3A_2, %dma_wait3A_45] : memref<128x128xi32, #tpu.memory_space<hbm>> -> memref<4x128xi32, #tpu.memory_space<hbm>>
    tpu.wait_dma2 semaphore(%arg49 : memref<!tpu.dma_semaphore, #tpu.memory_space<semaphore_mem>>) src(%dma_wait3A_46 : memref<4x128xi32, #tpu.memory_space<hbm>>) dst(%arg32 : memref<4x128xi32, #tpu.memory_space<vmem>>)
    %dma_wait3A_47 = arith.constant 0 : i32
    %dma_wait3A_48 = tpu.memref_slice %arg6[%mul3A_2, %dma_wait3A_47] : memref<128x128xi32, #tpu.memory_space<hbm>> -> memref<4x128xi32, #tpu.memory_space<hbm>>
    %dma_wait3A_49 = arith.constant 0 : i32
    %dma_wait3A_50 = tpu.memref_slice %arg6[%mul3A_2, %dma_wait3A_49] : memref<128x128xi32, #tpu.memory_space<hbm>> -> memref<4x128xi32, #tpu.memory_space<hbm>>
    tpu.wait_dma2 semaphore(%arg49 : memref<!tpu.dma_semaphore, #tpu.memory_space<semaphore_mem>>) src(%dma_wait3A_50 : memref<4x128xi32, #tpu.memory_space<hbm>>) dst(%arg33 : memref<4x128xi32, #tpu.memory_space<vmem>>)
    %dma_wait3A_51 = arith.constant 0 : i32
    %dma_wait3A_52 = tpu.memref_slice %arg7[%mul3A_2, %dma_wait3A_51] : memref<128x128xi32, #tpu.memory_space<hbm>> -> memref<4x128xi32, #tpu.memory_space<hbm>>
    %dma_wait3A_53 = arith.constant 0 : i32
    %dma_wait3A_54 = tpu.memref_slice %arg7[%mul3A_2, %dma_wait3A_53] : memref<128x128xi32, #tpu.memory_space<hbm>> -> memref<4x128xi32, #tpu.memory_space<hbm>>
    tpu.wait_dma2 semaphore(%arg49 : memref<!tpu.dma_semaphore, #tpu.memory_space<semaphore_mem>>) src(%dma_wait3A_54 : memref<4x128xi32, #tpu.memory_space<hbm>>) dst(%arg34 : memref<4x128xi32, #tpu.memory_space<vmem>>)
    %dma_wait3A_55 = arith.constant 0 : i32
    %dma_wait3A_56 = tpu.memref_slice %arg8[%mul3A_2, %dma_wait3A_55] : memref<128x128xi32, #tpu.memory_space<hbm>> -> memref<4x128xi32, #tpu.memory_space<hbm>>
    %dma_wait3A_57 = arith.constant 0 : i32
    %dma_wait3A_58 = tpu.memref_slice %arg8[%mul3A_2, %dma_wait3A_57] : memref<128x128xi32, #tpu.memory_space<hbm>> -> memref<4x128xi32, #tpu.memory_space<hbm>>
    tpu.wait_dma2 semaphore(%arg49 : memref<!tpu.dma_semaphore, #tpu.memory_space<semaphore_mem>>) src(%dma_wait3A_58 : memref<4x128xi32, #tpu.memory_space<hbm>>) dst(%arg35 : memref<4x128xi32, #tpu.memory_space<vmem>>)
    %get3A = arith.constant 0 : i32
    %get3A_59 = arith.index_cast %get3A : i32 to index
    %get3A_60 = arith.constant 0 : index
    %get3A_61 = tpu.vector_load %arg29[%get3A_59, %get3A_60] {strides = array<i32>} : memref<4x128xi32, #tpu.memory_space<vmem>>, vector<1x16xi32>,
    %get3A_62 = vector.shape_cast %get3A_61 : vector<1x16xi32> to vector<16xi32>
    %mul3A_63 = arith.constant 3 : i32
    %mul3A_64 = vector.broadcast %mul3A_63 : i32 to vector<16xi32>
    %mul3A_65 = arith.muli %get3A_62, %mul3A_64 : vector<16xi32>
    %get3A_66 = arith.constant 0 : i32
    %get3A_67 = arith.index_cast %get3A_66 : i32 to index
    %get3A_68 = arith.constant 0 : index
    %get3A_69 = tpu.vector_load %arg30[%get3A_67, %get3A_68] {strides = array<i32>} : memref<4x128xi32, #tpu.memory_space<vmem>>, vector<1x16xi32>,
    %get3A_70 = vector.shape_cast %get3A_69 : vector<1x16xi32> to vector<16xi32>
    %add3A_71 = arith.addi %mul3A_65, %get3A_70 : vector<16xi32>
    %swap3A = arith.constant 0 : i32
    %swap3A_72 = arith.index_cast %swap3A : i32 to index
    %swap3A_73 = arith.constant 0 : index
    %swap3A_74 = tpu.vector_load %arg36[%swap3A_72, %swap3A_73] {strides = array<i32>} : memref<4x128xi32, #tpu.memory_space<vmem>>, vector<1x16xi32>,
    %swap3A_75 = vector.shape_cast %swap3A_74 : vector<1x16xi32> to vector<16xi32>
    %swap3A_76 = vector.shape_cast %add3A_71 : vector<16xi32> to vector<1x16xi32>
    tpu.vector_store %arg36[%swap3A_72, %swap3A_73], %swap3A_76 {strides = array<i32>} : memref<4x128xi32, #tpu.memory_space<vmem>>, vector<1x16xi32>,
    %get3A_77 = arith.constant 0 : i32
    %get3A_78 = arith.index_cast %get3A_77 : i32 to index
    %get3A_79 = arith.constant 16 : index
    %get3A_80 = tpu.vector_load %arg29[%get3A_78, %get3A_79] {strides = array<i32>} : memref<4x128xi32, #tpu.memory_space<vmem>>, vector<1x16xi32>,
    %get3A_81 = vector.shape_cast %get3A_80 : vector<1x16xi32> to vector<16xi32>
    %mul3A_82 = arith.constant 3 : i32
    %mul3A_83 = vector.broadcast %mul3A_82 : i32 to vector<16xi32>
    %mul3A_84 = arith.muli %get3A_81, %mul3A_83 : vector<16xi32>
    %get3A_85 = arith.constant 0 : i32
    %get3A_86 = arith.index_cast %get3A_85 : i32 to index
    %get3A_87 = arith.constant 16 : index
    %get3A_88 = tpu.vector_load %arg30[%get3A_86, %get3A_87] {strides = array<i32>} : memref<4x128xi32, #tpu.memory_space<vmem>>, vector<1x16xi32>,
    %get3A_89 = vector.shape_cast %get3A_88 : vector<1x16xi32> to vector<16xi32>
    %add3A_90 = arith.addi %mul3A_84, %get3A_89 : vector<16xi32>
    %swap3A_91 = arith.constant 0 : i32
    %swap3A_92 = arith.index_cast %swap3A_91 : i32 to index
    %swap3A_93 = arith.constant 16 : index
    %swap3A_94 = tpu.vector_load %arg36[%swap3A_92, %swap3A_93] {strides = array<i32>} : memref<4x128xi32, #tpu.memory_space<vmem>>, vector<1x16xi32>,
    %swap3A_95 = vector.shape_cast %swap3A_94 : vector<1x16xi32> to vector<16xi32>
    %swap3A_96 = vector.shape_cast %add3A_90 : vector<16xi32> to vector<1x16xi32>
    tpu.vector_store %arg36[%swap3A_92, %swap3A_93], %swap3A_96 {strides = array<i32>} : memref<4x128xi32, #tpu.memory_space<vmem>>, vector<1x16xi32>,
    %get3A_97 = arith.constant 0 : i32
    %get3A_98 = arith.index_cast %get3A_97 : i32 to index
    %get3A_99 = arith.constant 32 : index
    %get3A_100 = tpu.vector_load %arg29[%get3A_98, %get3A_99] {strides = array<i32>} : memref<4x128xi32, #tpu.memory_space<vmem>>, vector<1x16xi32>,
    %get3A_101 = vector.shape_cast %get3A_100 : vector<1x16xi32> to vector<16xi32>
    %mul3A_102 = arith.constant 3 : i32
    %mul3A_103 = vector.broadcast %mul3A_102 : i32 to vector<16xi32>
    %mul3A_104 = arith.muli %get3A_101, %mul3A_103 : vector<16xi32>
    %get3A_105 = arith.constant 0 : i32
    %get3A_106 = arith.index_cast %get3A_105 : i32 to index
    %get3A_107 = arith.constant 32 : index
    %get3A_108 = tpu.vector_load %arg30[%get3A_106, %get3A_107] {strides = array<i32>} : memref<4x128xi32, #tpu.memory_space<vmem>>, vector<1x16xi32>,
    %get3A_109 = vector.shape_cast %get3A_108 : vector<1x16xi32> to vector<16xi32>
    %add3A_110 = arith.addi %mul3A_104, %get3A_109 : vector<16xi32>
    %swap3A_111 = arith.constant 0 : i32
    %swap3A_112 = arith.index_cast %swap3A_111 : i32 to index
    %swap3A_113 = arith.constant 32 : index
    %swap3A_114 = tpu.vector_load %arg36[%swap3A_112, %swap3A_113] {strides = array<i32>} : memref<4x128xi32, #tpu.memory_space<vmem>>, vector<1x16xi32>,
    %swap3A_115 = vector.shape_cast %swap3A_114 : vector<1x16xi32> to vector<16xi32>
    %swap3A_116 = vector.shape_cast %add3A_110 : vector<16xi32> to vector<1x16xi32>
    tpu.vector_store %arg36[%swap3A_112, %swap3A_113], %swap3A_116 {strides = array<i32>} : memref<4x128xi32, #tpu.memory_space<vmem>>, vector<1x16xi32>,
    %get3A_117 = arith.constant 0 : i32
    %get3A_118 = arith.index_cast %get3A_117 : i32 to index
    %get3A_119 = arith.constant 48 : index
    %get3A_120 = tpu.vector_load %arg29[%get3A_118, %get3A_119] {strides = array<i32>} : memref<4x128xi32, #tpu.memory_space<vmem>>, vector<1x16xi32>,
    %get3A_121 = vector.shape_cast %get3A_120 : vector<1x16xi32> to vector<16xi32>
    %mul3A_122 = arith.constant 3 : i32
    %mul3A_123 = vector.broadcast %mul3A_122 : i32 to vector<16xi32>
    %mul3A_124 = arith.muli %get3A_121, %mul3A_123 : vector<16xi32>
    %get3A_125 = arith.constant 0 : i32
    %get3A_126 = arith.index_cast %get3A_125 : i32 to index
    %get3A_127 = arith.constant 48 : index
    %get3A_128 = tpu.vector_load %arg30[%get3A_126, %get3A_127] {strides = array<i32>} : memref<4x128xi32, #tpu.memory_space<vmem>>, vector<1x16xi32>,
    %get3A_129 = vector.shape_cast %get3A_128 : vector<1x16xi32> to vector<16xi32>
    %add3A_130 = arith.addi %mul3A_124, %get3A_129 : vector<16xi32>
    %swap3A_131 = arith.constant 0 : i32
    %swap3A_132 = arith.index_cast %swap3A_131 : i32 to index
    %swap3A_133 = arith.constant 48 : index
    %swap3A_134 = tpu.vector_load %arg36[%swap3A_132, %swap3A_133] {strides = array<i32>} : memref<4x128xi32, #tpu.memory_space<vmem>>, vector<1x16xi32>,
    %swap3A_135 = vector.shape_cast %swap3A_134 : vector<1x16xi32> to vector<16xi32>
    %swap3A_136 = vector.shape_cast %add3A_130 : vector<16xi32> to vector<1x16xi32>
    tpu.vector_store %arg36[%swap3A_132, %swap3A_133], %swap3A_136 {strides = array<i32>} : memref<4x128xi32, #tpu.memory_space<vmem>>, vector<1x16xi32>,
    %get3A_137 = arith.constant 0 : i32
    %get3A_138 = arith.index_cast %get3A_137 : i32 to index
    %get3A_139 = arith.constant 64 : index
    %get3A_140 = tpu.vector_load %arg29[%get3A_138, %get3A_139] {strides = array<i32>} : memref<4x128xi32, #tpu.memory_space<vmem>>, vector<1x16xi32>,
    %get3A_141 = vector.shape_cast %get3A_140 : vector<1x16xi32> to vector<16xi32>
    %mul3A_142 = arith.constant 3 : i32
    %mul3A_143 = vector.broadcast %mul3A_142 : i32 to vector<16xi32>
    %mul3A_144 = arith.muli %get3A_141, %mul3A_143 : vector<16xi32>
    %get3A_145 = arith.constant 0 : i32
    %get3A_146 = arith.index_cast %get3A_145 : i32 to index
    %get3A_147 = arith.constant 64 : index
    %get3A_148 = tpu.vector_load %arg30[%get3A_146, %get3A_147] {strides = array<i32>} : memref<4x128xi32, #tpu.memory_space<vmem>>, vector<1x16xi32>,
    %get3A_149 = vector.shape_cast %get3A_148 : vector<1x16xi32> to vector<16xi32>
    %add3A_150 = arith.addi %mul3A_144, %get3A_149 : vector<16xi32>
    %swap3A_151 = arith.constant 0 : i32
    %swap3A_152 = arith.index_cast %swap3A_151 : i32 to index
    %swap3A_153 = arith.constant 64 : index
    %swap3A_154 = tpu.vector_load %arg36[%swap3A_152, %swap3A_153] {strides = array<i32>} : memref<4x128xi32, #tpu.memory_space<vmem>>, vector<1x16xi32>,
    %swap3A_155 = vector.shape_cast %swap3A_154 : vector<1x16xi32> to vector<16xi32>
    %swap3A_156 = vector.shape_cast %add3A_150 : vector<16xi32> to vector<1x16xi32>
    tpu.vector_store %arg36[%swap3A_152, %swap3A_153], %swap3A_156 {strides = array<i32>} : memref<4x128xi32, #tpu.memory_space<vmem>>, vector<1x16xi32>,
    %get3A_157 = arith.constant 0 : i32
    %get3A_158 = arith.index_cast %get3A_157 : i32 to index
    %get3A_159 = arith.constant 80 : index
    %get3A_160 = tpu.vector_load %arg29[%get3A_158, %get3A_159] {strides = array<i32>} : memref<4x128xi32, #tpu.memory_space<vmem>>, vector<1x16xi32>,
    %get3A_161 = vector.shape_cast %get3A_160 : vector<1x16xi32> to vector<16xi32>
    %mul3A_162 = arith.constant 3 : i32
    %mul3A_163 = vector.broadcast %mul3A_162 : i32 to vector<16xi32>
    %mul3A_164 = arith.muli %get3A_161, %mul3A_163 : vector<16xi32>
    %get3A_165 = arith.constant 0 : i32
    %get3A_166 = arith.index_cast %get3A_165 : i32 to index
    %get3A_167 = arith.constant 80 : index
    %get3A_168 = tpu.vector_load %arg30[%get3A_166, %get3A_167] {strides = array<i32>} : memref<4x128xi32, #tpu.memory_space<vmem>>, vector<1x16xi32>,
    %get3A_169 = vector.shape_cast %get3A_168 : vector<1x16xi32> to vector<16xi32>
    %add3A_170 = arith.addi %mul3A_164, %get3A_169 : vector<16xi32>
    %swap3A_171 = arith.constant 0 : i32
    %swap3A_172 = arith.index_cast %swap3A_171 : i32 to index
    %swap3A_173 = arith.constant 80 : index
    %swap3A_174 = tpu.vector_load %arg36[%swap3A_172, %swap3A_173] {strides = array<i32>} : memref<4x128xi32, #tpu.memory_space<vmem>>, vector<1x16xi32>,
    %swap3A_175 = vector.shape_cast %swap3A_174 : vector<1x16xi32> to vector<16xi32>
    %swap3A_176 = vector.shape_cast %add3A_170 : vector<16xi32> to vector<1x16xi32>
    tpu.vector_store %arg36[%swap3A_172, %swap3A_173], %swap3A_176 {strides = array<i32>} : memref<4x128xi32, #tpu.memory_space<vmem>>, vector<1x16xi32>,
    %get3A_177 = arith.constant 0 : i32
    %get3A_178 = arith.index_cast %get3A_177 : i32 to index
    %get3A_179 = arith.constant 96 : index
    %get3A_180 = tpu.vector_load %arg29[%get3A_178, %get3A_179] {strides = array<i32>} : memref<4x128xi32, #tpu.memory_space<vmem>>, vector<1x16xi32>,
    %get3A_181 = vector.shape_cast %get3A_180 : vector<1x16xi32> to vector<16xi32>
    %mul3A_182 = arith.constant 3 : i32
    %mul3A_183 = vector.broadcast %mul3A_182 : i32 to vector<16xi32>
    %mul3A_184 = arith.muli %get3A_181, %mul3A_183 : vector<16xi32>
    %get3A_185 = arith.constant 0 : i32
    %get3A_186 = arith.index_cast %get3A_185 : i32 to index
    %get3A_187 = arith.constant 96 : index
    %get3A_188 = tpu.vector_load %arg30[%get3A_186, %get3A_187] {strides = array<i32>} : memref<4x128xi32, #tpu.memory_space<vmem>>, vector<1x16xi32>,
    %get3A_189 = vector.shape_cast %get3A_188 : vector<1x16xi32> to vector<16xi32>
    %add3A_190 = arith.addi %mul3A_184, %get3A_189 : vector<16xi32>
    %swap3A_191 = arith.constant 0 : i32
    %swap3A_192 = arith.index_cast %swap3A_191 : i32 to index
    %swap3A_193 = arith.constant 96 : index
    %swap3A_194 = tpu.vector_load %arg36[%swap3A_192, %swap3A_193] {strides = array<i32>} : memref<4x128xi32, #tpu.memory_space<vmem>>, vector<1x16xi32>,
    %swap3A_195 = vector.shape_cast %swap3A_194 : vector<1x16xi32> to vector<16xi32>
    %swap3A_196 = vector.shape_cast %add3A_190 : vector<16xi32> to vector<1x16xi32>
    tpu.vector_store %arg36[%swap3A_192, %swap3A_193], %swap3A_196 {strides = array<i32>} : memref<4x128xi32, #tpu.memory_space<vmem>>, vector<1x16xi32>,
    %get3A_197 = arith.constant 0 : i32
    %get3A_198 = arith.index_cast %get3A_197 : i32 to index
    %get3A_199 = arith.constant 112 : index
    %get3A_200 = tpu.vector_load %arg29[%get3A_198, %get3A_199] {strides = array<i32>} : memref<4x128xi32, #tpu.memory_space<vmem>>, vector<1x16xi32>,
    %get3A_201 = vector.shape_cast %get3A_200 : vector<1x16xi32> to vector<16xi32>
    %mul3A_202 = arith.constant 3 : i32
    %mul3A_203 = vector.broadcast %mul3A_202 : i32 to vector<16xi32>
    %mul3A_204 = arith.muli %get3A_201, %mul3A_203 : vector<16xi32>
    %get3A_205 = arith.constant 0 : i32
    %get3A_206 = arith.index_cast %get3A_205 : i32 to index
    %get3A_207 = arith.constant 112 : index
    %get3A_208 = tpu.vector_load %arg30[%get3A_206, %get3A_207] {strides = array<i32>} : memref<4x128xi32, #tpu.memory_space<vmem>>, vector<1x16xi32>,
    %get3A_209 = vector.shape_cast %get3A_208 : vector<1x16xi32> to vector<16xi32>
    %add3A_210 = arith.addi %mul3A_204, %get3A_209 : vector<16xi32>
    %swap3A_211 = arith.constant 0 : i32
    %swap3A_212 = arith.index_cast %swap3A_211 : i32 to index
    %swap3A_213 = arith.constant 112 : index
    %swap3A_214 = tpu.vector_load %arg36[%swap3A_212, %swap3A_213] {strides = array<i32>} : memref<4x128xi32, #tpu.memory_space<vmem>>, vector<1x16xi32>,
    %swap3A_215 = vector.shape_cast %swap3A_214 : vector<1x16xi32> to vector<16xi32>
    %swap3A_216 = vector.shape_cast %add3A_210 : vector<16xi32> to vector<1x16xi32>
    tpu.vector_store %arg36[%swap3A_212, %swap3A_213], %swap3A_216 {strides = array<i32>} : memref<4x128xi32, #tpu.memory_space<vmem>>, vector<1x16xi32>,
    %get3A_217 = arith.constant 1 : i32
    %get3A_218 = arith.index_cast %get3A_217 : i32 to index
    %get3A_219 = arith.constant 0 : index
    %get3A_220 = tpu.vector_load %arg29[%get3A_218, %get3A_219] {strides = array<i32>} : memref<4x128xi32, #tpu.memory_space<vmem>>, vector<1x16xi32>,
    %get3A_221 = vector.shape_cast %get3A_220 : vector<1x16xi32> to vector<16xi32>
    %mul3A_222 = arith.constant 3 : i32
    %mul3A_223 = vector.broadcast %mul3A_222 : i32 to vector<16xi32>
    %mul3A_224 = arith.muli %get3A_221, %mul3A_223 : vector<16xi32>
    %get3A_225 = arith.constant 1 : i32
    %get3A_226 = arith.index_cast %get3A_225 : i32 to index
    %get3A_227 = arith.constant 0 : index
    %get3A_228 = tpu.vector_load %arg30[%get3A_226, %get3A_227] {strides = array<i32>} : memref<4x128xi32, #tpu.memory_space<vmem>>, vector<1x16xi32>,
    %get3A_229 = vector.shape_cast %get3A_228 : vector<1x16xi32> to vector<16xi32>
    %add3A_230 = arith.addi %mul3A_224, %get3A_229 : vector<16xi32>
    %swap3A_231 = arith.constant 1 : i32
    %swap3A_232 = arith.index_cast %swap3A_231 : i32 to index
    %swap3A_233 = arith.constant 0 : index
    %swap3A_234 = tpu.vector_load %arg36[%swap3A_232, %swap3A_233] {strides = array<i32>} : memref<4x128xi32, #tpu.memory_space<vmem>>, vector<1x16xi32>,
    %swap3A_235 = vector.shape_cast %swap3A_234 : vector<1x16xi32> to vector<16xi32>
    %swap3A_236 = vector.shape_cast %add3A_230 : vector<16xi32> to vector<1x16xi32>
    tpu.vector_store %arg36[%swap3A_232, %swap3A_233], %swap3A_236 {strides = array<i32>} : memref<4x128xi32, #tpu.memory_space<vmem>>, vector<1x16xi32>,
    %get3A_237 = arith.constant 1 : i32
    %get3A_238 = arith.index_cast %get3A_237 : i32 to index
    %get3A_239 = arith.constant 16 : index
    %get3A_240 = tpu.vector_load %arg29[%get3A_238, %get3A_239] {strides = array<i32>} : memref<4x128xi32, #tpu.memory_space<vmem>>, vector<1x16xi32>,
    %get3A_241 = vector.shape_cast %get3A_240 : vector<1x16xi32> to vector<16xi32>
    %mul3A_242 = arith.constant 3 : i32
    %mul3A_243 = vector.broadcast %mul3A_242 : i32 to vector<16xi32>
    %mul3A_244 = arith.muli %get3A_241, %mul3A_243 : vector<16xi32>
    %get3A_245 = arith.constant 1 : i32
    %get3A_246 = arith.index_cast %get3A_245 : i32 to index
    %get3A_247 = arith.constant 16 : index
    %get3A_248 = tpu.vector_load %arg30[%get3A_246, %get3A_247] {strides = array<i32>} : memref<4x128xi32, #tpu.memory_space<vmem>>, vector<1x16xi32>,
    %get3A_249 = vector.shape_cast %get3A_248 : vector<1x16xi32> to vector<16xi32>
    %add3A_250 = arith.addi %mul3A_244, %get3A_249 : vector<16xi32>
    %swap3A_251 = arith.constant 1 : i32
    %swap3A_252 = arith.index_cast %swap3A_251 : i32 to index
    %swap3A_253 = arith.constant 16 : index
    %swap3A_254 = tpu.vector_load %arg36[%swap3A_252, %swap3A_253] {strides = array<i32>} : memref<4x128xi32, #tpu.memory_space<vmem>>, vector<1x16xi32>,
    %swap3A_255 = vector.shape_cast %swap3A_254 : vector<1x16xi32> to vector<16xi32>
    %swap3A_256 = vector.shape_cast %add3A_250 : vector<16xi32> to vector<1x16xi32>
    tpu.vector_store %arg36[%swap3A_252, %swap3A_253], %swap3A_256 {strides = array<i32>} : memref<4x128xi32, #tpu.memory_space<vmem>>, vector<1x16xi32>,
    %get3A_257 = arith.constant 1 : i32
    %get3A_258 = arith.index_cast %get3A_257 : i32 to index
    %get3A_259 = arith.constant 32 : index
    %get3A_260 = tpu.vector_load %arg29[%get3A_258, %get3A_259] {strides = array<i32>} : memref<4x128xi32, #tpu.memory_space<vmem>>, vector<1x16xi32>,
    %get3A_261 = vector.shape_cast %get3A_260 : vector<1x16xi32> to vector<16xi32>
    %mul3A_262 = arith.constant 3 : i32
    %mul3A_263 = vector.broadcast %mul3A_262 : i32 to vector<16xi32>
    %mul3A_264 = arith.muli %get3A_261, %mul3A_263 : vector<16xi32>
    %get3A_265 = arith.constant 1 : i32
    %get3A_266 = arith.index_cast %get3A_265 : i32 to index
    %get3A_267 = arith.constant 32 : index
    %get3A_268 = tpu.vector_load %arg30[%get3A_266, %get3A_267] {strides = array<i32>} : memref<4x128xi32, #tpu.memory_space<vmem>>, vector<1x16xi32>,
    %get3A_269 = vector.shape_cast %get3A_268 : vector<1x16xi32> to vector<16xi32>
    %add3A_270 = arith.addi %mul3A_264, %get3A_269 : vector<16xi32>
    %swap3A_271 = arith.constant 1 : i32
    %swap3A_272 = arith.index_cast %swap3A_271 : i32 to index
    %swap3A_273 = arith.constant 32 : index
    %swap3A_274 = tpu.vector_load %arg36[%swap3A_272, %swap3A_273] {strides = array<i32>} : memref<4x128xi32, #tpu.memory_space<vmem>>, vector<1x16xi32>,
    %swap3A_275 = vector.shape_cast %swap3A_274 : vector<1x16xi32> to vector<16xi32>
    %swap3A_276 = vector.shape_cast %add3A_270 : vector<16xi32> to vector<1x16xi32>
    tpu.vector_store %arg36[%swap3A_272, %swap3A_273], %swap3A_276 {strides = array<i32>} : memref<4x128xi32, #tpu.memory_space<vmem>>, vector<1x16xi32>,
    %get3A_277 = arith.constant 1 : i32
    %get3A_278 = arith.index_cast %get3A_277 : i32 to index
    %get3A_279 = arith.constant 48 : index
    %get3A_280 = tpu.vector_load %arg29[%get3A_278, %get3A_279] {strides = array<i32>} : memref<4x128xi32, #tpu.memory_space<vmem>>, vector<1x16xi32>,
    %get3A_281 = vector.shape_cast %get3A_280 : vector<1x16xi32> to vector<16xi32>
    %mul3A_282 = arith.constant 3 : i32
    %mul3A_283 = vector.broadcast %mul3A_282 : i32 to vector<16xi32>
    %mul3A_284 = arith.muli %get3A_281, %mul3A_283 : vector<16xi32>
    %get3A_285 = arith.constant 1 : i32
    %get3A_286 = arith.index_cast %get3A_285 : i32 to index
    %get3A_287 = arith.constant 48 : index
    %get3A_288 = tpu.vector_load %arg30[%get3A_286, %get3A_287] {strides = array<i32>} : memref<4x128xi32, #tpu.memory_space<vmem>>, vector<1x16xi32>,
    %get3A_289 = vector.shape_cast %get3A_288 : vector<1x16xi32> to vector<16xi32>
    %add3A_290 = arith.addi %mul3A_284, %get3A_289 : vector<16xi32>
    %swap3A_291 = arith.constant 1 : i32
    %swap3A_292 = arith.index_cast %swap3A_291 : i32 to index
    %swap3A_293 = arith.constant 48 : index
    %swap3A_294 = tpu.vector_load %arg36[%swap3A_292, %swap3A_293] {strides = array<i32>} : memref<4x128xi32, #tpu.memory_space<vmem>>, vector<1x16xi32>,
    %swap3A_295 = vector.shape_cast %swap3A_294 : vector<1x16xi32> to vector<16xi32>
    %swap3A_296 = vector.shape_cast %add3A_290 : vector<16xi32> to vector<1x16xi32>
    tpu.vector_store %arg36[%swap3A_292, %swap3A_293], %swap3A_296 {strides = array<i32>} : memref<4x128xi32, #tpu.memory_space<vmem>>, vector<1x16xi32>,
    %get3A_297 = arith.constant 1 : i32
    %get3A_298 = arith.index_cast %get3A_297 : i32 to index
    %get3A_299 = arith.constant 64 : index
    %get3A_300 = tpu.vector_load %arg29[%get3A_298, %get3A_299] {strides = array<i32>} : memref<4x128xi32, #tpu.memory_space<vmem>>, vector<1x16xi32>,
    %get3A_301 = vector.shape_cast %get3A_300 : vector<1x16xi32> to vector<16xi32>
    %mul3A_302 = arith.constant 3 : i32
    %mul3A_303 = vector.broadcast %mul3A_302 : i32 to vector<16xi32>
    %mul3A_304 = arith.muli %get3A_301, %mul3A_303 : vector<16xi32>
    %get3A_305 = arith.constant 1 : i32
    %get3A_306 = arith.index_cast %get3A_305 : i32 to index
    %get3A_307 = arith.constant 64 : index
    %get3A_308 = tpu.vector_load %arg30[%get3A_306, %get3A_307] {strides = array<i32>} : memref<4x128xi32, #tpu.memory_space<vmem>>, vector<1x16xi32>,
    %get3A_309 = vector.shape_cast %get3A_308 : vector<1x16xi32> to vector<16xi32>
    %add3A_310 = arith.addi %mul3A_304, %get3A_309 : vector<16xi32>
    %swap3A_311 = arith.constant 1 : i32
    %swap3A_312 = arith.index_cast %swap3A_311 : i32 to index
    %swap3A_313 = arith.constant 64 : index
    %swap3A_314 = tpu.vector_load %arg36[%swap3A_312, %swap3A_313] {strides = array<i32>} : memref<4x128xi32, #tpu.memory_space<vmem>>, vector<1x16xi32>,
    %swap3A_315 = vector.shape_cast %swap3A_314 : vector<1x16xi32> to vector<16xi32>
    %swap3A_316 = vector.shape_cast %add3A_310 : vector<16xi32> to vector<1x16xi32>
    tpu.vector_store %arg36[%swap3A_312, %swap3A_313], %swap3A_316 {strides = array<i32>} : memref<4x128xi32, #tpu.memory_space<vmem>>, vector<1x16xi32>,
    %get3A_317 = arith.constant 1 : i32
    %get3A_318 = arith.index_cast %get3A_317 : i32 to index
    %get3A_319 = arith.constant 80 : index
    %get3A_320 = tpu.vector_load %arg29[%get3A_318, %get3A_319] {strides = array<i32>} : memref<4x128xi32, #tpu.memory_space<vmem>>, vector<1x16xi32>,
    %get3A_321 = vector.shape_cast %get3A_320 : vector<1x16xi32> to vector<16xi32>
    %mul3A_322 = arith.constant 3 : i32
    %mul3A_323 = vector.broadcast %mul3A_322 : i32 to vector<16xi32>
    %mul3A_324 = arith.muli %get3A_321, %mul3A_323 : vector<16xi32>
    %get3A_325 = arith.constant 1 : i32
    %get3A_326 = arith.index_cast %get3A_325 : i32 to index
    %get3A_327 = arith.constant 80 : index
    %get3A_328 = tpu.vector_load %arg30[%get3A_326, %get3A_327] {strides = array<i32>} : memref<4x128xi32, #tpu.memory_space<vmem>>, vector<1x16xi32>,
    %get3A_329 = vector.shape_cast %get3A_328 : vector<1x16xi32> to vector<16xi32>
    %add3A_330 = arith.addi %mul3A_324, %get3A_329 : vector<16xi32>
    %swap3A_331 = arith.constant 1 : i32
    %swap3A_332 = arith.index_cast %swap3A_331 : i32 to index
    %swap3A_333 = arith.constant 80 : index
    %swap3A_334 = tpu.vector_load %arg36[%swap3A_332, %swap3A_333] {strides = array<i32>} : memref<4x128xi32, #tpu.memory_space<vmem>>, vector<1x16xi32>,
    %swap3A_335 = vector.shape_cast %swap3A_334 : vector<1x16xi32> to vector<16xi32>
    %swap3A_336 = vector.shape_cast %add3A_330 : vector<16xi32> to vector<1x16xi32>
    tpu.vector_store %arg36[%swap3A_332, %swap3A_333], %swap3A_336 {strides = array<i32>} : memref<4x128xi32, #tpu.memory_space<vmem>>, vector<1x16xi32>,
    %get3A_337 = arith.constant 1 : i32
    %get3A_338 = arith.index_cast %get3A_337 : i32 to index
    %get3A_339 = arith.constant 96 : index
    %get3A_340 = tpu.vector_load %arg29[%get3A_338, %get3A_339] {strides = array<i32>} : memref<4x128xi32, #tpu.memory_space<vmem>>, vector<1x16xi32>,
    %get3A_341 = vector.shape_cast %get3A_340 : vector<1x16xi32> to vector<16xi32>
    %mul3A_342 = arith.constant 3 : i32
    %mul3A_343 = vector.broadcast %mul3A_342 : i32 to vector<16xi32>
    %mul3A_344 = arith.muli %get3A_341, %mul3A_343 : vector<16xi32>
    %get3A_345 = arith.constant 1 : i32
    %get3A_346 = arith.index_cast %get3A_345 : i32 to index
    %get3A_347 = arith.constant 96 : index
    %get3A_348 = tpu.vector_load %arg30[%get3A_346, %get3A_347] {strides = array<i32>} : memref<4x128xi32, #tpu.memory_space<vmem>>, vector<1x16xi32>,
    %get3A_349 = vector.shape_cast %get3A_348 : vector<1x16xi32> to vector<16xi32>
    %add3A_350 = arith.addi %mul3A_344, %get3A_349 : vector<16xi32>
    %swap3A_351 = arith.constant 1 : i32
    %swap3A_352 = arith.index_cast %swap3A_351 : i32 to index
    %swap3A_353 = arith.constant 96 : index
    %swap3A_354 = tpu.vector_load %arg36[%swap3A_352, %swap3A_353] {strides = array<i32>} : memref<4x128xi32, #tpu.memory_space<vmem>>, vector<1x16xi32>,
    %swap3A_355 = vector.shape_cast %swap3A_354 : vector<1x16xi32> to vector<16xi32>
    %swap3A_356 = vector.shape_cast %add3A_350 : vector<16xi32> to vector<1x16xi32>
    tpu.vector_store %arg36[%swap3A_352, %swap3A_353], %swap3A_356 {strides = array<i32>} : memref<4x128xi32, #tpu.memory_space<vmem>>, vector<1x16xi32>,
    %get3A_357 = arith.constant 1 : i32
    %get3A_358 = arith.index_cast %get3A_357 : i32 to index
    %get3A_359 = arith.constant 112 : index
    %get3A_360 = tpu.vector_load %arg29[%get3A_358, %get3A_359] {strides = array<i32>} : memref<4x128xi32, #tpu.memory_space<vmem>>, vector<1x16xi32>,
    %get3A_361 = vector.shape_cast %get3A_360 : vector<1x16xi32> to vector<16xi32>
    %mul3A_362 = arith.constant 3 : i32
    %mul3A_363 = vector.broadcast %mul3A_362 : i32 to vector<16xi32>
    %mul3A_364 = arith.muli %get3A_361, %mul3A_363 : vector<16xi32>
    %get3A_365 = arith.constant 1 : i32
    %get3A_366 = arith.index_cast %get3A_365 : i32 to index
    %get3A_367 = arith.constant 112 : index
    %get3A_368 = tpu.vector_load %arg30[%get3A_366, %get3A_367] {strides = array<i32>} : memref<4x128xi32, #tpu.memory_space<vmem>>, vector<1x16xi32>,
    %get3A_369 = vector.shape_cast %get3A_368 : vector<1x16xi32> to vector<16xi32>
    %add3A_370 = arith.addi %mul3A_364, %get3A_369 : vector<16xi32>
    %swap3A_371 = arith.constant 1 : i32
    %swap3A_372 = arith.index_cast %swap3A_371 : i32 to index
    %swap3A_373 = arith.constant 112 : index
    %swap3A_374 = tpu.vector_load %arg36[%swap3A_372, %swap3A_373] {strides = array<i32>} : memref<4x128xi32, #tpu.memory_space<vmem>>, vector<1x16xi32>,
    %swap3A_375 = vector.shape_cast %swap3A_374 : vector<1x16xi32> to vector<16xi32>
    %swap3A_376 = vector.shape_cast %add3A_370 : vector<16xi32> to vector<1x16xi32>
    tpu.vector_store %arg36[%swap3A_372, %swap3A_373], %swap3A_376 {strides = array<i32>} : memref<4x128xi32, #tpu.memory_space<vmem>>, vector<1x16xi32>,
    %get3A_377 = arith.constant 2 : i32
    %get3A_378 = arith.index_cast %get3A_377 : i32 to index
    %get3A_379 = arith.constant 0 : index
    %get3A_380 = tpu.vector_load %arg29[%get3A_378, %get3A_379] {strides = array<i32>} : memref<4x128xi32, #tpu.memory_space<vmem>>, vector<1x16xi32>,
    %get3A_381 = vector.shape_cast %get3A_380 : vector<1x16xi32> to vector<16xi32>
    %mul3A_382 = arith.constant 3 : i32
    %mul3A_383 = vector.broadcast %mul3A_382 : i32 to vector<16xi32>
    %mul3A_384 = arith.muli %get3A_381, %mul3A_383 : vector<16xi32>
    %get3A_385 = arith.constant 2 : i32
    %get3A_386 = arith.index_cast %get3A_385 : i32 to index
    %get3A_387 = arith.constant 0 : index
    %get3A_388 = tpu.vector_load %arg30[%get3A_386, %get3A_387] {strides = array<i32>} : memref<4x128xi32, #tpu.memory_space<vmem>>, vector<1x16xi32>,
    %get3A_389 = vector.shape_cast %get3A_388 : vector<1x16xi32> to vector<16xi32>
    %add3A_390 = arith.addi %mul3A_384, %get3A_389 : vector<16xi32>
    %swap3A_391 = arith.constant 2 : i32
    %swap3A_392 = arith.index_cast %swap3A_391 : i32 to index
    %swap3A_393 = arith.constant 0 : index
    %swap3A_394 = tpu.vector_load %arg36[%swap3A_392, %swap3A_393] {strides = array<i32>} : memref<4x128xi32, #tpu.memory_space<vmem>>, vector<1x16xi32>,
    %swap3A_395 = vector.shape_cast %swap3A_394 : vector<1x16xi32> to vector<16xi32>
    %swap3A_396 = vector.shape_cast %add3A_390 : vector<16xi32> to vector<1x16xi32>
    tpu.vector_store %arg36[%swap3A_392, %swap3A_393], %swap3A_396 {strides = array<i32>} : memref<4x128xi32, #tpu.memory_space<vmem>>, vector<1x16xi32>,
    %get3A_397 = arith.constant 2 : i32
    %get3A_398 = arith.index_cast %get3A_397 : i32 to index
    %get3A_399 = arith.constant 16 : index
    %get3A_400 = tpu.vector_load %arg29[%get3A_398, %get3A_399] {strides = array<i32>} : memref<4x128xi32, #tpu.memory_space<vmem>>, vector<1x16xi32>,
    %get3A_401 = vector.shape_cast %get3A_400 : vector<1x16xi32> to vector<16xi32>
    %mul3A_402 = arith.constant 3 : i32
    %mul3A_403 = vector.broadcast %mul3A_402 : i32 to vector<16xi32>
    %mul3A_404 = arith.muli %get3A_401, %mul3A_403 : vector<16xi32>
    %get3A_405 = arith.constant 2 : i32
    %get3A_406 = arith.index_cast %get3A_405 : i32 to index
    %get3A_407 = arith.constant 16 : index
    %get3A_408 = tpu.vector_load %arg30[%get3A_406, %get3A_407] {strides = array<i32>} : memref<4x128xi32, #tpu.memory_space<vmem>>, vector<1x16xi32>,
    %get3A_409 = vector.shape_cast %get3A_408 : vector<1x16xi32> to vector<16xi32>
    %add3A_410 = arith.addi %mul3A_404, %get3A_409 : vector<16xi32>
    %swap3A_411 = arith.constant 2 : i32
    %swap3A_412 = arith.index_cast %swap3A_411 : i32 to index
    %swap3A_413 = arith.constant 16 : index
    %swap3A_414 = tpu.vector_load %arg36[%swap3A_412, %swap3A_413] {strides = array<i32>} : memref<4x128xi32, #tpu.memory_space<vmem>>, vector<1x16xi32>,
    %swap3A_415 = vector.shape_cast %swap3A_414 : vector<1x16xi32> to vector<16xi32>
    %swap3A_416 = vector.shape_cast %add3A_410 : vector<16xi32> to vector<1x16xi32>
    tpu.vector_store %arg36[%swap3A_412, %swap3A_413], %swap3A_416 {strides = array<i32>} : memref<4x128xi32, #tpu.memory_space<vmem>>, vector<1x16xi32>,
    %get3A_417 = arith.constant 2 : i32
    %get3A_418 = arith.index_cast %get3A_417 : i32 to index
    %get3A_419 = arith.constant 32 : index
    %get3A_420 = tpu.vector_load %arg29[%get3A_418, %get3A_419] {strides = array<i32>} : memref<4x128xi32, #tpu.memory_space<vmem>>, vector<1x16xi32>,
    %get3A_421 = vector.shape_cast %get3A_420 : vector<1x16xi32> to vector<16xi32>
    %mul3A_422 = arith.constant 3 : i32
    %mul3A_423 = vector.broadcast %mul3A_422 : i32 to vector<16xi32>
    %mul3A_424 = arith.muli %get3A_421, %mul3A_423 : vector<16xi32>
    %get3A_425 = arith.constant 2 : i32
    %get3A_426 = arith.index_cast %get3A_425 : i32 to index
    %get3A_427 = arith.constant 32 : index
    %get3A_428 = tpu.vector_load %arg30[%get3A_426, %get3A_427] {strides = array<i32>} : memref<4x128xi32, #tpu.memory_space<vmem>>, vector<1x16xi32>,
    %get3A_429 = vector.shape_cast %get3A_428 : vector<1x16xi32> to vector<16xi32>
    %add3A_430 = arith.addi %mul3A_424, %get3A_429 : vector<16xi32>
    %swap3A_431 = arith.constant 2 : i32
    %swap3A_432 = arith.index_cast %swap3A_431 : i32 to index
    %swap3A_433 = arith.constant 32 : index
    %swap3A_434 = tpu.vector_load %arg36[%swap3A_432, %swap3A_433] {strides = array<i32>} : memref<4x128xi32, #tpu.memory_space<vmem>>, vector<1x16xi32>,
    %swap3A_435 = vector.shape_cast %swap3A_434 : vector<1x16xi32> to vector<16xi32>
    %swap3A_436 = vector.shape_cast %add3A_430 : vector<16xi32> to vector<1x16xi32>
    tpu.vector_store %arg36[%swap3A_432, %swap3A_433], %swap3A_436 {strides = array<i32>} : memref<4x128xi32, #tpu.memory_space<vmem>>, vector<1x16xi32>,
    %get3A_437 = arith.constant 2 : i32
    %get3A_438 = arith.index_cast %get3A_437 : i32 to index
    %get3A_439 = arith.constant 48 : index
    %get3A_440 = tpu.vector_load %arg29[%get3A_438, %get3A_439] {strides = array<i32>} : memref<4x128xi32, #tpu.memory_space<vmem>>, vector<1x16xi32>,
    %get3A_441 = vector.shape_cast %get3A_440 : vector<1x16xi32> to vector<16xi32>
    %mul3A_442 = arith.constant 3 : i32
    %mul3A_443 = vector.broadcast %mul3A_442 : i32 to vector<16xi32>
    %mul3A_444 = arith.muli %get3A_441, %mul3A_443 : vector<16xi32>
    %get3A_445 = arith.constant 2 : i32
    %get3A_446 = arith.index_cast %get3A_445 : i32 to index
    %get3A_447 = arith.constant 48 : index
    %get3A_448 = tpu.vector_load %arg30[%get3A_446, %get3A_447] {strides = array<i32>} : memref<4x128xi32, #tpu.memory_space<vmem>>, vector<1x16xi32>,
    %get3A_449 = vector.shape_cast %get3A_448 : vector<1x16xi32> to vector<16xi32>
    %add3A_450 = arith.addi %mul3A_444, %get3A_449 : vector<16xi32>
    %swap3A_451 = arith.constant 2 : i32
    %swap3A_452 = arith.index_cast %swap3A_451 : i32 to index
    %swap3A_453 = arith.constant 48 : index
    %swap3A_454 = tpu.vector_load %arg36[%swap3A_452, %swap3A_453] {strides = array<i32>} : memref<4x128xi32, #tpu.memory_space<vmem>>, vector<1x16xi32>,
    %swap3A_455 = vector.shape_cast %swap3A_454 : vector<1x16xi32> to vector<16xi32>
    %swap3A_456 = vector.shape_cast %add3A_450 : vector<16xi32> to vector<1x16xi32>
    tpu.vector_store %arg36[%swap3A_452, %swap3A_453], %swap3A_456 {strides = array<i32>} : memref<4x128xi32, #tpu.memory_space<vmem>>, vector<1x16xi32>,
    %get3A_457 = arith.constant 2 : i32
    %get3A_458 = arith.index_cast %get3A_457 : i32 to index
    %get3A_459 = arith.constant 64 : index
    %get3A_460 = tpu.vector_load %arg29[%get3A_458, %get3A_459] {strides = array<i32>} : memref<4x128xi32, #tpu.memory_space<vmem>>, vector<1x16xi32>,
    %get3A_461 = vector.shape_cast %get3A_460 : vector<1x16xi32> to vector<16xi32>
    %mul3A_462 = arith.constant 3 : i32
    %mul3A_463 = vector.broadcast %mul3A_462 : i32 to vector<16xi32>
    %mul3A_464 = arith.muli %get3A_461, %mul3A_463 : vector<16xi32>
    %get3A_465 = arith.constant 2 : i32
    %get3A_466 = arith.index_cast %get3A_465 : i32 to index
    %get3A_467 = arith.constant 64 : index
    %get3A_468 = tpu.vector_load %arg30[%get3A_466, %get3A_467] {strides = array<i32>} : memref<4x128xi32, #tpu.memory_space<vmem>>, vector<1x16xi32>,
    %get3A_469 = vector.shape_cast %get3A_468 : vector<1x16xi32> to vector<16xi32>
    %add3A_470 = arith.addi %mul3A_464, %get3A_469 : vector<16xi32>
    %swap3A_471 = arith.constant 2 : i32
    %swap3A_472 = arith.index_cast %swap3A_471 : i32 to index
    %swap3A_473 = arith.constant 64 : index
    %swap3A_474 = tpu.vector_load %arg36[%swap3A_472, %swap3A_473] {strides = array<i32>} : memref<4x128xi32, #tpu.memory_space<vmem>>, vector<1x16xi32>,
    %swap3A_475 = vector.shape_cast %swap3A_474 : vector<1x16xi32> to vector<16xi32>
    %swap3A_476 = vector.shape_cast %add3A_470 : vector<16xi32> to vector<1x16xi32>
    tpu.vector_store %arg36[%swap3A_472, %swap3A_473], %swap3A_476 {strides = array<i32>} : memref<4x128xi32, #tpu.memory_space<vmem>>, vector<1x16xi32>,
    %get3A_477 = arith.constant 2 : i32
    %get3A_478 = arith.index_cast %get3A_477 : i32 to index
    %get3A_479 = arith.constant 80 : index
    %get3A_480 = tpu.vector_load %arg29[%get3A_478, %get3A_479] {strides = array<i32>} : memref<4x128xi32, #tpu.memory_space<vmem>>, vector<1x16xi32>,
    %get3A_481 = vector.shape_cast %get3A_480 : vector<1x16xi32> to vector<16xi32>
    %mul3A_482 = arith.constant 3 : i32
    %mul3A_483 = vector.broadcast %mul3A_482 : i32 to vector<16xi32>
    %mul3A_484 = arith.muli %get3A_481, %mul3A_483 : vector<16xi32>
    %get3A_485 = arith.constant 2 : i32
    %get3A_486 = arith.index_cast %get3A_485 : i32 to index
    %get3A_487 = arith.constant 80 : index
    %get3A_488 = tpu.vector_load %arg30[%get3A_486, %get3A_487] {strides = array<i32>} : memref<4x128xi32, #tpu.memory_space<vmem>>, vector<1x16xi32>,
    %get3A_489 = vector.shape_cast %get3A_488 : vector<1x16xi32> to vector<16xi32>
    %add3A_490 = arith.addi %mul3A_484, %get3A_489 : vector<16xi32>
    %swap3A_491 = arith.constant 2 : i32
    %swap3A_492 = arith.index_cast %swap3A_491 : i32 to index
    %swap3A_493 = arith.constant 80 : index
    %swap3A_494 = tpu.vector_load %arg36[%swap3A_492, %swap3A_493] {strides = array<i32>} : memref<4x128xi32, #tpu.memory_space<vmem>>, vector<1x16xi32>,
    %swap3A_495 = vector.shape_cast %swap3A_494 : vector<1x16xi32> to vector<16xi32>
    %swap3A_496 = vector.shape_cast %add3A_490 : vector<16xi32> to vector<1x16xi32>
    tpu.vector_store %arg36[%swap3A_492, %swap3A_493], %swap3A_496 {strides = array<i32>} : memref<4x128xi32, #tpu.memory_space<vmem>>, vector<1x16xi32>,
    %get3A_497 = arith.constant 2 : i32
    %get3A_498 = arith.index_cast %get3A_497 : i32 to index
    %get3A_499 = arith.constant 96 : index
    %get3A_500 = tpu.vector_load %arg29[%get3A_498, %get3A_499] {strides = array<i32>} : memref<4x128xi32, #tpu.memory_space<vmem>>, vector<1x16xi32>,
    %get3A_501 = vector.shape_cast %get3A_500 : vector<1x16xi32> to vector<16xi32>
    %mul3A_502 = arith.constant 3 : i32
    %mul3A_503 = vector.broadcast %mul3A_502 : i32 to vector<16xi32>
    %mul3A_504 = arith.muli %get3A_501, %mul3A_503 : vector<16xi32>
    %get3A_505 = arith.constant 2 : i32
    %get3A_506 = arith.index_cast %get3A_505 : i32 to index
    %get3A_507 = arith.constant 96 : index
    %get3A_508 = tpu.vector_load %arg30[%get3A_506, %get3A_507] {strides = array<i32>} : memref<4x128xi32, #tpu.memory_space<vmem>>, vector<1x16xi32>,
    %get3A_509 = vector.shape_cast %get3A_508 : vector<1x16xi32> to vector<16xi32>
    %add3A_510 = arith.addi %mul3A_504, %get3A_509 : vector<16xi32>
    %swap3A_511 = arith.constant 2 : i32
    %swap3A_512 = arith.index_cast %swap3A_511 : i32 to index
    %swap3A_513 = arith.constant 96 : index
    %swap3A_514 = tpu.vector_load %arg36[%swap3A_512, %swap3A_513] {strides = array<i32>} : memref<4x128xi32, #tpu.memory_space<vmem>>, vector<1x16xi32>,
    %swap3A_515 = vector.shape_cast %swap3A_514 : vector<1x16xi32> to vector<16xi32>
    %swap3A_516 = vector.shape_cast %add3A_510 : vector<16xi32> to vector<1x16xi32>
    tpu.vector_store %arg36[%swap3A_512, %swap3A_513], %swap3A_516 {strides = array<i32>} : memref<4x128xi32, #tpu.memory_space<vmem>>, vector<1x16xi32>,
    %get3A_517 = arith.constant 2 : i32
    %get3A_518 = arith.index_cast %get3A_517 : i32 to index
    %get3A_519 = arith.constant 112 : index
    %get3A_520 = tpu.vector_load %arg29[%get3A_518, %get3A_519] {strides = array<i32>} : memref<4x128xi32, #tpu.memory_space<vmem>>, vector<1x16xi32>,
    %get3A_521 = vector.shape_cast %get3A_520 : vector<1x16xi32> to vector<16xi32>
    %mul3A_522 = arith.constant 3 : i32
    %mul3A_523 = vector.broadcast %mul3A_522 : i32 to vector<16xi32>
    %mul3A_524 = arith.muli %get3A_521, %mul3A_523 : vector<16xi32>
    %get3A_525 = arith.constant 2 : i32
    %get3A_526 = arith.index_cast %get3A_525 : i32 to index
    %get3A_527 = arith.constant 112 : index
    %get3A_528 = tpu.vector_load %arg30[%get3A_526, %get3A_527] {strides = array<i32>} : memref<4x128xi32, #tpu.memory_space<vmem>>, vector<1x16xi32>,
    %get3A_529 = vector.shape_cast %get3A_528 : vector<1x16xi32> to vector<16xi32>
    %add3A_530 = arith.addi %mul3A_524, %get3A_529 : vector<16xi32>
    %swap3A_531 = arith.constant 2 : i32
    %swap3A_532 = arith.index_cast %swap3A_531 : i32 to index
    %swap3A_533 = arith.constant 112 : index
    %swap3A_534 = tpu.vector_load %arg36[%swap3A_532, %swap3A_533] {strides = array<i32>} : memref<4x128xi32, #tpu.memory_space<vmem>>, vector<1x16xi32>,
    %swap3A_535 = vector.shape_cast %swap3A_534 : vector<1x16xi32> to vector<16xi32>
    %swap3A_536 = vector.shape_cast %add3A_530 : vector<16xi32> to vector<1x16xi32>
    tpu.vector_store %arg36[%swap3A_532, %swap3A_533], %swap3A_536 {strides = array<i32>} : memref<4x128xi32, #tpu.memory_space<vmem>>, vector<1x16xi32>,
    %get3A_537 = arith.constant 3 : i32
    %get3A_538 = arith.index_cast %get3A_537 : i32 to index
    %get3A_539 = arith.constant 0 : index
    %get3A_540 = tpu.vector_load %arg29[%get3A_538, %get3A_539] {strides = array<i32>} : memref<4x128xi32, #tpu.memory_space<vmem>>, vector<1x16xi32>,
    %get3A_541 = vector.shape_cast %get3A_540 : vector<1x16xi32> to vector<16xi32>
    %mul3A_542 = arith.constant 3 : i32
    %mul3A_543 = vector.broadcast %mul3A_542 : i32 to vector<16xi32>
    %mul3A_544 = arith.muli %get3A_541, %mul3A_543 : vector<16xi32>
    %get3A_545 = arith.constant 3 : i32
    %get3A_546 = arith.index_cast %get3A_545 : i32 to index
    %get3A_547 = arith.constant 0 : index
    %get3A_548 = tpu.vector_load %arg30[%get3A_546, %get3A_547] {strides = array<i32>} : memref<4x128xi32, #tpu.memory_space<vmem>>, vector<1x16xi32>,
    %get3A_549 = vector.shape_cast %get3A_548 : vector<1x16xi32> to vector<16xi32>
    %add3A_550 = arith.addi %mul3A_544, %get3A_549 : vector<16xi32>
    %swap3A_551 = arith.constant 3 : i32
    %swap3A_552 = arith.index_cast %swap3A_551 : i32 to index
    %swap3A_553 = arith.constant 0 : index
    %swap3A_554 = tpu.vector_load %arg36[%swap3A_552, %swap3A_553] {strides = array<i32>} : memref<4x128xi32, #tpu.memory_space<vmem>>, vector<1x16xi32>,
    %swap3A_555 = vector.shape_cast %swap3A_554 : vector<1x16xi32> to vector<16xi32>
    %swap3A_556 = vector.shape_cast %add3A_550 : vector<16xi32> to vector<1x16xi32>
    tpu.vector_store %arg36[%swap3A_552, %swap3A_553], %swap3A_556 {strides = array<i32>} : memref<4x128xi32, #tpu.memory_space<vmem>>, vector<1x16xi32>,
    %get3A_557 = arith.constant 3 : i32
    %get3A_558 = arith.index_cast %get3A_557 : i32 to index
    %get3A_559 = arith.constant 16 : index
    %get3A_560 = tpu.vector_load %arg29[%get3A_558, %get3A_559] {strides = array<i32>} : memref<4x128xi32, #tpu.memory_space<vmem>>, vector<1x16xi32>,
    %get3A_561 = vector.shape_cast %get3A_560 : vector<1x16xi32> to vector<16xi32>
    %mul3A_562 = arith.constant 3 : i32
    %mul3A_563 = vector.broadcast %mul3A_562 : i32 to vector<16xi32>
    %mul3A_564 = arith.muli %get3A_561, %mul3A_563 : vector<16xi32>
    %get3A_565 = arith.constant 3 : i32
    %get3A_566 = arith.index_cast %get3A_565 : i32 to index
    %get3A_567 = arith.constant 16 : index
    %get3A_568 = tpu.vector_load %arg30[%get3A_566, %get3A_567] {strides = array<i32>} : memref<4x128xi32, #tpu.memory_space<vmem>>, vector<1x16xi32>,
    %get3A_569 = vector.shape_cast %get3A_568 : vector<1x16xi32> to vector<16xi32>
    %add3A_570 = arith.addi %mul3A_564, %get3A_569 : vector<16xi32>
    %swap3A_571 = arith.constant 3 : i32
    %swap3A_572 = arith.index_cast %swap3A_571 : i32 to index
    %swap3A_573 = arith.constant 16 : index
    %swap3A_574 = tpu.vector_load %arg36[%swap3A_572, %swap3A_573] {strides = array<i32>} : memref<4x128xi32, #tpu.memory_space<vmem>>, vector<1x16xi32>,
    %swap3A_575 = vector.shape_cast %swap3A_574 : vector<1x16xi32> to vector<16xi32>
    %swap3A_576 = vector.shape_cast %add3A_570 : vector<16xi32> to vector<1x16xi32>
    tpu.vector_store %arg36[%swap3A_572, %swap3A_573], %swap3A_576 {strides = array<i32>} : memref<4x128xi32, #tpu.memory_space<vmem>>, vector<1x16xi32>,
    %get3A_577 = arith.constant 3 : i32
    %get3A_578 = arith.index_cast %get3A_577 : i32 to index
    %get3A_579 = arith.constant 32 : index
    %get3A_580 = tpu.vector_load %arg29[%get3A_578, %get3A_579] {strides = array<i32>} : memref<4x128xi32, #tpu.memory_space<vmem>>, vector<1x16xi32>,
    %get3A_581 = vector.shape_cast %get3A_580 : vector<1x16xi32> to vector<16xi32>
    %mul3A_582 = arith.constant 3 : i32
    %mul3A_583 = vector.broadcast %mul3A_582 : i32 to vector<16xi32>
    %mul3A_584 = arith.muli %get3A_581, %mul3A_583 : vector<16xi32>
    %get3A_585 = arith.constant 3 : i32
    %get3A_586 = arith.index_cast %get3A_585 : i32 to index
    %get3A_587 = arith.constant 32 : index
    %get3A_588 = tpu.vector_load %arg30[%get3A_586, %get3A_587] {strides = array<i32>} : memref<4x128xi32, #tpu.memory_space<vmem>>, vector<1x16xi32>,
    %get3A_589 = vector.shape_cast %get3A_588 : vector<1x16xi32> to vector<16xi32>
    %add3A_590 = arith.addi %mul3A_584, %get3A_589 : vector<16xi32>
    %swap3A_591 = arith.constant 3 : i32
    %swap3A_592 = arith.index_cast %swap3A_591 : i32 to index
    %swap3A_593 = arith.constant 32 : index
    %swap3A_594 = tpu.vector_load %arg36[%swap3A_592, %swap3A_593] {strides = array<i32>} : memref<4x128xi32, #tpu.memory_space<vmem>>, vector<1x16xi32>,
    %swap3A_595 = vector.shape_cast %swap3A_594 : vector<1x16xi32> to vector<16xi32>
    %swap3A_596 = vector.shape_cast %add3A_590 : vector<16xi32> to vector<1x16xi32>
    tpu.vector_store %arg36[%swap3A_592, %swap3A_593], %swap3A_596 {strides = array<i32>} : memref<4x128xi32, #tpu.memory_space<vmem>>, vector<1x16xi32>,
    %get3A_597 = arith.constant 3 : i32
    %get3A_598 = arith.index_cast %get3A_597 : i32 to index
    %get3A_599 = arith.constant 48 : index
    %get3A_600 = tpu.vector_load %arg29[%get3A_598, %get3A_599] {strides = array<i32>} : memref<4x128xi32, #tpu.memory_space<vmem>>, vector<1x16xi32>,
    %get3A_601 = vector.shape_cast %get3A_600 : vector<1x16xi32> to vector<16xi32>
    %mul3A_602 = arith.constant 3 : i32
    %mul3A_603 = vector.broadcast %mul3A_602 : i32 to vector<16xi32>
    %mul3A_604 = arith.muli %get3A_601, %mul3A_603 : vector<16xi32>
    %get3A_605 = arith.constant 3 : i32
    %get3A_606 = arith.index_cast %get3A_605 : i32 to index
    %get3A_607 = arith.constant 48 : index
    %get3A_608 = tpu.vector_load %arg30[%get3A_606, %get3A_607] {strides = array<i32>} : memref<4x128xi32, #tpu.memory_space<vmem>>, vector<1x16xi32>,
    %get3A_609 = vector.shape_cast %get3A_608 : vector<1x16xi32> to vector<16xi32>
    %add3A_610 = arith.addi %mul3A_604, %get3A_609 : vector<16xi32>
    %swap3A_611 = arith.constant 3 : i32
    %swap3A_612 = arith.index_cast %swap3A_611 : i32 to index
    %swap3A_613 = arith.constant 48 : index
    %swap3A_614 = tpu.vector_load %arg36[%swap3A_612, %swap3A_613] {strides = array<i32>} : memref<4x128xi32, #tpu.memory_space<vmem>>, vector<1x16xi32>,
    %swap3A_615 = vector.shape_cast %swap3A_614 : vector<1x16xi32> to vector<16xi32>
    %swap3A_616 = vector.shape_cast %add3A_610 : vector<16xi32> to vector<1x16xi32>
    tpu.vector_store %arg36[%swap3A_612, %swap3A_613], %swap3A_616 {strides = array<i32>} : memref<4x128xi32, #tpu.memory_space<vmem>>, vector<1x16xi32>,
    %get3A_617 = arith.constant 3 : i32
    %get3A_618 = arith.index_cast %get3A_617 : i32 to index
    %get3A_619 = arith.constant 64 : index
    %get3A_620 = tpu.vector_load %arg29[%get3A_618, %get3A_619] {strides = array<i32>} : memref<4x128xi32, #tpu.memory_space<vmem>>, vector<1x16xi32>,
    %get3A_621 = vector.shape_cast %get3A_620 : vector<1x16xi32> to vector<16xi32>
    %mul3A_622 = arith.constant 3 : i32
    %mul3A_623 = vector.broadcast %mul3A_622 : i32 to vector<16xi32>
    %mul3A_624 = arith.muli %get3A_621, %mul3A_623 : vector<16xi32>
    %get3A_625 = arith.constant 3 : i32
    %get3A_626 = arith.index_cast %get3A_625 : i32 to index
    %get3A_627 = arith.constant 64 : index
    %get3A_628 = tpu.vector_load %arg30[%get3A_626, %get3A_627] {strides = array<i32>} : memref<4x128xi32, #tpu.memory_space<vmem>>, vector<1x16xi32>,
    %get3A_629 = vector.shape_cast %get3A_628 : vector<1x16xi32> to vector<16xi32>
    %add3A_630 = arith.addi %mul3A_624, %get3A_629 : vector<16xi32>
    %swap3A_631 = arith.constant 3 : i32
    %swap3A_632 = arith.index_cast %swap3A_631 : i32 to index
    %swap3A_633 = arith.constant 64 : index
    %swap3A_634 = tpu.vector_load %arg36[%swap3A_632, %swap3A_633] {strides = array<i32>} : memref<4x128xi32, #tpu.memory_space<vmem>>, vector<1x16xi32>,
    %swap3A_635 = vector.shape_cast %swap3A_634 : vector<1x16xi32> to vector<16xi32>
    %swap3A_636 = vector.shape_cast %add3A_630 : vector<16xi32> to vector<1x16xi32>
    tpu.vector_store %arg36[%swap3A_632, %swap3A_633], %swap3A_636 {strides = array<i32>} : memref<4x128xi32, #tpu.memory_space<vmem>>, vector<1x16xi32>,
    %get3A_637 = arith.constant 3 : i32
    %get3A_638 = arith.index_cast %get3A_637 : i32 to index
    %get3A_639 = arith.constant 80 : index
    %get3A_640 = tpu.vector_load %arg29[%get3A_638, %get3A_639] {strides = array<i32>} : memref<4x128xi32, #tpu.memory_space<vmem>>, vector<1x16xi32>,
    %get3A_641 = vector.shape_cast %get3A_640 : vector<1x16xi32> to vector<16xi32>
    %mul3A_642 = arith.constant 3 : i32
    %mul3A_643 = vector.broadcast %mul3A_642 : i32 to vector<16xi32>
    %mul3A_644 = arith.muli %get3A_641, %mul3A_643 : vector<16xi32>
    %get3A_645 = arith.constant 3 : i32
    %get3A_646 = arith.index_cast %get3A_645 : i32 to index
    %get3A_647 = arith.constant 80 : index
    %get3A_648 = tpu.vector_load %arg30[%get3A_646, %get3A_647] {strides = array<i32>} : memref<4x128xi32, #tpu.memory_space<vmem>>, vector<1x16xi32>,
    %get3A_649 = vector.shape_cast %get3A_648 : vector<1x16xi32> to vector<16xi32>
    %add3A_650 = arith.addi %mul3A_644, %get3A_649 : vector<16xi32>
    %swap3A_651 = arith.constant 3 : i32
    %swap3A_652 = arith.index_cast %swap3A_651 : i32 to index
    %swap3A_653 = arith.constant 80 : index
    %swap3A_654 = tpu.vector_load %arg36[%swap3A_652, %swap3A_653] {strides = array<i32>} : memref<4x128xi32, #tpu.memory_space<vmem>>, vector<1x16xi32>,
    %swap3A_655 = vector.shape_cast %swap3A_654 : vector<1x16xi32> to vector<16xi32>
    %swap3A_656 = vector.shape_cast %add3A_650 : vector<16xi32> to vector<1x16xi32>
    tpu.vector_store %arg36[%swap3A_652, %swap3A_653], %swap3A_656 {strides = array<i32>} : memref<4x128xi32, #tpu.memory_space<vmem>>, vector<1x16xi32>,
    %get3A_657 = arith.constant 3 : i32
    %get3A_658 = arith.index_cast %get3A_657 : i32 to index
    %get3A_659 = arith.constant 96 : index
    %get3A_660 = tpu.vector_load %arg29[%get3A_658, %get3A_659] {strides = array<i32>} : memref<4x128xi32, #tpu.memory_space<vmem>>, vector<1x16xi32>,
    %get3A_661 = vector.shape_cast %get3A_660 : vector<1x16xi32> to vector<16xi32>
    %mul3A_662 = arith.constant 3 : i32
    %mul3A_663 = vector.broadcast %mul3A_662 : i32 to vector<16xi32>
    %mul3A_664 = arith.muli %get3A_661, %mul3A_663 : vector<16xi32>
    %get3A_665 = arith.constant 3 : i32
    %get3A_666 = arith.index_cast %get3A_665 : i32 to index
    %get3A_667 = arith.constant 96 : index
    %get3A_668 = tpu.vector_load %arg30[%get3A_666, %get3A_667] {strides = array<i32>} : memref<4x128xi32, #tpu.memory_space<vmem>>, vector<1x16xi32>,
    %get3A_669 = vector.shape_cast %get3A_668 : vector<1x16xi32> to vector<16xi32>
    %add3A_670 = arith.addi %mul3A_664, %get3A_669 : vector<16xi32>
    %swap3A_671 = arith.constant 3 : i32
    %swap3A_672 = arith.index_cast %swap3A_671 : i32 to index
    %swap3A_673 = arith.constant 96 : index
    %swap3A_674 = tpu.vector_load %arg36[%swap3A_672, %swap3A_673] {strides = array<i32>} : memref<4x128xi32, #tpu.memory_space<vmem>>, vector<1x16xi32>,
    %swap3A_675 = vector.shape_cast %swap3A_674 : vector<1x16xi32> to vector<16xi32>
    %swap3A_676 = vector.shape_cast %add3A_670 : vector<16xi32> to vector<1x16xi32>
    tpu.vector_store %arg36[%swap3A_672, %swap3A_673], %swap3A_676 {strides = array<i32>} : memref<4x128xi32, #tpu.memory_space<vmem>>, vector<1x16xi32>,
    %get3A_677 = arith.constant 3 : i32
    %get3A_678 = arith.index_cast %get3A_677 : i32 to index
    %get3A_679 = arith.constant 112 : index
    %get3A_680 = tpu.vector_load %arg29[%get3A_678, %get3A_679] {strides = array<i32>} : memref<4x128xi32, #tpu.memory_space<vmem>>, vector<1x16xi32>,
    %get3A_681 = vector.shape_cast %get3A_680 : vector<1x16xi32> to vector<16xi32>
    %mul3A_682 = arith.constant 3 : i32
    %mul3A_683 = vector.broadcast %mul3A_682 : i32 to vector<16xi32>
    %mul3A_684 = arith.muli %get3A_681, %mul3A_683 : vector<16xi32>
    %get3A_685 = arith.constant 3 : i32
    %get3A_686 = arith.index_cast %get3A_685 : i32 to index
    %get3A_687 = arith.constant 112 : index
    %get3A_688 = tpu.vector_load %arg30[%get3A_686, %get3A_687] {strides = array<i32>} : memref<4x128xi32, #tpu.memory_space<vmem>>, vector<1x16xi32>,
    %get3A_689 = vector.shape_cast %get3A_688 : vector<1x16xi32> to vector<16xi32>
    %add3A_690 = arith.addi %mul3A_684, %get3A_689 : vector<16xi32>
    %swap3A_691 = arith.constant 3 : i32
    %swap3A_692 = arith.index_cast %swap3A_691 : i32 to index
    %swap3A_693 = arith.constant 112 : index
    %swap3A_694 = tpu.vector_load %arg36[%swap3A_692, %swap3A_693] {strides = array<i32>} : memref<4x128xi32, #tpu.memory_space<vmem>>, vector<1x16xi32>,
    %swap3A_695 = vector.shape_cast %swap3A_694 : vector<1x16xi32> to vector<16xi32>
    %swap3A_696 = vector.shape_cast %add3A_690 : vector<16xi32> to vector<1x16xi32>
    tpu.vector_store %arg36[%swap3A_692, %swap3A_693], %swap3A_696 {strides = array<i32>} : memref<4x128xi32, #tpu.memory_space<vmem>>, vector<1x16xi32>,
    %get3A_697 = arith.constant 0 : i32
    %get3A_698 = arith.index_cast %get3A_697 : i32 to index
    %get3A_699 = arith.constant 0 : index
    %get3A_700 = tpu.vector_load %arg32[%get3A_698, %get3A_699] {strides = array<i32>} : memref<4x128xi32, #tpu.memory_space<vmem>>, vector<1x16xi32>,
    %get3A_701 = vector.shape_cast %get3A_700 : vector<1x16xi32> to vector<16xi32>
    %mul3A_702 = arith.constant 3 : i32
    %mul3A_703 = vector.broadcast %mul3A_702 : i32 to vector<16xi32>
    %mul3A_704 = arith.muli %get3A_701, %mul3A_703 : vector<16xi32>
    %get3A_705 = arith.constant 0 : i32
    %get3A_706 = arith.index_cast %get3A_705 : i32 to index
    %get3A_707 = arith.constant 0 : index
    %get3A_708 = tpu.vector_load %arg30[%get3A_706, %get3A_707] {strides = array<i32>} : memref<4x128xi32, #tpu.memory_space<vmem>>, vector<1x16xi32>,
    %get3A_709 = vector.shape_cast %get3A_708 : vector<1x16xi32> to vector<16xi32>
    %add3A_710 = arith.addi %mul3A_704, %get3A_709 : vector<16xi32>
    %swap3A_711 = arith.constant 0 : i32
    %swap3A_712 = arith.index_cast %swap3A_711 : i32 to index
    %swap3A_713 = arith.constant 0 : index
    %swap3A_714 = tpu.vector_load %arg37[%swap3A_712, %swap3A_713] {strides = array<i32>} : memref<4x128xi32, #tpu.memory_space<vmem>>, vector<1x16xi32>,
    %swap3A_715 = vector.shape_cast %swap3A_714 : vector<1x16xi32> to vector<16xi32>
    %swap3A_716 = vector.shape_cast %add3A_710 : vector<16xi32> to vector<1x16xi32>
    tpu.vector_store %arg37[%swap3A_712, %swap3A_713], %swap3A_716 {strides = array<i32>} : memref<4x128xi32, #tpu.memory_space<vmem>>, vector<1x16xi32>,
    %get3A_717 = arith.constant 0 : i32
    %get3A_718 = arith.index_cast %get3A_717 : i32 to index
    %get3A_719 = arith.constant 16 : index
    %get3A_720 = tpu.vector_load %arg32[%get3A_718, %get3A_719] {strides = array<i32>} : memref<4x128xi32, #tpu.memory_space<vmem>>, vector<1x16xi32>,
    %get3A_721 = vector.shape_cast %get3A_720 : vector<1x16xi32> to vector<16xi32>
    %mul3A_722 = arith.constant 3 : i32
    %mul3A_723 = vector.broadcast %mul3A_722 : i32 to vector<16xi32>
    %mul3A_724 = arith.muli %get3A_721, %mul3A_723 : vector<16xi32>
    %get3A_725 = arith.constant 0 : i32
    %get3A_726 = arith.index_cast %get3A_725 : i32 to index
    %get3A_727 = arith.constant 16 : index
    %get3A_728 = tpu.vector_load %arg30[%get3A_726, %get3A_727] {strides = array<i32>} : memref<4x128xi32, #tpu.memory_space<vmem>>, vector<1x16xi32>,
    %get3A_729 = vector.shape_cast %get3A_728 : vector<1x16xi32> to vector<16xi32>
    %add3A_730 = arith.addi %mul3A_724, %get3A_729 : vector<16xi32>
    %swap3A_731 = arith.constant 0 : i32
    %swap3A_732 = arith.index_cast %swap3A_731 : i32 to index
    %swap3A_733 = arith.constant 16 : index
    %swap3A_734 = tpu.vector_load %arg37[%swap3A_732, %swap3A_733] {strides = array<i32>} : memref<4x128xi32, #tpu.memory_space<vmem>>, vector<1x16xi32>,
    %swap3A_735 = vector.shape_cast %swap3A_734 : vector<1x16xi32> to vector<16xi32>
    %swap3A_736 = vector.shape_cast %add3A_730 : vector<16xi32> to vector<1x16xi32>
    tpu.vector_store %arg37[%swap3A_732, %swap3A_733], %swap3A_736 {strides = array<i32>} : memref<4x128xi32, #tpu.memory_space<vmem>>, vector<1x16xi32>,
    %get3A_737 = arith.constant 0 : i32
    %get3A_738 = arith.index_cast %get3A_737 : i32 to index
    %get3A_739 = arith.constant 32 : index
    %get3A_740 = tpu.vector_load %arg32[%get3A_738, %get3A_739] {strides = array<i32>} : memref<4x128xi32, #tpu.memory_space<vmem>>, vector<1x16xi32>,
    %get3A_741 = vector.shape_cast %get3A_740 : vector<1x16xi32> to vector<16xi32>
    %mul3A_742 = arith.constant 3 : i32
    %mul3A_743 = vector.broadcast %mul3A_742 : i32 to vector<16xi32>
    %mul3A_744 = arith.muli %get3A_741, %mul3A_743 : vector<16xi32>
    %get3A_745 = arith.constant 0 : i32
    %get3A_746 = arith.index_cast %get3A_745 : i32 to index
    %get3A_747 = arith.constant 32 : index
    %get3A_748 = tpu.vector_load %arg30[%get3A_746, %get3A_747] {strides = array<i32>} : memref<4x128xi32, #tpu.memory_space<vmem>>, vector<1x16xi32>,
    %get3A_749 = vector.shape_cast %get3A_748 : vector<1x16xi32> to vector<16xi32>
    %add3A_750 = arith.addi %mul3A_744, %get3A_749 : vector<16xi32>
    %swap3A_751 = arith.constant 0 : i32
    %swap3A_752 = arith.index_cast %swap3A_751 : i32 to index
    %swap3A_753 = arith.constant 32 : index
    %swap3A_754 = tpu.vector_load %arg37[%swap3A_752, %swap3A_753] {strides = array<i32>} : memref<4x128xi32, #tpu.memory_space<vmem>>, vector<1x16xi32>,
    %swap3A_755 = vector.shape_cast %swap3A_754 : vector<1x16xi32> to vector<16xi32>
    %swap3A_756 = vector.shape_cast %add3A_750 : vector<16xi32> to vector<1x16xi32>
    tpu.vector_store %arg37[%swap3A_752, %swap3A_753], %swap3A_756 {strides = array<i32>} : memref<4x128xi32, #tpu.memory_space<vmem>>, vector<1x16xi32>,
    %get3A_757 = arith.constant 0 : i32
    %get3A_758 = arith.index_cast %get3A_757 : i32 to index
    %get3A_759 = arith.constant 48 : index
    %get3A_760 = tpu.vector_load %arg32[%get3A_758, %get3A_759] {strides = array<i32>} : memref<4x128xi32, #tpu.memory_space<vmem>>, vector<1x16xi32>,
    %get3A_761 = vector.shape_cast %get3A_760 : vector<1x16xi32> to vector<16xi32>
    %mul3A_762 = arith.constant 3 : i32
    %mul3A_763 = vector.broadcast %mul3A_762 : i32 to vector<16xi32>
    %mul3A_764 = arith.muli %get3A_761, %mul3A_763 : vector<16xi32>
    %get3A_765 = arith.constant 0 : i32
    %get3A_766 = arith.index_cast %get3A_765 : i32 to index
    %get3A_767 = arith.constant 48 : index
    %get3A_768 = tpu.vector_load %arg30[%get3A_766, %get3A_767] {strides = array<i32>} : memref<4x128xi32, #tpu.memory_space<vmem>>, vector<1x16xi32>,
    %get3A_769 = vector.shape_cast %get3A_768 : vector<1x16xi32> to vector<16xi32>
    %add3A_770 = arith.addi %mul3A_764, %get3A_769 : vector<16xi32>
    %swap3A_771 = arith.constant 0 : i32
    %swap3A_772 = arith.index_cast %swap3A_771 : i32 to index
    %swap3A_773 = arith.constant 48 : index
    %swap3A_774 = tpu.vector_load %arg37[%swap3A_772, %swap3A_773] {strides = array<i32>} : memref<4x128xi32, #tpu.memory_space<vmem>>, vector<1x16xi32>,
    %swap3A_775 = vector.shape_cast %swap3A_774 : vector<1x16xi32> to vector<16xi32>
    %swap3A_776 = vector.shape_cast %add3A_770 : vector<16xi32> to vector<1x16xi32>
    tpu.vector_store %arg37[%swap3A_772, %swap3A_773], %swap3A_776 {strides = array<i32>} : memref<4x128xi32, #tpu.memory_space<vmem>>, vector<1x16xi32>,
    %get3A_777 = arith.constant 0 : i32
    %get3A_778 = arith.index_cast %get3A_777 : i32 to index
    %get3A_779 = arith.constant 64 : index
    %get3A_780 = tpu.vector_load %arg32[%get3A_778, %get3A_779] {strides = array<i32>} : memref<4x128xi32, #tpu.memory_space<vmem>>, vector<1x16xi32>,
    %get3A_781 = vector.shape_cast %get3A_780 : vector<1x16xi32> to vector<16xi32>
    %mul3A_782 = arith.constant 3 : i32
    %mul3A_783 = vector.broadcast %mul3A_782 : i32 to vector<16xi32>
    %mul3A_784 = arith.muli %get3A_781, %mul3A_783 : vector<16xi32>
    %get3A_785 = arith.constant 0 : i32
    %get3A_786 = arith.index_cast %get3A_785 : i32 to index
    %get3A_787 = arith.constant 64 : index
    %get3A_788 = tpu.vector_load %arg30[%get3A_786, %get3A_787] {strides = array<i32>} : memref<4x128xi32, #tpu.memory_space<vmem>>, vector<1x16xi32>,
    %get3A_789 = vector.shape_cast %get3A_788 : vector<1x16xi32> to vector<16xi32>
    %add3A_790 = arith.addi %mul3A_784, %get3A_789 : vector<16xi32>
    %swap3A_791 = arith.constant 0 : i32
    %swap3A_792 = arith.index_cast %swap3A_791 : i32 to index
    %swap3A_793 = arith.constant 64 : index
    %swap3A_794 = tpu.vector_load %arg37[%swap3A_792, %swap3A_793] {strides = array<i32>} : memref<4x128xi32, #tpu.memory_space<vmem>>, vector<1x16xi32>,
    %swap3A_795 = vector.shape_cast %swap3A_794 : vector<1x16xi32> to vector<16xi32>
    %swap3A_796 = vector.shape_cast %add3A_790 : vector<16xi32> to vector<1x16xi32>
    tpu.vector_store %arg37[%swap3A_792, %swap3A_793], %swap3A_796 {strides = array<i32>} : memref<4x128xi32, #tpu.memory_space<vmem>>, vector<1x16xi32>,
    %get3A_797 = arith.constant 0 : i32
    %get3A_798 = arith.index_cast %get3A_797 : i32 to index
    %get3A_799 = arith.constant 80 : index
    %get3A_800 = tpu.vector_load %arg32[%get3A_798, %get3A_799] {strides = array<i32>} : memref<4x128xi32, #tpu.memory_space<vmem>>, vector<1x16xi32>,
    %get3A_801 = vector.shape_cast %get3A_800 : vector<1x16xi32> to vector<16xi32>
    %mul3A_802 = arith.constant 3 : i32
    %mul3A_803 = vector.broadcast %mul3A_802 : i32 to vector<16xi32>
    %mul3A_804 = arith.muli %get3A_801, %mul3A_803 : vector<16xi32>
    %get3A_805 = arith.constant 0 : i32
    %get3A_806 = arith.index_cast %get3A_805 : i32 to index
    %get3A_807 = arith.constant 80 : index
    %get3A_808 = tpu.vector_load %arg30[%get3A_806, %get3A_807] {strides = array<i32>} : memref<4x128xi32, #tpu.memory_space<vmem>>, vector<1x16xi32>,
    %get3A_809 = vector.shape_cast %get3A_808 : vector<1x16xi32> to vector<16xi32>
    %add3A_810 = arith.addi %mul3A_804, %get3A_809 : vector<16xi32>
    %swap3A_811 = arith.constant 0 : i32
    %swap3A_812 = arith.index_cast %swap3A_811 : i32 to index
    %swap3A_813 = arith.constant 80 : index
    %swap3A_814 = tpu.vector_load %arg37[%swap3A_812, %swap3A_813] {strides = array<i32>} : memref<4x128xi32, #tpu.memory_space<vmem>>, vector<1x16xi32>,
    %swap3A_815 = vector.shape_cast %swap3A_814 : vector<1x16xi32> to vector<16xi32>
    %swap3A_816 = vector.shape_cast %add3A_810 : vector<16xi32> to vector<1x16xi32>
    tpu.vector_store %arg37[%swap3A_812, %swap3A_813], %swap3A_816 {strides = array<i32>} : memref<4x128xi32, #tpu.memory_space<vmem>>, vector<1x16xi32>,
    %get3A_817 = arith.constant 0 : i32
    %get3A_818 = arith.index_cast %get3A_817 : i32 to index
    %get3A_819 = arith.constant 96 : index
    %get3A_820 = tpu.vector_load %arg32[%get3A_818, %get3A_819] {strides = array<i32>} : memref<4x128xi32, #tpu.memory_space<vmem>>, vector<1x16xi32>,
    %get3A_821 = vector.shape_cast %get3A_820 : vector<1x16xi32> to vector<16xi32>
    %mul3A_822 = arith.constant 3 : i32
    %mul3A_823 = vector.broadcast %mul3A_822 : i32 to vector<16xi32>
    %mul3A_824 = arith.muli %get3A_821, %mul3A_823 : vector<16xi32>
    %get3A_825 = arith.constant 0 : i32
    %get3A_826 = arith.index_cast %get3A_825 : i32 to index
    %get3A_827 = arith.constant 96 : index
    %get3A_828 = tpu.vector_load %arg30[%get3A_826, %get3A_827] {strides = array<i32>} : memref<4x128xi32, #tpu.memory_space<vmem>>, vector<1x16xi32>,
    %get3A_829 = vector.shape_cast %get3A_828 : vector<1x16xi32> to vector<16xi32>
    %add3A_830 = arith.addi %mul3A_824, %get3A_829 : vector<16xi32>
    %swap3A_831 = arith.constant 0 : i32
    %swap3A_832 = arith.index_cast %swap3A_831 : i32 to index
    %swap3A_833 = arith.constant 96 : index
    %swap3A_834 = tpu.vector_load %arg37[%swap3A_832, %swap3A_833] {strides = array<i32>} : memref<4x128xi32, #tpu.memory_space<vmem>>, vector<1x16xi32>,
    %swap3A_835 = vector.shape_cast %swap3A_834 : vector<1x16xi32> to vector<16xi32>
    %swap3A_836 = vector.shape_cast %add3A_830 : vector<16xi32> to vector<1x16xi32>
    tpu.vector_store %arg37[%swap3A_832, %swap3A_833], %swap3A_836 {strides = array<i32>} : memref<4x128xi32, #tpu.memory_space<vmem>>, vector<1x16xi32>,
    %get3A_837 = arith.constant 0 : i32
    %get3A_838 = arith.index_cast %get3A_837 : i32 to index
    %get3A_839 = arith.constant 112 : index
    %get3A_840 = tpu.vector_load %arg32[%get3A_838, %get3A_839] {strides = array<i32>} : memref<4x128xi32, #tpu.memory_space<vmem>>, vector<1x16xi32>,
    %get3A_841 = vector.shape_cast %get3A_840 : vector<1x16xi32> to vector<16xi32>
    %mul3A_842 = arith.constant 3 : i32
    %mul3A_843 = vector.broadcast %mul3A_842 : i32 to vector<16xi32>
    %mul3A_844 = arith.muli %get3A_841, %mul3A_843 : vector<16xi32>
    %get3A_845 = arith.constant 0 : i32
    %get3A_846 = arith.index_cast %get3A_845 : i32 to index
    %get3A_847 = arith.constant 112 : index
    %get3A_848 = tpu.vector_load %arg30[%get3A_846, %get3A_847] {strides = array<i32>} : memref<4x128xi32, #tpu.memory_space<vmem>>, vector<1x16xi32>,
    %get3A_849 = vector.shape_cast %get3A_848 : vector<1x16xi32> to vector<16xi32>
    %add3A_850 = arith.addi %mul3A_844, %get3A_849 : vector<16xi32>
    %swap3A_851 = arith.constant 0 : i32
    %swap3A_852 = arith.index_cast %swap3A_851 : i32 to index
    %swap3A_853 = arith.constant 112 : index
    %swap3A_854 = tpu.vector_load %arg37[%swap3A_852, %swap3A_853] {strides = array<i32>} : memref<4x128xi32, #tpu.memory_space<vmem>>, vector<1x16xi32>,
    %swap3A_855 = vector.shape_cast %swap3A_854 : vector<1x16xi32> to vector<16xi32>
    %swap3A_856 = vector.shape_cast %add3A_850 : vector<16xi32> to vector<1x16xi32>
    tpu.vector_store %arg37[%swap3A_852, %swap3A_853], %swap3A_856 {strides = array<i32>} : memref<4x128xi32, #tpu.memory_space<vmem>>, vector<1x16xi32>,
    %get3A_857 = arith.constant 1 : i32
    %get3A_858 = arith.index_cast %get3A_857 : i32 to index
    %get3A_859 = arith.constant 0 : index
    %get3A_860 = tpu.vector_load %arg32[%get3A_858, %get3A_859] {strides = array<i32>} : memref<4x128xi32, #tpu.memory_space<vmem>>, vector<1x16xi32>,
    %get3A_861 = vector.shape_cast %get3A_860 : vector<1x16xi32> to vector<16xi32>
    %mul3A_862 = arith.constant 3 : i32
    %mul3A_863 = vector.broadcast %mul3A_862 : i32 to vector<16xi32>
    %mul3A_864 = arith.muli %get3A_861, %mul3A_863 : vector<16xi32>
    %get3A_865 = arith.constant 1 : i32
    %get3A_866 = arith.index_cast %get3A_865 : i32 to index
    %get3A_867 = arith.constant 0 : index
    %get3A_868 = tpu.vector_load %arg30[%get3A_866, %get3A_867] {strides = array<i32>} : memref<4x128xi32, #tpu.memory_space<vmem>>, vector<1x16xi32>,
    %get3A_869 = vector.shape_cast %get3A_868 : vector<1x16xi32> to vector<16xi32>
    %add3A_870 = arith.addi %mul3A_864, %get3A_869 : vector<16xi32>
    %swap3A_871 = arith.constant 1 : i32
    %swap3A_872 = arith.index_cast %swap3A_871 : i32 to index
    %swap3A_873 = arith.constant 0 : index
    %swap3A_874 = tpu.vector_load %arg37[%swap3A_872, %swap3A_873] {strides = array<i32>} : memref<4x128xi32, #tpu.memory_space<vmem>>, vector<1x16xi32>,
    %swap3A_875 = vector.shape_cast %swap3A_874 : vector<1x16xi32> to vector<16xi32>
    %swap3A_876 = vector.shape_cast %add3A_870 : vector<16xi32> to vector<1x16xi32>
    tpu.vector_store %arg37[%swap3A_872, %swap3A_873], %swap3A_876 {strides = array<i32>} : memref<4x128xi32, #tpu.memory_space<vmem>>, vector<1x16xi32>,
    %get3A_877 = arith.constant 1 : i32
    %get3A_878 = arith.index_cast %get3A_877 : i32 to index
    %get3A_879 = arith.constant 16 : index
    %get3A_880 = tpu.vector_load %arg32[%get3A_878, %get3A_879] {strides = array<i32>} : memref<4x128xi32, #tpu.memory_space<vmem>>, vector<1x16xi32>,
    %get3A_881 = vector.shape_cast %get3A_880 : vector<1x16xi32> to vector<16xi32>
    %mul3A_882 = arith.constant 3 : i32
    %mul3A_883 = vector.broadcast %mul3A_882 : i32 to vector<16xi32>
    %mul3A_884 = arith.muli %get3A_881, %mul3A_883 : vector<16xi32>
    %get3A_885 = arith.constant 1 : i32
    %get3A_886 = arith.index_cast %get3A_885 : i32 to index
    %get3A_887 = arith.constant 16 : index
    %get3A_888 = tpu.vector_load %arg30[%get3A_886, %get3A_887] {strides = array<i32>} : memref<4x128xi32, #tpu.memory_space<vmem>>, vector<1x16xi32>,
    %get3A_889 = vector.shape_cast %get3A_888 : vector<1x16xi32> to vector<16xi32>
    %add3A_890 = arith.addi %mul3A_884, %get3A_889 : vector<16xi32>
    %swap3A_891 = arith.constant 1 : i32
    %swap3A_892 = arith.index_cast %swap3A_891 : i32 to index
    %swap3A_893 = arith.constant 16 : index
    %swap3A_894 = tpu.vector_load %arg37[%swap3A_892, %swap3A_893] {strides = array<i32>} : memref<4x128xi32, #tpu.memory_space<vmem>>, vector<1x16xi32>,
    %swap3A_895 = vector.shape_cast %swap3A_894 : vector<1x16xi32> to vector<16xi32>
    %swap3A_896 = vector.shape_cast %add3A_890 : vector<16xi32> to vector<1x16xi32>
    tpu.vector_store %arg37[%swap3A_892, %swap3A_893], %swap3A_896 {strides = array<i32>} : memref<4x128xi32, #tpu.memory_space<vmem>>, vector<1x16xi32>,
    %get3A_897 = arith.constant 1 : i32
    %get3A_898 = arith.index_cast %get3A_897 : i32 to index
    %get3A_899 = arith.constant 32 : index
    %get3A_900 = tpu.vector_load %arg32[%get3A_898, %get3A_899] {strides = array<i32>} : memref<4x128xi32, #tpu.memory_space<vmem>>, vector<1x16xi32>,
    %get3A_901 = vector.shape_cast %get3A_900 : vector<1x16xi32> to vector<16xi32>
    %mul3A_902 = arith.constant 3 : i32
    %mul3A_903 = vector.broadcast %mul3A_902 : i32 to vector<16xi32>
    %mul3A_904 = arith.muli %get3A_901, %mul3A_903 : vector<16xi32>
    %get3A_905 = arith.constant 1 : i32
    %get3A_906 = arith.index_cast %get3A_905 : i32 to index
    %get3A_907 = arith.constant 32 : index
    %get3A_908 = tpu.vector_load %arg30[%get3A_906, %get3A_907] {strides = array<i32>} : memref<4x128xi32, #tpu.memory_space<vmem>>, vector<1x16xi32>,
    %get3A_909 = vector.shape_cast %get3A_908 : vector<1x16xi32> to vector<16xi32>
    %add3A_910 = arith.addi %mul3A_904, %get3A_909 : vector<16xi32>
    %swap3A_911 = arith.constant 1 : i32
    %swap3A_912 = arith.index_cast %swap3A_911 : i32 to index
    %swap3A_913 = arith.constant 32 : index
    %swap3A_914 = tpu.vector_load %arg37[%swap3A_912, %swap3A_913] {strides = array<i32>} : memref<4x128xi32, #tpu.memory_space<vmem>>, vector<1x16xi32>,
    %swap3A_915 = vector.shape_cast %swap3A_914 : vector<1x16xi32> to vector<16xi32>
    %swap3A_916 = vector.shape_cast %add3A_910 : vector<16xi32> to vector<1x16xi32>
    tpu.vector_store %arg37[%swap3A_912, %swap3A_913], %swap3A_916 {strides = array<i32>} : memref<4x128xi32, #tpu.memory_space<vmem>>, vector<1x16xi32>,
    %get3A_917 = arith.constant 1 : i32
    %get3A_918 = arith.index_cast %get3A_917 : i32 to index
    %get3A_919 = arith.constant 48 : index
    %get3A_920 = tpu.vector_load %arg32[%get3A_918, %get3A_919] {strides = array<i32>} : memref<4x128xi32, #tpu.memory_space<vmem>>, vector<1x16xi32>,
    %get3A_921 = vector.shape_cast %get3A_920 : vector<1x16xi32> to vector<16xi32>
    %mul3A_922 = arith.constant 3 : i32
    %mul3A_923 = vector.broadcast %mul3A_922 : i32 to vector<16xi32>
    %mul3A_924 = arith.muli %get3A_921, %mul3A_923 : vector<16xi32>
    %get3A_925 = arith.constant 1 : i32
    %get3A_926 = arith.index_cast %get3A_925 : i32 to index
    %get3A_927 = arith.constant 48 : index
    %get3A_928 = tpu.vector_load %arg30[%get3A_926, %get3A_927] {strides = array<i32>} : memref<4x128xi32, #tpu.memory_space<vmem>>, vector<1x16xi32>,
    %get3A_929 = vector.shape_cast %get3A_928 : vector<1x16xi32> to vector<16xi32>
    %add3A_930 = arith.addi %mul3A_924, %get3A_929 : vector<16xi32>
    %swap3A_931 = arith.constant 1 : i32
    %swap3A_932 = arith.index_cast %swap3A_931 : i32 to index
    %swap3A_933 = arith.constant 48 : index
    %swap3A_934 = tpu.vector_load %arg37[%swap3A_932, %swap3A_933] {strides = array<i32>} : memref<4x128xi32, #tpu.memory_space<vmem>>, vector<1x16xi32>,
    %swap3A_935 = vector.shape_cast %swap3A_934 : vector<1x16xi32> to vector<16xi32>
    %swap3A_936 = vector.shape_cast %add3A_930 : vector<16xi32> to vector<1x16xi32>
    tpu.vector_store %arg37[%swap3A_932, %swap3A_933], %swap3A_936 {strides = array<i32>} : memref<4x128xi32, #tpu.memory_space<vmem>>, vector<1x16xi32>,
    %get3A_937 = arith.constant 1 : i32
    %get3A_938 = arith.index_cast %get3A_937 : i32 to index
    %get3A_939 = arith.constant 64 : index
    %get3A_940 = tpu.vector_load %arg32[%get3A_938, %get3A_939] {strides = array<i32>} : memref<4x128xi32, #tpu.memory_space<vmem>>, vector<1x16xi32>,
    %get3A_941 = vector.shape_cast %get3A_940 : vector<1x16xi32> to vector<16xi32>
    %mul3A_942 = arith.constant 3 : i32
    %mul3A_943 = vector.broadcast %mul3A_942 : i32 to vector<16xi32>
    %mul3A_944 = arith.muli %get3A_941, %mul3A_943 : vector<16xi32>
    %get3A_945 = arith.constant 1 : i32
    %get3A_946 = arith.index_cast %get3A_945 : i32 to index
    %get3A_947 = arith.constant 64 : index
    %get3A_948 = tpu.vector_load %arg30[%get3A_946, %get3A_947] {strides = array<i32>} : memref<4x128xi32, #tpu.memory_space<vmem>>, vector<1x16xi32>,
    %get3A_949 = vector.shape_cast %get3A_948 : vector<1x16xi32> to vector<16xi32>
    %add3A_950 = arith.addi %mul3A_944, %get3A_949 : vector<16xi32>
    %swap3A_951 = arith.constant 1 : i32
    %swap3A_952 = arith.index_cast %swap3A_951 : i32 to index
    %swap3A_953 = arith.constant 64 : index
    %swap3A_954 = tpu.vector_load %arg37[%swap3A_952, %swap3A_953] {strides = array<i32>} : memref<4x128xi32, #tpu.memory_space<vmem>>, vector<1x16xi32>,
    %swap3A_955 = vector.shape_cast %swap3A_954 : vector<1x16xi32> to vector<16xi32>
    %swap3A_956 = vector.shape_cast %add3A_950 : vector<16xi32> to vector<1x16xi32>
    tpu.vector_store %arg37[%swap3A_952, %swap3A_953], %swap3A_956 {strides = array<i32>} : memref<4x128xi32, #tpu.memory_space<vmem>>, vector<1x16xi32>,
    %get3A_957 = arith.constant 1 : i32
    %get3A_958 = arith.index_cast %get3A_957 : i32 to index
    %get3A_959 = arith.constant 80 : index
    %get3A_960 = tpu.vector_load %arg32[%get3A_958, %get3A_959] {strides = array<i32>} : memref<4x128xi32, #tpu.memory_space<vmem>>, vector<1x16xi32>,
    %get3A_961 = vector.shape_cast %get3A_960 : vector<1x16xi32> to vector<16xi32>
    %mul3A_962 = arith.constant 3 : i32
    %mul3A_963 = vector.broadcast %mul3A_962 : i32 to vector<16xi32>
    %mul3A_964 = arith.muli %get3A_961, %mul3A_963 : vector<16xi32>
    %get3A_965 = arith.constant 1 : i32
    %get3A_966 = arith.index_cast %get3A_965 : i32 to index
    %get3A_967 = arith.constant 80 : index
    %get3A_968 = tpu.vector_load %arg30[%get3A_966, %get3A_967] {strides = array<i32>} : memref<4x128xi32, #tpu.memory_space<vmem>>, vector<1x16xi32>,
    %get3A_969 = vector.shape_cast %get3A_968 : vector<1x16xi32> to vector<16xi32>
    %add3A_970 = arith.addi %mul3A_964, %get3A_969 : vector<16xi32>
    %swap3A_971 = arith.constant 1 : i32
    %swap3A_972 = arith.index_cast %swap3A_971 : i32 to index
    %swap3A_973 = arith.constant 80 : index
    %swap3A_974 = tpu.vector_load %arg37[%swap3A_972, %swap3A_973] {strides = array<i32>} : memref<4x128xi32, #tpu.memory_space<vmem>>, vector<1x16xi32>,
    %swap3A_975 = vector.shape_cast %swap3A_974 : vector<1x16xi32> to vector<16xi32>
    %swap3A_976 = vector.shape_cast %add3A_970 : vector<16xi32> to vector<1x16xi32>
    tpu.vector_store %arg37[%swap3A_972, %swap3A_973], %swap3A_976 {strides = array<i32>} : memref<4x128xi32, #tpu.memory_space<vmem>>, vector<1x16xi32>,
    %get3A_977 = arith.constant 1 : i32
    %get3A_978 = arith.index_cast %get3A_977 : i32 to index
    %get3A_979 = arith.constant 96 : index
    %get3A_980 = tpu.vector_load %arg32[%get3A_978, %get3A_979] {strides = array<i32>} : memref<4x128xi32, #tpu.memory_space<vmem>>, vector<1x16xi32>,
    %get3A_981 = vector.shape_cast %get3A_980 : vector<1x16xi32> to vector<16xi32>
    %mul3A_982 = arith.constant 3 : i32
    %mul3A_983 = vector.broadcast %mul3A_982 : i32 to vector<16xi32>
    %mul3A_984 = arith.muli %get3A_981, %mul3A_983 : vector<16xi32>
    %get3A_985 = arith.constant 1 : i32
    %get3A_986 = arith.index_cast %get3A_985 : i32 to index
    %get3A_987 = arith.constant 96 : index
    %get3A_988 = tpu.vector_load %arg30[%get3A_986, %get3A_987] {strides = array<i32>} : memref<4x128xi32, #tpu.memory_space<vmem>>, vector<1x16xi32>,
    %get3A_989 = vector.shape_cast %get3A_988 : vector<1x16xi32> to vector<16xi32>
    %add3A_990 = arith.addi %mul3A_984, %get3A_989 : vector<16xi32>
    %swap3A_991 = arith.constant 1 : i32
    %swap3A_992 = arith.index_cast %swap3A_991 : i32 to index
    %swap3A_993 = arith.constant 96 : index
    %swap3A_994 = tpu.vector_load %arg37[%swap3A_992, %swap3A_993] {strides = array<i32>} : memref<4x128xi32, #tpu.memory_space<vmem>>, vector<1x16xi32>,
    %swap3A_995 = vector.shape_cast %swap3A_994 : vector<1x16xi32> to vector<16xi32>
    %swap3A_996 = vector.shape_cast %add3A_990 : vector<16xi32> to vector<1x16xi32>
    tpu.vector_store %arg37[%swap3A_992, %swap3A_993], %swap3A_996 {strides = array<i32>} : memref<4x128xi32, #tpu.memory_space<vmem>>, vector<1x16xi32>,
    %get3A_997 = arith.constant 1 : i32
    %get3A_998 = arith.index_cast %get3A_997 : i32 to index
    %get3A_999 = arith.constant 112 : index
    %get3A_1000 = tpu.vector_load %arg32[%get3A_998, %get3A_999] {strides = array<i32>} : memref<4x128xi32, #tpu.memory_space<vmem>>, vector<1x16xi32>,
    %get3A_1001 = vector.shape_cast %get3A_1000 : vector<1x16xi32> to vector<16xi32>
    %mul3A_1002 = arith.constant 3 : i32
    %mul3A_1003 = vector.broadcast %mul3A_1002 : i32 to vector<16xi32>
    %mul3A_1004 = arith.muli %get3A_1001, %mul3A_1003 : vector<16xi32>
    %get3A_1005 = arith.constant 1 : i32
    %get3A_1006 = arith.index_cast %get3A_1005 : i32 to index
    %get3A_1007 = arith.constant 112 : index
    %get3A_1008 = tpu.vector_load %arg30[%get3A_1006, %get3A_1007] {strides = array<i32>} : memref<4x128xi32, #tpu.memory_space<vmem>>, vector<1x16xi32>,
    %get3A_1009 = vector.shape_cast %get3A_1008 : vector<1x16xi32> to vector<16xi32>
    %add3A_1010 = arith.addi %mul3A_1004, %get3A_1009 : vector<16xi32>
    %swap3A_1011 = arith.constant 1 : i32
    %swap3A_1012 = arith.index_cast %swap3A_1011 : i32 to index
    %swap3A_1013 = arith.constant 112 : index
    %swap3A_1014 = tpu.vector_load %arg37[%swap3A_1012, %swap3A_1013] {strides = array<i32>} : memref<4x128xi32, #tpu.memory_space<vmem>>, vector<1x16xi32>,
    %swap3A_1015 = vector.shape_cast %swap3A_1014 : vector<1x16xi32> to vector<16xi32>
    %swap3A_1016 = vector.shape_cast %add3A_1010 : vector<16xi32> to vector<1x16xi32>
    tpu.vector_store %arg37[%swap3A_1012, %swap3A_1013], %swap3A_1016 {strides = array<i32>} : memref<4x128xi32, #tpu.memory_space<vmem>>, vector<1x16xi32>,
    %get3A_1017 = arith.constant 2 : i32
    %get3A_1018 = arith.index_cast %get3A_1017 : i32 to index
    %get3A_1019 = arith.constant 0 : index
    %get3A_1020 = tpu.vector_load %arg32[%get3A_1018, %get3A_1019] {strides = array<i32>} : memref<4x128xi32, #tpu.memory_space<vmem>>, vector<1x16xi32>,
    %get3A_1021 = vector.shape_cast %get3A_1020 : vector<1x16xi32> to vector<16xi32>
    %mul3A_1022 = arith.constant 3 : i32
    %mul3A_1023 = vector.broadcast %mul3A_1022 : i32 to vector<16xi32>
    %mul3A_1024 = arith.muli %get3A_1021, %mul3A_1023 : vector<16xi32>
    %get3A_1025 = arith.constant 2 : i32
    %get3A_1026 = arith.index_cast %get3A_1025 : i32 to index
    %get3A_1027 = arith.constant 0 : index
    %get3A_1028 = tpu.vector_load %arg30[%get3A_1026, %get3A_1027] {strides = array<i32>} : memref<4x128xi32, #tpu.memory_space<vmem>>, vector<1x16xi32>,
    %get3A_1029 = vector.shape_cast %get3A_1028 : vector<1x16xi32> to vector<16xi32>
    %add3A_1030 = arith.addi %mul3A_1024, %get3A_1029 : vector<16xi32>
    %swap3A_1031 = arith.constant 2 : i32
    %swap3A_1032 = arith.index_cast %swap3A_1031 : i32 to index
    %swap3A_1033 = arith.constant 0 : index
    %swap3A_1034 = tpu.vector_load %arg37[%swap3A_1032, %swap3A_1033] {strides = array<i32>} : memref<4x128xi32, #tpu.memory_space<vmem>>, vector<1x16xi32>,
    %swap3A_1035 = vector.shape_cast %swap3A_1034 : vector<1x16xi32> to vector<16xi32>
    %swap3A_1036 = vector.shape_cast %add3A_1030 : vector<16xi32> to vector<1x16xi32>
    tpu.vector_store %arg37[%swap3A_1032, %swap3A_1033], %swap3A_1036 {strides = array<i32>} : memref<4x128xi32, #tpu.memory_space<vmem>>, vector<1x16xi32>,
    %get3A_1037 = arith.constant 2 : i32
    %get3A_1038 = arith.index_cast %get3A_1037 : i32 to index
    %get3A_1039 = arith.constant 16 : index
    %get3A_1040 = tpu.vector_load %arg32[%get3A_1038, %get3A_1039] {strides = array<i32>} : memref<4x128xi32, #tpu.memory_space<vmem>>, vector<1x16xi32>,
    %get3A_1041 = vector.shape_cast %get3A_1040 : vector<1x16xi32> to vector<16xi32>
    %mul3A_1042 = arith.constant 3 : i32
    %mul3A_1043 = vector.broadcast %mul3A_1042 : i32 to vector<16xi32>
    %mul3A_1044 = arith.muli %get3A_1041, %mul3A_1043 : vector<16xi32>
    %get3A_1045 = arith.constant 2 : i32
    %get3A_1046 = arith.index_cast %get3A_1045 : i32 to index
    %get3A_1047 = arith.constant 16 : index
    %get3A_1048 = tpu.vector_load %arg30[%get3A_1046, %get3A_1047] {strides = array<i32>} : memref<4x128xi32, #tpu.memory_space<vmem>>, vector<1x16xi32>,
    %get3A_1049 = vector.shape_cast %get3A_1048 : vector<1x16xi32> to vector<16xi32>
    %add3A_1050 = arith.addi %mul3A_1044, %get3A_1049 : vector<16xi32>
    %swap3A_1051 = arith.constant 2 : i32
    %swap3A_1052 = arith.index_cast %swap3A_1051 : i32 to index
    %swap3A_1053 = arith.constant 16 : index
    %swap3A_1054 = tpu.vector_load %arg37[%swap3A_1052, %swap3A_1053] {strides = array<i32>} : memref<4x128xi32, #tpu.memory_space<vmem>>, vector<1x16xi32>,
    %swap3A_1055 = vector.shape_cast %swap3A_1054 : vector<1x16xi32> to vector<16xi32>
    %swap3A_1056 = vector.shape_cast %add3A_1050 : vector<16xi32> to vector<1x16xi32>
    tpu.vector_store %arg37[%swap3A_1052, %swap3A_1053], %swap3A_1056 {strides = array<i32>} : memref<4x128xi32, #tpu.memory_space<vmem>>, vector<1x16xi32>,
    %get3A_1057 = arith.constant 2 : i32
    %get3A_1058 = arith.index_cast %get3A_1057 : i32 to index
    %get3A_1059 = arith.constant 32 : index
    %get3A_1060 = tpu.vector_load %arg32[%get3A_1058, %get3A_1059] {strides = array<i32>} : memref<4x128xi32, #tpu.memory_space<vmem>>, vector<1x16xi32>,
    %get3A_1061 = vector.shape_cast %get3A_1060 : vector<1x16xi32> to vector<16xi32>
    %mul3A_1062 = arith.constant 3 : i32
    %mul3A_1063 = vector.broadcast %mul3A_1062 : i32 to vector<16xi32>
    %mul3A_1064 = arith.muli %get3A_1061, %mul3A_1063 : vector<16xi32>
    %get3A_1065 = arith.constant 2 : i32
    %get3A_1066 = arith.index_cast %get3A_1065 : i32 to index
    %get3A_1067 = arith.constant 32 : index
    %get3A_1068 = tpu.vector_load %arg30[%get3A_1066, %get3A_1067] {strides = array<i32>} : memref<4x128xi32, #tpu.memory_space<vmem>>, vector<1x16xi32>,
    %get3A_1069 = vector.shape_cast %get3A_1068 : vector<1x16xi32> to vector<16xi32>
    %add3A_1070 = arith.addi %mul3A_1064, %get3A_1069 : vector<16xi32>
    %swap3A_1071 = arith.constant 2 : i32
    %swap3A_1072 = arith.index_cast %swap3A_1071 : i32 to index
    %swap3A_1073 = arith.constant 32 : index
    %swap3A_1074 = tpu.vector_load %arg37[%swap3A_1072, %swap3A_1073] {strides = array<i32>} : memref<4x128xi32, #tpu.memory_space<vmem>>, vector<1x16xi32>,
    %swap3A_1075 = vector.shape_cast %swap3A_1074 : vector<1x16xi32> to vector<16xi32>
    %swap3A_1076 = vector.shape_cast %add3A_1070 : vector<16xi32> to vector<1x16xi32>
    tpu.vector_store %arg37[%swap3A_1072, %swap3A_1073], %swap3A_1076 {strides = array<i32>} : memref<4x128xi32, #tpu.memory_space<vmem>>, vector<1x16xi32>,
    %get3A_1077 = arith.constant 2 : i32
    %get3A_1078 = arith.index_cast %get3A_1077 : i32 to index
    %get3A_1079 = arith.constant 48 : index
    %get3A_1080 = tpu.vector_load %arg32[%get3A_1078, %get3A_1079] {strides = array<i32>} : memref<4x128xi32, #tpu.memory_space<vmem>>, vector<1x16xi32>,
    %get3A_1081 = vector.shape_cast %get3A_1080 : vector<1x16xi32> to vector<16xi32>
    %mul3A_1082 = arith.constant 3 : i32
    %mul3A_1083 = vector.broadcast %mul3A_1082 : i32 to vector<16xi32>
    %mul3A_1084 = arith.muli %get3A_1081, %mul3A_1083 : vector<16xi32>
    %get3A_1085 = arith.constant 2 : i32
    %get3A_1086 = arith.index_cast %get3A_1085 : i32 to index
    %get3A_1087 = arith.constant 48 : index
    %get3A_1088 = tpu.vector_load %arg30[%get3A_1086, %get3A_1087] {strides = array<i32>} : memref<4x128xi32, #tpu.memory_space<vmem>>, vector<1x16xi32>,
    %get3A_1089 = vector.shape_cast %get3A_1088 : vector<1x16xi32> to vector<16xi32>
    %add3A_1090 = arith.addi %mul3A_1084, %get3A_1089 : vector<16xi32>
    %swap3A_1091 = arith.constant 2 : i32
    %swap3A_1092 = arith.index_cast %swap3A_1091 : i32 to index
    %swap3A_1093 = arith.constant 48 : index
    %swap3A_1094 = tpu.vector_load %arg37[%swap3A_1092, %swap3A_1093] {strides = array<i32>} : memref<4x128xi32, #tpu.memory_space<vmem>>, vector<1x16xi32>,
    %swap3A_1095 = vector.shape_cast %swap3A_1094 : vector<1x16xi32> to vector<16xi32>
    %swap3A_1096 = vector.shape_cast %add3A_1090 : vector<16xi32> to vector<1x16xi32>
    tpu.vector_store %arg37[%swap3A_1092, %swap3A_1093], %swap3A_1096 {strides = array<i32>} : memref<4x128xi32, #tpu.memory_space<vmem>>, vector<1x16xi32>,
    %get3A_1097 = arith.constant 2 : i32
    %get3A_1098 = arith.index_cast %get3A_1097 : i32 to index
    %get3A_1099 = arith.constant 64 : index
    %get3A_1100 = tpu.vector_load %arg32[%get3A_1098, %get3A_1099] {strides = array<i32>} : memref<4x128xi32, #tpu.memory_space<vmem>>, vector<1x16xi32>,
    %get3A_1101 = vector.shape_cast %get3A_1100 : vector<1x16xi32> to vector<16xi32>
    %mul3A_1102 = arith.constant 3 : i32
    %mul3A_1103 = vector.broadcast %mul3A_1102 : i32 to vector<16xi32>
    %mul3A_1104 = arith.muli %get3A_1101, %mul3A_1103 : vector<16xi32>
    %get3A_1105 = arith.constant 2 : i32
    %get3A_1106 = arith.index_cast %get3A_1105 : i32 to index
    %get3A_1107 = arith.constant 64 : index
    %get3A_1108 = tpu.vector_load %arg30[%get3A_1106, %get3A_1107] {strides = array<i32>} : memref<4x128xi32, #tpu.memory_space<vmem>>, vector<1x16xi32>,
    %get3A_1109 = vector.shape_cast %get3A_1108 : vector<1x16xi32> to vector<16xi32>
    %add3A_1110 = arith.addi %mul3A_1104, %get3A_1109 : vector<16xi32>
    %swap3A_1111 = arith.constant 2 : i32
    %swap3A_1112 = arith.index_cast %swap3A_1111 : i32 to index
    %swap3A_1113 = arith.constant 64 : index
    %swap3A_1114 = tpu.vector_load %arg37[%swap3A_1112, %swap3A_1113] {strides = array<i32>} : memref<4x128xi32, #tpu.memory_space<vmem>>, vector<1x16xi32>,
    %swap3A_1115 = vector.shape_cast %swap3A_1114 : vector<1x16xi32> to vector<16xi32>
    %swap3A_1116 = vector.shape_cast %add3A_1110 : vector<16xi32> to vector<1x16xi32>
    tpu.vector_store %arg37[%swap3A_1112, %swap3A_1113], %swap3A_1116 {strides = array<i32>} : memref<4x128xi32, #tpu.memory_space<vmem>>, vector<1x16xi32>,
    %get3A_1117 = arith.constant 2 : i32
    %get3A_1118 = arith.index_cast %get3A_1117 : i32 to index
    %get3A_1119 = arith.constant 80 : index
    %get3A_1120 = tpu.vector_load %arg32[%get3A_1118, %get3A_1119] {strides = array<i32>} : memref<4x128xi32, #tpu.memory_space<vmem>>, vector<1x16xi32>,
    %get3A_1121 = vector.shape_cast %get3A_1120 : vector<1x16xi32> to vector<16xi32>
    %mul3A_1122 = arith.constant 3 : i32
    %mul3A_1123 = vector.broadcast %mul3A_1122 : i32 to vector<16xi32>
    %mul3A_1124 = arith.muli %get3A_1121, %mul3A_1123 : vector<16xi32>
    %get3A_1125 = arith.constant 2 : i32
    %get3A_1126 = arith.index_cast %get3A_1125 : i32 to index
    %get3A_1127 = arith.constant 80 : index
    %get3A_1128 = tpu.vector_load %arg30[%get3A_1126, %get3A_1127] {strides = array<i32>} : memref<4x128xi32, #tpu.memory_space<vmem>>, vector<1x16xi32>,
    %get3A_1129 = vector.shape_cast %get3A_1128 : vector<1x16xi32> to vector<16xi32>
    %add3A_1130 = arith.addi %mul3A_1124, %get3A_1129 : vector<16xi32>
    %swap3A_1131 = arith.constant 2 : i32
    %swap3A_1132 = arith.index_cast %swap3A_1131 : i32 to index
    %swap3A_1133 = arith.constant 80 : index
    %swap3A_1134 = tpu.vector_load %arg37[%swap3A_1132, %swap3A_1133] {strides = array<i32>} : memref<4x128xi32, #tpu.memory_space<vmem>>, vector<1x16xi32>,
    %swap3A_1135 = vector.shape_cast %swap3A_1134 : vector<1x16xi32> to vector<16xi32>
    %swap3A_1136 = vector.shape_cast %add3A_1130 : vector<16xi32> to vector<1x16xi32>
    tpu.vector_store %arg37[%swap3A_1132, %swap3A_1133], %swap3A_1136 {strides = array<i32>} : memref<4x128xi32, #tpu.memory_space<vmem>>, vector<1x16xi32>,
    %get3A_1137 = arith.constant 2 : i32
    %get3A_1138 = arith.index_cast %get3A_1137 : i32 to index
    %get3A_1139 = arith.constant 96 : index
    %get3A_1140 = tpu.vector_load %arg32[%get3A_1138, %get3A_1139] {strides = array<i32>} : memref<4x128xi32, #tpu.memory_space<vmem>>, vector<1x16xi32>,
    %get3A_1141 = vector.shape_cast %get3A_1140 : vector<1x16xi32> to vector<16xi32>
    %mul3A_1142 = arith.constant 3 : i32
    %mul3A_1143 = vector.broadcast %mul3A_1142 : i32 to vector<16xi32>
    %mul3A_1144 = arith.muli %get3A_1141, %mul3A_1143 : vector<16xi32>
    %get3A_1145 = arith.constant 2 : i32
    %get3A_1146 = arith.index_cast %get3A_1145 : i32 to index
    %get3A_1147 = arith.constant 96 : index
    %get3A_1148 = tpu.vector_load %arg30[%get3A_1146, %get3A_1147] {strides = array<i32>} : memref<4x128xi32, #tpu.memory_space<vmem>>, vector<1x16xi32>,
    %get3A_1149 = vector.shape_cast %get3A_1148 : vector<1x16xi32> to vector<16xi32>
    %add3A_1150 = arith.addi %mul3A_1144, %get3A_1149 : vector<16xi32>
    %swap3A_1151 = arith.constant 2 : i32
    %swap3A_1152 = arith.index_cast %swap3A_1151 : i32 to index
    %swap3A_1153 = arith.constant 96 : index
    %swap3A_1154 = tpu.vector_load %arg37[%swap3A_1152, %swap3A_1153] {strides = array<i32>} : memref<4x128xi32, #tpu.memory_space<vmem>>, vector<1x16xi32>,
    %swap3A_1155 = vector.shape_cast %swap3A_1154 : vector<1x16xi32> to vector<16xi32>
    %swap3A_1156 = vector.shape_cast %add3A_1150 : vector<16xi32> to vector<1x16xi32>
    tpu.vector_store %arg37[%swap3A_1152, %swap3A_1153], %swap3A_1156 {strides = array<i32>} : memref<4x128xi32, #tpu.memory_space<vmem>>, vector<1x16xi32>,
    %get3A_1157 = arith.constant 2 : i32
    %get3A_1158 = arith.index_cast %get3A_1157 : i32 to index
    %get3A_1159 = arith.constant 112 : index
    %get3A_1160 = tpu.vector_load %arg32[%get3A_1158, %get3A_1159] {strides = array<i32>} : memref<4x128xi32, #tpu.memory_space<vmem>>, vector<1x16xi32>,
    %get3A_1161 = vector.shape_cast %get3A_1160 : vector<1x16xi32> to vector<16xi32>
    %mul3A_1162 = arith.constant 3 : i32
    %mul3A_1163 = vector.broadcast %mul3A_1162 : i32 to vector<16xi32>
    %mul3A_1164 = arith.muli %get3A_1161, %mul3A_1163 : vector<16xi32>
    %get3A_1165 = arith.constant 2 : i32
    %get3A_1166 = arith.index_cast %get3A_1165 : i32 to index
    %get3A_1167 = arith.constant 112 : index
    %get3A_1168 = tpu.vector_load %arg30[%get3A_1166, %get3A_1167] {strides = array<i32>} : memref<4x128xi32, #tpu.memory_space<vmem>>, vector<1x16xi32>,
    %get3A_1169 = vector.shape_cast %get3A_1168 : vector<1x16xi32> to vector<16xi32>
    %add3A_1170 = arith.addi %mul3A_1164, %get3A_1169 : vector<16xi32>
    %swap3A_1171 = arith.constant 2 : i32
    %swap3A_1172 = arith.index_cast %swap3A_1171 : i32 to index
    %swap3A_1173 = arith.constant 112 : index
    %swap3A_1174 = tpu.vector_load %arg37[%swap3A_1172, %swap3A_1173] {strides = array<i32>} : memref<4x128xi32, #tpu.memory_space<vmem>>, vector<1x16xi32>,
    %swap3A_1175 = vector.shape_cast %swap3A_1174 : vector<1x16xi32> to vector<16xi32>
    %swap3A_1176 = vector.shape_cast %add3A_1170 : vector<16xi32> to vector<1x16xi32>
    tpu.vector_store %arg37[%swap3A_1172, %swap3A_1173], %swap3A_1176 {strides = array<i32>} : memref<4x128xi32, #tpu.memory_space<vmem>>, vector<1x16xi32>,
    %get3A_1177 = arith.constant 3 : i32
    %get3A_1178 = arith.index_cast %get3A_1177 : i32 to index
    %get3A_1179 = arith.constant 0 : index
    %get3A_1180 = tpu.vector_load %arg32[%get3A_1178, %get3A_1179] {strides = array<i32>} : memref<4x128xi32, #tpu.memory_space<vmem>>, vector<1x16xi32>,
    %get3A_1181 = vector.shape_cast %get3A_1180 : vector<1x16xi32> to vector<16xi32>
    %mul3A_1182 = arith.constant 3 : i32
    %mul3A_1183 = vector.broadcast %mul3A_1182 : i32 to vector<16xi32>
    %mul3A_1184 = arith.muli %get3A_1181, %mul3A_1183 : vector<16xi32>
    %get3A_1185 = arith.constant 3 : i32
    %get3A_1186 = arith.index_cast %get3A_1185 : i32 to index
    %get3A_1187 = arith.constant 0 : index
    %get3A_1188 = tpu.vector_load %arg30[%get3A_1186, %get3A_1187] {strides = array<i32>} : memref<4x128xi32, #tpu.memory_space<vmem>>, vector<1x16xi32>,
    %get3A_1189 = vector.shape_cast %get3A_1188 : vector<1x16xi32> to vector<16xi32>
    %add3A_1190 = arith.addi %mul3A_1184, %get3A_1189 : vector<16xi32>
    %swap3A_1191 = arith.constant 3 : i32
    %swap3A_1192 = arith.index_cast %swap3A_1191 : i32 to index
    %swap3A_1193 = arith.constant 0 : index
    %swap3A_1194 = tpu.vector_load %arg37[%swap3A_1192, %swap3A_1193] {strides = array<i32>} : memref<4x128xi32, #tpu.memory_space<vmem>>, vector<1x16xi32>,
    %swap3A_1195 = vector.shape_cast %swap3A_1194 : vector<1x16xi32> to vector<16xi32>
    %swap3A_1196 = vector.shape_cast %add3A_1190 : vector<16xi32> to vector<1x16xi32>
    tpu.vector_store %arg37[%swap3A_1192, %swap3A_1193], %swap3A_1196 {strides = array<i32>} : memref<4x128xi32, #tpu.memory_space<vmem>>, vector<1x16xi32>,
    %get3A_1197 = arith.constant 3 : i32
    %get3A_1198 = arith.index_cast %get3A_1197 : i32 to index
    %get3A_1199 = arith.constant 16 : index
    %get3A_1200 = tpu.vector_load %arg32[%get3A_1198, %get3A_1199] {strides = array<i32>} : memref<4x128xi32, #tpu.memory_space<vmem>>, vector<1x16xi32>,
    %get3A_1201 = vector.shape_cast %get3A_1200 : vector<1x16xi32> to vector<16xi32>
    %mul3A_1202 = arith.constant 3 : i32
    %mul3A_1203 = vector.broadcast %mul3A_1202 : i32 to vector<16xi32>
    %mul3A_1204 = arith.muli %get3A_1201, %mul3A_1203 : vector<16xi32>
    %get3A_1205 = arith.constant 3 : i32
    %get3A_1206 = arith.index_cast %get3A_1205 : i32 to index
    %get3A_1207 = arith.constant 16 : index
    %get3A_1208 = tpu.vector_load %arg30[%get3A_1206, %get3A_1207] {strides = array<i32>} : memref<4x128xi32, #tpu.memory_space<vmem>>, vector<1x16xi32>,
    %get3A_1209 = vector.shape_cast %get3A_1208 : vector<1x16xi32> to vector<16xi32>
    %add3A_1210 = arith.addi %mul3A_1204, %get3A_1209 : vector<16xi32>
    %swap3A_1211 = arith.constant 3 : i32
    %swap3A_1212 = arith.index_cast %swap3A_1211 : i32 to index
    %swap3A_1213 = arith.constant 16 : index
    %swap3A_1214 = tpu.vector_load %arg37[%swap3A_1212, %swap3A_1213] {strides = array<i32>} : memref<4x128xi32, #tpu.memory_space<vmem>>, vector<1x16xi32>,
    %swap3A_1215 = vector.shape_cast %swap3A_1214 : vector<1x16xi32> to vector<16xi32>
    %swap3A_1216 = vector.shape_cast %add3A_1210 : vector<16xi32> to vector<1x16xi32>
    tpu.vector_store %arg37[%swap3A_1212, %swap3A_1213], %swap3A_1216 {strides = array<i32>} : memref<4x128xi32, #tpu.memory_space<vmem>>, vector<1x16xi32>,
    %get3A_1217 = arith.constant 3 : i32
    %get3A_1218 = arith.index_cast %get3A_1217 : i32 to index
    %get3A_1219 = arith.constant 32 : index
    %get3A_1220 = tpu.vector_load %arg32[%get3A_1218, %get3A_1219] {strides = array<i32>} : memref<4x128xi32, #tpu.memory_space<vmem>>, vector<1x16xi32>,
    %get3A_1221 = vector.shape_cast %get3A_1220 : vector<1x16xi32> to vector<16xi32>
    %mul3A_1222 = arith.constant 3 : i32
    %mul3A_1223 = vector.broadcast %mul3A_1222 : i32 to vector<16xi32>
    %mul3A_1224 = arith.muli %get3A_1221, %mul3A_1223 : vector<16xi32>
    %get3A_1225 = arith.constant 3 : i32
    %get3A_1226 = arith.index_cast %get3A_1225 : i32 to index
    %get3A_1227 = arith.constant 32 : index
    %get3A_1228 = tpu.vector_load %arg30[%get3A_1226, %get3A_1227] {strides = array<i32>} : memref<4x128xi32, #tpu.memory_space<vmem>>, vector<1x16xi32>,
    %get3A_1229 = vector.shape_cast %get3A_1228 : vector<1x16xi32> to vector<16xi32>
    %add3A_1230 = arith.addi %mul3A_1224, %get3A_1229 : vector<16xi32>
    %swap3A_1231 = arith.constant 3 : i32
    %swap3A_1232 = arith.index_cast %swap3A_1231 : i32 to index
    %swap3A_1233 = arith.constant 32 : index
    %swap3A_1234 = tpu.vector_load %arg37[%swap3A_1232, %swap3A_1233] {strides = array<i32>} : memref<4x128xi32, #tpu.memory_space<vmem>>, vector<1x16xi32>,
    %swap3A_1235 = vector.shape_cast %swap3A_1234 : vector<1x16xi32> to vector<16xi32>
    %swap3A_1236 = vector.shape_cast %add3A_1230 : vector<16xi32> to vector<1x16xi32>
    tpu.vector_store %arg37[%swap3A_1232, %swap3A_1233], %swap3A_1236 {strides = array<i32>} : memref<4x128xi32, #tpu.memory_space<vmem>>, vector<1x16xi32>,
    %get3A_1237 = arith.constant 3 : i32
    %get3A_1238 = arith.index_cast %get3A_1237 : i32 to index
    %get3A_1239 = arith.constant 48 : index
    %get3A_1240 = tpu.vector_load %arg32[%get3A_1238, %get3A_1239] {strides = array<i32>} : memref<4x128xi32, #tpu.memory_space<vmem>>, vector<1x16xi32>,
    %get3A_1241 = vector.shape_cast %get3A_1240 : vector<1x16xi32> to vector<16xi32>
    %mul3A_1242 = arith.constant 3 : i32
    %mul3A_1243 = vector.broadcast %mul3A_1242 : i32 to vector<16xi32>
    %mul3A_1244 = arith.muli %get3A_1241, %mul3A_1243 : vector<16xi32>
    %get3A_1245 = arith.constant 3 : i32
    %get3A_1246 = arith.index_cast %get3A_1245 : i32 to index
    %get3A_1247 = arith.constant 48 : index
    %get3A_1248 = tpu.vector_load %arg30[%get3A_1246, %get3A_1247] {strides = array<i32>} : memref<4x128xi32, #tpu.memory_space<vmem>>, vector<1x16xi32>,
    %get3A_1249 = vector.shape_cast %get3A_1248 : vector<1x16xi32> to vector<16xi32>
    %add3A_1250 = arith.addi %mul3A_1244, %get3A_1249 : vector<16xi32>
    %swap3A_1251 = arith.constant 3 : i32
    %swap3A_1252 = arith.index_cast %swap3A_1251 : i32 to index
    %swap3A_1253 = arith.constant 48 : index
    %swap3A_1254 = tpu.vector_load %arg37[%swap3A_1252, %swap3A_1253] {strides = array<i32>} : memref<4x128xi32, #tpu.memory_space<vmem>>, vector<1x16xi32>,
    %swap3A_1255 = vector.shape_cast %swap3A_1254 : vector<1x16xi32> to vector<16xi32>
    %swap3A_1256 = vector.shape_cast %add3A_1250 : vector<16xi32> to vector<1x16xi32>
    tpu.vector_store %arg37[%swap3A_1252, %swap3A_1253], %swap3A_1256 {strides = array<i32>} : memref<4x128xi32, #tpu.memory_space<vmem>>, vector<1x16xi32>,
    %get3A_1257 = arith.constant 3 : i32
    %get3A_1258 = arith.index_cast %get3A_1257 : i32 to index
    %get3A_1259 = arith.constant 64 : index
    %get3A_1260 = tpu.vector_load %arg32[%get3A_1258, %get3A_1259] {strides = array<i32>} : memref<4x128xi32, #tpu.memory_space<vmem>>, vector<1x16xi32>,
    %get3A_1261 = vector.shape_cast %get3A_1260 : vector<1x16xi32> to vector<16xi32>
    %mul3A_1262 = arith.constant 3 : i32
    %mul3A_1263 = vector.broadcast %mul3A_1262 : i32 to vector<16xi32>
    %mul3A_1264 = arith.muli %get3A_1261, %mul3A_1263 : vector<16xi32>
    %get3A_1265 = arith.constant 3 : i32
    %get3A_1266 = arith.index_cast %get3A_1265 : i32 to index
    %get3A_1267 = arith.constant 64 : index
    %get3A_1268 = tpu.vector_load %arg30[%get3A_1266, %get3A_1267] {strides = array<i32>} : memref<4x128xi32, #tpu.memory_space<vmem>>, vector<1x16xi32>,
    %get3A_1269 = vector.shape_cast %get3A_1268 : vector<1x16xi32> to vector<16xi32>
    %add3A_1270 = arith.addi %mul3A_1264, %get3A_1269 : vector<16xi32>
    %swap3A_1271 = arith.constant 3 : i32
    %swap3A_1272 = arith.index_cast %swap3A_1271 : i32 to index
    %swap3A_1273 = arith.constant 64 : index
    %swap3A_1274 = tpu.vector_load %arg37[%swap3A_1272, %swap3A_1273] {strides = array<i32>} : memref<4x128xi32, #tpu.memory_space<vmem>>, vector<1x16xi32>,
    %swap3A_1275 = vector.shape_cast %swap3A_1274 : vector<1x16xi32> to vector<16xi32>
    %swap3A_1276 = vector.shape_cast %add3A_1270 : vector<16xi32> to vector<1x16xi32>
    tpu.vector_store %arg37[%swap3A_1272, %swap3A_1273], %swap3A_1276 {strides = array<i32>} : memref<4x128xi32, #tpu.memory_space<vmem>>, vector<1x16xi32>,
    %get3A_1277 = arith.constant 3 : i32
    %get3A_1278 = arith.index_cast %get3A_1277 : i32 to index
    %get3A_1279 = arith.constant 80 : index
    %get3A_1280 = tpu.vector_load %arg32[%get3A_1278, %get3A_1279] {strides = array<i32>} : memref<4x128xi32, #tpu.memory_space<vmem>>, vector<1x16xi32>,
    %get3A_1281 = vector.shape_cast %get3A_1280 : vector<1x16xi32> to vector<16xi32>
    %mul3A_1282 = arith.constant 3 : i32
    %mul3A_1283 = vector.broadcast %mul3A_1282 : i32 to vector<16xi32>
    %mul3A_1284 = arith.muli %get3A_1281, %mul3A_1283 : vector<16xi32>
    %get3A_1285 = arith.constant 3 : i32
    %get3A_1286 = arith.index_cast %get3A_1285 : i32 to index
    %get3A_1287 = arith.constant 80 : index
    %get3A_1288 = tpu.vector_load %arg30[%get3A_1286, %get3A_1287] {strides = array<i32>} : memref<4x128xi32, #tpu.memory_space<vmem>>, vector<1x16xi32>,
    %get3A_1289 = vector.shape_cast %get3A_1288 : vector<1x16xi32> to vector<16xi32>
    %add3A_1290 = arith.addi %mul3A_1284, %get3A_1289 : vector<16xi32>
    %swap3A_1291 = arith.constant 3 : i32
    %swap3A_1292 = arith.index_cast %swap3A_1291 : i32 to index
    %swap3A_1293 = arith.constant 80 : index
    %swap3A_1294 = tpu.vector_load %arg37[%swap3A_1292, %swap3A_1293] {strides = array<i32>} : memref<4x128xi32, #tpu.memory_space<vmem>>, vector<1x16xi32>,
    %swap3A_1295 = vector.shape_cast %swap3A_1294 : vector<1x16xi32> to vector<16xi32>
    %swap3A_1296 = vector.shape_cast %add3A_1290 : vector<16xi32> to vector<1x16xi32>
    tpu.vector_store %arg37[%swap3A_1292, %swap3A_1293], %swap3A_1296 {strides = array<i32>} : memref<4x128xi32, #tpu.memory_space<vmem>>, vector<1x16xi32>,
    %get3A_1297 = arith.constant 3 : i32
    %get3A_1298 = arith.index_cast %get3A_1297 : i32 to index
    %get3A_1299 = arith.constant 96 : index
    %get3A_1300 = tpu.vector_load %arg32[%get3A_1298, %get3A_1299] {strides = array<i32>} : memref<4x128xi32, #tpu.memory_space<vmem>>, vector<1x16xi32>,
    %get3A_1301 = vector.shape_cast %get3A_1300 : vector<1x16xi32> to vector<16xi32>
    %mul3A_1302 = arith.constant 3 : i32
    %mul3A_1303 = vector.broadcast %mul3A_1302 : i32 to vector<16xi32>
    %mul3A_1304 = arith.muli %get3A_1301, %mul3A_1303 : vector<16xi32>
    %get3A_1305 = arith.constant 3 : i32
    %get3A_1306 = arith.index_cast %get3A_1305 : i32 to index
    %get3A_1307 = arith.constant 96 : index
    %get3A_1308 = tpu.vector_load %arg30[%get3A_1306, %get3A_1307] {strides = array<i32>} : memref<4x128xi32, #tpu.memory_space<vmem>>, vector<1x16xi32>,
    %get3A_1309 = vector.shape_cast %get3A_1308 : vector<1x16xi32> to vector<16xi32>
    %add3A_1310 = arith.addi %mul3A_1304, %get3A_1309 : vector<16xi32>
    %swap3A_1311 = arith.constant 3 : i32
    %swap3A_1312 = arith.index_cast %swap3A_1311 : i32 to index
    %swap3A_1313 = arith.constant 96 : index
    %swap3A_1314 = tpu.vector_load %arg37[%swap3A_1312, %swap3A_1313] {strides = array<i32>} : memref<4x128xi32, #tpu.memory_space<vmem>>, vector<1x16xi32>,
    %swap3A_1315 = vector.shape_cast %swap3A_1314 : vector<1x16xi32> to vector<16xi32>
    %swap3A_1316 = vector.shape_cast %add3A_1310 : vector<16xi32> to vector<1x16xi32>
    tpu.vector_store %arg37[%swap3A_1312, %swap3A_1313], %swap3A_1316 {strides = array<i32>} : memref<4x128xi32, #tpu.memory_space<vmem>>, vector<1x16xi32>,
    %get3A_1317 = arith.constant 3 : i32
    %get3A_1318 = arith.index_cast %get3A_1317 : i32 to index
    %get3A_1319 = arith.constant 112 : index
    %get3A_1320 = tpu.vector_load %arg32[%get3A_1318, %get3A_1319] {strides = array<i32>} : memref<4x128xi32, #tpu.memory_space<vmem>>, vector<1x16xi32>,
    %get3A_1321 = vector.shape_cast %get3A_1320 : vector<1x16xi32> to vector<16xi32>
    %mul3A_1322 = arith.constant 3 : i32
    %mul3A_1323 = vector.broadcast %mul3A_1322 : i32 to vector<16xi32>
    %mul3A_1324 = arith.muli %get3A_1321, %mul3A_1323 : vector<16xi32>
    %get3A_1325 = arith.constant 3 : i32
    %get3A_1326 = arith.index_cast %get3A_1325 : i32 to index
    %get3A_1327 = arith.constant 112 : index
    %get3A_1328 = tpu.vector_load %arg30[%get3A_1326, %get3A_1327] {strides = array<i32>} : memref<4x128xi32, #tpu.memory_space<vmem>>, vector<1x16xi32>,
    %get3A_1329 = vector.shape_cast %get3A_1328 : vector<1x16xi32> to vector<16xi32>
    %add3A_1330 = arith.addi %mul3A_1324, %get3A_1329 : vector<16xi32>
    %swap3A_1331 = arith.constant 3 : i32
    %swap3A_1332 = arith.index_cast %swap3A_1331 : i32 to index
    %swap3A_1333 = arith.constant 112 : index
    %swap3A_1334 = tpu.vector_load %arg37[%swap3A_1332, %swap3A_1333] {strides = array<i32>} : memref<4x128xi32, #tpu.memory_space<vmem>>, vector<1x16xi32>,
    %swap3A_1335 = vector.shape_cast %swap3A_1334 : vector<1x16xi32> to vector<16xi32>
    %swap3A_1336 = vector.shape_cast %add3A_1330 : vector<16xi32> to vector<1x16xi32>
    tpu.vector_store %arg37[%swap3A_1332, %swap3A_1333], %swap3A_1336 {strides = array<i32>} : memref<4x128xi32, #tpu.memory_space<vmem>>, vector<1x16xi32>,
    %get3A_1337 = arith.constant 0 : i32
    %get3A_1338 = arith.index_cast %get3A_1337 : i32 to index
    %get3A_1339 = arith.constant 0 : index
    %get3A_1340 = tpu.vector_load %arg34[%get3A_1338, %get3A_1339] {strides = array<i32>} : memref<4x128xi32, #tpu.memory_space<vmem>>, vector<1x16xi32>,
    %get3A_1341 = vector.shape_cast %get3A_1340 : vector<1x16xi32> to vector<16xi32>
    %mul3A_1342 = arith.constant 4 : i32
    %mul3A_1343 = vector.broadcast %mul3A_1342 : i32 to vector<16xi32>
    %mul3A_1344 = arith.muli %get3A_1341, %mul3A_1343 : vector<16xi32>
    %get3A_1345 = arith.constant 0 : i32
    %get3A_1346 = arith.index_cast %get3A_1345 : i32 to index
    %get3A_1347 = arith.constant 0 : index
    %get3A_1348 = tpu.vector_load %arg35[%get3A_1346, %get3A_1347] {strides = array<i32>} : memref<4x128xi32, #tpu.memory_space<vmem>>, vector<1x16xi32>,
    %get3A_1349 = vector.shape_cast %get3A_1348 : vector<1x16xi32> to vector<16xi32>
    %add3A_1350 = arith.addi %mul3A_1344, %get3A_1349 : vector<16xi32>
    %swap3A_1351 = arith.constant 0 : i32
    %swap3A_1352 = arith.index_cast %swap3A_1351 : i32 to index
    %swap3A_1353 = arith.constant 0 : index
    %swap3A_1354 = tpu.vector_load %arg38[%swap3A_1352, %swap3A_1353] {strides = array<i32>} : memref<4x128xi32, #tpu.memory_space<vmem>>, vector<1x16xi32>,
    %swap3A_1355 = vector.shape_cast %swap3A_1354 : vector<1x16xi32> to vector<16xi32>
    %swap3A_1356 = vector.shape_cast %add3A_1350 : vector<16xi32> to vector<1x16xi32>
    tpu.vector_store %arg38[%swap3A_1352, %swap3A_1353], %swap3A_1356 {strides = array<i32>} : memref<4x128xi32, #tpu.memory_space<vmem>>, vector<1x16xi32>,
    %get3A_1357 = arith.constant 0 : i32
    %get3A_1358 = arith.index_cast %get3A_1357 : i32 to index
    %get3A_1359 = arith.constant 16 : index
    %get3A_1360 = tpu.vector_load %arg34[%get3A_1358, %get3A_1359] {strides = array<i32>} : memref<4x128xi32, #tpu.memory_space<vmem>>, vector<1x16xi32>,
    %get3A_1361 = vector.shape_cast %get3A_1360 : vector<1x16xi32> to vector<16xi32>
    %mul3A_1362 = arith.constant 4 : i32
    %mul3A_1363 = vector.broadcast %mul3A_1362 : i32 to vector<16xi32>
    %mul3A_1364 = arith.muli %get3A_1361, %mul3A_1363 : vector<16xi32>
    %get3A_1365 = arith.constant 0 : i32
    %get3A_1366 = arith.index_cast %get3A_1365 : i32 to index
    %get3A_1367 = arith.constant 16 : index
    %get3A_1368 = tpu.vector_load %arg35[%get3A_1366, %get3A_1367] {strides = array<i32>} : memref<4x128xi32, #tpu.memory_space<vmem>>, vector<1x16xi32>,
    %get3A_1369 = vector.shape_cast %get3A_1368 : vector<1x16xi32> to vector<16xi32>
    %add3A_1370 = arith.addi %mul3A_1364, %get3A_1369 : vector<16xi32>
    %swap3A_1371 = arith.constant 0 : i32
    %swap3A_1372 = arith.index_cast %swap3A_1371 : i32 to index
    %swap3A_1373 = arith.constant 16 : index
    %swap3A_1374 = tpu.vector_load %arg38[%swap3A_1372, %swap3A_1373] {strides = array<i32>} : memref<4x128xi32, #tpu.memory_space<vmem>>, vector<1x16xi32>,
    %swap3A_1375 = vector.shape_cast %swap3A_1374 : vector<1x16xi32> to vector<16xi32>
    %swap3A_1376 = vector.shape_cast %add3A_1370 : vector<16xi32> to vector<1x16xi32>
    tpu.vector_store %arg38[%swap3A_1372, %swap3A_1373], %swap3A_1376 {strides = array<i32>} : memref<4x128xi32, #tpu.memory_space<vmem>>, vector<1x16xi32>,
    %get3A_1377 = arith.constant 0 : i32
    %get3A_1378 = arith.index_cast %get3A_1377 : i32 to index
    %get3A_1379 = arith.constant 32 : index
    %get3A_1380 = tpu.vector_load %arg34[%get3A_1378, %get3A_1379] {strides = array<i32>} : memref<4x128xi32, #tpu.memory_space<vmem>>, vector<1x16xi32>,
    %get3A_1381 = vector.shape_cast %get3A_1380 : vector<1x16xi32> to vector<16xi32>
    %mul3A_1382 = arith.constant 4 : i32
    %mul3A_1383 = vector.broadcast %mul3A_1382 : i32 to vector<16xi32>
    %mul3A_1384 = arith.muli %get3A_1381, %mul3A_1383 : vector<16xi32>
    %get3A_1385 = arith.constant 0 : i32
    %get3A_1386 = arith.index_cast %get3A_1385 : i32 to index
    %get3A_1387 = arith.constant 32 : index
    %get3A_1388 = tpu.vector_load %arg35[%get3A_1386, %get3A_1387] {strides = array<i32>} : memref<4x128xi32, #tpu.memory_space<vmem>>, vector<1x16xi32>,
    %get3A_1389 = vector.shape_cast %get3A_1388 : vector<1x16xi32> to vector<16xi32>
    %add3A_1390 = arith.addi %mul3A_1384, %get3A_1389 : vector<16xi32>
    %swap3A_1391 = arith.constant 0 : i32
    %swap3A_1392 = arith.index_cast %swap3A_1391 : i32 to index
    %swap3A_1393 = arith.constant 32 : index
    %swap3A_1394 = tpu.vector_load %arg38[%swap3A_1392, %swap3A_1393] {strides = array<i32>} : memref<4x128xi32, #tpu.memory_space<vmem>>, vector<1x16xi32>,
    %swap3A_1395 = vector.shape_cast %swap3A_1394 : vector<1x16xi32> to vector<16xi32>
    %swap3A_1396 = vector.shape_cast %add3A_1390 : vector<16xi32> to vector<1x16xi32>
    tpu.vector_store %arg38[%swap3A_1392, %swap3A_1393], %swap3A_1396 {strides = array<i32>} : memref<4x128xi32, #tpu.memory_space<vmem>>, vector<1x16xi32>,
    %get3A_1397 = arith.constant 0 : i32
    %get3A_1398 = arith.index_cast %get3A_1397 : i32 to index
    %get3A_1399 = arith.constant 48 : index
    %get3A_1400 = tpu.vector_load %arg34[%get3A_1398, %get3A_1399] {strides = array<i32>} : memref<4x128xi32, #tpu.memory_space<vmem>>, vector<1x16xi32>,
    %get3A_1401 = vector.shape_cast %get3A_1400 : vector<1x16xi32> to vector<16xi32>
    %mul3A_1402 = arith.constant 4 : i32
    %mul3A_1403 = vector.broadcast %mul3A_1402 : i32 to vector<16xi32>
    %mul3A_1404 = arith.muli %get3A_1401, %mul3A_1403 : vector<16xi32>
    %get3A_1405 = arith.constant 0 : i32
    %get3A_1406 = arith.index_cast %get3A_1405 : i32 to index
    %get3A_1407 = arith.constant 48 : index
    %get3A_1408 = tpu.vector_load %arg35[%get3A_1406, %get3A_1407] {strides = array<i32>} : memref<4x128xi32, #tpu.memory_space<vmem>>, vector<1x16xi32>,
    %get3A_1409 = vector.shape_cast %get3A_1408 : vector<1x16xi32> to vector<16xi32>
    %add3A_1410 = arith.addi %mul3A_1404, %get3A_1409 : vector<16xi32>
    %swap3A_1411 = arith.constant 0 : i32
    %swap3A_1412 = arith.index_cast %swap3A_1411 : i32 to index
    %swap3A_1413 = arith.constant 48 : index
    %swap3A_1414 = tpu.vector_load %arg38[%swap3A_1412, %swap3A_1413] {strides = array<i32>} : memref<4x128xi32, #tpu.memory_space<vmem>>, vector<1x16xi32>,
    %swap3A_1415 = vector.shape_cast %swap3A_1414 : vector<1x16xi32> to vector<16xi32>
    %swap3A_1416 = vector.shape_cast %add3A_1410 : vector<16xi32> to vector<1x16xi32>
    tpu.vector_store %arg38[%swap3A_1412, %swap3A_1413], %swap3A_1416 {strides = array<i32>} : memref<4x128xi32, #tpu.memory_space<vmem>>, vector<1x16xi32>,
    %get3A_1417 = arith.constant 0 : i32
    %get3A_1418 = arith.index_cast %get3A_1417 : i32 to index
    %get3A_1419 = arith.constant 64 : index
    %get3A_1420 = tpu.vector_load %arg34[%get3A_1418, %get3A_1419] {strides = array<i32>} : memref<4x128xi32, #tpu.memory_space<vmem>>, vector<1x16xi32>,
    %get3A_1421 = vector.shape_cast %get3A_1420 : vector<1x16xi32> to vector<16xi32>
    %mul3A_1422 = arith.constant 4 : i32
    %mul3A_1423 = vector.broadcast %mul3A_1422 : i32 to vector<16xi32>
    %mul3A_1424 = arith.muli %get3A_1421, %mul3A_1423 : vector<16xi32>
    %get3A_1425 = arith.constant 0 : i32
    %get3A_1426 = arith.index_cast %get3A_1425 : i32 to index
    %get3A_1427 = arith.constant 64 : index
    %get3A_1428 = tpu.vector_load %arg35[%get3A_1426, %get3A_1427] {strides = array<i32>} : memref<4x128xi32, #tpu.memory_space<vmem>>, vector<1x16xi32>,
    %get3A_1429 = vector.shape_cast %get3A_1428 : vector<1x16xi32> to vector<16xi32>
    %add3A_1430 = arith.addi %mul3A_1424, %get3A_1429 : vector<16xi32>
    %swap3A_1431 = arith.constant 0 : i32
    %swap3A_1432 = arith.index_cast %swap3A_1431 : i32 to index
    %swap3A_1433 = arith.constant 64 : index
    %swap3A_1434 = tpu.vector_load %arg38[%swap3A_1432, %swap3A_1433] {strides = array<i32>} : memref<4x128xi32, #tpu.memory_space<vmem>>, vector<1x16xi32>,
    %swap3A_1435 = vector.shape_cast %swap3A_1434 : vector<1x16xi32> to vector<16xi32>
    %swap3A_1436 = vector.shape_cast %add3A_1430 : vector<16xi32> to vector<1x16xi32>
    tpu.vector_store %arg38[%swap3A_1432, %swap3A_1433], %swap3A_1436 {strides = array<i32>} : memref<4x128xi32, #tpu.memory_space<vmem>>, vector<1x16xi32>,
    %get3A_1437 = arith.constant 0 : i32
    %get3A_1438 = arith.index_cast %get3A_1437 : i32 to index
    %get3A_1439 = arith.constant 80 : index
    %get3A_1440 = tpu.vector_load %arg34[%get3A_1438, %get3A_1439] {strides = array<i32>} : memref<4x128xi32, #tpu.memory_space<vmem>>, vector<1x16xi32>,
    %get3A_1441 = vector.shape_cast %get3A_1440 : vector<1x16xi32> to vector<16xi32>
    %mul3A_1442 = arith.constant 4 : i32
    %mul3A_1443 = vector.broadcast %mul3A_1442 : i32 to vector<16xi32>
    %mul3A_1444 = arith.muli %get3A_1441, %mul3A_1443 : vector<16xi32>
    %get3A_1445 = arith.constant 0 : i32
    %get3A_1446 = arith.index_cast %get3A_1445 : i32 to index
    %get3A_1447 = arith.constant 80 : index
    %get3A_1448 = tpu.vector_load %arg35[%get3A_1446, %get3A_1447] {strides = array<i32>} : memref<4x128xi32, #tpu.memory_space<vmem>>, vector<1x16xi32>,
    %get3A_1449 = vector.shape_cast %get3A_1448 : vector<1x16xi32> to vector<16xi32>
    %add3A_1450 = arith.addi %mul3A_1444, %get3A_1449 : vector<16xi32>
    %swap3A_1451 = arith.constant 0 : i32
    %swap3A_1452 = arith.index_cast %swap3A_1451 : i32 to index
    %swap3A_1453 = arith.constant 80 : index
    %swap3A_1454 = tpu.vector_load %arg38[%swap3A_1452, %swap3A_1453] {strides = array<i32>} : memref<4x128xi32, #tpu.memory_space<vmem>>, vector<1x16xi32>,
    %swap3A_1455 = vector.shape_cast %swap3A_1454 : vector<1x16xi32> to vector<16xi32>
    %swap3A_1456 = vector.shape_cast %add3A_1450 : vector<16xi32> to vector<1x16xi32>
    tpu.vector_store %arg38[%swap3A_1452, %swap3A_1453], %swap3A_1456 {strides = array<i32>} : memref<4x128xi32, #tpu.memory_space<vmem>>, vector<1x16xi32>,
    %get3A_1457 = arith.constant 0 : i32
    %get3A_1458 = arith.index_cast %get3A_1457 : i32 to index
    %get3A_1459 = arith.constant 96 : index
    %get3A_1460 = tpu.vector_load %arg34[%get3A_1458, %get3A_1459] {strides = array<i32>} : memref<4x128xi32, #tpu.memory_space<vmem>>, vector<1x16xi32>,
    %get3A_1461 = vector.shape_cast %get3A_1460 : vector<1x16xi32> to vector<16xi32>
    %mul3A_1462 = arith.constant 4 : i32
    %mul3A_1463 = vector.broadcast %mul3A_1462 : i32 to vector<16xi32>
    %mul3A_1464 = arith.muli %get3A_1461, %mul3A_1463 : vector<16xi32>
    %get3A_1465 = arith.constant 0 : i32
    %get3A_1466 = arith.index_cast %get3A_1465 : i32 to index
    %get3A_1467 = arith.constant 96 : index
    %get3A_1468 = tpu.vector_load %arg35[%get3A_1466, %get3A_1467] {strides = array<i32>} : memref<4x128xi32, #tpu.memory_space<vmem>>, vector<1x16xi32>,
    %get3A_1469 = vector.shape_cast %get3A_1468 : vector<1x16xi32> to vector<16xi32>
    %add3A_1470 = arith.addi %mul3A_1464, %get3A_1469 : vector<16xi32>
    %swap3A_1471 = arith.constant 0 : i32
    %swap3A_1472 = arith.index_cast %swap3A_1471 : i32 to index
    %swap3A_1473 = arith.constant 96 : index
    %swap3A_1474 = tpu.vector_load %arg38[%swap3A_1472, %swap3A_1473] {strides = array<i32>} : memref<4x128xi32, #tpu.memory_space<vmem>>, vector<1x16xi32>,
    %swap3A_1475 = vector.shape_cast %swap3A_1474 : vector<1x16xi32> to vector<16xi32>
    %swap3A_1476 = vector.shape_cast %add3A_1470 : vector<16xi32> to vector<1x16xi32>
    tpu.vector_store %arg38[%swap3A_1472, %swap3A_1473], %swap3A_1476 {strides = array<i32>} : memref<4x128xi32, #tpu.memory_space<vmem>>, vector<1x16xi32>,
    %get3A_1477 = arith.constant 0 : i32
    %get3A_1478 = arith.index_cast %get3A_1477 : i32 to index
    %get3A_1479 = arith.constant 112 : index
    %get3A_1480 = tpu.vector_load %arg34[%get3A_1478, %get3A_1479] {strides = array<i32>} : memref<4x128xi32, #tpu.memory_space<vmem>>, vector<1x16xi32>,
    %get3A_1481 = vector.shape_cast %get3A_1480 : vector<1x16xi32> to vector<16xi32>
    %mul3A_1482 = arith.constant 4 : i32
    %mul3A_1483 = vector.broadcast %mul3A_1482 : i32 to vector<16xi32>
    %mul3A_1484 = arith.muli %get3A_1481, %mul3A_1483 : vector<16xi32>
    %get3A_1485 = arith.constant 0 : i32
    %get3A_1486 = arith.index_cast %get3A_1485 : i32 to index
    %get3A_1487 = arith.constant 112 : index
    %get3A_1488 = tpu.vector_load %arg35[%get3A_1486, %get3A_1487] {strides = array<i32>} : memref<4x128xi32, #tpu.memory_space<vmem>>, vector<1x16xi32>,
    %get3A_1489 = vector.shape_cast %get3A_1488 : vector<1x16xi32> to vector<16xi32>
    %add3A_1490 = arith.addi %mul3A_1484, %get3A_1489 : vector<16xi32>
    %swap3A_1491 = arith.constant 0 : i32
    %swap3A_1492 = arith.index_cast %swap3A_1491 : i32 to index
    %swap3A_1493 = arith.constant 112 : index
    %swap3A_1494 = tpu.vector_load %arg38[%swap3A_1492, %swap3A_1493] {strides = array<i32>} : memref<4x128xi32, #tpu.memory_space<vmem>>, vector<1x16xi32>,
    %swap3A_1495 = vector.shape_cast %swap3A_1494 : vector<1x16xi32> to vector<16xi32>
    %swap3A_1496 = vector.shape_cast %add3A_1490 : vector<16xi32> to vector<1x16xi32>
    tpu.vector_store %arg38[%swap3A_1492, %swap3A_1493], %swap3A_1496 {strides = array<i32>} : memref<4x128xi32, #tpu.memory_space<vmem>>, vector<1x16xi32>,
    %get3A_1497 = arith.constant 1 : i32
    %get3A_1498 = arith.index_cast %get3A_1497 : i32 to index
    %get3A_1499 = arith.constant 0 : index
    %get3A_1500 = tpu.vector_load %arg34[%get3A_1498, %get3A_1499] {strides = array<i32>} : memref<4x128xi32, #tpu.memory_space<vmem>>, vector<1x16xi32>,
    %get3A_1501 = vector.shape_cast %get3A_1500 : vector<1x16xi32> to vector<16xi32>
    %mul3A_1502 = arith.constant 4 : i32
    %mul3A_1503 = vector.broadcast %mul3A_1502 : i32 to vector<16xi32>
    %mul3A_1504 = arith.muli %get3A_1501, %mul3A_1503 : vector<16xi32>
    %get3A_1505 = arith.constant 1 : i32
    %get3A_1506 = arith.index_cast %get3A_1505 : i32 to index
    %get3A_1507 = arith.constant 0 : index
    %get3A_1508 = tpu.vector_load %arg35[%get3A_1506, %get3A_1507] {strides = array<i32>} : memref<4x128xi32, #tpu.memory_space<vmem>>, vector<1x16xi32>,
    %get3A_1509 = vector.shape_cast %get3A_1508 : vector<1x16xi32> to vector<16xi32>
    %add3A_1510 = arith.addi %mul3A_1504, %get3A_1509 : vector<16xi32>
    %swap3A_1511 = arith.constant 1 : i32
    %swap3A_1512 = arith.index_cast %swap3A_1511 : i32 to index
    %swap3A_1513 = arith.constant 0 : index
    %swap3A_1514 = tpu.vector_load %arg38[%swap3A_1512, %swap3A_1513] {strides = array<i32>} : memref<4x128xi32, #tpu.memory_space<vmem>>, vector<1x16xi32>,
    %swap3A_1515 = vector.shape_cast %swap3A_1514 : vector<1x16xi32> to vector<16xi32>
    %swap3A_1516 = vector.shape_cast %add3A_1510 : vector<16xi32> to vector<1x16xi32>
    tpu.vector_store %arg38[%swap3A_1512, %swap3A_1513], %swap3A_1516 {strides = array<i32>} : memref<4x128xi32, #tpu.memory_space<vmem>>, vector<1x16xi32>,
    %get3A_1517 = arith.constant 1 : i32
    %get3A_1518 = arith.index_cast %get3A_1517 : i32 to index
    %get3A_1519 = arith.constant 16 : index
    %get3A_1520 = tpu.vector_load %arg34[%get3A_1518, %get3A_1519] {strides = array<i32>} : memref<4x128xi32, #tpu.memory_space<vmem>>, vector<1x16xi32>,
    %get3A_1521 = vector.shape_cast %get3A_1520 : vector<1x16xi32> to vector<16xi32>
    %mul3A_1522 = arith.constant 4 : i32
    %mul3A_1523 = vector.broadcast %mul3A_1522 : i32 to vector<16xi32>
    %mul3A_1524 = arith.muli %get3A_1521, %mul3A_1523 : vector<16xi32>
    %get3A_1525 = arith.constant 1 : i32
    %get3A_1526 = arith.index_cast %get3A_1525 : i32 to index
    %get3A_1527 = arith.constant 16 : index
    %get3A_1528 = tpu.vector_load %arg35[%get3A_1526, %get3A_1527] {strides = array<i32>} : memref<4x128xi32, #tpu.memory_space<vmem>>, vector<1x16xi32>,
    %get3A_1529 = vector.shape_cast %get3A_1528 : vector<1x16xi32> to vector<16xi32>
    %add3A_1530 = arith.addi %mul3A_1524, %get3A_1529 : vector<16xi32>
    %swap3A_1531 = arith.constant 1 : i32
    %swap3A_1532 = arith.index_cast %swap3A_1531 : i32 to index
    %swap3A_1533 = arith.constant 16 : index
    %swap3A_1534 = tpu.vector_load %arg38[%swap3A_1532, %swap3A_1533] {strides = array<i32>} : memref<4x128xi32, #tpu.memory_space<vmem>>, vector<1x16xi32>,
    %swap3A_1535 = vector.shape_cast %swap3A_1534 : vector<1x16xi32> to vector<16xi32>
    %swap3A_1536 = vector.shape_cast %add3A_1530 : vector<16xi32> to vector<1x16xi32>
    tpu.vector_store %arg38[%swap3A_1532, %swap3A_1533], %swap3A_1536 {strides = array<i32>} : memref<4x128xi32, #tpu.memory_space<vmem>>, vector<1x16xi32>,
    %get3A_1537 = arith.constant 1 : i32
    %get3A_1538 = arith.index_cast %get3A_1537 : i32 to index
    %get3A_1539 = arith.constant 32 : index
    %get3A_1540 = tpu.vector_load %arg34[%get3A_1538, %get3A_1539] {strides = array<i32>} : memref<4x128xi32, #tpu.memory_space<vmem>>, vector<1x16xi32>,
    %get3A_1541 = vector.shape_cast %get3A_1540 : vector<1x16xi32> to vector<16xi32>
    %mul3A_1542 = arith.constant 4 : i32
    %mul3A_1543 = vector.broadcast %mul3A_1542 : i32 to vector<16xi32>
    %mul3A_1544 = arith.muli %get3A_1541, %mul3A_1543 : vector<16xi32>
    %get3A_1545 = arith.constant 1 : i32
    %get3A_1546 = arith.index_cast %get3A_1545 : i32 to index
    %get3A_1547 = arith.constant 32 : index
    %get3A_1548 = tpu.vector_load %arg35[%get3A_1546, %get3A_1547] {strides = array<i32>} : memref<4x128xi32, #tpu.memory_space<vmem>>, vector<1x16xi32>,
    %get3A_1549 = vector.shape_cast %get3A_1548 : vector<1x16xi32> to vector<16xi32>
    %add3A_1550 = arith.addi %mul3A_1544, %get3A_1549 : vector<16xi32>
    %swap3A_1551 = arith.constant 1 : i32
    %swap3A_1552 = arith.index_cast %swap3A_1551 : i32 to index
    %swap3A_1553 = arith.constant 32 : index
    %swap3A_1554 = tpu.vector_load %arg38[%swap3A_1552, %swap3A_1553] {strides = array<i32>} : memref<4x128xi32, #tpu.memory_space<vmem>>, vector<1x16xi32>,
    %swap3A_1555 = vector.shape_cast %swap3A_1554 : vector<1x16xi32> to vector<16xi32>
    %swap3A_1556 = vector.shape_cast %add3A_1550 : vector<16xi32> to vector<1x16xi32>
    tpu.vector_store %arg38[%swap3A_1552, %swap3A_1553], %swap3A_1556 {strides = array<i32>} : memref<4x128xi32, #tpu.memory_space<vmem>>, vector<1x16xi32>,
    %get3A_1557 = arith.constant 1 : i32
    %get3A_1558 = arith.index_cast %get3A_1557 : i32 to index
    %get3A_1559 = arith.constant 48 : index
    %get3A_1560 = tpu.vector_load %arg34[%get3A_1558, %get3A_1559] {strides = array<i32>} : memref<4x128xi32, #tpu.memory_space<vmem>>, vector<1x16xi32>,
    %get3A_1561 = vector.shape_cast %get3A_1560 : vector<1x16xi32> to vector<16xi32>
    %mul3A_1562 = arith.constant 4 : i32
    %mul3A_1563 = vector.broadcast %mul3A_1562 : i32 to vector<16xi32>
    %mul3A_1564 = arith.muli %get3A_1561, %mul3A_1563 : vector<16xi32>
    %get3A_1565 = arith.constant 1 : i32
    %get3A_1566 = arith.index_cast %get3A_1565 : i32 to index
    %get3A_1567 = arith.constant 48 : index
    %get3A_1568 = tpu.vector_load %arg35[%get3A_1566, %get3A_1567] {strides = array<i32>} : memref<4x128xi32, #tpu.memory_space<vmem>>, vector<1x16xi32>,
    %get3A_1569 = vector.shape_cast %get3A_1568 : vector<1x16xi32> to vector<16xi32>
    %add3A_1570 = arith.addi %mul3A_1564, %get3A_1569 : vector<16xi32>
    %swap3A_1571 = arith.constant 1 : i32
    %swap3A_1572 = arith.index_cast %swap3A_1571 : i32 to index
    %swap3A_1573 = arith.constant 48 : index
    %swap3A_1574 = tpu.vector_load %arg38[%swap3A_1572, %swap3A_1573] {strides = array<i32>} : memref<4x128xi32, #tpu.memory_space<vmem>>, vector<1x16xi32>,
    %swap3A_1575 = vector.shape_cast %swap3A_1574 : vector<1x16xi32> to vector<16xi32>
    %swap3A_1576 = vector.shape_cast %add3A_1570 : vector<16xi32> to vector<1x16xi32>
    tpu.vector_store %arg38[%swap3A_1572, %swap3A_1573], %swap3A_1576 {strides = array<i32>} : memref<4x128xi32, #tpu.memory_space<vmem>>, vector<1x16xi32>,
    %get3A_1577 = arith.constant 1 : i32
    %get3A_1578 = arith.index_cast %get3A_1577 : i32 to index
    %get3A_1579 = arith.constant 64 : index
    %get3A_1580 = tpu.vector_load %arg34[%get3A_1578, %get3A_1579] {strides = array<i32>} : memref<4x128xi32, #tpu.memory_space<vmem>>, vector<1x16xi32>,
    %get3A_1581 = vector.shape_cast %get3A_1580 : vector<1x16xi32> to vector<16xi32>
    %mul3A_1582 = arith.constant 4 : i32
    %mul3A_1583 = vector.broadcast %mul3A_1582 : i32 to vector<16xi32>
    %mul3A_1584 = arith.muli %get3A_1581, %mul3A_1583 : vector<16xi32>
    %get3A_1585 = arith.constant 1 : i32
    %get3A_1586 = arith.index_cast %get3A_1585 : i32 to index
    %get3A_1587 = arith.constant 64 : index
    %get3A_1588 = tpu.vector_load %arg35[%get3A_1586, %get3A_1587] {strides = array<i32>} : memref<4x128xi32, #tpu.memory_space<vmem>>, vector<1x16xi32>,
    %get3A_1589 = vector.shape_cast %get3A_1588 : vector<1x16xi32> to vector<16xi32>
    %add3A_1590 = arith.addi %mul3A_1584, %get3A_1589 : vector<16xi32>
    %swap3A_1591 = arith.constant 1 : i32
    %swap3A_1592 = arith.index_cast %swap3A_1591 : i32 to index
    %swap3A_1593 = arith.constant 64 : index
    %swap3A_1594 = tpu.vector_load %arg38[%swap3A_1592, %swap3A_1593] {strides = array<i32>} : memref<4x128xi32, #tpu.memory_space<vmem>>, vector<1x16xi32>,
    %swap3A_1595 = vector.shape_cast %swap3A_1594 : vector<1x16xi32> to vector<16xi32>
    %swap3A_1596 = vector.shape_cast %add3A_1590 : vector<16xi32> to vector<1x16xi32>
    tpu.vector_store %arg38[%swap3A_1592, %swap3A_1593], %swap3A_1596 {strides = array<i32>} : memref<4x128xi32, #tpu.memory_space<vmem>>, vector<1x16xi32>,
    %get3A_1597 = arith.constant 1 : i32
    %get3A_1598 = arith.index_cast %get3A_1597 : i32 to index
    %get3A_1599 = arith.constant 80 : index
    %get3A_1600 = tpu.vector_load %arg34[%get3A_1598, %get3A_1599] {strides = array<i32>} : memref<4x128xi32, #tpu.memory_space<vmem>>, vector<1x16xi32>,
    %get3A_1601 = vector.shape_cast %get3A_1600 : vector<1x16xi32> to vector<16xi32>
    %mul3A_1602 = arith.constant 4 : i32
    %mul3A_1603 = vector.broadcast %mul3A_1602 : i32 to vector<16xi32>
    %mul3A_1604 = arith.muli %get3A_1601, %mul3A_1603 : vector<16xi32>
    %get3A_1605 = arith.constant 1 : i32
    %get3A_1606 = arith.index_cast %get3A_1605 : i32 to index
    %get3A_1607 = arith.constant 80 : index
    %get3A_1608 = tpu.vector_load %arg35[%get3A_1606, %get3A_1607] {strides = array<i32>} : memref<4x128xi32, #tpu.memory_space<vmem>>, vector<1x16xi32>,
    %get3A_1609 = vector.shape_cast %get3A_1608 : vector<1x16xi32> to vector<16xi32>
    %add3A_1610 = arith.addi %mul3A_1604, %get3A_1609 : vector<16xi32>
    %swap3A_1611 = arith.constant 1 : i32
    %swap3A_1612 = arith.index_cast %swap3A_1611 : i32 to index
    %swap3A_1613 = arith.constant 80 : index
    %swap3A_1614 = tpu.vector_load %arg38[%swap3A_1612, %swap3A_1613] {strides = array<i32>} : memref<4x128xi32, #tpu.memory_space<vmem>>, vector<1x16xi32>,
    %swap3A_1615 = vector.shape_cast %swap3A_1614 : vector<1x16xi32> to vector<16xi32>
    %swap3A_1616 = vector.shape_cast %add3A_1610 : vector<16xi32> to vector<1x16xi32>
    tpu.vector_store %arg38[%swap3A_1612, %swap3A_1613], %swap3A_1616 {strides = array<i32>} : memref<4x128xi32, #tpu.memory_space<vmem>>, vector<1x16xi32>,
    %get3A_1617 = arith.constant 1 : i32
    %get3A_1618 = arith.index_cast %get3A_1617 : i32 to index
    %get3A_1619 = arith.constant 96 : index
    %get3A_1620 = tpu.vector_load %arg34[%get3A_1618, %get3A_1619] {strides = array<i32>} : memref<4x128xi32, #tpu.memory_space<vmem>>, vector<1x16xi32>,
    %get3A_1621 = vector.shape_cast %get3A_1620 : vector<1x16xi32> to vector<16xi32>
    %mul3A_1622 = arith.constant 4 : i32
    %mul3A_1623 = vector.broadcast %mul3A_1622 : i32 to vector<16xi32>
    %mul3A_1624 = arith.muli %get3A_1621, %mul3A_1623 : vector<16xi32>
    %get3A_1625 = arith.constant 1 : i32
    %get3A_1626 = arith.index_cast %get3A_1625 : i32 to index
    %get3A_1627 = arith.constant 96 : index
    %get3A_1628 = tpu.vector_load %arg35[%get3A_1626, %get3A_1627] {strides = array<i32>} : memref<4x128xi32, #tpu.memory_space<vmem>>, vector<1x16xi32>,
    %get3A_1629 = vector.shape_cast %get3A_1628 : vector<1x16xi32> to vector<16xi32>
    %add3A_1630 = arith.addi %mul3A_1624, %get3A_1629 : vector<16xi32>
    %swap3A_1631 = arith.constant 1 : i32
    %swap3A_1632 = arith.index_cast %swap3A_1631 : i32 to index
    %swap3A_1633 = arith.constant 96 : index
    %swap3A_1634 = tpu.vector_load %arg38[%swap3A_1632, %swap3A_1633] {strides = array<i32>} : memref<4x128xi32, #tpu.memory_space<vmem>>, vector<1x16xi32>,
    %swap3A_1635 = vector.shape_cast %swap3A_1634 : vector<1x16xi32> to vector<16xi32>
    %swap3A_1636 = vector.shape_cast %add3A_1630 : vector<16xi32> to vector<1x16xi32>
    tpu.vector_store %arg38[%swap3A_1632, %swap3A_1633], %swap3A_1636 {strides = array<i32>} : memref<4x128xi32, #tpu.memory_space<vmem>>, vector<1x16xi32>,
    %get3A_1637 = arith.constant 1 : i32
    %get3A_1638 = arith.index_cast %get3A_1637 : i32 to index
    %get3A_1639 = arith.constant 112 : index
    %get3A_1640 = tpu.vector_load %arg34[%get3A_1638, %get3A_1639] {strides = array<i32>} : memref<4x128xi32, #tpu.memory_space<vmem>>, vector<1x16xi32>,
    %get3A_1641 = vector.shape_cast %get3A_1640 : vector<1x16xi32> to vector<16xi32>
    %mul3A_1642 = arith.constant 4 : i32
    %mul3A_1643 = vector.broadcast %mul3A_1642 : i32 to vector<16xi32>
    %mul3A_1644 = arith.muli %get3A_1641, %mul3A_1643 : vector<16xi32>
    %get3A_1645 = arith.constant 1 : i32
    %get3A_1646 = arith.index_cast %get3A_1645 : i32 to index
    %get3A_1647 = arith.constant 112 : index
    %get3A_1648 = tpu.vector_load %arg35[%get3A_1646, %get3A_1647] {strides = array<i32>} : memref<4x128xi32, #tpu.memory_space<vmem>>, vector<1x16xi32>,
    %get3A_1649 = vector.shape_cast %get3A_1648 : vector<1x16xi32> to vector<16xi32>
    %add3A_1650 = arith.addi %mul3A_1644, %get3A_1649 : vector<16xi32>
    %swap3A_1651 = arith.constant 1 : i32
    %swap3A_1652 = arith.index_cast %swap3A_1651 : i32 to index
    %swap3A_1653 = arith.constant 112 : index
    %swap3A_1654 = tpu.vector_load %arg38[%swap3A_1652, %swap3A_1653] {strides = array<i32>} : memref<4x128xi32, #tpu.memory_space<vmem>>, vector<1x16xi32>,
    %swap3A_1655 = vector.shape_cast %swap3A_1654 : vector<1x16xi32> to vector<16xi32>
    %swap3A_1656 = vector.shape_cast %add3A_1650 : vector<16xi32> to vector<1x16xi32>
    tpu.vector_store %arg38[%swap3A_1652, %swap3A_1653], %swap3A_1656 {strides = array<i32>} : memref<4x128xi32, #tpu.memory_space<vmem>>, vector<1x16xi32>,
    %get3A_1657 = arith.constant 2 : i32
    %get3A_1658 = arith.index_cast %get3A_1657 : i32 to index
    %get3A_1659 = arith.constant 0 : index
    %get3A_1660 = tpu.vector_load %arg34[%get3A_1658, %get3A_1659] {strides = array<i32>} : memref<4x128xi32, #tpu.memory_space<vmem>>, vector<1x16xi32>,
    %get3A_1661 = vector.shape_cast %get3A_1660 : vector<1x16xi32> to vector<16xi32>
    %mul3A_1662 = arith.constant 4 : i32
    %mul3A_1663 = vector.broadcast %mul3A_1662 : i32 to vector<16xi32>
    %mul3A_1664 = arith.muli %get3A_1661, %mul3A_1663 : vector<16xi32>
    %get3A_1665 = arith.constant 2 : i32
    %get3A_1666 = arith.index_cast %get3A_1665 : i32 to index
    %get3A_1667 = arith.constant 0 : index
    %get3A_1668 = tpu.vector_load %arg35[%get3A_1666, %get3A_1667] {strides = array<i32>} : memref<4x128xi32, #tpu.memory_space<vmem>>, vector<1x16xi32>,
    %get3A_1669 = vector.shape_cast %get3A_1668 : vector<1x16xi32> to vector<16xi32>
    %add3A_1670 = arith.addi %mul3A_1664, %get3A_1669 : vector<16xi32>
    %swap3A_1671 = arith.constant 2 : i32
    %swap3A_1672 = arith.index_cast %swap3A_1671 : i32 to index
    %swap3A_1673 = arith.constant 0 : index
    %swap3A_1674 = tpu.vector_load %arg38[%swap3A_1672, %swap3A_1673] {strides = array<i32>} : memref<4x128xi32, #tpu.memory_space<vmem>>, vector<1x16xi32>,
    %swap3A_1675 = vector.shape_cast %swap3A_1674 : vector<1x16xi32> to vector<16xi32>
    %swap3A_1676 = vector.shape_cast %add3A_1670 : vector<16xi32> to vector<1x16xi32>
    tpu.vector_store %arg38[%swap3A_1672, %swap3A_1673], %swap3A_1676 {strides = array<i32>} : memref<4x128xi32, #tpu.memory_space<vmem>>, vector<1x16xi32>,
    %get3A_1677 = arith.constant 2 : i32
    %get3A_1678 = arith.index_cast %get3A_1677 : i32 to index
    %get3A_1679 = arith.constant 16 : index
    %get3A_1680 = tpu.vector_load %arg34[%get3A_1678, %get3A_1679] {strides = array<i32>} : memref<4x128xi32, #tpu.memory_space<vmem>>, vector<1x16xi32>,
    %get3A_1681 = vector.shape_cast %get3A_1680 : vector<1x16xi32> to vector<16xi32>
    %mul3A_1682 = arith.constant 4 : i32
    %mul3A_1683 = vector.broadcast %mul3A_1682 : i32 to vector<16xi32>
    %mul3A_1684 = arith.muli %get3A_1681, %mul3A_1683 : vector<16xi32>
    %get3A_1685 = arith.constant 2 : i32
    %get3A_1686 = arith.index_cast %get3A_1685 : i32 to index
    %get3A_1687 = arith.constant 16 : index
    %get3A_1688 = tpu.vector_load %arg35[%get3A_1686, %get3A_1687] {strides = array<i32>} : memref<4x128xi32, #tpu.memory_space<vmem>>, vector<1x16xi32>,
    %get3A_1689 = vector.shape_cast %get3A_1688 : vector<1x16xi32> to vector<16xi32>
    %add3A_1690 = arith.addi %mul3A_1684, %get3A_1689 : vector<16xi32>
    %swap3A_1691 = arith.constant 2 : i32
    %swap3A_1692 = arith.index_cast %swap3A_1691 : i32 to index
    %swap3A_1693 = arith.constant 16 : index
    %swap3A_1694 = tpu.vector_load %arg38[%swap3A_1692, %swap3A_1693] {strides = array<i32>} : memref<4x128xi32, #tpu.memory_space<vmem>>, vector<1x16xi32>,
    %swap3A_1695 = vector.shape_cast %swap3A_1694 : vector<1x16xi32> to vector<16xi32>
    %swap3A_1696 = vector.shape_cast %add3A_1690 : vector<16xi32> to vector<1x16xi32>
    tpu.vector_store %arg38[%swap3A_1692, %swap3A_1693], %swap3A_1696 {strides = array<i32>} : memref<4x128xi32, #tpu.memory_space<vmem>>, vector<1x16xi32>,
    %get3A_1697 = arith.constant 2 : i32
    %get3A_1698 = arith.index_cast %get3A_1697 : i32 to index
    %get3A_1699 = arith.constant 32 : index
    %get3A_1700 = tpu.vector_load %arg34[%get3A_1698, %get3A_1699] {strides = array<i32>} : memref<4x128xi32, #tpu.memory_space<vmem>>, vector<1x16xi32>,
    %get3A_1701 = vector.shape_cast %get3A_1700 : vector<1x16xi32> to vector<16xi32>
    %mul3A_1702 = arith.constant 4 : i32
    %mul3A_1703 = vector.broadcast %mul3A_1702 : i32 to vector<16xi32>
    %mul3A_1704 = arith.muli %get3A_1701, %mul3A_1703 : vector<16xi32>
    %get3A_1705 = arith.constant 2 : i32
    %get3A_1706 = arith.index_cast %get3A_1705 : i32 to index
    %get3A_1707 = arith.constant 32 : index
    %get3A_1708 = tpu.vector_load %arg35[%get3A_1706, %get3A_1707] {strides = array<i32>} : memref<4x128xi32, #tpu.memory_space<vmem>>, vector<1x16xi32>,
    %get3A_1709 = vector.shape_cast %get3A_1708 : vector<1x16xi32> to vector<16xi32>
    %add3A_1710 = arith.addi %mul3A_1704, %get3A_1709 : vector<16xi32>
    %swap3A_1711 = arith.constant 2 : i32
    %swap3A_1712 = arith.index_cast %swap3A_1711 : i32 to index
    %swap3A_1713 = arith.constant 32 : index
    %swap3A_1714 = tpu.vector_load %arg38[%swap3A_1712, %swap3A_1713] {strides = array<i32>} : memref<4x128xi32, #tpu.memory_space<vmem>>, vector<1x16xi32>,
    %swap3A_1715 = vector.shape_cast %swap3A_1714 : vector<1x16xi32> to vector<16xi32>
    %swap3A_1716 = vector.shape_cast %add3A_1710 : vector<16xi32> to vector<1x16xi32>
    tpu.vector_store %arg38[%swap3A_1712, %swap3A_1713], %swap3A_1716 {strides = array<i32>} : memref<4x128xi32, #tpu.memory_space<vmem>>, vector<1x16xi32>,
    %get3A_1717 = arith.constant 2 : i32
    %get3A_1718 = arith.index_cast %get3A_1717 : i32 to index
    %get3A_1719 = arith.constant 48 : index
    %get3A_1720 = tpu.vector_load %arg34[%get3A_1718, %get3A_1719] {strides = array<i32>} : memref<4x128xi32, #tpu.memory_space<vmem>>, vector<1x16xi32>,
    %get3A_1721 = vector.shape_cast %get3A_1720 : vector<1x16xi32> to vector<16xi32>
    %mul3A_1722 = arith.constant 4 : i32
    %mul3A_1723 = vector.broadcast %mul3A_1722 : i32 to vector<16xi32>
    %mul3A_1724 = arith.muli %get3A_1721, %mul3A_1723 : vector<16xi32>
    %get3A_1725 = arith.constant 2 : i32
    %get3A_1726 = arith.index_cast %get3A_1725 : i32 to index
    %get3A_1727 = arith.constant 48 : index
    %get3A_1728 = tpu.vector_load %arg35[%get3A_1726, %get3A_1727] {strides = array<i32>} : memref<4x128xi32, #tpu.memory_space<vmem>>, vector<1x16xi32>,
    %get3A_1729 = vector.shape_cast %get3A_1728 : vector<1x16xi32> to vector<16xi32>
    %add3A_1730 = arith.addi %mul3A_1724, %get3A_1729 : vector<16xi32>
    %swap3A_1731 = arith.constant 2 : i32
    %swap3A_1732 = arith.index_cast %swap3A_1731 : i32 to index
    %swap3A_1733 = arith.constant 48 : index
    %swap3A_1734 = tpu.vector_load %arg38[%swap3A_1732, %swap3A_1733] {strides = array<i32>} : memref<4x128xi32, #tpu.memory_space<vmem>>, vector<1x16xi32>,
    %swap3A_1735 = vector.shape_cast %swap3A_1734 : vector<1x16xi32> to vector<16xi32>
    %swap3A_1736 = vector.shape_cast %add3A_1730 : vector<16xi32> to vector<1x16xi32>
    tpu.vector_store %arg38[%swap3A_1732, %swap3A_1733], %swap3A_1736 {strides = array<i32>} : memref<4x128xi32, #tpu.memory_space<vmem>>, vector<1x16xi32>,
    %get3A_1737 = arith.constant 2 : i32
    %get3A_1738 = arith.index_cast %get3A_1737 : i32 to index
    %get3A_1739 = arith.constant 64 : index
    %get3A_1740 = tpu.vector_load %arg34[%get3A_1738, %get3A_1739] {strides = array<i32>} : memref<4x128xi32, #tpu.memory_space<vmem>>, vector<1x16xi32>,
    %get3A_1741 = vector.shape_cast %get3A_1740 : vector<1x16xi32> to vector<16xi32>
    %mul3A_1742 = arith.constant 4 : i32
    %mul3A_1743 = vector.broadcast %mul3A_1742 : i32 to vector<16xi32>
    %mul3A_1744 = arith.muli %get3A_1741, %mul3A_1743 : vector<16xi32>
    %get3A_1745 = arith.constant 2 : i32
    %get3A_1746 = arith.index_cast %get3A_1745 : i32 to index
    %get3A_1747 = arith.constant 64 : index
    %get3A_1748 = tpu.vector_load %arg35[%get3A_1746, %get3A_1747] {strides = array<i32>} : memref<4x128xi32, #tpu.memory_space<vmem>>, vector<1x16xi32>,
    %get3A_1749 = vector.shape_cast %get3A_1748 : vector<1x16xi32> to vector<16xi32>
    %add3A_1750 = arith.addi %mul3A_1744, %get3A_1749 : vector<16xi32>
    %swap3A_1751 = arith.constant 2 : i32
    %swap3A_1752 = arith.index_cast %swap3A_1751 : i32 to index
    %swap3A_1753 = arith.constant 64 : index
    %swap3A_1754 = tpu.vector_load %arg38[%swap3A_1752, %swap3A_1753] {strides = array<i32>} : memref<4x128xi32, #tpu.memory_space<vmem>>, vector<1x16xi32>,
    %swap3A_1755 = vector.shape_cast %swap3A_1754 : vector<1x16xi32> to vector<16xi32>
    %swap3A_1756 = vector.shape_cast %add3A_1750 : vector<16xi32> to vector<1x16xi32>
    tpu.vector_store %arg38[%swap3A_1752, %swap3A_1753], %swap3A_1756 {strides = array<i32>} : memref<4x128xi32, #tpu.memory_space<vmem>>, vector<1x16xi32>,
    %get3A_1757 = arith.constant 2 : i32
    %get3A_1758 = arith.index_cast %get3A_1757 : i32 to index
    %get3A_1759 = arith.constant 80 : index
    %get3A_1760 = tpu.vector_load %arg34[%get3A_1758, %get3A_1759] {strides = array<i32>} : memref<4x128xi32, #tpu.memory_space<vmem>>, vector<1x16xi32>,
    %get3A_1761 = vector.shape_cast %get3A_1760 : vector<1x16xi32> to vector<16xi32>
    %mul3A_1762 = arith.constant 4 : i32
    %mul3A_1763 = vector.broadcast %mul3A_1762 : i32 to vector<16xi32>
    %mul3A_1764 = arith.muli %get3A_1761, %mul3A_1763 : vector<16xi32>
    %get3A_1765 = arith.constant 2 : i32
    %get3A_1766 = arith.index_cast %get3A_1765 : i32 to index
    %get3A_1767 = arith.constant 80 : index
    %get3A_1768 = tpu.vector_load %arg35[%get3A_1766, %get3A_1767] {strides = array<i32>} : memref<4x128xi32, #tpu.memory_space<vmem>>, vector<1x16xi32>,
    %get3A_1769 = vector.shape_cast %get3A_1768 : vector<1x16xi32> to vector<16xi32>
    %add3A_1770 = arith.addi %mul3A_1764, %get3A_1769 : vector<16xi32>
    %swap3A_1771 = arith.constant 2 : i32
    %swap3A_1772 = arith.index_cast %swap3A_1771 : i32 to index
    %swap3A_1773 = arith.constant 80 : index
    %swap3A_1774 = tpu.vector_load %arg38[%swap3A_1772, %swap3A_1773] {strides = array<i32>} : memref<4x128xi32, #tpu.memory_space<vmem>>, vector<1x16xi32>,
    %swap3A_1775 = vector.shape_cast %swap3A_1774 : vector<1x16xi32> to vector<16xi32>
    %swap3A_1776 = vector.shape_cast %add3A_1770 : vector<16xi32> to vector<1x16xi32>
    tpu.vector_store %arg38[%swap3A_1772, %swap3A_1773], %swap3A_1776 {strides = array<i32>} : memref<4x128xi32, #tpu.memory_space<vmem>>, vector<1x16xi32>,
    %get3A_1777 = arith.constant 2 : i32
    %get3A_1778 = arith.index_cast %get3A_1777 : i32 to index
    %get3A_1779 = arith.constant 96 : index
    %get3A_1780 = tpu.vector_load %arg34[%get3A_1778, %get3A_1779] {strides = array<i32>} : memref<4x128xi32, #tpu.memory_space<vmem>>, vector<1x16xi32>,
    %get3A_1781 = vector.shape_cast %get3A_1780 : vector<1x16xi32> to vector<16xi32>
    %mul3A_1782 = arith.constant 4 : i32
    %mul3A_1783 = vector.broadcast %mul3A_1782 : i32 to vector<16xi32>
    %mul3A_1784 = arith.muli %get3A_1781, %mul3A_1783 : vector<16xi32>
    %get3A_1785 = arith.constant 2 : i32
    %get3A_1786 = arith.index_cast %get3A_1785 : i32 to index
    %get3A_1787 = arith.constant 96 : index
    %get3A_1788 = tpu.vector_load %arg35[%get3A_1786, %get3A_1787] {strides = array<i32>} : memref<4x128xi32, #tpu.memory_space<vmem>>, vector<1x16xi32>,
    %get3A_1789 = vector.shape_cast %get3A_1788 : vector<1x16xi32> to vector<16xi32>
    %add3A_1790 = arith.addi %mul3A_1784, %get3A_1789 : vector<16xi32>
    %swap3A_1791 = arith.constant 2 : i32
    %swap3A_1792 = arith.index_cast %swap3A_1791 : i32 to index
    %swap3A_1793 = arith.constant 96 : index
    %swap3A_1794 = tpu.vector_load %arg38[%swap3A_1792, %swap3A_1793] {strides = array<i32>} : memref<4x128xi32, #tpu.memory_space<vmem>>, vector<1x16xi32>,
    %swap3A_1795 = vector.shape_cast %swap3A_1794 : vector<1x16xi32> to vector<16xi32>
    %swap3A_1796 = vector.shape_cast %add3A_1790 : vector<16xi32> to vector<1x16xi32>
    tpu.vector_store %arg38[%swap3A_1792, %swap3A_1793], %swap3A_1796 {strides = array<i32>} : memref<4x128xi32, #tpu.memory_space<vmem>>, vector<1x16xi32>,
    %get3A_1797 = arith.constant 2 : i32
    %get3A_1798 = arith.index_cast %get3A_1797 : i32 to index
    %get3A_1799 = arith.constant 112 : index
    %get3A_1800 = tpu.vector_load %arg34[%get3A_1798, %get3A_1799] {strides = array<i32>} : memref<4x128xi32, #tpu.memory_space<vmem>>, vector<1x16xi32>,
    %get3A_1801 = vector.shape_cast %get3A_1800 : vector<1x16xi32> to vector<16xi32>
    %mul3A_1802 = arith.constant 4 : i32
    %mul3A_1803 = vector.broadcast %mul3A_1802 : i32 to vector<16xi32>
    %mul3A_1804 = arith.muli %get3A_1801, %mul3A_1803 : vector<16xi32>
    %get3A_1805 = arith.constant 2 : i32
    %get3A_1806 = arith.index_cast %get3A_1805 : i32 to index
    %get3A_1807 = arith.constant 112 : index
    %get3A_1808 = tpu.vector_load %arg35[%get3A_1806, %get3A_1807] {strides = array<i32>} : memref<4x128xi32, #tpu.memory_space<vmem>>, vector<1x16xi32>,
    %get3A_1809 = vector.shape_cast %get3A_1808 : vector<1x16xi32> to vector<16xi32>
    %add3A_1810 = arith.addi %mul3A_1804, %get3A_1809 : vector<16xi32>
    %swap3A_1811 = arith.constant 2 : i32
    %swap3A_1812 = arith.index_cast %swap3A_1811 : i32 to index
    %swap3A_1813 = arith.constant 112 : index
    %swap3A_1814 = tpu.vector_load %arg38[%swap3A_1812, %swap3A_1813] {strides = array<i32>} : memref<4x128xi32, #tpu.memory_space<vmem>>, vector<1x16xi32>,
    %swap3A_1815 = vector.shape_cast %swap3A_1814 : vector<1x16xi32> to vector<16xi32>
    %swap3A_1816 = vector.shape_cast %add3A_1810 : vector<16xi32> to vector<1x16xi32>
    tpu.vector_store %arg38[%swap3A_1812, %swap3A_1813], %swap3A_1816 {strides = array<i32>} : memref<4x128xi32, #tpu.memory_space<vmem>>, vector<1x16xi32>,
    %get3A_1817 = arith.constant 3 : i32
    %get3A_1818 = arith.index_cast %get3A_1817 : i32 to index
    %get3A_1819 = arith.constant 0 : index
    %get3A_1820 = tpu.vector_load %arg34[%get3A_1818, %get3A_1819] {strides = array<i32>} : memref<4x128xi32, #tpu.memory_space<vmem>>, vector<1x16xi32>,
    %get3A_1821 = vector.shape_cast %get3A_1820 : vector<1x16xi32> to vector<16xi32>
    %mul3A_1822 = arith.constant 4 : i32
    %mul3A_1823 = vector.broadcast %mul3A_1822 : i32 to vector<16xi32>
    %mul3A_1824 = arith.muli %get3A_1821, %mul3A_1823 : vector<16xi32>
    %get3A_1825 = arith.constant 3 : i32
    %get3A_1826 = arith.index_cast %get3A_1825 : i32 to index
    %get3A_1827 = arith.constant 0 : index
    %get3A_1828 = tpu.vector_load %arg35[%get3A_1826, %get3A_1827] {strides = array<i32>} : memref<4x128xi32, #tpu.memory_space<vmem>>, vector<1x16xi32>,
    %get3A_1829 = vector.shape_cast %get3A_1828 : vector<1x16xi32> to vector<16xi32>
    %add3A_1830 = arith.addi %mul3A_1824, %get3A_1829 : vector<16xi32>
    %swap3A_1831 = arith.constant 3 : i32
    %swap3A_1832 = arith.index_cast %swap3A_1831 : i32 to index
    %swap3A_1833 = arith.constant 0 : index
    %swap3A_1834 = tpu.vector_load %arg38[%swap3A_1832, %swap3A_1833] {strides = array<i32>} : memref<4x128xi32, #tpu.memory_space<vmem>>, vector<1x16xi32>,
    %swap3A_1835 = vector.shape_cast %swap3A_1834 : vector<1x16xi32> to vector<16xi32>
    %swap3A_1836 = vector.shape_cast %add3A_1830 : vector<16xi32> to vector<1x16xi32>
    tpu.vector_store %arg38[%swap3A_1832, %swap3A_1833], %swap3A_1836 {strides = array<i32>} : memref<4x128xi32, #tpu.memory_space<vmem>>, vector<1x16xi32>,
    %get3A_1837 = arith.constant 3 : i32
    %get3A_1838 = arith.index_cast %get3A_1837 : i32 to index
    %get3A_1839 = arith.constant 16 : index
    %get3A_1840 = tpu.vector_load %arg34[%get3A_1838, %get3A_1839] {strides = array<i32>} : memref<4x128xi32, #tpu.memory_space<vmem>>, vector<1x16xi32>,
    %get3A_1841 = vector.shape_cast %get3A_1840 : vector<1x16xi32> to vector<16xi32>
    %mul3A_1842 = arith.constant 4 : i32
    %mul3A_1843 = vector.broadcast %mul3A_1842 : i32 to vector<16xi32>
    %mul3A_1844 = arith.muli %get3A_1841, %mul3A_1843 : vector<16xi32>
    %get3A_1845 = arith.constant 3 : i32
    %get3A_1846 = arith.index_cast %get3A_1845 : i32 to index
    %get3A_1847 = arith.constant 16 : index
    %get3A_1848 = tpu.vector_load %arg35[%get3A_1846, %get3A_1847] {strides = array<i32>} : memref<4x128xi32, #tpu.memory_space<vmem>>, vector<1x16xi32>,
    %get3A_1849 = vector.shape_cast %get3A_1848 : vector<1x16xi32> to vector<16xi32>
    %add3A_1850 = arith.addi %mul3A_1844, %get3A_1849 : vector<16xi32>
    %swap3A_1851 = arith.constant 3 : i32
    %swap3A_1852 = arith.index_cast %swap3A_1851 : i32 to index
    %swap3A_1853 = arith.constant 16 : index
    %swap3A_1854 = tpu.vector_load %arg38[%swap3A_1852, %swap3A_1853] {strides = array<i32>} : memref<4x128xi32, #tpu.memory_space<vmem>>, vector<1x16xi32>,
    %swap3A_1855 = vector.shape_cast %swap3A_1854 : vector<1x16xi32> to vector<16xi32>
    %swap3A_1856 = vector.shape_cast %add3A_1850 : vector<16xi32> to vector<1x16xi32>
    tpu.vector_store %arg38[%swap3A_1852, %swap3A_1853], %swap3A_1856 {strides = array<i32>} : memref<4x128xi32, #tpu.memory_space<vmem>>, vector<1x16xi32>,
    %get3A_1857 = arith.constant 3 : i32
    %get3A_1858 = arith.index_cast %get3A_1857 : i32 to index
    %get3A_1859 = arith.constant 32 : index
    %get3A_1860 = tpu.vector_load %arg34[%get3A_1858, %get3A_1859] {strides = array<i32>} : memref<4x128xi32, #tpu.memory_space<vmem>>, vector<1x16xi32>,
    %get3A_1861 = vector.shape_cast %get3A_1860 : vector<1x16xi32> to vector<16xi32>
    %mul3A_1862 = arith.constant 4 : i32
    %mul3A_1863 = vector.broadcast %mul3A_1862 : i32 to vector<16xi32>
    %mul3A_1864 = arith.muli %get3A_1861, %mul3A_1863 : vector<16xi32>
    %get3A_1865 = arith.constant 3 : i32
    %get3A_1866 = arith.index_cast %get3A_1865 : i32 to index
    %get3A_1867 = arith.constant 32 : index
    %get3A_1868 = tpu.vector_load %arg35[%get3A_1866, %get3A_1867] {strides = array<i32>} : memref<4x128xi32, #tpu.memory_space<vmem>>, vector<1x16xi32>,
    %get3A_1869 = vector.shape_cast %get3A_1868 : vector<1x16xi32> to vector<16xi32>
    %add3A_1870 = arith.addi %mul3A_1864, %get3A_1869 : vector<16xi32>
    %swap3A_1871 = arith.constant 3 : i32
    %swap3A_1872 = arith.index_cast %swap3A_1871 : i32 to index
    %swap3A_1873 = arith.constant 32 : index
    %swap3A_1874 = tpu.vector_load %arg38[%swap3A_1872, %swap3A_1873] {strides = array<i32>} : memref<4x128xi32, #tpu.memory_space<vmem>>, vector<1x16xi32>,
    %swap3A_1875 = vector.shape_cast %swap3A_1874 : vector<1x16xi32> to vector<16xi32>
    %swap3A_1876 = vector.shape_cast %add3A_1870 : vector<16xi32> to vector<1x16xi32>
    tpu.vector_store %arg38[%swap3A_1872, %swap3A_1873], %swap3A_1876 {strides = array<i32>} : memref<4x128xi32, #tpu.memory_space<vmem>>, vector<1x16xi32>,
    %get3A_1877 = arith.constant 3 : i32
    %get3A_1878 = arith.index_cast %get3A_1877 : i32 to index
    %get3A_1879 = arith.constant 48 : index
    %get3A_1880 = tpu.vector_load %arg34[%get3A_1878, %get3A_1879] {strides = array<i32>} : memref<4x128xi32, #tpu.memory_space<vmem>>, vector<1x16xi32>,
    %get3A_1881 = vector.shape_cast %get3A_1880 : vector<1x16xi32> to vector<16xi32>
    %mul3A_1882 = arith.constant 4 : i32
    %mul3A_1883 = vector.broadcast %mul3A_1882 : i32 to vector<16xi32>
    %mul3A_1884 = arith.muli %get3A_1881, %mul3A_1883 : vector<16xi32>
    %get3A_1885 = arith.constant 3 : i32
    %get3A_1886 = arith.index_cast %get3A_1885 : i32 to index
    %get3A_1887 = arith.constant 48 : index
    %get3A_1888 = tpu.vector_load %arg35[%get3A_1886, %get3A_1887] {strides = array<i32>} : memref<4x128xi32, #tpu.memory_space<vmem>>, vector<1x16xi32>,
    %get3A_1889 = vector.shape_cast %get3A_1888 : vector<1x16xi32> to vector<16xi32>
    %add3A_1890 = arith.addi %mul3A_1884, %get3A_1889 : vector<16xi32>
    %swap3A_1891 = arith.constant 3 : i32
    %swap3A_1892 = arith.index_cast %swap3A_1891 : i32 to index
    %swap3A_1893 = arith.constant 48 : index
    %swap3A_1894 = tpu.vector_load %arg38[%swap3A_1892, %swap3A_1893] {strides = array<i32>} : memref<4x128xi32, #tpu.memory_space<vmem>>, vector<1x16xi32>,
    %swap3A_1895 = vector.shape_cast %swap3A_1894 : vector<1x16xi32> to vector<16xi32>
    %swap3A_1896 = vector.shape_cast %add3A_1890 : vector<16xi32> to vector<1x16xi32>
    tpu.vector_store %arg38[%swap3A_1892, %swap3A_1893], %swap3A_1896 {strides = array<i32>} : memref<4x128xi32, #tpu.memory_space<vmem>>, vector<1x16xi32>,
    %get3A_1897 = arith.constant 3 : i32
    %get3A_1898 = arith.index_cast %get3A_1897 : i32 to index
    %get3A_1899 = arith.constant 64 : index
    %get3A_1900 = tpu.vector_load %arg34[%get3A_1898, %get3A_1899] {strides = array<i32>} : memref<4x128xi32, #tpu.memory_space<vmem>>, vector<1x16xi32>,
    %get3A_1901 = vector.shape_cast %get3A_1900 : vector<1x16xi32> to vector<16xi32>
    %mul3A_1902 = arith.constant 4 : i32
    %mul3A_1903 = vector.broadcast %mul3A_1902 : i32 to vector<16xi32>
    %mul3A_1904 = arith.muli %get3A_1901, %mul3A_1903 : vector<16xi32>
    %get3A_1905 = arith.constant 3 : i32
    %get3A_1906 = arith.index_cast %get3A_1905 : i32 to index
    %get3A_1907 = arith.constant 64 : index
    %get3A_1908 = tpu.vector_load %arg35[%get3A_1906, %get3A_1907] {strides = array<i32>} : memref<4x128xi32, #tpu.memory_space<vmem>>, vector<1x16xi32>,
    %get3A_1909 = vector.shape_cast %get3A_1908 : vector<1x16xi32> to vector<16xi32>
    %add3A_1910 = arith.addi %mul3A_1904, %get3A_1909 : vector<16xi32>
    %swap3A_1911 = arith.constant 3 : i32
    %swap3A_1912 = arith.index_cast %swap3A_1911 : i32 to index
    %swap3A_1913 = arith.constant 64 : index
    %swap3A_1914 = tpu.vector_load %arg38[%swap3A_1912, %swap3A_1913] {strides = array<i32>} : memref<4x128xi32, #tpu.memory_space<vmem>>, vector<1x16xi32>,
    %swap3A_1915 = vector.shape_cast %swap3A_1914 : vector<1x16xi32> to vector<16xi32>
    %swap3A_1916 = vector.shape_cast %add3A_1910 : vector<16xi32> to vector<1x16xi32>
    tpu.vector_store %arg38[%swap3A_1912, %swap3A_1913], %swap3A_1916 {strides = array<i32>} : memref<4x128xi32, #tpu.memory_space<vmem>>, vector<1x16xi32>,
    %get3A_1917 = arith.constant 3 : i32
    %get3A_1918 = arith.index_cast %get3A_1917 : i32 to index
    %get3A_1919 = arith.constant 80 : index
    %get3A_1920 = tpu.vector_load %arg34[%get3A_1918, %get3A_1919] {strides = array<i32>} : memref<4x128xi32, #tpu.memory_space<vmem>>, vector<1x16xi32>,
    %get3A_1921 = vector.shape_cast %get3A_1920 : vector<1x16xi32> to vector<16xi32>
    %mul3A_1922 = arith.constant 4 : i32
    %mul3A_1923 = vector.broadcast %mul3A_1922 : i32 to vector<16xi32>
    %mul3A_1924 = arith.muli %get3A_1921, %mul3A_1923 : vector<16xi32>
    %get3A_1925 = arith.constant 3 : i32
    %get3A_1926 = arith.index_cast %get3A_1925 : i32 to index
    %get3A_1927 = arith.constant 80 : index
    %get3A_1928 = tpu.vector_load %arg35[%get3A_1926, %get3A_1927] {strides = array<i32>} : memref<4x128xi32, #tpu.memory_space<vmem>>, vector<1x16xi32>,
    %get3A_1929 = vector.shape_cast %get3A_1928 : vector<1x16xi32> to vector<16xi32>
    %add3A_1930 = arith.addi %mul3A_1924, %get3A_1929 : vector<16xi32>
    %swap3A_1931 = arith.constant 3 : i32
    %swap3A_1932 = arith.index_cast %swap3A_1931 : i32 to index
    %swap3A_1933 = arith.constant 80 : index
    %swap3A_1934 = tpu.vector_load %arg38[%swap3A_1932, %swap3A_1933] {strides = array<i32>} : memref<4x128xi32, #tpu.memory_space<vmem>>, vector<1x16xi32>,
    %swap3A_1935 = vector.shape_cast %swap3A_1934 : vector<1x16xi32> to vector<16xi32>
    %swap3A_1936 = vector.shape_cast %add3A_1930 : vector<16xi32> to vector<1x16xi32>
    tpu.vector_store %arg38[%swap3A_1932, %swap3A_1933], %swap3A_1936 {strides = array<i32>} : memref<4x128xi32, #tpu.memory_space<vmem>>, vector<1x16xi32>,
    %get3A_1937 = arith.constant 3 : i32
    %get3A_1938 = arith.index_cast %get3A_1937 : i32 to index
    %get3A_1939 = arith.constant 96 : index
    %get3A_1940 = tpu.vector_load %arg34[%get3A_1938, %get3A_1939] {strides = array<i32>} : memref<4x128xi32, #tpu.memory_space<vmem>>, vector<1x16xi32>,
    %get3A_1941 = vector.shape_cast %get3A_1940 : vector<1x16xi32> to vector<16xi32>
    %mul3A_1942 = arith.constant 4 : i32
    %mul3A_1943 = vector.broadcast %mul3A_1942 : i32 to vector<16xi32>
    %mul3A_1944 = arith.muli %get3A_1941, %mul3A_1943 : vector<16xi32>
    %get3A_1945 = arith.constant 3 : i32
    %get3A_1946 = arith.index_cast %get3A_1945 : i32 to index
    %get3A_1947 = arith.constant 96 : index
    %get3A_1948 = tpu.vector_load %arg35[%get3A_1946, %get3A_1947] {strides = array<i32>} : memref<4x128xi32, #tpu.memory_space<vmem>>, vector<1x16xi32>,
    %get3A_1949 = vector.shape_cast %get3A_1948 : vector<1x16xi32> to vector<16xi32>
    %add3A_1950 = arith.addi %mul3A_1944, %get3A_1949 : vector<16xi32>
    %swap3A_1951 = arith.constant 3 : i32
    %swap3A_1952 = arith.index_cast %swap3A_1951 : i32 to index
    %swap3A_1953 = arith.constant 96 : index
    %swap3A_1954 = tpu.vector_load %arg38[%swap3A_1952, %swap3A_1953] {strides = array<i32>} : memref<4x128xi32, #tpu.memory_space<vmem>>, vector<1x16xi32>,
    %swap3A_1955 = vector.shape_cast %swap3A_1954 : vector<1x16xi32> to vector<16xi32>
    %swap3A_1956 = vector.shape_cast %add3A_1950 : vector<16xi32> to vector<1x16xi32>
    tpu.vector_store %arg38[%swap3A_1952, %swap3A_1953], %swap3A_1956 {strides = array<i32>} : memref<4x128xi32, #tpu.memory_space<vmem>>, vector<1x16xi32>,
    %get3A_1957 = arith.constant 3 : i32
    %get3A_1958 = arith.index_cast %get3A_1957 : i32 to index
    %get3A_1959 = arith.constant 112 : index
    %get3A_1960 = tpu.vector_load %arg34[%get3A_1958, %get3A_1959] {strides = array<i32>} : memref<4x128xi32, #tpu.memory_space<vmem>>, vector<1x16xi32>,
    %get3A_1961 = vector.shape_cast %get3A_1960 : vector<1x16xi32> to vector<16xi32>
    %mul3A_1962 = arith.constant 4 : i32
    %mul3A_1963 = vector.broadcast %mul3A_1962 : i32 to vector<16xi32>
    %mul3A_1964 = arith.muli %get3A_1961, %mul3A_1963 : vector<16xi32>
    %get3A_1965 = arith.constant 3 : i32
    %get3A_1966 = arith.index_cast %get3A_1965 : i32 to index
    %get3A_1967 = arith.constant 112 : index
    %get3A_1968 = tpu.vector_load %arg35[%get3A_1966, %get3A_1967] {strides = array<i32>} : memref<4x128xi32, #tpu.memory_space<vmem>>, vector<1x16xi32>,
    %get3A_1969 = vector.shape_cast %get3A_1968 : vector<1x16xi32> to vector<16xi32>
    %add3A_1970 = arith.addi %mul3A_1964, %get3A_1969 : vector<16xi32>
    %swap3A_1971 = arith.constant 3 : i32
    %swap3A_1972 = arith.index_cast %swap3A_1971 : i32 to index
    %swap3A_1973 = arith.constant 112 : index
    %swap3A_1974 = tpu.vector_load %arg38[%swap3A_1972, %swap3A_1973] {strides = array<i32>} : memref<4x128xi32, #tpu.memory_space<vmem>>, vector<1x16xi32>,
    %swap3A_1975 = vector.shape_cast %swap3A_1974 : vector<1x16xi32> to vector<16xi32>
    %swap3A_1976 = vector.shape_cast %add3A_1970 : vector<16xi32> to vector<1x16xi32>
    tpu.vector_store %arg38[%swap3A_1972, %swap3A_1973], %swap3A_1976 {strides = array<i32>} : memref<4x128xi32, #tpu.memory_space<vmem>>, vector<1x16xi32>,
    %dma_start3A_1977 = arith.constant 0 : i32
    %dma_start3A_1978 = arith.constant 0 : i32
    %dma_start3A_1979 = arith.constant 0 : i32
    %dma_start3A_1980 = tpu.memref_slice %arg39[%dma_start3A_1978, %dma_start3A_1979] : memref<512x8xf32, #tpu.memory_space<vmem>> -> memref<128x8xf32, #tpu.memory_space<vmem>>
    %dma_start3A_1981 = arith.constant 0 : i32
    %dma_start3A_1982 = tpu.memref_slice %arg29[%dma_start3A_1977, %dma_start3A_1981] : memref<4x128xi32, #tpu.memory_space<vmem>> -> memref<1x128xi32, #tpu.memory_space<vmem>>
    %dma_start3A_1983 = tpu.memref_squeeze %dma_start3A_1982 : memref<1x128xi32, #tpu.memory_space<vmem>> -> memref<128xi32, #tpu.memory_space<vmem>>
    %dma_start3A_1984 = arith.constant 0 : i32
    %dma_start3A_1985 = arith.constant 0 : i32
    %dma_start3A_1986 = tpu.memref_slice %arg9[%dma_start3A_1984, %dma_start3A_1985] : memref<10x8xf32, #tpu.memory_space<hbm>> -> memref<10x8xf32, #tpu.memory_space<hbm>>
    tpu.enqueue_indirect_dma source(%dma_start3A_1986 : memref<10x8xf32, #tpu.memory_space<hbm>>) target(%dma_start3A_1980 : memref<128x8xf32, #tpu.memory_space<vmem>>) offsets(%dma_start3A_1983 : memref<128xi32, #tpu.memory_space<vmem>>) semaphore(%arg50 : memref<!tpu.dma_semaphore, #tpu.memory_space<semaphore_mem>>)
    %dma_start3A_1987 = arith.constant 1 : i32
    %dma_start3A_1988 = arith.constant 128 : i32
    %dma_start3A_1989 = arith.constant 0 : i32
    %dma_start3A_1990 = tpu.memref_slice %arg39[%dma_start3A_1988, %dma_start3A_1989] : memref<512x8xf32, #tpu.memory_space<vmem>> -> memref<128x8xf32, #tpu.memory_space<vmem>>
    %dma_start3A_1991 = arith.constant 0 : i32
    %dma_start3A_1992 = tpu.memref_slice %arg29[%dma_start3A_1987, %dma_start3A_1991] : memref<4x128xi32, #tpu.memory_space<vmem>> -> memref<1x128xi32, #tpu.memory_space<vmem>>
    %dma_start3A_1993 = tpu.memref_squeeze %dma_start3A_1992 : memref<1x128xi32, #tpu.memory_space<vmem>> -> memref<128xi32, #tpu.memory_space<vmem>>
    %dma_start3A_1994 = arith.constant 0 : i32
    %dma_start3A_1995 = arith.constant 0 : i32
    %dma_start3A_1996 = tpu.memref_slice %arg9[%dma_start3A_1994, %dma_start3A_1995] : memref<10x8xf32, #tpu.memory_space<hbm>> -> memref<10x8xf32, #tpu.memory_space<hbm>>
    tpu.enqueue_indirect_dma source(%dma_start3A_1996 : memref<10x8xf32, #tpu.memory_space<hbm>>) target(%dma_start3A_1990 : memref<128x8xf32, #tpu.memory_space<vmem>>) offsets(%dma_start3A_1993 : memref<128xi32, #tpu.memory_space<vmem>>) semaphore(%arg50 : memref<!tpu.dma_semaphore, #tpu.memory_space<semaphore_mem>>)
    %dma_start3A_1997 = arith.constant 2 : i32
    %dma_start3A_1998 = arith.constant 256 : i32
    %dma_start3A_1999 = arith.constant 0 : i32
    %dma_start3A_2000 = tpu.memref_slice %arg39[%dma_start3A_1998, %dma_start3A_1999] : memref<512x8xf32, #tpu.memory_space<vmem>> -> memref<128x8xf32, #tpu.memory_space<vmem>>
    %dma_start3A_2001 = arith.constant 0 : i32
    %dma_start3A_2002 = tpu.memref_slice %arg29[%dma_start3A_1997, %dma_start3A_2001] : memref<4x128xi32, #tpu.memory_space<vmem>> -> memref<1x128xi32, #tpu.memory_space<vmem>>
    %dma_start3A_2003 = tpu.memref_squeeze %dma_start3A_2002 : memref<1x128xi32, #tpu.memory_space<vmem>> -> memref<128xi32, #tpu.memory_space<vmem>>
    %dma_start3A_2004 = arith.constant 0 : i32
    %dma_start3A_2005 = arith.constant 0 : i32
    %dma_start3A_2006 = tpu.memref_slice %arg9[%dma_start3A_2004, %dma_start3A_2005] : memref<10x8xf32, #tpu.memory_space<hbm>> -> memref<10x8xf32, #tpu.memory_space<hbm>>
    tpu.enqueue_indirect_dma source(%dma_start3A_2006 : memref<10x8xf32, #tpu.memory_space<hbm>>) target(%dma_start3A_2000 : memref<128x8xf32, #tpu.memory_space<vmem>>) offsets(%dma_start3A_2003 : memref<128xi32, #tpu.memory_space<vmem>>) semaphore(%arg50 : memref<!tpu.dma_semaphore, #tpu.memory_space<semaphore_mem>>)
    %dma_start3A_2007 = arith.constant 3 : i32
    %dma_start3A_2008 = arith.constant 384 : i32
    %dma_start3A_2009 = arith.constant 0 : i32
    %dma_start3A_2010 = tpu.memref_slice %arg39[%dma_start3A_2008, %dma_start3A_2009] : memref<512x8xf32, #tpu.memory_space<vmem>> -> memref<128x8xf32, #tpu.memory_space<vmem>>
    %dma_start3A_2011 = arith.constant 0 : i32
    %dma_start3A_2012 = tpu.memref_slice %arg29[%dma_start3A_2007, %dma_start3A_2011] : memref<4x128xi32, #tpu.memory_space<vmem>> -> memref<1x128xi32, #tpu.memory_space<vmem>>
    %dma_start3A_2013 = tpu.memref_squeeze %dma_start3A_2012 : memref<1x128xi32, #tpu.memory_space<vmem>> -> memref<128xi32, #tpu.memory_space<vmem>>
    %dma_start3A_2014 = arith.constant 0 : i32
    %dma_start3A_2015 = arith.constant 0 : i32
    %dma_start3A_2016 = tpu.memref_slice %arg9[%dma_start3A_2014, %dma_start3A_2015] : memref<10x8xf32, #tpu.memory_space<hbm>> -> memref<10x8xf32, #tpu.memory_space<hbm>>
    tpu.enqueue_indirect_dma source(%dma_start3A_2016 : memref<10x8xf32, #tpu.memory_space<hbm>>) target(%dma_start3A_2010 : memref<128x8xf32, #tpu.memory_space<vmem>>) offsets(%dma_start3A_2013 : memref<128xi32, #tpu.memory_space<vmem>>) semaphore(%arg50 : memref<!tpu.dma_semaphore, #tpu.memory_space<semaphore_mem>>)
    %dma_start3A_2017 = arith.constant 0 : i32
    %dma_start3A_2018 = arith.constant 0 : i32
    %dma_start3A_2019 = arith.constant 0 : i32
    %dma_start3A_2020 = tpu.memref_slice %arg40[%dma_start3A_2018, %dma_start3A_2019] : memref<512x8xf32, #tpu.memory_space<vmem>> -> memref<128x8xf32, #tpu.memory_space<vmem>>
    %dma_start3A_2021 = arith.constant 0 : i32
    %dma_start3A_2022 = tpu.memref_slice %arg30[%dma_start3A_2017, %dma_start3A_2021] : memref<4x128xi32, #tpu.memory_space<vmem>> -> memref<1x128xi32, #tpu.memory_space<vmem>>
    %dma_start3A_2023 = tpu.memref_squeeze %dma_start3A_2022 : memref<1x128xi32, #tpu.memory_space<vmem>> -> memref<128xi32, #tpu.memory_space<vmem>>
    %dma_start3A_2024 = arith.constant 0 : i32
    %dma_start3A_2025 = arith.constant 0 : i32
    %dma_start3A_2026 = tpu.memref_slice %arg10[%dma_start3A_2024, %dma_start3A_2025] : memref<3x8xf32, #tpu.memory_space<hbm>> -> memref<3x8xf32, #tpu.memory_space<hbm>>
    tpu.enqueue_indirect_dma source(%dma_start3A_2026 : memref<3x8xf32, #tpu.memory_space<hbm>>) target(%dma_start3A_2020 : memref<128x8xf32, #tpu.memory_space<vmem>>) offsets(%dma_start3A_2023 : memref<128xi32, #tpu.memory_space<vmem>>) semaphore(%arg50 : memref<!tpu.dma_semaphore, #tpu.memory_space<semaphore_mem>>)
    %dma_start3A_2027 = arith.constant 1 : i32
    %dma_start3A_2028 = arith.constant 128 : i32
    %dma_start3A_2029 = arith.constant 0 : i32
    %dma_start3A_2030 = tpu.memref_slice %arg40[%dma_start3A_2028, %dma_start3A_2029] : memref<512x8xf32, #tpu.memory_space<vmem>> -> memref<128x8xf32, #tpu.memory_space<vmem>>
    %dma_start3A_2031 = arith.constant 0 : i32
    %dma_start3A_2032 = tpu.memref_slice %arg30[%dma_start3A_2027, %dma_start3A_2031] : memref<4x128xi32, #tpu.memory_space<vmem>> -> memref<1x128xi32, #tpu.memory_space<vmem>>
    %dma_start3A_2033 = tpu.memref_squeeze %dma_start3A_2032 : memref<1x128xi32, #tpu.memory_space<vmem>> -> memref<128xi32, #tpu.memory_space<vmem>>
    %dma_start3A_2034 = arith.constant 0 : i32
    %dma_start3A_2035 = arith.constant 0 : i32
    %dma_start3A_2036 = tpu.memref_slice %arg10[%dma_start3A_2034, %dma_start3A_2035] : memref<3x8xf32, #tpu.memory_space<hbm>> -> memref<3x8xf32, #tpu.memory_space<hbm>>
    tpu.enqueue_indirect_dma source(%dma_start3A_2036 : memref<3x8xf32, #tpu.memory_space<hbm>>) target(%dma_start3A_2030 : memref<128x8xf32, #tpu.memory_space<vmem>>) offsets(%dma_start3A_2033 : memref<128xi32, #tpu.memory_space<vmem>>) semaphore(%arg50 : memref<!tpu.dma_semaphore, #tpu.memory_space<semaphore_mem>>)
    %dma_start3A_2037 = arith.constant 2 : i32
    %dma_start3A_2038 = arith.constant 256 : i32
    %dma_start3A_2039 = arith.constant 0 : i32
    %dma_start3A_2040 = tpu.memref_slice %arg40[%dma_start3A_2038, %dma_start3A_2039] : memref<512x8xf32, #tpu.memory_space<vmem>> -> memref<128x8xf32, #tpu.memory_space<vmem>>
    %dma_start3A_2041 = arith.constant 0 : i32
    %dma_start3A_2042 = tpu.memref_slice %arg30[%dma_start3A_2037, %dma_start3A_2041] : memref<4x128xi32, #tpu.memory_space<vmem>> -> memref<1x128xi32, #tpu.memory_space<vmem>>
    %dma_start3A_2043 = tpu.memref_squeeze %dma_start3A_2042 : memref<1x128xi32, #tpu.memory_space<vmem>> -> memref<128xi32, #tpu.memory_space<vmem>>
    %dma_start3A_2044 = arith.constant 0 : i32
    %dma_start3A_2045 = arith.constant 0 : i32
    %dma_start3A_2046 = tpu.memref_slice %arg10[%dma_start3A_2044, %dma_start3A_2045] : memref<3x8xf32, #tpu.memory_space<hbm>> -> memref<3x8xf32, #tpu.memory_space<hbm>>
    tpu.enqueue_indirect_dma source(%dma_start3A_2046 : memref<3x8xf32, #tpu.memory_space<hbm>>) target(%dma_start3A_2040 : memref<128x8xf32, #tpu.memory_space<vmem>>) offsets(%dma_start3A_2043 : memref<128xi32, #tpu.memory_space<vmem>>) semaphore(%arg50 : memref<!tpu.dma_semaphore, #tpu.memory_space<semaphore_mem>>)
    %dma_start3A_2047 = arith.constant 3 : i32
    %dma_start3A_2048 = arith.constant 384 : i32
    %dma_start3A_2049 = arith.constant 0 : i32
    %dma_start3A_2050 = tpu.memref_slice %arg40[%dma_start3A_2048, %dma_start3A_2049] : memref<512x8xf32, #tpu.memory_space<vmem>> -> memref<128x8xf32, #tpu.memory_space<vmem>>
    %dma_start3A_2051 = arith.constant 0 : i32
    %dma_start3A_2052 = tpu.memref_slice %arg30[%dma_start3A_2047, %dma_start3A_2051] : memref<4x128xi32, #tpu.memory_space<vmem>> -> memref<1x128xi32, #tpu.memory_space<vmem>>
    %dma_start3A_2053 = tpu.memref_squeeze %dma_start3A_2052 : memref<1x128xi32, #tpu.memory_space<vmem>> -> memref<128xi32, #tpu.memory_space<vmem>>
    %dma_start3A_2054 = arith.constant 0 : i32
    %dma_start3A_2055 = arith.constant 0 : i32
    %dma_start3A_2056 = tpu.memref_slice %arg10[%dma_start3A_2054, %dma_start3A_2055] : memref<3x8xf32, #tpu.memory_space<hbm>> -> memref<3x8xf32, #tpu.memory_space<hbm>>
    tpu.enqueue_indirect_dma source(%dma_start3A_2056 : memref<3x8xf32, #tpu.memory_space<hbm>>) target(%dma_start3A_2050 : memref<128x8xf32, #tpu.memory_space<vmem>>) offsets(%dma_start3A_2053 : memref<128xi32, #tpu.memory_space<vmem>>) semaphore(%arg50 : memref<!tpu.dma_semaphore, #tpu.memory_space<semaphore_mem>>)
    %dma_start3A_2057 = arith.constant 0 : i32
    %dma_start3A_2058 = arith.constant 0 : i32
    %dma_start3A_2059 = arith.constant 0 : i32
    %dma_start3A_2060 = tpu.memref_slice %arg41[%dma_start3A_2058, %dma_start3A_2059] : memref<512x8xf32, #tpu.memory_space<vmem>> -> memref<128x8xf32, #tpu.memory_space<vmem>>
    %dma_start3A_2061 = arith.constant 0 : i32
    %dma_start3A_2062 = tpu.memref_slice %arg31[%dma_start3A_2057, %dma_start3A_2061] : memref<4x128xi32, #tpu.memory_space<vmem>> -> memref<1x128xi32, #tpu.memory_space<vmem>>
    %dma_start3A_2063 = tpu.memref_squeeze %dma_start3A_2062 : memref<1x128xi32, #tpu.memory_space<vmem>> -> memref<128xi32, #tpu.memory_space<vmem>>
    %dma_start3A_2064 = arith.constant 0 : i32
    %dma_start3A_2065 = arith.constant 0 : i32
    %dma_start3A_2066 = tpu.memref_slice %arg11[%dma_start3A_2064, %dma_start3A_2065] : memref<1000x8xf32, #tpu.memory_space<hbm>> -> memref<1000x8xf32, #tpu.memory_space<hbm>>
    tpu.enqueue_indirect_dma source(%dma_start3A_2066 : memref<1000x8xf32, #tpu.memory_space<hbm>>) target(%dma_start3A_2060 : memref<128x8xf32, #tpu.memory_space<vmem>>) offsets(%dma_start3A_2063 : memref<128xi32, #tpu.memory_space<vmem>>) semaphore(%arg50 : memref<!tpu.dma_semaphore, #tpu.memory_space<semaphore_mem>>)
    %dma_start3A_2067 = arith.constant 1 : i32
    %dma_start3A_2068 = arith.constant 128 : i32
    %dma_start3A_2069 = arith.constant 0 : i32
    %dma_start3A_2070 = tpu.memref_slice %arg41[%dma_start3A_2068, %dma_start3A_2069] : memref<512x8xf32, #tpu.memory_space<vmem>> -> memref<128x8xf32, #tpu.memory_space<vmem>>
    %dma_start3A_2071 = arith.constant 0 : i32
    %dma_start3A_2072 = tpu.memref_slice %arg31[%dma_start3A_2067, %dma_start3A_2071] : memref<4x128xi32, #tpu.memory_space<vmem>> -> memref<1x128xi32, #tpu.memory_space<vmem>>
    %dma_start3A_2073 = tpu.memref_squeeze %dma_start3A_2072 : memref<1x128xi32, #tpu.memory_space<vmem>> -> memref<128xi32, #tpu.memory_space<vmem>>
    %dma_start3A_2074 = arith.constant 0 : i32
    %dma_start3A_2075 = arith.constant 0 : i32
    %dma_start3A_2076 = tpu.memref_slice %arg11[%dma_start3A_2074, %dma_start3A_2075] : memref<1000x8xf32, #tpu.memory_space<hbm>> -> memref<1000x8xf32, #tpu.memory_space<hbm>>
    tpu.enqueue_indirect_dma source(%dma_start3A_2076 : memref<1000x8xf32, #tpu.memory_space<hbm>>) target(%dma_start3A_2070 : memref<128x8xf32, #tpu.memory_space<vmem>>) offsets(%dma_start3A_2073 : memref<128xi32, #tpu.memory_space<vmem>>) semaphore(%arg50 : memref<!tpu.dma_semaphore, #tpu.memory_space<semaphore_mem>>)
    %dma_start3A_2077 = arith.constant 2 : i32
    %dma_start3A_2078 = arith.constant 256 : i32
    %dma_start3A_2079 = arith.constant 0 : i32
    %dma_start3A_2080 = tpu.memref_slice %arg41[%dma_start3A_2078, %dma_start3A_2079] : memref<512x8xf32, #tpu.memory_space<vmem>> -> memref<128x8xf32, #tpu.memory_space<vmem>>
    %dma_start3A_2081 = arith.constant 0 : i32
    %dma_start3A_2082 = tpu.memref_slice %arg31[%dma_start3A_2077, %dma_start3A_2081] : memref<4x128xi32, #tpu.memory_space<vmem>> -> memref<1x128xi32, #tpu.memory_space<vmem>>
    %dma_start3A_2083 = tpu.memref_squeeze %dma_start3A_2082 : memref<1x128xi32, #tpu.memory_space<vmem>> -> memref<128xi32, #tpu.memory_space<vmem>>
    %dma_start3A_2084 = arith.constant 0 : i32
    %dma_start3A_2085 = arith.constant 0 : i32
    %dma_start3A_2086 = tpu.memref_slice %arg11[%dma_start3A_2084, %dma_start3A_2085] : memref<1000x8xf32, #tpu.memory_space<hbm>> -> memref<1000x8xf32, #tpu.memory_space<hbm>>
    tpu.enqueue_indirect_dma source(%dma_start3A_2086 : memref<1000x8xf32, #tpu.memory_space<hbm>>) target(%dma_start3A_2080 : memref<128x8xf32, #tpu.memory_space<vmem>>) offsets(%dma_start3A_2083 : memref<128xi32, #tpu.memory_space<vmem>>) semaphore(%arg50 : memref<!tpu.dma_semaphore, #tpu.memory_space<semaphore_mem>>)
    %dma_start3A_2087 = arith.constant 3 : i32
    %dma_start3A_2088 = arith.constant 384 : i32
    %dma_start3A_2089 = arith.constant 0 : i32
    %dma_start3A_2090 = tpu.memref_slice %arg41[%dma_start3A_2088, %dma_start3A_2089] : memref<512x8xf32, #tpu.memory_space<vmem>> -> memref<128x8xf32, #tpu.memory_space<vmem>>
    %dma_start3A_2091 = arith.constant 0 : i32
    %dma_start3A_2092 = tpu.memref_slice %arg31[%dma_start3A_2087, %dma_start3A_2091] : memref<4x128xi32, #tpu.memory_space<vmem>> -> memref<1x128xi32, #tpu.memory_space<vmem>>
    %dma_start3A_2093 = tpu.memref_squeeze %dma_start3A_2092 : memref<1x128xi32, #tpu.memory_space<vmem>> -> memref<128xi32, #tpu.memory_space<vmem>>
    %dma_start3A_2094 = arith.constant 0 : i32
    %dma_start3A_2095 = arith.constant 0 : i32
    %dma_start3A_2096 = tpu.memref_slice %arg11[%dma_start3A_2094, %dma_start3A_2095] : memref<1000x8xf32, #tpu.memory_space<hbm>> -> memref<1000x8xf32, #tpu.memory_space<hbm>>
    tpu.enqueue_indirect_dma source(%dma_start3A_2096 : memref<1000x8xf32, #tpu.memory_space<hbm>>) target(%dma_start3A_2090 : memref<128x8xf32, #tpu.memory_space<vmem>>) offsets(%dma_start3A_2093 : memref<128xi32, #tpu.memory_space<vmem>>) semaphore(%arg50 : memref<!tpu.dma_semaphore, #tpu.memory_space<semaphore_mem>>)
    %dma_start3A_2097 = arith.constant 0 : i32
    %dma_start3A_2098 = arith.constant 0 : i32
    %dma_start3A_2099 = arith.constant 0 : i32
    %dma_start3A_2100 = tpu.memref_slice %arg42[%dma_start3A_2098, %dma_start3A_2099] : memref<512x8xf32, #tpu.memory_space<vmem>> -> memref<128x8xf32, #tpu.memory_space<vmem>>
    %dma_start3A_2101 = arith.constant 0 : i32
    %dma_start3A_2102 = tpu.memref_slice %arg32[%dma_start3A_2097, %dma_start3A_2101] : memref<4x128xi32, #tpu.memory_space<vmem>> -> memref<1x128xi32, #tpu.memory_space<vmem>>
    %dma_start3A_2103 = tpu.memref_squeeze %dma_start3A_2102 : memref<1x128xi32, #tpu.memory_space<vmem>> -> memref<128xi32, #tpu.memory_space<vmem>>
    %dma_start3A_2104 = arith.constant 0 : i32
    %dma_start3A_2105 = arith.constant 0 : i32
    %dma_start3A_2106 = tpu.memref_slice %arg12[%dma_start3A_2104, %dma_start3A_2105] : memref<100x8xf32, #tpu.memory_space<hbm>> -> memref<100x8xf32, #tpu.memory_space<hbm>>
    tpu.enqueue_indirect_dma source(%dma_start3A_2106 : memref<100x8xf32, #tpu.memory_space<hbm>>) target(%dma_start3A_2100 : memref<128x8xf32, #tpu.memory_space<vmem>>) offsets(%dma_start3A_2103 : memref<128xi32, #tpu.memory_space<vmem>>) semaphore(%arg50 : memref<!tpu.dma_semaphore, #tpu.memory_space<semaphore_mem>>)
    %dma_start3A_2107 = arith.constant 1 : i32
    %dma_start3A_2108 = arith.constant 128 : i32
    %dma_start3A_2109 = arith.constant 0 : i32
    %dma_start3A_2110 = tpu.memref_slice %arg42[%dma_start3A_2108, %dma_start3A_2109] : memref<512x8xf32, #tpu.memory_space<vmem>> -> memref<128x8xf32, #tpu.memory_space<vmem>>
    %dma_start3A_2111 = arith.constant 0 : i32
    %dma_start3A_2112 = tpu.memref_slice %arg32[%dma_start3A_2107, %dma_start3A_2111] : memref<4x128xi32, #tpu.memory_space<vmem>> -> memref<1x128xi32, #tpu.memory_space<vmem>>
    %dma_start3A_2113 = tpu.memref_squeeze %dma_start3A_2112 : memref<1x128xi32, #tpu.memory_space<vmem>> -> memref<128xi32, #tpu.memory_space<vmem>>
    %dma_start3A_2114 = arith.constant 0 : i32
    %dma_start3A_2115 = arith.constant 0 : i32
    %dma_start3A_2116 = tpu.memref_slice %arg12[%dma_start3A_2114, %dma_start3A_2115] : memref<100x8xf32, #tpu.memory_space<hbm>> -> memref<100x8xf32, #tpu.memory_space<hbm>>
    tpu.enqueue_indirect_dma source(%dma_start3A_2116 : memref<100x8xf32, #tpu.memory_space<hbm>>) target(%dma_start3A_2110 : memref<128x8xf32, #tpu.memory_space<vmem>>) offsets(%dma_start3A_2113 : memref<128xi32, #tpu.memory_space<vmem>>) semaphore(%arg50 : memref<!tpu.dma_semaphore, #tpu.memory_space<semaphore_mem>>)
    %dma_start3A_2117 = arith.constant 2 : i32
    %dma_start3A_2118 = arith.constant 256 : i32
    %dma_start3A_2119 = arith.constant 0 : i32
    %dma_start3A_2120 = tpu.memref_slice %arg42[%dma_start3A_2118, %dma_start3A_2119] : memref<512x8xf32, #tpu.memory_space<vmem>> -> memref<128x8xf32, #tpu.memory_space<vmem>>
    %dma_start3A_2121 = arith.constant 0 : i32
    %dma_start3A_2122 = tpu.memref_slice %arg32[%dma_start3A_2117, %dma_start3A_2121] : memref<4x128xi32, #tpu.memory_space<vmem>> -> memref<1x128xi32, #tpu.memory_space<vmem>>
    %dma_start3A_2123 = tpu.memref_squeeze %dma_start3A_2122 : memref<1x128xi32, #tpu.memory_space<vmem>> -> memref<128xi32, #tpu.memory_space<vmem>>
    %dma_start3A_2124 = arith.constant 0 : i32
    %dma_start3A_2125 = arith.constant 0 : i32
    %dma_start3A_2126 = tpu.memref_slice %arg12[%dma_start3A_2124, %dma_start3A_2125] : memref<100x8xf32, #tpu.memory_space<hbm>> -> memref<100x8xf32, #tpu.memory_space<hbm>>
    tpu.enqueue_indirect_dma source(%dma_start3A_2126 : memref<100x8xf32, #tpu.memory_space<hbm>>) target(%dma_start3A_2120 : memref<128x8xf32, #tpu.memory_space<vmem>>) offsets(%dma_start3A_2123 : memref<128xi32, #tpu.memory_space<vmem>>) semaphore(%arg50 : memref<!tpu.dma_semaphore, #tpu.memory_space<semaphore_mem>>)
    %dma_start3A_2127 = arith.constant 3 : i32
    %dma_start3A_2128 = arith.constant 384 : i32
    %dma_start3A_2129 = arith.constant 0 : i32
    %dma_start3A_2130 = tpu.memref_slice %arg42[%dma_start3A_2128, %dma_start3A_2129] : memref<512x8xf32, #tpu.memory_space<vmem>> -> memref<128x8xf32, #tpu.memory_space<vmem>>
    %dma_start3A_2131 = arith.constant 0 : i32
    %dma_start3A_2132 = tpu.memref_slice %arg32[%dma_start3A_2127, %dma_start3A_2131] : memref<4x128xi32, #tpu.memory_space<vmem>> -> memref<1x128xi32, #tpu.memory_space<vmem>>
    %dma_start3A_2133 = tpu.memref_squeeze %dma_start3A_2132 : memref<1x128xi32, #tpu.memory_space<vmem>> -> memref<128xi32, #tpu.memory_space<vmem>>
    %dma_start3A_2134 = arith.constant 0 : i32
    %dma_start3A_2135 = arith.constant 0 : i32
    %dma_start3A_2136 = tpu.memref_slice %arg12[%dma_start3A_2134, %dma_start3A_2135] : memref<100x8xf32, #tpu.memory_space<hbm>> -> memref<100x8xf32, #tpu.memory_space<hbm>>
    tpu.enqueue_indirect_dma source(%dma_start3A_2136 : memref<100x8xf32, #tpu.memory_space<hbm>>) target(%dma_start3A_2130 : memref<128x8xf32, #tpu.memory_space<vmem>>) offsets(%dma_start3A_2133 : memref<128xi32, #tpu.memory_space<vmem>>) semaphore(%arg50 : memref<!tpu.dma_semaphore, #tpu.memory_space<semaphore_mem>>)
    %dma_start3A_2137 = arith.constant 0 : i32
    %dma_start3A_2138 = arith.constant 0 : i32
    %dma_start3A_2139 = arith.constant 0 : i32
    %dma_start3A_2140 = tpu.memref_slice %arg43[%dma_start3A_2138, %dma_start3A_2139] : memref<512x8xf32, #tpu.memory_space<vmem>> -> memref<128x8xf32, #tpu.memory_space<vmem>>
    %dma_start3A_2141 = arith.constant 0 : i32
    %dma_start3A_2142 = tpu.memref_slice %arg33[%dma_start3A_2137, %dma_start3A_2141] : memref<4x128xi32, #tpu.memory_space<vmem>> -> memref<1x128xi32, #tpu.memory_space<vmem>>
    %dma_start3A_2143 = tpu.memref_squeeze %dma_start3A_2142 : memref<1x128xi32, #tpu.memory_space<vmem>> -> memref<128xi32, #tpu.memory_space<vmem>>
    %dma_start3A_2144 = arith.constant 0 : i32
    %dma_start3A_2145 = arith.constant 0 : i32
    %dma_start3A_2146 = tpu.memref_slice %arg13[%dma_start3A_2144, %dma_start3A_2145] : memref<10000x8xf32, #tpu.memory_space<hbm>> -> memref<10000x8xf32, #tpu.memory_space<hbm>>
    tpu.enqueue_indirect_dma source(%dma_start3A_2146 : memref<10000x8xf32, #tpu.memory_space<hbm>>) target(%dma_start3A_2140 : memref<128x8xf32, #tpu.memory_space<vmem>>) offsets(%dma_start3A_2143 : memref<128xi32, #tpu.memory_space<vmem>>) semaphore(%arg50 : memref<!tpu.dma_semaphore, #tpu.memory_space<semaphore_mem>>)
    %dma_start3A_2147 = arith.constant 1 : i32
    %dma_start3A_2148 = arith.constant 128 : i32
    %dma_start3A_2149 = arith.constant 0 : i32
    %dma_start3A_2150 = tpu.memref_slice %arg43[%dma_start3A_2148, %dma_start3A_2149] : memref<512x8xf32, #tpu.memory_space<vmem>> -> memref<128x8xf32, #tpu.memory_space<vmem>>
    %dma_start3A_2151 = arith.constant 0 : i32
    %dma_start3A_2152 = tpu.memref_slice %arg33[%dma_start3A_2147, %dma_start3A_2151] : memref<4x128xi32, #tpu.memory_space<vmem>> -> memref<1x128xi32, #tpu.memory_space<vmem>>
    %dma_start3A_2153 = tpu.memref_squeeze %dma_start3A_2152 : memref<1x128xi32, #tpu.memory_space<vmem>> -> memref<128xi32, #tpu.memory_space<vmem>>
    %dma_start3A_2154 = arith.constant 0 : i32
    %dma_start3A_2155 = arith.constant 0 : i32
    %dma_start3A_2156 = tpu.memref_slice %arg13[%dma_start3A_2154, %dma_start3A_2155] : memref<10000x8xf32, #tpu.memory_space<hbm>> -> memref<10000x8xf32, #tpu.memory_space<hbm>>
    tpu.enqueue_indirect_dma source(%dma_start3A_2156 : memref<10000x8xf32, #tpu.memory_space<hbm>>) target(%dma_start3A_2150 : memref<128x8xf32, #tpu.memory_space<vmem>>) offsets(%dma_start3A_2153 : memref<128xi32, #tpu.memory_space<vmem>>) semaphore(%arg50 : memref<!tpu.dma_semaphore, #tpu.memory_space<semaphore_mem>>)
    %dma_start3A_2157 = arith.constant 2 : i32
    %dma_start3A_2158 = arith.constant 256 : i32
    %dma_start3A_2159 = arith.constant 0 : i32
    %dma_start3A_2160 = tpu.memref_slice %arg43[%dma_start3A_2158, %dma_start3A_2159] : memref<512x8xf32, #tpu.memory_space<vmem>> -> memref<128x8xf32, #tpu.memory_space<vmem>>
    %dma_start3A_2161 = arith.constant 0 : i32
    %dma_start3A_2162 = tpu.memref_slice %arg33[%dma_start3A_2157, %dma_start3A_2161] : memref<4x128xi32, #tpu.memory_space<vmem>> -> memref<1x128xi32, #tpu.memory_space<vmem>>
    %dma_start3A_2163 = tpu.memref_squeeze %dma_start3A_2162 : memref<1x128xi32, #tpu.memory_space<vmem>> -> memref<128xi32, #tpu.memory_space<vmem>>
    %dma_start3A_2164 = arith.constant 0 : i32
    %dma_start3A_2165 = arith.constant 0 : i32
    %dma_start3A_2166 = tpu.memref_slice %arg13[%dma_start3A_2164, %dma_start3A_2165] : memref<10000x8xf32, #tpu.memory_space<hbm>> -> memref<10000x8xf32, #tpu.memory_space<hbm>>
    tpu.enqueue_indirect_dma source(%dma_start3A_2166 : memref<10000x8xf32, #tpu.memory_space<hbm>>) target(%dma_start3A_2160 : memref<128x8xf32, #tpu.memory_space<vmem>>) offsets(%dma_start3A_2163 : memref<128xi32, #tpu.memory_space<vmem>>) semaphore(%arg50 : memref<!tpu.dma_semaphore, #tpu.memory_space<semaphore_mem>>)
    %dma_start3A_2167 = arith.constant 3 : i32
    %dma_start3A_2168 = arith.constant 384 : i32
    %dma_start3A_2169 = arith.constant 0 : i32
    %dma_start3A_2170 = tpu.memref_slice %arg43[%dma_start3A_2168, %dma_start3A_2169] : memref<512x8xf32, #tpu.memory_space<vmem>> -> memref<128x8xf32, #tpu.memory_space<vmem>>
    %dma_start3A_2171 = arith.constant 0 : i32
    %dma_start3A_2172 = tpu.memref_slice %arg33[%dma_start3A_2167, %dma_start3A_2171] : memref<4x128xi32, #tpu.memory_space<vmem>> -> memref<1x128xi32, #tpu.memory_space<vmem>>
    %dma_start3A_2173 = tpu.memref_squeeze %dma_start3A_2172 : memref<1x128xi32, #tpu.memory_space<vmem>> -> memref<128xi32, #tpu.memory_space<vmem>>
    %dma_start3A_2174 = arith.constant 0 : i32
    %dma_start3A_2175 = arith.constant 0 : i32
    %dma_start3A_2176 = tpu.memref_slice %arg13[%dma_start3A_2174, %dma_start3A_2175] : memref<10000x8xf32, #tpu.memory_space<hbm>> -> memref<10000x8xf32, #tpu.memory_space<hbm>>
    tpu.enqueue_indirect_dma source(%dma_start3A_2176 : memref<10000x8xf32, #tpu.memory_space<hbm>>) target(%dma_start3A_2170 : memref<128x8xf32, #tpu.memory_space<vmem>>) offsets(%dma_start3A_2173 : memref<128xi32, #tpu.memory_space<vmem>>) semaphore(%arg50 : memref<!tpu.dma_semaphore, #tpu.memory_space<semaphore_mem>>)
    %dma_start3A_2177 = arith.constant 0 : i32
    %dma_start3A_2178 = arith.constant 0 : i32
    %dma_start3A_2179 = arith.constant 0 : i32
    %dma_start3A_2180 = tpu.memref_slice %arg44[%dma_start3A_2178, %dma_start3A_2179] : memref<512x8xf32, #tpu.memory_space<vmem>> -> memref<128x8xf32, #tpu.memory_space<vmem>>
    %dma_start3A_2181 = arith.constant 0 : i32
    %dma_start3A_2182 = tpu.memref_slice %arg34[%dma_start3A_2177, %dma_start3A_2181] : memref<4x128xi32, #tpu.memory_space<vmem>> -> memref<1x128xi32, #tpu.memory_space<vmem>>
    %dma_start3A_2183 = tpu.memref_squeeze %dma_start3A_2182 : memref<1x128xi32, #tpu.memory_space<vmem>> -> memref<128xi32, #tpu.memory_space<vmem>>
    %dma_start3A_2184 = arith.constant 0 : i32
    %dma_start3A_2185 = arith.constant 0 : i32
    %dma_start3A_2186 = tpu.memref_slice %arg14[%dma_start3A_2184, %dma_start3A_2185] : memref<24x8xf32, #tpu.memory_space<hbm>> -> memref<24x8xf32, #tpu.memory_space<hbm>>
    tpu.enqueue_indirect_dma source(%dma_start3A_2186 : memref<24x8xf32, #tpu.memory_space<hbm>>) target(%dma_start3A_2180 : memref<128x8xf32, #tpu.memory_space<vmem>>) offsets(%dma_start3A_2183 : memref<128xi32, #tpu.memory_space<vmem>>) semaphore(%arg50 : memref<!tpu.dma_semaphore, #tpu.memory_space<semaphore_mem>>)
    %dma_start3A_2187 = arith.constant 1 : i32
    %dma_start3A_2188 = arith.constant 128 : i32
    %dma_start3A_2189 = arith.constant 0 : i32
    %dma_start3A_2190 = tpu.memref_slice %arg44[%dma_start3A_2188, %dma_start3A_2189] : memref<512x8xf32, #tpu.memory_space<vmem>> -> memref<128x8xf32, #tpu.memory_space<vmem>>
    %dma_start3A_2191 = arith.constant 0 : i32
    %dma_start3A_2192 = tpu.memref_slice %arg34[%dma_start3A_2187, %dma_start3A_2191] : memref<4x128xi32, #tpu.memory_space<vmem>> -> memref<1x128xi32, #tpu.memory_space<vmem>>
    %dma_start3A_2193 = tpu.memref_squeeze %dma_start3A_2192 : memref<1x128xi32, #tpu.memory_space<vmem>> -> memref<128xi32, #tpu.memory_space<vmem>>
    %dma_start3A_2194 = arith.constant 0 : i32
    %dma_start3A_2195 = arith.constant 0 : i32
    %dma_start3A_2196 = tpu.memref_slice %arg14[%dma_start3A_2194, %dma_start3A_2195] : memref<24x8xf32, #tpu.memory_space<hbm>> -> memref<24x8xf32, #tpu.memory_space<hbm>>
    tpu.enqueue_indirect_dma source(%dma_start3A_2196 : memref<24x8xf32, #tpu.memory_space<hbm>>) target(%dma_start3A_2190 : memref<128x8xf32, #tpu.memory_space<vmem>>) offsets(%dma_start3A_2193 : memref<128xi32, #tpu.memory_space<vmem>>) semaphore(%arg50 : memref<!tpu.dma_semaphore, #tpu.memory_space<semaphore_mem>>)
    %dma_start3A_2197 = arith.constant 2 : i32
    %dma_start3A_2198 = arith.constant 256 : i32
    %dma_start3A_2199 = arith.constant 0 : i32
    %dma_start3A_2200 = tpu.memref_slice %arg44[%dma_start3A_2198, %dma_start3A_2199] : memref<512x8xf32, #tpu.memory_space<vmem>> -> memref<128x8xf32, #tpu.memory_space<vmem>>
    %dma_start3A_2201 = arith.constant 0 : i32
    %dma_start3A_2202 = tpu.memref_slice %arg34[%dma_start3A_2197, %dma_start3A_2201] : memref<4x128xi32, #tpu.memory_space<vmem>> -> memref<1x128xi32, #tpu.memory_space<vmem>>
    %dma_start3A_2203 = tpu.memref_squeeze %dma_start3A_2202 : memref<1x128xi32, #tpu.memory_space<vmem>> -> memref<128xi32, #tpu.memory_space<vmem>>
    %dma_start3A_2204 = arith.constant 0 : i32
    %dma_start3A_2205 = arith.constant 0 : i32
    %dma_start3A_2206 = tpu.memref_slice %arg14[%dma_start3A_2204, %dma_start3A_2205] : memref<24x8xf32, #tpu.memory_space<hbm>> -> memref<24x8xf32, #tpu.memory_space<hbm>>
    tpu.enqueue_indirect_dma source(%dma_start3A_2206 : memref<24x8xf32, #tpu.memory_space<hbm>>) target(%dma_start3A_2200 : memref<128x8xf32, #tpu.memory_space<vmem>>) offsets(%dma_start3A_2203 : memref<128xi32, #tpu.memory_space<vmem>>) semaphore(%arg50 : memref<!tpu.dma_semaphore, #tpu.memory_space<semaphore_mem>>)
    %dma_start3A_2207 = arith.constant 3 : i32
    %dma_start3A_2208 = arith.constant 384 : i32
    %dma_start3A_2209 = arith.constant 0 : i32
    %dma_start3A_2210 = tpu.memref_slice %arg44[%dma_start3A_2208, %dma_start3A_2209] : memref<512x8xf32, #tpu.memory_space<vmem>> -> memref<128x8xf32, #tpu.memory_space<vmem>>
    %dma_start3A_2211 = arith.constant 0 : i32
    %dma_start3A_2212 = tpu.memref_slice %arg34[%dma_start3A_2207, %dma_start3A_2211] : memref<4x128xi32, #tpu.memory_space<vmem>> -> memref<1x128xi32, #tpu.memory_space<vmem>>
    %dma_start3A_2213 = tpu.memref_squeeze %dma_start3A_2212 : memref<1x128xi32, #tpu.memory_space<vmem>> -> memref<128xi32, #tpu.memory_space<vmem>>
    %dma_start3A_2214 = arith.constant 0 : i32
    %dma_start3A_2215 = arith.constant 0 : i32
    %dma_start3A_2216 = tpu.memref_slice %arg14[%dma_start3A_2214, %dma_start3A_2215] : memref<24x8xf32, #tpu.memory_space<hbm>> -> memref<24x8xf32, #tpu.memory_space<hbm>>
    tpu.enqueue_indirect_dma source(%dma_start3A_2216 : memref<24x8xf32, #tpu.memory_space<hbm>>) target(%dma_start3A_2210 : memref<128x8xf32, #tpu.memory_space<vmem>>) offsets(%dma_start3A_2213 : memref<128xi32, #tpu.memory_space<vmem>>) semaphore(%arg50 : memref<!tpu.dma_semaphore, #tpu.memory_space<semaphore_mem>>)
    %dma_start3A_2217 = arith.constant 0 : i32
    %dma_start3A_2218 = arith.constant 0 : i32
    %dma_start3A_2219 = arith.constant 0 : i32
    %dma_start3A_2220 = tpu.memref_slice %arg45[%dma_start3A_2218, %dma_start3A_2219] : memref<512x8xf32, #tpu.memory_space<vmem>> -> memref<128x8xf32, #tpu.memory_space<vmem>>
    %dma_start3A_2221 = arith.constant 0 : i32
    %dma_start3A_2222 = tpu.memref_slice %arg35[%dma_start3A_2217, %dma_start3A_2221] : memref<4x128xi32, #tpu.memory_space<vmem>> -> memref<1x128xi32, #tpu.memory_space<vmem>>
    %dma_start3A_2223 = tpu.memref_squeeze %dma_start3A_2222 : memref<1x128xi32, #tpu.memory_space<vmem>> -> memref<128xi32, #tpu.memory_space<vmem>>
    %dma_start3A_2224 = arith.constant 0 : i32
    %dma_start3A_2225 = arith.constant 0 : i32
    %dma_start3A_2226 = tpu.memref_slice %arg15[%dma_start3A_2224, %dma_start3A_2225] : memref<4x8xf32, #tpu.memory_space<hbm>> -> memref<4x8xf32, #tpu.memory_space<hbm>>
    tpu.enqueue_indirect_dma source(%dma_start3A_2226 : memref<4x8xf32, #tpu.memory_space<hbm>>) target(%dma_start3A_2220 : memref<128x8xf32, #tpu.memory_space<vmem>>) offsets(%dma_start3A_2223 : memref<128xi32, #tpu.memory_space<vmem>>) semaphore(%arg50 : memref<!tpu.dma_semaphore, #tpu.memory_space<semaphore_mem>>)
    %dma_start3A_2227 = arith.constant 1 : i32
    %dma_start3A_2228 = arith.constant 128 : i32
    %dma_start3A_2229 = arith.constant 0 : i32
    %dma_start3A_2230 = tpu.memref_slice %arg45[%dma_start3A_2228, %dma_start3A_2229] : memref<512x8xf32, #tpu.memory_space<vmem>> -> memref<128x8xf32, #tpu.memory_space<vmem>>
    %dma_start3A_2231 = arith.constant 0 : i32
    %dma_start3A_2232 = tpu.memref_slice %arg35[%dma_start3A_2227, %dma_start3A_2231] : memref<4x128xi32, #tpu.memory_space<vmem>> -> memref<1x128xi32, #tpu.memory_space<vmem>>
    %dma_start3A_2233 = tpu.memref_squeeze %dma_start3A_2232 : memref<1x128xi32, #tpu.memory_space<vmem>> -> memref<128xi32, #tpu.memory_space<vmem>>
    %dma_start3A_2234 = arith.constant 0 : i32
    %dma_start3A_2235 = arith.constant 0 : i32
    %dma_start3A_2236 = tpu.memref_slice %arg15[%dma_start3A_2234, %dma_start3A_2235] : memref<4x8xf32, #tpu.memory_space<hbm>> -> memref<4x8xf32, #tpu.memory_space<hbm>>
    tpu.enqueue_indirect_dma source(%dma_start3A_2236 : memref<4x8xf32, #tpu.memory_space<hbm>>) target(%dma_start3A_2230 : memref<128x8xf32, #tpu.memory_space<vmem>>) offsets(%dma_start3A_2233 : memref<128xi32, #tpu.memory_space<vmem>>) semaphore(%arg50 : memref<!tpu.dma_semaphore, #tpu.memory_space<semaphore_mem>>)
    %dma_start3A_2237 = arith.constant 2 : i32
    %dma_start3A_2238 = arith.constant 256 : i32
    %dma_start3A_2239 = arith.constant 0 : i32
    %dma_start3A_2240 = tpu.memref_slice %arg45[%dma_start3A_2238, %dma_start3A_2239] : memref<512x8xf32, #tpu.memory_space<vmem>> -> memref<128x8xf32, #tpu.memory_space<vmem>>
    %dma_start3A_2241 = arith.constant 0 : i32
    %dma_start3A_2242 = tpu.memref_slice %arg35[%dma_start3A_2237, %dma_start3A_2241] : memref<4x128xi32, #tpu.memory_space<vmem>> -> memref<1x128xi32, #tpu.memory_space<vmem>>
    %dma_start3A_2243 = tpu.memref_squeeze %dma_start3A_2242 : memref<1x128xi32, #tpu.memory_space<vmem>> -> memref<128xi32, #tpu.memory_space<vmem>>
    %dma_start3A_2244 = arith.constant 0 : i32
    %dma_start3A_2245 = arith.constant 0 : i32
    %dma_start3A_2246 = tpu.memref_slice %arg15[%dma_start3A_2244, %dma_start3A_2245] : memref<4x8xf32, #tpu.memory_space<hbm>> -> memref<4x8xf32, #tpu.memory_space<hbm>>
    tpu.enqueue_indirect_dma source(%dma_start3A_2246 : memref<4x8xf32, #tpu.memory_space<hbm>>) target(%dma_start3A_2240 : memref<128x8xf32, #tpu.memory_space<vmem>>) offsets(%dma_start3A_2243 : memref<128xi32, #tpu.memory_space<vmem>>) semaphore(%arg50 : memref<!tpu.dma_semaphore, #tpu.memory_space<semaphore_mem>>)
    %dma_start3A_2247 = arith.constant 3 : i32
    %dma_start3A_2248 = arith.constant 384 : i32
    %dma_start3A_2249 = arith.constant 0 : i32
    %dma_start3A_2250 = tpu.memref_slice %arg45[%dma_start3A_2248, %dma_start3A_2249] : memref<512x8xf32, #tpu.memory_space<vmem>> -> memref<128x8xf32, #tpu.memory_space<vmem>>
    %dma_start3A_2251 = arith.constant 0 : i32
    %dma_start3A_2252 = tpu.memref_slice %arg35[%dma_start3A_2247, %dma_start3A_2251] : memref<4x128xi32, #tpu.memory_space<vmem>> -> memref<1x128xi32, #tpu.memory_space<vmem>>
    %dma_start3A_2253 = tpu.memref_squeeze %dma_start3A_2252 : memref<1x128xi32, #tpu.memory_space<vmem>> -> memref<128xi32, #tpu.memory_space<vmem>>
    %dma_start3A_2254 = arith.constant 0 : i32
    %dma_start3A_2255 = arith.constant 0 : i32
    %dma_start3A_2256 = tpu.memref_slice %arg15[%dma_start3A_2254, %dma_start3A_2255] : memref<4x8xf32, #tpu.memory_space<hbm>> -> memref<4x8xf32, #tpu.memory_space<hbm>>
    tpu.enqueue_indirect_dma source(%dma_start3A_2256 : memref<4x8xf32, #tpu.memory_space<hbm>>) target(%dma_start3A_2250 : memref<128x8xf32, #tpu.memory_space<vmem>>) offsets(%dma_start3A_2253 : memref<128xi32, #tpu.memory_space<vmem>>) semaphore(%arg50 : memref<!tpu.dma_semaphore, #tpu.memory_space<semaphore_mem>>)
    %dma_start3A_2257 = arith.constant 0 : i32
    %dma_start3A_2258 = arith.constant 0 : i32
    %dma_start3A_2259 = arith.constant 0 : i32
    %dma_start3A_2260 = tpu.memref_slice %arg46[%dma_start3A_2258, %dma_start3A_2259] : memref<512x8xf32, #tpu.memory_space<vmem>> -> memref<128x8xf32, #tpu.memory_space<vmem>>
    %dma_start3A_2261 = arith.constant 0 : i32
    %dma_start3A_2262 = tpu.memref_slice %arg36[%dma_start3A_2257, %dma_start3A_2261] : memref<4x128xi32, #tpu.memory_space<vmem>> -> memref<1x128xi32, #tpu.memory_space<vmem>>
    %dma_start3A_2263 = tpu.memref_squeeze %dma_start3A_2262 : memref<1x128xi32, #tpu.memory_space<vmem>> -> memref<128xi32, #tpu.memory_space<vmem>>
    %dma_start3A_2264 = arith.constant 0 : i32
    %dma_start3A_2265 = arith.constant 0 : i32
    %dma_start3A_2266 = tpu.memref_slice %arg16[%dma_start3A_2264, %dma_start3A_2265] : memref<30x8xf32, #tpu.memory_space<hbm>> -> memref<30x8xf32, #tpu.memory_space<hbm>>
    tpu.enqueue_indirect_dma source(%dma_start3A_2266 : memref<30x8xf32, #tpu.memory_space<hbm>>) target(%dma_start3A_2260 : memref<128x8xf32, #tpu.memory_space<vmem>>) offsets(%dma_start3A_2263 : memref<128xi32, #tpu.memory_space<vmem>>) semaphore(%arg50 : memref<!tpu.dma_semaphore, #tpu.memory_space<semaphore_mem>>)
    %dma_start3A_2267 = arith.constant 1 : i32
    %dma_start3A_2268 = arith.constant 128 : i32
    %dma_start3A_2269 = arith.constant 0 : i32
    %dma_start3A_2270 = tpu.memref_slice %arg46[%dma_start3A_2268, %dma_start3A_2269] : memref<512x8xf32, #tpu.memory_space<vmem>> -> memref<128x8xf32, #tpu.memory_space<vmem>>
    %dma_start3A_2271 = arith.constant 0 : i32
    %dma_start3A_2272 = tpu.memref_slice %arg36[%dma_start3A_2267, %dma_start3A_2271] : memref<4x128xi32, #tpu.memory_space<vmem>> -> memref<1x128xi32, #tpu.memory_space<vmem>>
    %dma_start3A_2273 = tpu.memref_squeeze %dma_start3A_2272 : memref<1x128xi32, #tpu.memory_space<vmem>> -> memref<128xi32, #tpu.memory_space<vmem>>
    %dma_start3A_2274 = arith.constant 0 : i32
    %dma_start3A_2275 = arith.constant 0 : i32
    %dma_start3A_2276 = tpu.memref_slice %arg16[%dma_start3A_2274, %dma_start3A_2275] : memref<30x8xf32, #tpu.memory_space<hbm>> -> memref<30x8xf32, #tpu.memory_space<hbm>>
    tpu.enqueue_indirect_dma source(%dma_start3A_2276 : memref<30x8xf32, #tpu.memory_space<hbm>>) target(%dma_start3A_2270 : memref<128x8xf32, #tpu.memory_space<vmem>>) offsets(%dma_start3A_2273 : memref<128xi32, #tpu.memory_space<vmem>>) semaphore(%arg50 : memref<!tpu.dma_semaphore, #tpu.memory_space<semaphore_mem>>)
    %dma_start3A_2277 = arith.constant 2 : i32
    %dma_start3A_2278 = arith.constant 256 : i32
    %dma_start3A_2279 = arith.constant 0 : i32
    %dma_start3A_2280 = tpu.memref_slice %arg46[%dma_start3A_2278, %dma_start3A_2279] : memref<512x8xf32, #tpu.memory_space<vmem>> -> memref<128x8xf32, #tpu.memory_space<vmem>>
    %dma_start3A_2281 = arith.constant 0 : i32
    %dma_start3A_2282 = tpu.memref_slice %arg36[%dma_start3A_2277, %dma_start3A_2281] : memref<4x128xi32, #tpu.memory_space<vmem>> -> memref<1x128xi32, #tpu.memory_space<vmem>>
    %dma_start3A_2283 = tpu.memref_squeeze %dma_start3A_2282 : memref<1x128xi32, #tpu.memory_space<vmem>> -> memref<128xi32, #tpu.memory_space<vmem>>
    %dma_start3A_2284 = arith.constant 0 : i32
    %dma_start3A_2285 = arith.constant 0 : i32
    %dma_start3A_2286 = tpu.memref_slice %arg16[%dma_start3A_2284, %dma_start3A_2285] : memref<30x8xf32, #tpu.memory_space<hbm>> -> memref<30x8xf32, #tpu.memory_space<hbm>>
    tpu.enqueue_indirect_dma source(%dma_start3A_2286 : memref<30x8xf32, #tpu.memory_space<hbm>>) target(%dma_start3A_2280 : memref<128x8xf32, #tpu.memory_space<vmem>>) offsets(%dma_start3A_2283 : memref<128xi32, #tpu.memory_space<vmem>>) semaphore(%arg50 : memref<!tpu.dma_semaphore, #tpu.memory_space<semaphore_mem>>)
    %dma_start3A_2287 = arith.constant 3 : i32
    %dma_start3A_2288 = arith.constant 384 : i32
    %dma_start3A_2289 = arith.constant 0 : i32
    %dma_start3A_2290 = tpu.memref_slice %arg46[%dma_start3A_2288, %dma_start3A_2289] : memref<512x8xf32, #tpu.memory_space<vmem>> -> memref<128x8xf32, #tpu.memory_space<vmem>>
    %dma_start3A_2291 = arith.constant 0 : i32
    %dma_start3A_2292 = tpu.memref_slice %arg36[%dma_start3A_2287, %dma_start3A_2291] : memref<4x128xi32, #tpu.memory_space<vmem>> -> memref<1x128xi32, #tpu.memory_space<vmem>>
    %dma_start3A_2293 = tpu.memref_squeeze %dma_start3A_2292 : memref<1x128xi32, #tpu.memory_space<vmem>> -> memref<128xi32, #tpu.memory_space<vmem>>
    %dma_start3A_2294 = arith.constant 0 : i32
    %dma_start3A_2295 = arith.constant 0 : i32
    %dma_start3A_2296 = tpu.memref_slice %arg16[%dma_start3A_2294, %dma_start3A_2295] : memref<30x8xf32, #tpu.memory_space<hbm>> -> memref<30x8xf32, #tpu.memory_space<hbm>>
    tpu.enqueue_indirect_dma source(%dma_start3A_2296 : memref<30x8xf32, #tpu.memory_space<hbm>>) target(%dma_start3A_2290 : memref<128x8xf32, #tpu.memory_space<vmem>>) offsets(%dma_start3A_2293 : memref<128xi32, #tpu.memory_space<vmem>>) semaphore(%arg50 : memref<!tpu.dma_semaphore, #tpu.memory_space<semaphore_mem>>)
    %dma_start3A_2297 = arith.constant 0 : i32
    %dma_start3A_2298 = arith.constant 0 : i32
    %dma_start3A_2299 = arith.constant 0 : i32
    %dma_start3A_2300 = tpu.memref_slice %arg47[%dma_start3A_2298, %dma_start3A_2299] : memref<512x8xf32, #tpu.memory_space<vmem>> -> memref<128x8xf32, #tpu.memory_space<vmem>>
    %dma_start3A_2301 = arith.constant 0 : i32
    %dma_start3A_2302 = tpu.memref_slice %arg37[%dma_start3A_2297, %dma_start3A_2301] : memref<4x128xi32, #tpu.memory_space<vmem>> -> memref<1x128xi32, #tpu.memory_space<vmem>>
    %dma_start3A_2303 = tpu.memref_squeeze %dma_start3A_2302 : memref<1x128xi32, #tpu.memory_space<vmem>> -> memref<128xi32, #tpu.memory_space<vmem>>
    %dma_start3A_2304 = arith.constant 0 : i32
    %dma_start3A_2305 = arith.constant 0 : i32
    %dma_start3A_2306 = tpu.memref_slice %arg17[%dma_start3A_2304, %dma_start3A_2305] : memref<300x8xf32, #tpu.memory_space<hbm>> -> memref<300x8xf32, #tpu.memory_space<hbm>>
    tpu.enqueue_indirect_dma source(%dma_start3A_2306 : memref<300x8xf32, #tpu.memory_space<hbm>>) target(%dma_start3A_2300 : memref<128x8xf32, #tpu.memory_space<vmem>>) offsets(%dma_start3A_2303 : memref<128xi32, #tpu.memory_space<vmem>>) semaphore(%arg50 : memref<!tpu.dma_semaphore, #tpu.memory_space<semaphore_mem>>)
    %dma_start3A_2307 = arith.constant 1 : i32
    %dma_start3A_2308 = arith.constant 128 : i32
    %dma_start3A_2309 = arith.constant 0 : i32
    %dma_start3A_2310 = tpu.memref_slice %arg47[%dma_start3A_2308, %dma_start3A_2309] : memref<512x8xf32, #tpu.memory_space<vmem>> -> memref<128x8xf32, #tpu.memory_space<vmem>>
    %dma_start3A_2311 = arith.constant 0 : i32
    %dma_start3A_2312 = tpu.memref_slice %arg37[%dma_start3A_2307, %dma_start3A_2311] : memref<4x128xi32, #tpu.memory_space<vmem>> -> memref<1x128xi32, #tpu.memory_space<vmem>>
    %dma_start3A_2313 = tpu.memref_squeeze %dma_start3A_2312 : memref<1x128xi32, #tpu.memory_space<vmem>> -> memref<128xi32, #tpu.memory_space<vmem>>
    %dma_start3A_2314 = arith.constant 0 : i32
    %dma_start3A_2315 = arith.constant 0 : i32
    %dma_start3A_2316 = tpu.memref_slice %arg17[%dma_start3A_2314, %dma_start3A_2315] : memref<300x8xf32, #tpu.memory_space<hbm>> -> memref<300x8xf32, #tpu.memory_space<hbm>>
    tpu.enqueue_indirect_dma source(%dma_start3A_2316 : memref<300x8xf32, #tpu.memory_space<hbm>>) target(%dma_start3A_2310 : memref<128x8xf32, #tpu.memory_space<vmem>>) offsets(%dma_start3A_2313 : memref<128xi32, #tpu.memory_space<vmem>>) semaphore(%arg50 : memref<!tpu.dma_semaphore, #tpu.memory_space<semaphore_mem>>)
    %dma_start3A_2317 = arith.constant 2 : i32
    %dma_start3A_2318 = arith.constant 256 : i32
    %dma_start3A_2319 = arith.constant 0 : i32
    %dma_start3A_2320 = tpu.memref_slice %arg47[%dma_start3A_2318, %dma_start3A_2319] : memref<512x8xf32, #tpu.memory_space<vmem>> -> memref<128x8xf32, #tpu.memory_space<vmem>>
    %dma_start3A_2321 = arith.constant 0 : i32
    %dma_start3A_2322 = tpu.memref_slice %arg37[%dma_start3A_2317, %dma_start3A_2321] : memref<4x128xi32, #tpu.memory_space<vmem>> -> memref<1x128xi32, #tpu.memory_space<vmem>>
    %dma_start3A_2323 = tpu.memref_squeeze %dma_start3A_2322 : memref<1x128xi32, #tpu.memory_space<vmem>> -> memref<128xi32, #tpu.memory_space<vmem>>
    %dma_start3A_2324 = arith.constant 0 : i32
    %dma_start3A_2325 = arith.constant 0 : i32
    %dma_start3A_2326 = tpu.memref_slice %arg17[%dma_start3A_2324, %dma_start3A_2325] : memref<300x8xf32, #tpu.memory_space<hbm>> -> memref<300x8xf32, #tpu.memory_space<hbm>>
    tpu.enqueue_indirect_dma source(%dma_start3A_2326 : memref<300x8xf32, #tpu.memory_space<hbm>>) target(%dma_start3A_2320 : memref<128x8xf32, #tpu.memory_space<vmem>>) offsets(%dma_start3A_2323 : memref<128xi32, #tpu.memory_space<vmem>>) semaphore(%arg50 : memref<!tpu.dma_semaphore, #tpu.memory_space<semaphore_mem>>)
    %dma_start3A_2327 = arith.constant 3 : i32
    %dma_start3A_2328 = arith.constant 384 : i32
    %dma_start3A_2329 = arith.constant 0 : i32
    %dma_start3A_2330 = tpu.memref_slice %arg47[%dma_start3A_2328, %dma_start3A_2329] : memref<512x8xf32, #tpu.memory_space<vmem>> -> memref<128x8xf32, #tpu.memory_space<vmem>>
    %dma_start3A_2331 = arith.constant 0 : i32
    %dma_start3A_2332 = tpu.memref_slice %arg37[%dma_start3A_2327, %dma_start3A_2331] : memref<4x128xi32, #tpu.memory_space<vmem>> -> memref<1x128xi32, #tpu.memory_space<vmem>>
    %dma_start3A_2333 = tpu.memref_squeeze %dma_start3A_2332 : memref<1x128xi32, #tpu.memory_space<vmem>> -> memref<128xi32, #tpu.memory_space<vmem>>
    %dma_start3A_2334 = arith.constant 0 : i32
    %dma_start3A_2335 = arith.constant 0 : i32
    %dma_start3A_2336 = tpu.memref_slice %arg17[%dma_start3A_2334, %dma_start3A_2335] : memref<300x8xf32, #tpu.memory_space<hbm>> -> memref<300x8xf32, #tpu.memory_space<hbm>>
    tpu.enqueue_indirect_dma source(%dma_start3A_2336 : memref<300x8xf32, #tpu.memory_space<hbm>>) target(%dma_start3A_2330 : memref<128x8xf32, #tpu.memory_space<vmem>>) offsets(%dma_start3A_2333 : memref<128xi32, #tpu.memory_space<vmem>>) semaphore(%arg50 : memref<!tpu.dma_semaphore, #tpu.memory_space<semaphore_mem>>)
    %dma_start3A_2337 = arith.constant 0 : i32
    %dma_start3A_2338 = arith.constant 0 : i32
    %dma_start3A_2339 = arith.constant 0 : i32
    %dma_start3A_2340 = tpu.memref_slice %arg48[%dma_start3A_2338, %dma_start3A_2339] : memref<512x8xf32, #tpu.memory_space<vmem>> -> memref<128x8xf32, #tpu.memory_space<vmem>>
    %dma_start3A_2341 = arith.constant 0 : i32
    %dma_start3A_2342 = tpu.memref_slice %arg38[%dma_start3A_2337, %dma_start3A_2341] : memref<4x128xi32, #tpu.memory_space<vmem>> -> memref<1x128xi32, #tpu.memory_space<vmem>>
    %dma_start3A_2343 = tpu.memref_squeeze %dma_start3A_2342 : memref<1x128xi32, #tpu.memory_space<vmem>> -> memref<128xi32, #tpu.memory_space<vmem>>
    %dma_start3A_2344 = arith.constant 0 : i32
    %dma_start3A_2345 = arith.constant 0 : i32
    %dma_start3A_2346 = tpu.memref_slice %arg18[%dma_start3A_2344, %dma_start3A_2345] : memref<96x8xf32, #tpu.memory_space<hbm>> -> memref<96x8xf32, #tpu.memory_space<hbm>>
    tpu.enqueue_indirect_dma source(%dma_start3A_2346 : memref<96x8xf32, #tpu.memory_space<hbm>>) target(%dma_start3A_2340 : memref<128x8xf32, #tpu.memory_space<vmem>>) offsets(%dma_start3A_2343 : memref<128xi32, #tpu.memory_space<vmem>>) semaphore(%arg50 : memref<!tpu.dma_semaphore, #tpu.memory_space<semaphore_mem>>)
    %dma_start3A_2347 = arith.constant 1 : i32
    %dma_start3A_2348 = arith.constant 128 : i32
    %dma_start3A_2349 = arith.constant 0 : i32
    %dma_start3A_2350 = tpu.memref_slice %arg48[%dma_start3A_2348, %dma_start3A_2349] : memref<512x8xf32, #tpu.memory_space<vmem>> -> memref<128x8xf32, #tpu.memory_space<vmem>>
    %dma_start3A_2351 = arith.constant 0 : i32
    %dma_start3A_2352 = tpu.memref_slice %arg38[%dma_start3A_2347, %dma_start3A_2351] : memref<4x128xi32, #tpu.memory_space<vmem>> -> memref<1x128xi32, #tpu.memory_space<vmem>>
    %dma_start3A_2353 = tpu.memref_squeeze %dma_start3A_2352 : memref<1x128xi32, #tpu.memory_space<vmem>> -> memref<128xi32, #tpu.memory_space<vmem>>
    %dma_start3A_2354 = arith.constant 0 : i32
    %dma_start3A_2355 = arith.constant 0 : i32
    %dma_start3A_2356 = tpu.memref_slice %arg18[%dma_start3A_2354, %dma_start3A_2355] : memref<96x8xf32, #tpu.memory_space<hbm>> -> memref<96x8xf32, #tpu.memory_space<hbm>>
    tpu.enqueue_indirect_dma source(%dma_start3A_2356 : memref<96x8xf32, #tpu.memory_space<hbm>>) target(%dma_start3A_2350 : memref<128x8xf32, #tpu.memory_space<vmem>>) offsets(%dma_start3A_2353 : memref<128xi32, #tpu.memory_space<vmem>>) semaphore(%arg50 : memref<!tpu.dma_semaphore, #tpu.memory_space<semaphore_mem>>)
    %dma_start3A_2357 = arith.constant 2 : i32
    %dma_start3A_2358 = arith.constant 256 : i32
    %dma_start3A_2359 = arith.constant 0 : i32
    %dma_start3A_2360 = tpu.memref_slice %arg48[%dma_start3A_2358, %dma_start3A_2359] : memref<512x8xf32, #tpu.memory_space<vmem>> -> memref<128x8xf32, #tpu.memory_space<vmem>>
    %dma_start3A_2361 = arith.constant 0 : i32
    %dma_start3A_2362 = tpu.memref_slice %arg38[%dma_start3A_2357, %dma_start3A_2361] : memref<4x128xi32, #tpu.memory_space<vmem>> -> memref<1x128xi32, #tpu.memory_space<vmem>>
    %dma_start3A_2363 = tpu.memref_squeeze %dma_start3A_2362 : memref<1x128xi32, #tpu.memory_space<vmem>> -> memref<128xi32, #tpu.memory_space<vmem>>
    %dma_start3A_2364 = arith.constant 0 : i32
    %dma_start3A_2365 = arith.constant 0 : i32
    %dma_start3A_2366 = tpu.memref_slice %arg18[%dma_start3A_2364, %dma_start3A_2365] : memref<96x8xf32, #tpu.memory_space<hbm>> -> memref<96x8xf32, #tpu.memory_space<hbm>>
    tpu.enqueue_indirect_dma source(%dma_start3A_2366 : memref<96x8xf32, #tpu.memory_space<hbm>>) target(%dma_start3A_2360 : memref<128x8xf32, #tpu.memory_space<vmem>>) offsets(%dma_start3A_2363 : memref<128xi32, #tpu.memory_space<vmem>>) semaphore(%arg50 : memref<!tpu.dma_semaphore, #tpu.memory_space<semaphore_mem>>)
    %dma_start3A_2367 = arith.constant 3 : i32
    %dma_start3A_2368 = arith.constant 384 : i32
    %dma_start3A_2369 = arith.constant 0 : i32
    %dma_start3A_2370 = tpu.memref_slice %arg48[%dma_start3A_2368, %dma_start3A_2369] : memref<512x8xf32, #tpu.memory_space<vmem>> -> memref<128x8xf32, #tpu.memory_space<vmem>>
    %dma_start3A_2371 = arith.constant 0 : i32
    %dma_start3A_2372 = tpu.memref_slice %arg38[%dma_start3A_2367, %dma_start3A_2371] : memref<4x128xi32, #tpu.memory_space<vmem>> -> memref<1x128xi32, #tpu.memory_space<vmem>>
    %dma_start3A_2373 = tpu.memref_squeeze %dma_start3A_2372 : memref<1x128xi32, #tpu.memory_space<vmem>> -> memref<128xi32, #tpu.memory_space<vmem>>
    %dma_start3A_2374 = arith.constant 0 : i32
    %dma_start3A_2375 = arith.constant 0 : i32
    %dma_start3A_2376 = tpu.memref_slice %arg18[%dma_start3A_2374, %dma_start3A_2375] : memref<96x8xf32, #tpu.memory_space<hbm>> -> memref<96x8xf32, #tpu.memory_space<hbm>>
    tpu.enqueue_indirect_dma source(%dma_start3A_2376 : memref<96x8xf32, #tpu.memory_space<hbm>>) target(%dma_start3A_2370 : memref<128x8xf32, #tpu.memory_space<vmem>>) offsets(%dma_start3A_2373 : memref<128xi32, #tpu.memory_space<vmem>>) semaphore(%arg50 : memref<!tpu.dma_semaphore, #tpu.memory_space<semaphore_mem>>)
    %dma_wait3A_2377 = arith.constant 0 : i32
    %dma_wait3A_2378 = arith.constant 0 : i32
    %dma_wait3A_2379 = arith.constant 0 : i32
    %dma_wait3A_2380 = tpu.memref_slice %arg39[%dma_wait3A_2378, %dma_wait3A_2379] : memref<512x8xf32, #tpu.memory_space<vmem>> -> memref<128x8xf32, #tpu.memory_space<vmem>>
    %dma_wait3A_2381 = arith.constant 0 : i32
    %dma_wait3A_2382 = tpu.memref_slice %arg29[%dma_wait3A_2377, %dma_wait3A_2381] : memref<4x128xi32, #tpu.memory_space<vmem>> -> memref<1x128xi32, #tpu.memory_space<vmem>>
    %dma_wait3A_2383 = tpu.memref_squeeze %dma_wait3A_2382 : memref<1x128xi32, #tpu.memory_space<vmem>> -> memref<128xi32, #tpu.memory_space<vmem>>
    %dma_wait3A_2384 = arith.constant 0 : i32
    %dma_wait3A_2385 = arith.constant 0 : i32
    %dma_wait3A_2386 = tpu.memref_slice %arg9[%dma_wait3A_2384, %dma_wait3A_2385] : memref<10x8xf32, #tpu.memory_space<hbm>> -> memref<10x8xf32, #tpu.memory_space<hbm>>
    tpu.wait_indirect_dma semaphore(%arg50 : memref<!tpu.dma_semaphore, #tpu.memory_space<semaphore_mem>>) src(%dma_wait3A_2386 : memref<10x8xf32, #tpu.memory_space<hbm>>) dst(%dma_wait3A_2380 : memref<128x8xf32, #tpu.memory_space<vmem>>)
    %dma_wait3A_2387 = arith.constant 1 : i32
    %dma_wait3A_2388 = arith.constant 128 : i32
    %dma_wait3A_2389 = arith.constant 0 : i32
    %dma_wait3A_2390 = tpu.memref_slice %arg39[%dma_wait3A_2388, %dma_wait3A_2389] : memref<512x8xf32, #tpu.memory_space<vmem>> -> memref<128x8xf32, #tpu.memory_space<vmem>>
    %dma_wait3A_2391 = arith.constant 0 : i32
    %dma_wait3A_2392 = tpu.memref_slice %arg29[%dma_wait3A_2387, %dma_wait3A_2391] : memref<4x128xi32, #tpu.memory_space<vmem>> -> memref<1x128xi32, #tpu.memory_space<vmem>>
    %dma_wait3A_2393 = tpu.memref_squeeze %dma_wait3A_2392 : memref<1x128xi32, #tpu.memory_space<vmem>> -> memref<128xi32, #tpu.memory_space<vmem>>
    %dma_wait3A_2394 = arith.constant 0 : i32
    %dma_wait3A_2395 = arith.constant 0 : i32
    %dma_wait3A_2396 = tpu.memref_slice %arg9[%dma_wait3A_2394, %dma_wait3A_2395] : memref<10x8xf32, #tpu.memory_space<hbm>> -> memref<10x8xf32, #tpu.memory_space<hbm>>
    tpu.wait_indirect_dma semaphore(%arg50 : memref<!tpu.dma_semaphore, #tpu.memory_space<semaphore_mem>>) src(%dma_wait3A_2396 : memref<10x8xf32, #tpu.memory_space<hbm>>) dst(%dma_wait3A_2390 : memref<128x8xf32, #tpu.memory_space<vmem>>)
    %dma_wait3A_2397 = arith.constant 2 : i32
    %dma_wait3A_2398 = arith.constant 256 : i32
    %dma_wait3A_2399 = arith.constant 0 : i32
    %dma_wait3A_2400 = tpu.memref_slice %arg39[%dma_wait3A_2398, %dma_wait3A_2399] : memref<512x8xf32, #tpu.memory_space<vmem>> -> memref<128x8xf32, #tpu.memory_space<vmem>>
    %dma_wait3A_2401 = arith.constant 0 : i32
    %dma_wait3A_2402 = tpu.memref_slice %arg29[%dma_wait3A_2397, %dma_wait3A_2401] : memref<4x128xi32, #tpu.memory_space<vmem>> -> memref<1x128xi32, #tpu.memory_space<vmem>>
    %dma_wait3A_2403 = tpu.memref_squeeze %dma_wait3A_2402 : memref<1x128xi32, #tpu.memory_space<vmem>> -> memref<128xi32, #tpu.memory_space<vmem>>
    %dma_wait3A_2404 = arith.constant 0 : i32
    %dma_wait3A_2405 = arith.constant 0 : i32
    %dma_wait3A_2406 = tpu.memref_slice %arg9[%dma_wait3A_2404, %dma_wait3A_2405] : memref<10x8xf32, #tpu.memory_space<hbm>> -> memref<10x8xf32, #tpu.memory_space<hbm>>
    tpu.wait_indirect_dma semaphore(%arg50 : memref<!tpu.dma_semaphore, #tpu.memory_space<semaphore_mem>>) src(%dma_wait3A_2406 : memref<10x8xf32, #tpu.memory_space<hbm>>) dst(%dma_wait3A_2400 : memref<128x8xf32, #tpu.memory_space<vmem>>)
    %dma_wait3A_2407 = arith.constant 3 : i32
    %dma_wait3A_2408 = arith.constant 384 : i32
    %dma_wait3A_2409 = arith.constant 0 : i32
    %dma_wait3A_2410 = tpu.memref_slice %arg39[%dma_wait3A_2408, %dma_wait3A_2409] : memref<512x8xf32, #tpu.memory_space<vmem>> -> memref<128x8xf32, #tpu.memory_space<vmem>>
    %dma_wait3A_2411 = arith.constant 0 : i32
    %dma_wait3A_2412 = tpu.memref_slice %arg29[%dma_wait3A_2407, %dma_wait3A_2411] : memref<4x128xi32, #tpu.memory_space<vmem>> -> memref<1x128xi32, #tpu.memory_space<vmem>>
    %dma_wait3A_2413 = tpu.memref_squeeze %dma_wait3A_2412 : memref<1x128xi32, #tpu.memory_space<vmem>> -> memref<128xi32, #tpu.memory_space<vmem>>
    %dma_wait3A_2414 = arith.constant 0 : i32
    %dma_wait3A_2415 = arith.constant 0 : i32
    %dma_wait3A_2416 = tpu.memref_slice %arg9[%dma_wait3A_2414, %dma_wait3A_2415] : memref<10x8xf32, #tpu.memory_space<hbm>> -> memref<10x8xf32, #tpu.memory_space<hbm>>
    tpu.wait_indirect_dma semaphore(%arg50 : memref<!tpu.dma_semaphore, #tpu.memory_space<semaphore_mem>>) src(%dma_wait3A_2416 : memref<10x8xf32, #tpu.memory_space<hbm>>) dst(%dma_wait3A_2410 : memref<128x8xf32, #tpu.memory_space<vmem>>)
    %dma_wait3A_2417 = arith.constant 0 : i32
    %dma_wait3A_2418 = arith.constant 0 : i32
    %dma_wait3A_2419 = arith.constant 0 : i32
    %dma_wait3A_2420 = tpu.memref_slice %arg40[%dma_wait3A_2418, %dma_wait3A_2419] : memref<512x8xf32, #tpu.memory_space<vmem>> -> memref<128x8xf32, #tpu.memory_space<vmem>>
    %dma_wait3A_2421 = arith.constant 0 : i32
    %dma_wait3A_2422 = tpu.memref_slice %arg30[%dma_wait3A_2417, %dma_wait3A_2421] : memref<4x128xi32, #tpu.memory_space<vmem>> -> memref<1x128xi32, #tpu.memory_space<vmem>>
    %dma_wait3A_2423 = tpu.memref_squeeze %dma_wait3A_2422 : memref<1x128xi32, #tpu.memory_space<vmem>> -> memref<128xi32, #tpu.memory_space<vmem>>
    %dma_wait3A_2424 = arith.constant 0 : i32
    %dma_wait3A_2425 = arith.constant 0 : i32
    %dma_wait3A_2426 = tpu.memref_slice %arg10[%dma_wait3A_2424, %dma_wait3A_2425] : memref<3x8xf32, #tpu.memory_space<hbm>> -> memref<3x8xf32, #tpu.memory_space<hbm>>
    tpu.wait_indirect_dma semaphore(%arg50 : memref<!tpu.dma_semaphore, #tpu.memory_space<semaphore_mem>>) src(%dma_wait3A_2426 : memref<3x8xf32, #tpu.memory_space<hbm>>) dst(%dma_wait3A_2420 : memref<128x8xf32, #tpu.memory_space<vmem>>)
    %dma_wait3A_2427 = arith.constant 1 : i32
    %dma_wait3A_2428 = arith.constant 128 : i32
    %dma_wait3A_2429 = arith.constant 0 : i32
    %dma_wait3A_2430 = tpu.memref_slice %arg40[%dma_wait3A_2428, %dma_wait3A_2429] : memref<512x8xf32, #tpu.memory_space<vmem>> -> memref<128x8xf32, #tpu.memory_space<vmem>>
    %dma_wait3A_2431 = arith.constant 0 : i32
    %dma_wait3A_2432 = tpu.memref_slice %arg30[%dma_wait3A_2427, %dma_wait3A_2431] : memref<4x128xi32, #tpu.memory_space<vmem>> -> memref<1x128xi32, #tpu.memory_space<vmem>>
    %dma_wait3A_2433 = tpu.memref_squeeze %dma_wait3A_2432 : memref<1x128xi32, #tpu.memory_space<vmem>> -> memref<128xi32, #tpu.memory_space<vmem>>
    %dma_wait3A_2434 = arith.constant 0 : i32
    %dma_wait3A_2435 = arith.constant 0 : i32
    %dma_wait3A_2436 = tpu.memref_slice %arg10[%dma_wait3A_2434, %dma_wait3A_2435] : memref<3x8xf32, #tpu.memory_space<hbm>> -> memref<3x8xf32, #tpu.memory_space<hbm>>
    tpu.wait_indirect_dma semaphore(%arg50 : memref<!tpu.dma_semaphore, #tpu.memory_space<semaphore_mem>>) src(%dma_wait3A_2436 : memref<3x8xf32, #tpu.memory_space<hbm>>) dst(%dma_wait3A_2430 : memref<128x8xf32, #tpu.memory_space<vmem>>)
    %dma_wait3A_2437 = arith.constant 2 : i32
    %dma_wait3A_2438 = arith.constant 256 : i32
    %dma_wait3A_2439 = arith.constant 0 : i32
    %dma_wait3A_2440 = tpu.memref_slice %arg40[%dma_wait3A_2438, %dma_wait3A_2439] : memref<512x8xf32, #tpu.memory_space<vmem>> -> memref<128x8xf32, #tpu.memory_space<vmem>>
    %dma_wait3A_2441 = arith.constant 0 : i32
    %dma_wait3A_2442 = tpu.memref_slice %arg30[%dma_wait3A_2437, %dma_wait3A_2441] : memref<4x128xi32, #tpu.memory_space<vmem>> -> memref<1x128xi32, #tpu.memory_space<vmem>>
    %dma_wait3A_2443 = tpu.memref_squeeze %dma_wait3A_2442 : memref<1x128xi32, #tpu.memory_space<vmem>> -> memref<128xi32, #tpu.memory_space<vmem>>
    %dma_wait3A_2444 = arith.constant 0 : i32
    %dma_wait3A_2445 = arith.constant 0 : i32
    %dma_wait3A_2446 = tpu.memref_slice %arg10[%dma_wait3A_2444, %dma_wait3A_2445] : memref<3x8xf32, #tpu.memory_space<hbm>> -> memref<3x8xf32, #tpu.memory_space<hbm>>
    tpu.wait_indirect_dma semaphore(%arg50 : memref<!tpu.dma_semaphore, #tpu.memory_space<semaphore_mem>>) src(%dma_wait3A_2446 : memref<3x8xf32, #tpu.memory_space<hbm>>) dst(%dma_wait3A_2440 : memref<128x8xf32, #tpu.memory_space<vmem>>)
    %dma_wait3A_2447 = arith.constant 3 : i32
    %dma_wait3A_2448 = arith.constant 384 : i32
    %dma_wait3A_2449 = arith.constant 0 : i32
    %dma_wait3A_2450 = tpu.memref_slice %arg40[%dma_wait3A_2448, %dma_wait3A_2449] : memref<512x8xf32, #tpu.memory_space<vmem>> -> memref<128x8xf32, #tpu.memory_space<vmem>>
    %dma_wait3A_2451 = arith.constant 0 : i32
    %dma_wait3A_2452 = tpu.memref_slice %arg30[%dma_wait3A_2447, %dma_wait3A_2451] : memref<4x128xi32, #tpu.memory_space<vmem>> -> memref<1x128xi32, #tpu.memory_space<vmem>>
    %dma_wait3A_2453 = tpu.memref_squeeze %dma_wait3A_2452 : memref<1x128xi32, #tpu.memory_space<vmem>> -> memref<128xi32, #tpu.memory_space<vmem>>
    %dma_wait3A_2454 = arith.constant 0 : i32
    %dma_wait3A_2455 = arith.constant 0 : i32
    %dma_wait3A_2456 = tpu.memref_slice %arg10[%dma_wait3A_2454, %dma_wait3A_2455] : memref<3x8xf32, #tpu.memory_space<hbm>> -> memref<3x8xf32, #tpu.memory_space<hbm>>
    tpu.wait_indirect_dma semaphore(%arg50 : memref<!tpu.dma_semaphore, #tpu.memory_space<semaphore_mem>>) src(%dma_wait3A_2456 : memref<3x8xf32, #tpu.memory_space<hbm>>) dst(%dma_wait3A_2450 : memref<128x8xf32, #tpu.memory_space<vmem>>)
    %dma_wait3A_2457 = arith.constant 0 : i32
    %dma_wait3A_2458 = arith.constant 0 : i32
    %dma_wait3A_2459 = arith.constant 0 : i32
    %dma_wait3A_2460 = tpu.memref_slice %arg41[%dma_wait3A_2458, %dma_wait3A_2459] : memref<512x8xf32, #tpu.memory_space<vmem>> -> memref<128x8xf32, #tpu.memory_space<vmem>>
    %dma_wait3A_2461 = arith.constant 0 : i32
    %dma_wait3A_2462 = tpu.memref_slice %arg31[%dma_wait3A_2457, %dma_wait3A_2461] : memref<4x128xi32, #tpu.memory_space<vmem>> -> memref<1x128xi32, #tpu.memory_space<vmem>>
    %dma_wait3A_2463 = tpu.memref_squeeze %dma_wait3A_2462 : memref<1x128xi32, #tpu.memory_space<vmem>> -> memref<128xi32, #tpu.memory_space<vmem>>
    %dma_wait3A_2464 = arith.constant 0 : i32
    %dma_wait3A_2465 = arith.constant 0 : i32
    %dma_wait3A_2466 = tpu.memref_slice %arg11[%dma_wait3A_2464, %dma_wait3A_2465] : memref<1000x8xf32, #tpu.memory_space<hbm>> -> memref<1000x8xf32, #tpu.memory_space<hbm>>
    tpu.wait_indirect_dma semaphore(%arg50 : memref<!tpu.dma_semaphore, #tpu.memory_space<semaphore_mem>>) src(%dma_wait3A_2466 : memref<1000x8xf32, #tpu.memory_space<hbm>>) dst(%dma_wait3A_2460 : memref<128x8xf32, #tpu.memory_space<vmem>>)
    %dma_wait3A_2467 = arith.constant 1 : i32
    %dma_wait3A_2468 = arith.constant 128 : i32
    %dma_wait3A_2469 = arith.constant 0 : i32
    %dma_wait3A_2470 = tpu.memref_slice %arg41[%dma_wait3A_2468, %dma_wait3A_2469] : memref<512x8xf32, #tpu.memory_space<vmem>> -> memref<128x8xf32, #tpu.memory_space<vmem>>
    %dma_wait3A_2471 = arith.constant 0 : i32
    %dma_wait3A_2472 = tpu.memref_slice %arg31[%dma_wait3A_2467, %dma_wait3A_2471] : memref<4x128xi32, #tpu.memory_space<vmem>> -> memref<1x128xi32, #tpu.memory_space<vmem>>
    %dma_wait3A_2473 = tpu.memref_squeeze %dma_wait3A_2472 : memref<1x128xi32, #tpu.memory_space<vmem>> -> memref<128xi32, #tpu.memory_space<vmem>>
    %dma_wait3A_2474 = arith.constant 0 : i32
    %dma_wait3A_2475 = arith.constant 0 : i32
    %dma_wait3A_2476 = tpu.memref_slice %arg11[%dma_wait3A_2474, %dma_wait3A_2475] : memref<1000x8xf32, #tpu.memory_space<hbm>> -> memref<1000x8xf32, #tpu.memory_space<hbm>>
    tpu.wait_indirect_dma semaphore(%arg50 : memref<!tpu.dma_semaphore, #tpu.memory_space<semaphore_mem>>) src(%dma_wait3A_2476 : memref<1000x8xf32, #tpu.memory_space<hbm>>) dst(%dma_wait3A_2470 : memref<128x8xf32, #tpu.memory_space<vmem>>)
    %dma_wait3A_2477 = arith.constant 2 : i32
    %dma_wait3A_2478 = arith.constant 256 : i32
    %dma_wait3A_2479 = arith.constant 0 : i32
    %dma_wait3A_2480 = tpu.memref_slice %arg41[%dma_wait3A_2478, %dma_wait3A_2479] : memref<512x8xf32, #tpu.memory_space<vmem>> -> memref<128x8xf32, #tpu.memory_space<vmem>>
    %dma_wait3A_2481 = arith.constant 0 : i32
    %dma_wait3A_2482 = tpu.memref_slice %arg31[%dma_wait3A_2477, %dma_wait3A_2481] : memref<4x128xi32, #tpu.memory_space<vmem>> -> memref<1x128xi32, #tpu.memory_space<vmem>>
    %dma_wait3A_2483 = tpu.memref_squeeze %dma_wait3A_2482 : memref<1x128xi32, #tpu.memory_space<vmem>> -> memref<128xi32, #tpu.memory_space<vmem>>
    %dma_wait3A_2484 = arith.constant 0 : i32
    %dma_wait3A_2485 = arith.constant 0 : i32
    %dma_wait3A_2486 = tpu.memref_slice %arg11[%dma_wait3A_2484, %dma_wait3A_2485] : memref<1000x8xf32, #tpu.memory_space<hbm>> -> memref<1000x8xf32, #tpu.memory_space<hbm>>
    tpu.wait_indirect_dma semaphore(%arg50 : memref<!tpu.dma_semaphore, #tpu.memory_space<semaphore_mem>>) src(%dma_wait3A_2486 : memref<1000x8xf32, #tpu.memory_space<hbm>>) dst(%dma_wait3A_2480 : memref<128x8xf32, #tpu.memory_space<vmem>>)
    %dma_wait3A_2487 = arith.constant 3 : i32
    %dma_wait3A_2488 = arith.constant 384 : i32
    %dma_wait3A_2489 = arith.constant 0 : i32
    %dma_wait3A_2490 = tpu.memref_slice %arg41[%dma_wait3A_2488, %dma_wait3A_2489] : memref<512x8xf32, #tpu.memory_space<vmem>> -> memref<128x8xf32, #tpu.memory_space<vmem>>
    %dma_wait3A_2491 = arith.constant 0 : i32
    %dma_wait3A_2492 = tpu.memref_slice %arg31[%dma_wait3A_2487, %dma_wait3A_2491] : memref<4x128xi32, #tpu.memory_space<vmem>> -> memref<1x128xi32, #tpu.memory_space<vmem>>
    %dma_wait3A_2493 = tpu.memref_squeeze %dma_wait3A_2492 : memref<1x128xi32, #tpu.memory_space<vmem>> -> memref<128xi32, #tpu.memory_space<vmem>>
    %dma_wait3A_2494 = arith.constant 0 : i32
    %dma_wait3A_2495 = arith.constant 0 : i32
    %dma_wait3A_2496 = tpu.memref_slice %arg11[%dma_wait3A_2494, %dma_wait3A_2495] : memref<1000x8xf32, #tpu.memory_space<hbm>> -> memref<1000x8xf32, #tpu.memory_space<hbm>>
    tpu.wait_indirect_dma semaphore(%arg50 : memref<!tpu.dma_semaphore, #tpu.memory_space<semaphore_mem>>) src(%dma_wait3A_2496 : memref<1000x8xf32, #tpu.memory_space<hbm>>) dst(%dma_wait3A_2490 : memref<128x8xf32, #tpu.memory_space<vmem>>)
    %dma_wait3A_2497 = arith.constant 0 : i32
    %dma_wait3A_2498 = arith.constant 0 : i32
    %dma_wait3A_2499 = arith.constant 0 : i32
    %dma_wait3A_2500 = tpu.memref_slice %arg42[%dma_wait3A_2498, %dma_wait3A_2499] : memref<512x8xf32, #tpu.memory_space<vmem>> -> memref<128x8xf32, #tpu.memory_space<vmem>>
    %dma_wait3A_2501 = arith.constant 0 : i32
    %dma_wait3A_2502 = tpu.memref_slice %arg32[%dma_wait3A_2497, %dma_wait3A_2501] : memref<4x128xi32, #tpu.memory_space<vmem>> -> memref<1x128xi32, #tpu.memory_space<vmem>>
    %dma_wait3A_2503 = tpu.memref_squeeze %dma_wait3A_2502 : memref<1x128xi32, #tpu.memory_space<vmem>> -> memref<128xi32, #tpu.memory_space<vmem>>
    %dma_wait3A_2504 = arith.constant 0 : i32
    %dma_wait3A_2505 = arith.constant 0 : i32
    %dma_wait3A_2506 = tpu.memref_slice %arg12[%dma_wait3A_2504, %dma_wait3A_2505] : memref<100x8xf32, #tpu.memory_space<hbm>> -> memref<100x8xf32, #tpu.memory_space<hbm>>
    tpu.wait_indirect_dma semaphore(%arg50 : memref<!tpu.dma_semaphore, #tpu.memory_space<semaphore_mem>>) src(%dma_wait3A_2506 : memref<100x8xf32, #tpu.memory_space<hbm>>) dst(%dma_wait3A_2500 : memref<128x8xf32, #tpu.memory_space<vmem>>)
    %dma_wait3A_2507 = arith.constant 1 : i32
    %dma_wait3A_2508 = arith.constant 128 : i32
    %dma_wait3A_2509 = arith.constant 0 : i32
    %dma_wait3A_2510 = tpu.memref_slice %arg42[%dma_wait3A_2508, %dma_wait3A_2509] : memref<512x8xf32, #tpu.memory_space<vmem>> -> memref<128x8xf32, #tpu.memory_space<vmem>>
    %dma_wait3A_2511 = arith.constant 0 : i32
    %dma_wait3A_2512 = tpu.memref_slice %arg32[%dma_wait3A_2507, %dma_wait3A_2511] : memref<4x128xi32, #tpu.memory_space<vmem>> -> memref<1x128xi32, #tpu.memory_space<vmem>>
    %dma_wait3A_2513 = tpu.memref_squeeze %dma_wait3A_2512 : memref<1x128xi32, #tpu.memory_space<vmem>> -> memref<128xi32, #tpu.memory_space<vmem>>
    %dma_wait3A_2514 = arith.constant 0 : i32
    %dma_wait3A_2515 = arith.constant 0 : i32
    %dma_wait3A_2516 = tpu.memref_slice %arg12[%dma_wait3A_2514, %dma_wait3A_2515] : memref<100x8xf32, #tpu.memory_space<hbm>> -> memref<100x8xf32, #tpu.memory_space<hbm>>
    tpu.wait_indirect_dma semaphore(%arg50 : memref<!tpu.dma_semaphore, #tpu.memory_space<semaphore_mem>>) src(%dma_wait3A_2516 : memref<100x8xf32, #tpu.memory_space<hbm>>) dst(%dma_wait3A_2510 : memref<128x8xf32, #tpu.memory_space<vmem>>)
    %dma_wait3A_2517 = arith.constant 2 : i32
    %dma_wait3A_2518 = arith.constant 256 : i32
    %dma_wait3A_2519 = arith.constant 0 : i32
    %dma_wait3A_2520 = tpu.memref_slice %arg42[%dma_wait3A_2518, %dma_wait3A_2519] : memref<512x8xf32, #tpu.memory_space<vmem>> -> memref<128x8xf32, #tpu.memory_space<vmem>>
    %dma_wait3A_2521 = arith.constant 0 : i32
    %dma_wait3A_2522 = tpu.memref_slice %arg32[%dma_wait3A_2517, %dma_wait3A_2521] : memref<4x128xi32, #tpu.memory_space<vmem>> -> memref<1x128xi32, #tpu.memory_space<vmem>>
    %dma_wait3A_2523 = tpu.memref_squeeze %dma_wait3A_2522 : memref<1x128xi32, #tpu.memory_space<vmem>> -> memref<128xi32, #tpu.memory_space<vmem>>
    %dma_wait3A_2524 = arith.constant 0 : i32
    %dma_wait3A_2525 = arith.constant 0 : i32
    %dma_wait3A_2526 = tpu.memref_slice %arg12[%dma_wait3A_2524, %dma_wait3A_2525] : memref<100x8xf32, #tpu.memory_space<hbm>> -> memref<100x8xf32, #tpu.memory_space<hbm>>
    tpu.wait_indirect_dma semaphore(%arg50 : memref<!tpu.dma_semaphore, #tpu.memory_space<semaphore_mem>>) src(%dma_wait3A_2526 : memref<100x8xf32, #tpu.memory_space<hbm>>) dst(%dma_wait3A_2520 : memref<128x8xf32, #tpu.memory_space<vmem>>)
    %dma_wait3A_2527 = arith.constant 3 : i32
    %dma_wait3A_2528 = arith.constant 384 : i32
    %dma_wait3A_2529 = arith.constant 0 : i32
    %dma_wait3A_2530 = tpu.memref_slice %arg42[%dma_wait3A_2528, %dma_wait3A_2529] : memref<512x8xf32, #tpu.memory_space<vmem>> -> memref<128x8xf32, #tpu.memory_space<vmem>>
    %dma_wait3A_2531 = arith.constant 0 : i32
    %dma_wait3A_2532 = tpu.memref_slice %arg32[%dma_wait3A_2527, %dma_wait3A_2531] : memref<4x128xi32, #tpu.memory_space<vmem>> -> memref<1x128xi32, #tpu.memory_space<vmem>>
    %dma_wait3A_2533 = tpu.memref_squeeze %dma_wait3A_2532 : memref<1x128xi32, #tpu.memory_space<vmem>> -> memref<128xi32, #tpu.memory_space<vmem>>
    %dma_wait3A_2534 = arith.constant 0 : i32
    %dma_wait3A_2535 = arith.constant 0 : i32
    %dma_wait3A_2536 = tpu.memref_slice %arg12[%dma_wait3A_2534, %dma_wait3A_2535] : memref<100x8xf32, #tpu.memory_space<hbm>> -> memref<100x8xf32, #tpu.memory_space<hbm>>
    tpu.wait_indirect_dma semaphore(%arg50 : memref<!tpu.dma_semaphore, #tpu.memory_space<semaphore_mem>>) src(%dma_wait3A_2536 : memref<100x8xf32, #tpu.memory_space<hbm>>) dst(%dma_wait3A_2530 : memref<128x8xf32, #tpu.memory_space<vmem>>)
    %dma_wait3A_2537 = arith.constant 0 : i32
    %dma_wait3A_2538 = arith.constant 0 : i32
    %dma_wait3A_2539 = arith.constant 0 : i32
    %dma_wait3A_2540 = tpu.memref_slice %arg43[%dma_wait3A_2538, %dma_wait3A_2539] : memref<512x8xf32, #tpu.memory_space<vmem>> -> memref<128x8xf32, #tpu.memory_space<vmem>>
    %dma_wait3A_2541 = arith.constant 0 : i32
    %dma_wait3A_2542 = tpu.memref_slice %arg33[%dma_wait3A_2537, %dma_wait3A_2541] : memref<4x128xi32, #tpu.memory_space<vmem>> -> memref<1x128xi32, #tpu.memory_space<vmem>>
    %dma_wait3A_2543 = tpu.memref_squeeze %dma_wait3A_2542 : memref<1x128xi32, #tpu.memory_space<vmem>> -> memref<128xi32, #tpu.memory_space<vmem>>
    %dma_wait3A_2544 = arith.constant 0 : i32
    %dma_wait3A_2545 = arith.constant 0 : i32
    %dma_wait3A_2546 = tpu.memref_slice %arg13[%dma_wait3A_2544, %dma_wait3A_2545] : memref<10000x8xf32, #tpu.memory_space<hbm>> -> memref<10000x8xf32, #tpu.memory_space<hbm>>
    tpu.wait_indirect_dma semaphore(%arg50 : memref<!tpu.dma_semaphore, #tpu.memory_space<semaphore_mem>>) src(%dma_wait3A_2546 : memref<10000x8xf32, #tpu.memory_space<hbm>>) dst(%dma_wait3A_2540 : memref<128x8xf32, #tpu.memory_space<vmem>>)
    %dma_wait3A_2547 = arith.constant 1 : i32
    %dma_wait3A_2548 = arith.constant 128 : i32
    %dma_wait3A_2549 = arith.constant 0 : i32
    %dma_wait3A_2550 = tpu.memref_slice %arg43[%dma_wait3A_2548, %dma_wait3A_2549] : memref<512x8xf32, #tpu.memory_space<vmem>> -> memref<128x8xf32, #tpu.memory_space<vmem>>
    %dma_wait3A_2551 = arith.constant 0 : i32
    %dma_wait3A_2552 = tpu.memref_slice %arg33[%dma_wait3A_2547, %dma_wait3A_2551] : memref<4x128xi32, #tpu.memory_space<vmem>> -> memref<1x128xi32, #tpu.memory_space<vmem>>
    %dma_wait3A_2553 = tpu.memref_squeeze %dma_wait3A_2552 : memref<1x128xi32, #tpu.memory_space<vmem>> -> memref<128xi32, #tpu.memory_space<vmem>>
    %dma_wait3A_2554 = arith.constant 0 : i32
    %dma_wait3A_2555 = arith.constant 0 : i32
    %dma_wait3A_2556 = tpu.memref_slice %arg13[%dma_wait3A_2554, %dma_wait3A_2555] : memref<10000x8xf32, #tpu.memory_space<hbm>> -> memref<10000x8xf32, #tpu.memory_space<hbm>>
    tpu.wait_indirect_dma semaphore(%arg50 : memref<!tpu.dma_semaphore, #tpu.memory_space<semaphore_mem>>) src(%dma_wait3A_2556 : memref<10000x8xf32, #tpu.memory_space<hbm>>) dst(%dma_wait3A_2550 : memref<128x8xf32, #tpu.memory_space<vmem>>)
    %dma_wait3A_2557 = arith.constant 2 : i32
    %dma_wait3A_2558 = arith.constant 256 : i32
    %dma_wait3A_2559 = arith.constant 0 : i32
    %dma_wait3A_2560 = tpu.memref_slice %arg43[%dma_wait3A_2558, %dma_wait3A_2559] : memref<512x8xf32, #tpu.memory_space<vmem>> -> memref<128x8xf32, #tpu.memory_space<vmem>>
    %dma_wait3A_2561 = arith.constant 0 : i32
    %dma_wait3A_2562 = tpu.memref_slice %arg33[%dma_wait3A_2557, %dma_wait3A_2561] : memref<4x128xi32, #tpu.memory_space<vmem>> -> memref<1x128xi32, #tpu.memory_space<vmem>>
    %dma_wait3A_2563 = tpu.memref_squeeze %dma_wait3A_2562 : memref<1x128xi32, #tpu.memory_space<vmem>> -> memref<128xi32, #tpu.memory_space<vmem>>
    %dma_wait3A_2564 = arith.constant 0 : i32
    %dma_wait3A_2565 = arith.constant 0 : i32
    %dma_wait3A_2566 = tpu.memref_slice %arg13[%dma_wait3A_2564, %dma_wait3A_2565] : memref<10000x8xf32, #tpu.memory_space<hbm>> -> memref<10000x8xf32, #tpu.memory_space<hbm>>
    tpu.wait_indirect_dma semaphore(%arg50 : memref<!tpu.dma_semaphore, #tpu.memory_space<semaphore_mem>>) src(%dma_wait3A_2566 : memref<10000x8xf32, #tpu.memory_space<hbm>>) dst(%dma_wait3A_2560 : memref<128x8xf32, #tpu.memory_space<vmem>>)
    %dma_wait3A_2567 = arith.constant 3 : i32
    %dma_wait3A_2568 = arith.constant 384 : i32
    %dma_wait3A_2569 = arith.constant 0 : i32
    %dma_wait3A_2570 = tpu.memref_slice %arg43[%dma_wait3A_2568, %dma_wait3A_2569] : memref<512x8xf32, #tpu.memory_space<vmem>> -> memref<128x8xf32, #tpu.memory_space<vmem>>
    %dma_wait3A_2571 = arith.constant 0 : i32
    %dma_wait3A_2572 = tpu.memref_slice %arg33[%dma_wait3A_2567, %dma_wait3A_2571] : memref<4x128xi32, #tpu.memory_space<vmem>> -> memref<1x128xi32, #tpu.memory_space<vmem>>
    %dma_wait3A_2573 = tpu.memref_squeeze %dma_wait3A_2572 : memref<1x128xi32, #tpu.memory_space<vmem>> -> memref<128xi32, #tpu.memory_space<vmem>>
    %dma_wait3A_2574 = arith.constant 0 : i32
    %dma_wait3A_2575 = arith.constant 0 : i32
    %dma_wait3A_2576 = tpu.memref_slice %arg13[%dma_wait3A_2574, %dma_wait3A_2575] : memref<10000x8xf32, #tpu.memory_space<hbm>> -> memref<10000x8xf32, #tpu.memory_space<hbm>>
    tpu.wait_indirect_dma semaphore(%arg50 : memref<!tpu.dma_semaphore, #tpu.memory_space<semaphore_mem>>) src(%dma_wait3A_2576 : memref<10000x8xf32, #tpu.memory_space<hbm>>) dst(%dma_wait3A_2570 : memref<128x8xf32, #tpu.memory_space<vmem>>)
    %dma_wait3A_2577 = arith.constant 0 : i32
    %dma_wait3A_2578 = arith.constant 0 : i32
    %dma_wait3A_2579 = arith.constant 0 : i32
    %dma_wait3A_2580 = tpu.memref_slice %arg44[%dma_wait3A_2578, %dma_wait3A_2579] : memref<512x8xf32, #tpu.memory_space<vmem>> -> memref<128x8xf32, #tpu.memory_space<vmem>>
    %dma_wait3A_2581 = arith.constant 0 : i32
    %dma_wait3A_2582 = tpu.memref_slice %arg34[%dma_wait3A_2577, %dma_wait3A_2581] : memref<4x128xi32, #tpu.memory_space<vmem>> -> memref<1x128xi32, #tpu.memory_space<vmem>>
    %dma_wait3A_2583 = tpu.memref_squeeze %dma_wait3A_2582 : memref<1x128xi32, #tpu.memory_space<vmem>> -> memref<128xi32, #tpu.memory_space<vmem>>
    %dma_wait3A_2584 = arith.constant 0 : i32
    %dma_wait3A_2585 = arith.constant 0 : i32
    %dma_wait3A_2586 = tpu.memref_slice %arg14[%dma_wait3A_2584, %dma_wait3A_2585] : memref<24x8xf32, #tpu.memory_space<hbm>> -> memref<24x8xf32, #tpu.memory_space<hbm>>
    tpu.wait_indirect_dma semaphore(%arg50 : memref<!tpu.dma_semaphore, #tpu.memory_space<semaphore_mem>>) src(%dma_wait3A_2586 : memref<24x8xf32, #tpu.memory_space<hbm>>) dst(%dma_wait3A_2580 : memref<128x8xf32, #tpu.memory_space<vmem>>)
    %dma_wait3A_2587 = arith.constant 1 : i32
    %dma_wait3A_2588 = arith.constant 128 : i32
    %dma_wait3A_2589 = arith.constant 0 : i32
    %dma_wait3A_2590 = tpu.memref_slice %arg44[%dma_wait3A_2588, %dma_wait3A_2589] : memref<512x8xf32, #tpu.memory_space<vmem>> -> memref<128x8xf32, #tpu.memory_space<vmem>>
    %dma_wait3A_2591 = arith.constant 0 : i32
    %dma_wait3A_2592 = tpu.memref_slice %arg34[%dma_wait3A_2587, %dma_wait3A_2591] : memref<4x128xi32, #tpu.memory_space<vmem>> -> memref<1x128xi32, #tpu.memory_space<vmem>>
    %dma_wait3A_2593 = tpu.memref_squeeze %dma_wait3A_2592 : memref<1x128xi32, #tpu.memory_space<vmem>> -> memref<128xi32, #tpu.memory_space<vmem>>
    %dma_wait3A_2594 = arith.constant 0 : i32
    %dma_wait3A_2595 = arith.constant 0 : i32
    %dma_wait3A_2596 = tpu.memref_slice %arg14[%dma_wait3A_2594, %dma_wait3A_2595] : memref<24x8xf32, #tpu.memory_space<hbm>> -> memref<24x8xf32, #tpu.memory_space<hbm>>
    tpu.wait_indirect_dma semaphore(%arg50 : memref<!tpu.dma_semaphore, #tpu.memory_space<semaphore_mem>>) src(%dma_wait3A_2596 : memref<24x8xf32, #tpu.memory_space<hbm>>) dst(%dma_wait3A_2590 : memref<128x8xf32, #tpu.memory_space<vmem>>)
    %dma_wait3A_2597 = arith.constant 2 : i32
    %dma_wait3A_2598 = arith.constant 256 : i32
    %dma_wait3A_2599 = arith.constant 0 : i32
    %dma_wait3A_2600 = tpu.memref_slice %arg44[%dma_wait3A_2598, %dma_wait3A_2599] : memref<512x8xf32, #tpu.memory_space<vmem>> -> memref<128x8xf32, #tpu.memory_space<vmem>>
    %dma_wait3A_2601 = arith.constant 0 : i32
    %dma_wait3A_2602 = tpu.memref_slice %arg34[%dma_wait3A_2597, %dma_wait3A_2601] : memref<4x128xi32, #tpu.memory_space<vmem>> -> memref<1x128xi32, #tpu.memory_space<vmem>>
    %dma_wait3A_2603 = tpu.memref_squeeze %dma_wait3A_2602 : memref<1x128xi32, #tpu.memory_space<vmem>> -> memref<128xi32, #tpu.memory_space<vmem>>
    %dma_wait3A_2604 = arith.constant 0 : i32
    %dma_wait3A_2605 = arith.constant 0 : i32
    %dma_wait3A_2606 = tpu.memref_slice %arg14[%dma_wait3A_2604, %dma_wait3A_2605] : memref<24x8xf32, #tpu.memory_space<hbm>> -> memref<24x8xf32, #tpu.memory_space<hbm>>
    tpu.wait_indirect_dma semaphore(%arg50 : memref<!tpu.dma_semaphore, #tpu.memory_space<semaphore_mem>>) src(%dma_wait3A_2606 : memref<24x8xf32, #tpu.memory_space<hbm>>) dst(%dma_wait3A_2600 : memref<128x8xf32, #tpu.memory_space<vmem>>)
    %dma_wait3A_2607 = arith.constant 3 : i32
    %dma_wait3A_2608 = arith.constant 384 : i32
    %dma_wait3A_2609 = arith.constant 0 : i32
    %dma_wait3A_2610 = tpu.memref_slice %arg44[%dma_wait3A_2608, %dma_wait3A_2609] : memref<512x8xf32, #tpu.memory_space<vmem>> -> memref<128x8xf32, #tpu.memory_space<vmem>>
    %dma_wait3A_2611 = arith.constant 0 : i32
    %dma_wait3A_2612 = tpu.memref_slice %arg34[%dma_wait3A_2607, %dma_wait3A_2611] : memref<4x128xi32, #tpu.memory_space<vmem>> -> memref<1x128xi32, #tpu.memory_space<vmem>>
    %dma_wait3A_2613 = tpu.memref_squeeze %dma_wait3A_2612 : memref<1x128xi32, #tpu.memory_space<vmem>> -> memref<128xi32, #tpu.memory_space<vmem>>
    %dma_wait3A_2614 = arith.constant 0 : i32
    %dma_wait3A_2615 = arith.constant 0 : i32
    %dma_wait3A_2616 = tpu.memref_slice %arg14[%dma_wait3A_2614, %dma_wait3A_2615] : memref<24x8xf32, #tpu.memory_space<hbm>> -> memref<24x8xf32, #tpu.memory_space<hbm>>
    tpu.wait_indirect_dma semaphore(%arg50 : memref<!tpu.dma_semaphore, #tpu.memory_space<semaphore_mem>>) src(%dma_wait3A_2616 : memref<24x8xf32, #tpu.memory_space<hbm>>) dst(%dma_wait3A_2610 : memref<128x8xf32, #tpu.memory_space<vmem>>)
    %dma_wait3A_2617 = arith.constant 0 : i32
    %dma_wait3A_2618 = arith.constant 0 : i32
    %dma_wait3A_2619 = arith.constant 0 : i32
    %dma_wait3A_2620 = tpu.memref_slice %arg45[%dma_wait3A_2618, %dma_wait3A_2619] : memref<512x8xf32, #tpu.memory_space<vmem>> -> memref<128x8xf32, #tpu.memory_space<vmem>>
    %dma_wait3A_2621 = arith.constant 0 : i32
    %dma_wait3A_2622 = tpu.memref_slice %arg35[%dma_wait3A_2617, %dma_wait3A_2621] : memref<4x128xi32, #tpu.memory_space<vmem>> -> memref<1x128xi32, #tpu.memory_space<vmem>>
    %dma_wait3A_2623 = tpu.memref_squeeze %dma_wait3A_2622 : memref<1x128xi32, #tpu.memory_space<vmem>> -> memref<128xi32, #tpu.memory_space<vmem>>
    %dma_wait3A_2624 = arith.constant 0 : i32
    %dma_wait3A_2625 = arith.constant 0 : i32
    %dma_wait3A_2626 = tpu.memref_slice %arg15[%dma_wait3A_2624, %dma_wait3A_2625] : memref<4x8xf32, #tpu.memory_space<hbm>> -> memref<4x8xf32, #tpu.memory_space<hbm>>
    tpu.wait_indirect_dma semaphore(%arg50 : memref<!tpu.dma_semaphore, #tpu.memory_space<semaphore_mem>>) src(%dma_wait3A_2626 : memref<4x8xf32, #tpu.memory_space<hbm>>) dst(%dma_wait3A_2620 : memref<128x8xf32, #tpu.memory_space<vmem>>)
    %dma_wait3A_2627 = arith.constant 1 : i32
    %dma_wait3A_2628 = arith.constant 128 : i32
    %dma_wait3A_2629 = arith.constant 0 : i32
    %dma_wait3A_2630 = tpu.memref_slice %arg45[%dma_wait3A_2628, %dma_wait3A_2629] : memref<512x8xf32, #tpu.memory_space<vmem>> -> memref<128x8xf32, #tpu.memory_space<vmem>>
    %dma_wait3A_2631 = arith.constant 0 : i32
    %dma_wait3A_2632 = tpu.memref_slice %arg35[%dma_wait3A_2627, %dma_wait3A_2631] : memref<4x128xi32, #tpu.memory_space<vmem>> -> memref<1x128xi32, #tpu.memory_space<vmem>>
    %dma_wait3A_2633 = tpu.memref_squeeze %dma_wait3A_2632 : memref<1x128xi32, #tpu.memory_space<vmem>> -> memref<128xi32, #tpu.memory_space<vmem>>
    %dma_wait3A_2634 = arith.constant 0 : i32
    %dma_wait3A_2635 = arith.constant 0 : i32
    %dma_wait3A_2636 = tpu.memref_slice %arg15[%dma_wait3A_2634, %dma_wait3A_2635] : memref<4x8xf32, #tpu.memory_space<hbm>> -> memref<4x8xf32, #tpu.memory_space<hbm>>
    tpu.wait_indirect_dma semaphore(%arg50 : memref<!tpu.dma_semaphore, #tpu.memory_space<semaphore_mem>>) src(%dma_wait3A_2636 : memref<4x8xf32, #tpu.memory_space<hbm>>) dst(%dma_wait3A_2630 : memref<128x8xf32, #tpu.memory_space<vmem>>)
    %dma_wait3A_2637 = arith.constant 2 : i32
    %dma_wait3A_2638 = arith.constant 256 : i32
    %dma_wait3A_2639 = arith.constant 0 : i32
    %dma_wait3A_2640 = tpu.memref_slice %arg45[%dma_wait3A_2638, %dma_wait3A_2639] : memref<512x8xf32, #tpu.memory_space<vmem>> -> memref<128x8xf32, #tpu.memory_space<vmem>>
    %dma_wait3A_2641 = arith.constant 0 : i32
    %dma_wait3A_2642 = tpu.memref_slice %arg35[%dma_wait3A_2637, %dma_wait3A_2641] : memref<4x128xi32, #tpu.memory_space<vmem>> -> memref<1x128xi32, #tpu.memory_space<vmem>>
    %dma_wait3A_2643 = tpu.memref_squeeze %dma_wait3A_2642 : memref<1x128xi32, #tpu.memory_space<vmem>> -> memref<128xi32, #tpu.memory_space<vmem>>
    %dma_wait3A_2644 = arith.constant 0 : i32
    %dma_wait3A_2645 = arith.constant 0 : i32
    %dma_wait3A_2646 = tpu.memref_slice %arg15[%dma_wait3A_2644, %dma_wait3A_2645] : memref<4x8xf32, #tpu.memory_space<hbm>> -> memref<4x8xf32, #tpu.memory_space<hbm>>
    tpu.wait_indirect_dma semaphore(%arg50 : memref<!tpu.dma_semaphore, #tpu.memory_space<semaphore_mem>>) src(%dma_wait3A_2646 : memref<4x8xf32, #tpu.memory_space<hbm>>) dst(%dma_wait3A_2640 : memref<128x8xf32, #tpu.memory_space<vmem>>)
    %dma_wait3A_2647 = arith.constant 3 : i32
    %dma_wait3A_2648 = arith.constant 384 : i32
    %dma_wait3A_2649 = arith.constant 0 : i32
    %dma_wait3A_2650 = tpu.memref_slice %arg45[%dma_wait3A_2648, %dma_wait3A_2649] : memref<512x8xf32, #tpu.memory_space<vmem>> -> memref<128x8xf32, #tpu.memory_space<vmem>>
    %dma_wait3A_2651 = arith.constant 0 : i32
    %dma_wait3A_2652 = tpu.memref_slice %arg35[%dma_wait3A_2647, %dma_wait3A_2651] : memref<4x128xi32, #tpu.memory_space<vmem>> -> memref<1x128xi32, #tpu.memory_space<vmem>>
    %dma_wait3A_2653 = tpu.memref_squeeze %dma_wait3A_2652 : memref<1x128xi32, #tpu.memory_space<vmem>> -> memref<128xi32, #tpu.memory_space<vmem>>
    %dma_wait3A_2654 = arith.constant 0 : i32
    %dma_wait3A_2655 = arith.constant 0 : i32
    %dma_wait3A_2656 = tpu.memref_slice %arg15[%dma_wait3A_2654, %dma_wait3A_2655] : memref<4x8xf32, #tpu.memory_space<hbm>> -> memref<4x8xf32, #tpu.memory_space<hbm>>
    tpu.wait_indirect_dma semaphore(%arg50 : memref<!tpu.dma_semaphore, #tpu.memory_space<semaphore_mem>>) src(%dma_wait3A_2656 : memref<4x8xf32, #tpu.memory_space<hbm>>) dst(%dma_wait3A_2650 : memref<128x8xf32, #tpu.memory_space<vmem>>)
    %dma_wait3A_2657 = arith.constant 0 : i32
    %dma_wait3A_2658 = arith.constant 0 : i32
    %dma_wait3A_2659 = arith.constant 0 : i32
    %dma_wait3A_2660 = tpu.memref_slice %arg46[%dma_wait3A_2658, %dma_wait3A_2659] : memref<512x8xf32, #tpu.memory_space<vmem>> -> memref<128x8xf32, #tpu.memory_space<vmem>>
    %dma_wait3A_2661 = arith.constant 0 : i32
    %dma_wait3A_2662 = tpu.memref_slice %arg36[%dma_wait3A_2657, %dma_wait3A_2661] : memref<4x128xi32, #tpu.memory_space<vmem>> -> memref<1x128xi32, #tpu.memory_space<vmem>>
    %dma_wait3A_2663 = tpu.memref_squeeze %dma_wait3A_2662 : memref<1x128xi32, #tpu.memory_space<vmem>> -> memref<128xi32, #tpu.memory_space<vmem>>
    %dma_wait3A_2664 = arith.constant 0 : i32
    %dma_wait3A_2665 = arith.constant 0 : i32
    %dma_wait3A_2666 = tpu.memref_slice %arg16[%dma_wait3A_2664, %dma_wait3A_2665] : memref<30x8xf32, #tpu.memory_space<hbm>> -> memref<30x8xf32, #tpu.memory_space<hbm>>
    tpu.wait_indirect_dma semaphore(%arg50 : memref<!tpu.dma_semaphore, #tpu.memory_space<semaphore_mem>>) src(%dma_wait3A_2666 : memref<30x8xf32, #tpu.memory_space<hbm>>) dst(%dma_wait3A_2660 : memref<128x8xf32, #tpu.memory_space<vmem>>)
    %dma_wait3A_2667 = arith.constant 1 : i32
    %dma_wait3A_2668 = arith.constant 128 : i32
    %dma_wait3A_2669 = arith.constant 0 : i32
    %dma_wait3A_2670 = tpu.memref_slice %arg46[%dma_wait3A_2668, %dma_wait3A_2669] : memref<512x8xf32, #tpu.memory_space<vmem>> -> memref<128x8xf32, #tpu.memory_space<vmem>>
    %dma_wait3A_2671 = arith.constant 0 : i32
    %dma_wait3A_2672 = tpu.memref_slice %arg36[%dma_wait3A_2667, %dma_wait3A_2671] : memref<4x128xi32, #tpu.memory_space<vmem>> -> memref<1x128xi32, #tpu.memory_space<vmem>>
    %dma_wait3A_2673 = tpu.memref_squeeze %dma_wait3A_2672 : memref<1x128xi32, #tpu.memory_space<vmem>> -> memref<128xi32, #tpu.memory_space<vmem>>
    %dma_wait3A_2674 = arith.constant 0 : i32
    %dma_wait3A_2675 = arith.constant 0 : i32
    %dma_wait3A_2676 = tpu.memref_slice %arg16[%dma_wait3A_2674, %dma_wait3A_2675] : memref<30x8xf32, #tpu.memory_space<hbm>> -> memref<30x8xf32, #tpu.memory_space<hbm>>
    tpu.wait_indirect_dma semaphore(%arg50 : memref<!tpu.dma_semaphore, #tpu.memory_space<semaphore_mem>>) src(%dma_wait3A_2676 : memref<30x8xf32, #tpu.memory_space<hbm>>) dst(%dma_wait3A_2670 : memref<128x8xf32, #tpu.memory_space<vmem>>)
    %dma_wait3A_2677 = arith.constant 2 : i32
    %dma_wait3A_2678 = arith.constant 256 : i32
    %dma_wait3A_2679 = arith.constant 0 : i32
    %dma_wait3A_2680 = tpu.memref_slice %arg46[%dma_wait3A_2678, %dma_wait3A_2679] : memref<512x8xf32, #tpu.memory_space<vmem>> -> memref<128x8xf32, #tpu.memory_space<vmem>>
    %dma_wait3A_2681 = arith.constant 0 : i32
    %dma_wait3A_2682 = tpu.memref_slice %arg36[%dma_wait3A_2677, %dma_wait3A_2681] : memref<4x128xi32, #tpu.memory_space<vmem>> -> memref<1x128xi32, #tpu.memory_space<vmem>>
    %dma_wait3A_2683 = tpu.memref_squeeze %dma_wait3A_2682 : memref<1x128xi32, #tpu.memory_space<vmem>> -> memref<128xi32, #tpu.memory_space<vmem>>
    %dma_wait3A_2684 = arith.constant 0 : i32
    %dma_wait3A_2685 = arith.constant 0 : i32
    %dma_wait3A_2686 = tpu.memref_slice %arg16[%dma_wait3A_2684, %dma_wait3A_2685] : memref<30x8xf32, #tpu.memory_space<hbm>> -> memref<30x8xf32, #tpu.memory_space<hbm>>
    tpu.wait_indirect_dma semaphore(%arg50 : memref<!tpu.dma_semaphore, #tpu.memory_space<semaphore_mem>>) src(%dma_wait3A_2686 : memref<30x8xf32, #tpu.memory_space<hbm>>) dst(%dma_wait3A_2680 : memref<128x8xf32, #tpu.memory_space<vmem>>)
    %dma_wait3A_2687 = arith.constant 3 : i32
    %dma_wait3A_2688 = arith.constant 384 : i32
    %dma_wait3A_2689 = arith.constant 0 : i32
    %dma_wait3A_2690 = tpu.memref_slice %arg46[%dma_wait3A_2688, %dma_wait3A_2689] : memref<512x8xf32, #tpu.memory_space<vmem>> -> memref<128x8xf32, #tpu.memory_space<vmem>>
    %dma_wait3A_2691 = arith.constant 0 : i32
    %dma_wait3A_2692 = tpu.memref_slice %arg36[%dma_wait3A_2687, %dma_wait3A_2691] : memref<4x128xi32, #tpu.memory_space<vmem>> -> memref<1x128xi32, #tpu.memory_space<vmem>>
    %dma_wait3A_2693 = tpu.memref_squeeze %dma_wait3A_2692 : memref<1x128xi32, #tpu.memory_space<vmem>> -> memref<128xi32, #tpu.memory_space<vmem>>
    %dma_wait3A_2694 = arith.constant 0 : i32
    %dma_wait3A_2695 = arith.constant 0 : i32
    %dma_wait3A_2696 = tpu.memref_slice %arg16[%dma_wait3A_2694, %dma_wait3A_2695] : memref<30x8xf32, #tpu.memory_space<hbm>> -> memref<30x8xf32, #tpu.memory_space<hbm>>
    tpu.wait_indirect_dma semaphore(%arg50 : memref<!tpu.dma_semaphore, #tpu.memory_space<semaphore_mem>>) src(%dma_wait3A_2696 : memref<30x8xf32, #tpu.memory_space<hbm>>) dst(%dma_wait3A_2690 : memref<128x8xf32, #tpu.memory_space<vmem>>)
    %dma_wait3A_2697 = arith.constant 0 : i32
    %dma_wait3A_2698 = arith.constant 0 : i32
    %dma_wait3A_2699 = arith.constant 0 : i32
    %dma_wait3A_2700 = tpu.memref_slice %arg47[%dma_wait3A_2698, %dma_wait3A_2699] : memref<512x8xf32, #tpu.memory_space<vmem>> -> memref<128x8xf32, #tpu.memory_space<vmem>>
    %dma_wait3A_2701 = arith.constant 0 : i32
    %dma_wait3A_2702 = tpu.memref_slice %arg37[%dma_wait3A_2697, %dma_wait3A_2701] : memref<4x128xi32, #tpu.memory_space<vmem>> -> memref<1x128xi32, #tpu.memory_space<vmem>>
    %dma_wait3A_2703 = tpu.memref_squeeze %dma_wait3A_2702 : memref<1x128xi32, #tpu.memory_space<vmem>> -> memref<128xi32, #tpu.memory_space<vmem>>
    %dma_wait3A_2704 = arith.constant 0 : i32
    %dma_wait3A_2705 = arith.constant 0 : i32
    %dma_wait3A_2706 = tpu.memref_slice %arg17[%dma_wait3A_2704, %dma_wait3A_2705] : memref<300x8xf32, #tpu.memory_space<hbm>> -> memref<300x8xf32, #tpu.memory_space<hbm>>
    tpu.wait_indirect_dma semaphore(%arg50 : memref<!tpu.dma_semaphore, #tpu.memory_space<semaphore_mem>>) src(%dma_wait3A_2706 : memref<300x8xf32, #tpu.memory_space<hbm>>) dst(%dma_wait3A_2700 : memref<128x8xf32, #tpu.memory_space<vmem>>)
    %dma_wait3A_2707 = arith.constant 1 : i32
    %dma_wait3A_2708 = arith.constant 128 : i32
    %dma_wait3A_2709 = arith.constant 0 : i32
    %dma_wait3A_2710 = tpu.memref_slice %arg47[%dma_wait3A_2708, %dma_wait3A_2709] : memref<512x8xf32, #tpu.memory_space<vmem>> -> memref<128x8xf32, #tpu.memory_space<vmem>>
    %dma_wait3A_2711 = arith.constant 0 : i32
    %dma_wait3A_2712 = tpu.memref_slice %arg37[%dma_wait3A_2707, %dma_wait3A_2711] : memref<4x128xi32, #tpu.memory_space<vmem>> -> memref<1x128xi32, #tpu.memory_space<vmem>>
    %dma_wait3A_2713 = tpu.memref_squeeze %dma_wait3A_2712 : memref<1x128xi32, #tpu.memory_space<vmem>> -> memref<128xi32, #tpu.memory_space<vmem>>
    %dma_wait3A_2714 = arith.constant 0 : i32
    %dma_wait3A_2715 = arith.constant 0 : i32
    %dma_wait3A_2716 = tpu.memref_slice %arg17[%dma_wait3A_2714, %dma_wait3A_2715] : memref<300x8xf32, #tpu.memory_space<hbm>> -> memref<300x8xf32, #tpu.memory_space<hbm>>
    tpu.wait_indirect_dma semaphore(%arg50 : memref<!tpu.dma_semaphore, #tpu.memory_space<semaphore_mem>>) src(%dma_wait3A_2716 : memref<300x8xf32, #tpu.memory_space<hbm>>) dst(%dma_wait3A_2710 : memref<128x8xf32, #tpu.memory_space<vmem>>)
    %dma_wait3A_2717 = arith.constant 2 : i32
    %dma_wait3A_2718 = arith.constant 256 : i32
    %dma_wait3A_2719 = arith.constant 0 : i32
    %dma_wait3A_2720 = tpu.memref_slice %arg47[%dma_wait3A_2718, %dma_wait3A_2719] : memref<512x8xf32, #tpu.memory_space<vmem>> -> memref<128x8xf32, #tpu.memory_space<vmem>>
    %dma_wait3A_2721 = arith.constant 0 : i32
    %dma_wait3A_2722 = tpu.memref_slice %arg37[%dma_wait3A_2717, %dma_wait3A_2721] : memref<4x128xi32, #tpu.memory_space<vmem>> -> memref<1x128xi32, #tpu.memory_space<vmem>>
    %dma_wait3A_2723 = tpu.memref_squeeze %dma_wait3A_2722 : memref<1x128xi32, #tpu.memory_space<vmem>> -> memref<128xi32, #tpu.memory_space<vmem>>
    %dma_wait3A_2724 = arith.constant 0 : i32
    %dma_wait3A_2725 = arith.constant 0 : i32
    %dma_wait3A_2726 = tpu.memref_slice %arg17[%dma_wait3A_2724, %dma_wait3A_2725] : memref<300x8xf32, #tpu.memory_space<hbm>> -> memref<300x8xf32, #tpu.memory_space<hbm>>
    tpu.wait_indirect_dma semaphore(%arg50 : memref<!tpu.dma_semaphore, #tpu.memory_space<semaphore_mem>>) src(%dma_wait3A_2726 : memref<300x8xf32, #tpu.memory_space<hbm>>) dst(%dma_wait3A_2720 : memref<128x8xf32, #tpu.memory_space<vmem>>)
    %dma_wait3A_2727 = arith.constant 3 : i32
    %dma_wait3A_2728 = arith.constant 384 : i32
    %dma_wait3A_2729 = arith.constant 0 : i32
    %dma_wait3A_2730 = tpu.memref_slice %arg47[%dma_wait3A_2728, %dma_wait3A_2729] : memref<512x8xf32, #tpu.memory_space<vmem>> -> memref<128x8xf32, #tpu.memory_space<vmem>>
    %dma_wait3A_2731 = arith.constant 0 : i32
    %dma_wait3A_2732 = tpu.memref_slice %arg37[%dma_wait3A_2727, %dma_wait3A_2731] : memref<4x128xi32, #tpu.memory_space<vmem>> -> memref<1x128xi32, #tpu.memory_space<vmem>>
    %dma_wait3A_2733 = tpu.memref_squeeze %dma_wait3A_2732 : memref<1x128xi32, #tpu.memory_space<vmem>> -> memref<128xi32, #tpu.memory_space<vmem>>
    %dma_wait3A_2734 = arith.constant 0 : i32
    %dma_wait3A_2735 = arith.constant 0 : i32
    %dma_wait3A_2736 = tpu.memref_slice %arg17[%dma_wait3A_2734, %dma_wait3A_2735] : memref<300x8xf32, #tpu.memory_space<hbm>> -> memref<300x8xf32, #tpu.memory_space<hbm>>
    tpu.wait_indirect_dma semaphore(%arg50 : memref<!tpu.dma_semaphore, #tpu.memory_space<semaphore_mem>>) src(%dma_wait3A_2736 : memref<300x8xf32, #tpu.memory_space<hbm>>) dst(%dma_wait3A_2730 : memref<128x8xf32, #tpu.memory_space<vmem>>)
    %dma_wait3A_2737 = arith.constant 0 : i32
    %dma_wait3A_2738 = arith.constant 0 : i32
    %dma_wait3A_2739 = arith.constant 0 : i32
    %dma_wait3A_2740 = tpu.memref_slice %arg48[%dma_wait3A_2738, %dma_wait3A_2739] : memref<512x8xf32, #tpu.memory_space<vmem>> -> memref<128x8xf32, #tpu.memory_space<vmem>>
    %dma_wait3A_2741 = arith.constant 0 : i32
    %dma_wait3A_2742 = tpu.memref_slice %arg38[%dma_wait3A_2737, %dma_wait3A_2741] : memref<4x128xi32, #tpu.memory_space<vmem>> -> memref<1x128xi32, #tpu.memory_space<vmem>>
    %dma_wait3A_2743 = tpu.memref_squeeze %dma_wait3A_2742 : memref<1x128xi32, #tpu.memory_space<vmem>> -> memref<128xi32, #tpu.memory_space<vmem>>
    %dma_wait3A_2744 = arith.constant 0 : i32
    %dma_wait3A_2745 = arith.constant 0 : i32
    %dma_wait3A_2746 = tpu.memref_slice %arg18[%dma_wait3A_2744, %dma_wait3A_2745] : memref<96x8xf32, #tpu.memory_space<hbm>> -> memref<96x8xf32, #tpu.memory_space<hbm>>
    tpu.wait_indirect_dma semaphore(%arg50 : memref<!tpu.dma_semaphore, #tpu.memory_space<semaphore_mem>>) src(%dma_wait3A_2746 : memref<96x8xf32, #tpu.memory_space<hbm>>) dst(%dma_wait3A_2740 : memref<128x8xf32, #tpu.memory_space<vmem>>)
    %dma_wait3A_2747 = arith.constant 1 : i32
    %dma_wait3A_2748 = arith.constant 128 : i32
    %dma_wait3A_2749 = arith.constant 0 : i32
    %dma_wait3A_2750 = tpu.memref_slice %arg48[%dma_wait3A_2748, %dma_wait3A_2749] : memref<512x8xf32, #tpu.memory_space<vmem>> -> memref<128x8xf32, #tpu.memory_space<vmem>>
    %dma_wait3A_2751 = arith.constant 0 : i32
    %dma_wait3A_2752 = tpu.memref_slice %arg38[%dma_wait3A_2747, %dma_wait3A_2751] : memref<4x128xi32, #tpu.memory_space<vmem>> -> memref<1x128xi32, #tpu.memory_space<vmem>>
    %dma_wait3A_2753 = tpu.memref_squeeze %dma_wait3A_2752 : memref<1x128xi32, #tpu.memory_space<vmem>> -> memref<128xi32, #tpu.memory_space<vmem>>
    %dma_wait3A_2754 = arith.constant 0 : i32
    %dma_wait3A_2755 = arith.constant 0 : i32
    %dma_wait3A_2756 = tpu.memref_slice %arg18[%dma_wait3A_2754, %dma_wait3A_2755] : memref<96x8xf32, #tpu.memory_space<hbm>> -> memref<96x8xf32, #tpu.memory_space<hbm>>
    tpu.wait_indirect_dma semaphore(%arg50 : memref<!tpu.dma_semaphore, #tpu.memory_space<semaphore_mem>>) src(%dma_wait3A_2756 : memref<96x8xf32, #tpu.memory_space<hbm>>) dst(%dma_wait3A_2750 : memref<128x8xf32, #tpu.memory_space<vmem>>)
    %dma_wait3A_2757 = arith.constant 2 : i32
    %dma_wait3A_2758 = arith.constant 256 : i32
    %dma_wait3A_2759 = arith.constant 0 : i32
    %dma_wait3A_2760 = tpu.memref_slice %arg48[%dma_wait3A_2758, %dma_wait3A_2759] : memref<512x8xf32, #tpu.memory_space<vmem>> -> memref<128x8xf32, #tpu.memory_space<vmem>>
    %dma_wait3A_2761 = arith.constant 0 : i32
    %dma_wait3A_2762 = tpu.memref_slice %arg38[%dma_wait3A_2757, %dma_wait3A_2761] : memref<4x128xi32, #tpu.memory_space<vmem>> -> memref<1x128xi32, #tpu.memory_space<vmem>>
    %dma_wait3A_2763 = tpu.memref_squeeze %dma_wait3A_2762 : memref<1x128xi32, #tpu.memory_space<vmem>> -> memref<128xi32, #tpu.memory_space<vmem>>
    %dma_wait3A_2764 = arith.constant 0 : i32
    %dma_wait3A_2765 = arith.constant 0 : i32
    %dma_wait3A_2766 = tpu.memref_slice %arg18[%dma_wait3A_2764, %dma_wait3A_2765] : memref<96x8xf32, #tpu.memory_space<hbm>> -> memref<96x8xf32, #tpu.memory_space<hbm>>
    tpu.wait_indirect_dma semaphore(%arg50 : memref<!tpu.dma_semaphore, #tpu.memory_space<semaphore_mem>>) src(%dma_wait3A_2766 : memref<96x8xf32, #tpu.memory_space<hbm>>) dst(%dma_wait3A_2760 : memref<128x8xf32, #tpu.memory_space<vmem>>)
    %dma_wait3A_2767 = arith.constant 3 : i32
    %dma_wait3A_2768 = arith.constant 384 : i32
    %dma_wait3A_2769 = arith.constant 0 : i32
    %dma_wait3A_2770 = tpu.memref_slice %arg48[%dma_wait3A_2768, %dma_wait3A_2769] : memref<512x8xf32, #tpu.memory_space<vmem>> -> memref<128x8xf32, #tpu.memory_space<vmem>>
    %dma_wait3A_2771 = arith.constant 0 : i32
    %dma_wait3A_2772 = tpu.memref_slice %arg38[%dma_wait3A_2767, %dma_wait3A_2771] : memref<4x128xi32, #tpu.memory_space<vmem>> -> memref<1x128xi32, #tpu.memory_space<vmem>>
    %dma_wait3A_2773 = tpu.memref_squeeze %dma_wait3A_2772 : memref<1x128xi32, #tpu.memory_space<vmem>> -> memref<128xi32, #tpu.memory_space<vmem>>
    %dma_wait3A_2774 = arith.constant 0 : i32
    %dma_wait3A_2775 = arith.constant 0 : i32
    %dma_wait3A_2776 = tpu.memref_slice %arg18[%dma_wait3A_2774, %dma_wait3A_2775] : memref<96x8xf32, #tpu.memory_space<hbm>> -> memref<96x8xf32, #tpu.memory_space<hbm>>
    tpu.wait_indirect_dma semaphore(%arg50 : memref<!tpu.dma_semaphore, #tpu.memory_space<semaphore_mem>>) src(%dma_wait3A_2776 : memref<96x8xf32, #tpu.memory_space<hbm>>) dst(%dma_wait3A_2770 : memref<128x8xf32, #tpu.memory_space<vmem>>)
    %dma_start3A_2777 = arith.constant 0 : i32
    %dma_start3A_2778 = tpu.memref_slice %arg19[%mul3A_4, %dma_start3A_2777] : memref<16384x8xf32, #tpu.memory_space<hbm>> -> memref<512x8xf32, #tpu.memory_space<hbm>>
    %dma_start3A_2779 = arith.constant 0 : i32
    %dma_start3A_2780 = tpu.memref_slice %arg19[%mul3A_4, %dma_start3A_2779] : memref<16384x8xf32, #tpu.memory_space<hbm>> -> memref<512x8xf32, #tpu.memory_space<hbm>>
    tpu.enqueue_dma source(%arg39 : memref<512x8xf32, #tpu.memory_space<vmem>>) target(%dma_start3A_2780 : memref<512x8xf32, #tpu.memory_space<hbm>>) target_semaphore(%arg51 : memref<!tpu.dma_semaphore, #tpu.memory_space<semaphore_mem>>)
    %dma_start3A_2781 = arith.constant 0 : i32
    %dma_start3A_2782 = tpu.memref_slice %arg20[%mul3A_4, %dma_start3A_2781] : memref<16384x8xf32, #tpu.memory_space<hbm>> -> memref<512x8xf32, #tpu.memory_space<hbm>>
    %dma_start3A_2783 = arith.constant 0 : i32
    %dma_start3A_2784 = tpu.memref_slice %arg20[%mul3A_4, %dma_start3A_2783] : memref<16384x8xf32, #tpu.memory_space<hbm>> -> memref<512x8xf32, #tpu.memory_space<hbm>>
    tpu.enqueue_dma source(%arg40 : memref<512x8xf32, #tpu.memory_space<vmem>>) target(%dma_start3A_2784 : memref<512x8xf32, #tpu.memory_space<hbm>>) target_semaphore(%arg51 : memref<!tpu.dma_semaphore, #tpu.memory_space<semaphore_mem>>)
    %dma_start3A_2785 = arith.constant 0 : i32
    %dma_start3A_2786 = tpu.memref_slice %arg21[%mul3A_4, %dma_start3A_2785] : memref<16384x8xf32, #tpu.memory_space<hbm>> -> memref<512x8xf32, #tpu.memory_space<hbm>>
    %dma_start3A_2787 = arith.constant 0 : i32
    %dma_start3A_2788 = tpu.memref_slice %arg21[%mul3A_4, %dma_start3A_2787] : memref<16384x8xf32, #tpu.memory_space<hbm>> -> memref<512x8xf32, #tpu.memory_space<hbm>>
    tpu.enqueue_dma source(%arg41 : memref<512x8xf32, #tpu.memory_space<vmem>>) target(%dma_start3A_2788 : memref<512x8xf32, #tpu.memory_space<hbm>>) target_semaphore(%arg51 : memref<!tpu.dma_semaphore, #tpu.memory_space<semaphore_mem>>)
    %dma_start3A_2789 = arith.constant 0 : i32
    %dma_start3A_2790 = tpu.memref_slice %arg22[%mul3A_4, %dma_start3A_2789] : memref<16384x8xf32, #tpu.memory_space<hbm>> -> memref<512x8xf32, #tpu.memory_space<hbm>>
    %dma_start3A_2791 = arith.constant 0 : i32
    %dma_start3A_2792 = tpu.memref_slice %arg22[%mul3A_4, %dma_start3A_2791] : memref<16384x8xf32, #tpu.memory_space<hbm>> -> memref<512x8xf32, #tpu.memory_space<hbm>>
    tpu.enqueue_dma source(%arg42 : memref<512x8xf32, #tpu.memory_space<vmem>>) target(%dma_start3A_2792 : memref<512x8xf32, #tpu.memory_space<hbm>>) target_semaphore(%arg51 : memref<!tpu.dma_semaphore, #tpu.memory_space<semaphore_mem>>)
    %dma_start3A_2793 = arith.constant 0 : i32
    %dma_start3A_2794 = tpu.memref_slice %arg23[%mul3A_4, %dma_start3A_2793] : memref<16384x8xf32, #tpu.memory_space<hbm>> -> memref<512x8xf32, #tpu.memory_space<hbm>>
    %dma_start3A_2795 = arith.constant 0 : i32
    %dma_start3A_2796 = tpu.memref_slice %arg23[%mul3A_4, %dma_start3A_2795] : memref<16384x8xf32, #tpu.memory_space<hbm>> -> memref<512x8xf32, #tpu.memory_space<hbm>>
    tpu.enqueue_dma source(%arg43 : memref<512x8xf32, #tpu.memory_space<vmem>>) target(%dma_start3A_2796 : memref<512x8xf32, #tpu.memory_space<hbm>>) target_semaphore(%arg51 : memref<!tpu.dma_semaphore, #tpu.memory_space<semaphore_mem>>)
    %dma_start3A_2797 = arith.constant 0 : i32
    %dma_start3A_2798 = tpu.memref_slice %arg24[%mul3A_4, %dma_start3A_2797] : memref<16384x8xf32, #tpu.memory_space<hbm>> -> memref<512x8xf32, #tpu.memory_space<hbm>>
    %dma_start3A_2799 = arith.constant 0 : i32
    %dma_start3A_2800 = tpu.memref_slice %arg24[%mul3A_4, %dma_start3A_2799] : memref<16384x8xf32, #tpu.memory_space<hbm>> -> memref<512x8xf32, #tpu.memory_space<hbm>>
    tpu.enqueue_dma source(%arg44 : memref<512x8xf32, #tpu.memory_space<vmem>>) target(%dma_start3A_2800 : memref<512x8xf32, #tpu.memory_space<hbm>>) target_semaphore(%arg51 : memref<!tpu.dma_semaphore, #tpu.memory_space<semaphore_mem>>)
    %dma_start3A_2801 = arith.constant 0 : i32
    %dma_start3A_2802 = tpu.memref_slice %arg25[%mul3A_4, %dma_start3A_2801] : memref<16384x8xf32, #tpu.memory_space<hbm>> -> memref<512x8xf32, #tpu.memory_space<hbm>>
    %dma_start3A_2803 = arith.constant 0 : i32
    %dma_start3A_2804 = tpu.memref_slice %arg25[%mul3A_4, %dma_start3A_2803] : memref<16384x8xf32, #tpu.memory_space<hbm>> -> memref<512x8xf32, #tpu.memory_space<hbm>>
    tpu.enqueue_dma source(%arg45 : memref<512x8xf32, #tpu.memory_space<vmem>>) target(%dma_start3A_2804 : memref<512x8xf32, #tpu.memory_space<hbm>>) target_semaphore(%arg51 : memref<!tpu.dma_semaphore, #tpu.memory_space<semaphore_mem>>)
    %dma_start3A_2805 = arith.constant 0 : i32
    %dma_start3A_2806 = tpu.memref_slice %arg26[%mul3A_4, %dma_start3A_2805] : memref<16384x8xf32, #tpu.memory_space<hbm>> -> memref<512x8xf32, #tpu.memory_space<hbm>>
    %dma_start3A_2807 = arith.constant 0 : i32
    %dma_start3A_2808 = tpu.memref_slice %arg26[%mul3A_4, %dma_start3A_2807] : memref<16384x8xf32, #tpu.memory_space<hbm>> -> memref<512x8xf32, #tpu.memory_space<hbm>>
    tpu.enqueue_dma source(%arg46 : memref<512x8xf32, #tpu.memory_space<vmem>>) target(%dma_start3A_2808 : memref<512x8xf32, #tpu.memory_space<hbm>>) target_semaphore(%arg51 : memref<!tpu.dma_semaphore, #tpu.memory_space<semaphore_mem>>)
    %dma_start3A_2809 = arith.constant 0 : i32
    %dma_start3A_2810 = tpu.memref_slice %arg27[%mul3A_4, %dma_start3A_2809] : memref<16384x8xf32, #tpu.memory_space<hbm>> -> memref<512x8xf32, #tpu.memory_space<hbm>>
    %dma_start3A_2811 = arith.constant 0 : i32
    %dma_start3A_2812 = tpu.memref_slice %arg27[%mul3A_4, %dma_start3A_2811] : memref<16384x8xf32, #tpu.memory_space<hbm>> -> memref<512x8xf32, #tpu.memory_space<hbm>>
    tpu.enqueue_dma source(%arg47 : memref<512x8xf32, #tpu.memory_space<vmem>>) target(%dma_start3A_2812 : memref<512x8xf32, #tpu.memory_space<hbm>>) target_semaphore(%arg51 : memref<!tpu.dma_semaphore, #tpu.memory_space<semaphore_mem>>)
    %dma_start3A_2813 = arith.constant 0 : i32
    %dma_start3A_2814 = tpu.memref_slice %arg28[%mul3A_4, %dma_start3A_2813] : memref<16384x8xf32, #tpu.memory_space<hbm>> -> memref<512x8xf32, #tpu.memory_space<hbm>>
    %dma_start3A_2815 = arith.constant 0 : i32
    %dma_start3A_2816 = tpu.memref_slice %arg28[%mul3A_4, %dma_start3A_2815] : memref<16384x8xf32, #tpu.memory_space<hbm>> -> memref<512x8xf32, #tpu.memory_space<hbm>>
    tpu.enqueue_dma source(%arg48 : memref<512x8xf32, #tpu.memory_space<vmem>>) target(%dma_start3A_2816 : memref<512x8xf32, #tpu.memory_space<hbm>>) target_semaphore(%arg51 : memref<!tpu.dma_semaphore, #tpu.memory_space<semaphore_mem>>)
    %dma_wait3A_2817 = arith.constant 0 : i32
    %dma_wait3A_2818 = tpu.memref_slice %arg19[%mul3A_4, %dma_wait3A_2817] : memref<16384x8xf32, #tpu.memory_space<hbm>> -> memref<512x8xf32, #tpu.memory_space<hbm>>
    %dma_wait3A_2819 = arith.constant 0 : i32
    %dma_wait3A_2820 = tpu.memref_slice %arg19[%mul3A_4, %dma_wait3A_2819] : memref<16384x8xf32, #tpu.memory_space<hbm>> -> memref<512x8xf32, #tpu.memory_space<hbm>>
    tpu.wait_dma2 semaphore(%arg51 : memref<!tpu.dma_semaphore, #tpu.memory_space<semaphore_mem>>) src(%arg39 : memref<512x8xf32, #tpu.memory_space<vmem>>) dst(%dma_wait3A_2820 : memref<512x8xf32, #tpu.memory_space<hbm>>)
    %dma_wait3A_2821 = arith.constant 0 : i32
    %dma_wait3A_2822 = tpu.memref_slice %arg20[%mul3A_4, %dma_wait3A_2821] : memref<16384x8xf32, #tpu.memory_space<hbm>> -> memref<512x8xf32, #tpu.memory_space<hbm>>
    %dma_wait3A_2823 = arith.constant 0 : i32
    %dma_wait3A_2824 = tpu.memref_slice %arg20[%mul3A_4, %dma_wait3A_2823] : memref<16384x8xf32, #tpu.memory_space<hbm>> -> memref<512x8xf32, #tpu.memory_space<hbm>>
    tpu.wait_dma2 semaphore(%arg51 : memref<!tpu.dma_semaphore, #tpu.memory_space<semaphore_mem>>) src(%arg40 : memref<512x8xf32, #tpu.memory_space<vmem>>) dst(%dma_wait3A_2824 : memref<512x8xf32, #tpu.memory_space<hbm>>)
    %dma_wait3A_2825 = arith.constant 0 : i32
    %dma_wait3A_2826 = tpu.memref_slice %arg21[%mul3A_4, %dma_wait3A_2825] : memref<16384x8xf32, #tpu.memory_space<hbm>> -> memref<512x8xf32, #tpu.memory_space<hbm>>
    %dma_wait3A_2827 = arith.constant 0 : i32
    %dma_wait3A_2828 = tpu.memref_slice %arg21[%mul3A_4, %dma_wait3A_2827] : memref<16384x8xf32, #tpu.memory_space<hbm>> -> memref<512x8xf32, #tpu.memory_space<hbm>>
    tpu.wait_dma2 semaphore(%arg51 : memref<!tpu.dma_semaphore, #tpu.memory_space<semaphore_mem>>) src(%arg41 : memref<512x8xf32, #tpu.memory_space<vmem>>) dst(%dma_wait3A_2828 : memref<512x8xf32, #tpu.memory_space<hbm>>)
    %dma_wait3A_2829 = arith.constant 0 : i32
    %dma_wait3A_2830 = tpu.memref_slice %arg22[%mul3A_4, %dma_wait3A_2829] : memref<16384x8xf32, #tpu.memory_space<hbm>> -> memref<512x8xf32, #tpu.memory_space<hbm>>
    %dma_wait3A_2831 = arith.constant 0 : i32
    %dma_wait3A_2832 = tpu.memref_slice %arg22[%mul3A_4, %dma_wait3A_2831] : memref<16384x8xf32, #tpu.memory_space<hbm>> -> memref<512x8xf32, #tpu.memory_space<hbm>>
    tpu.wait_dma2 semaphore(%arg51 : memref<!tpu.dma_semaphore, #tpu.memory_space<semaphore_mem>>) src(%arg42 : memref<512x8xf32, #tpu.memory_space<vmem>>) dst(%dma_wait3A_2832 : memref<512x8xf32, #tpu.memory_space<hbm>>)
    %dma_wait3A_2833 = arith.constant 0 : i32
    %dma_wait3A_2834 = tpu.memref_slice %arg23[%mul3A_4, %dma_wait3A_2833] : memref<16384x8xf32, #tpu.memory_space<hbm>> -> memref<512x8xf32, #tpu.memory_space<hbm>>
    %dma_wait3A_2835 = arith.constant 0 : i32
    %dma_wait3A_2836 = tpu.memref_slice %arg23[%mul3A_4, %dma_wait3A_2835] : memref<16384x8xf32, #tpu.memory_space<hbm>> -> memref<512x8xf32, #tpu.memory_space<hbm>>
    tpu.wait_dma2 semaphore(%arg51 : memref<!tpu.dma_semaphore, #tpu.memory_space<semaphore_mem>>) src(%arg43 : memref<512x8xf32, #tpu.memory_space<vmem>>) dst(%dma_wait3A_2836 : memref<512x8xf32, #tpu.memory_space<hbm>>)
    %dma_wait3A_2837 = arith.constant 0 : i32
    %dma_wait3A_2838 = tpu.memref_slice %arg24[%mul3A_4, %dma_wait3A_2837] : memref<16384x8xf32, #tpu.memory_space<hbm>> -> memref<512x8xf32, #tpu.memory_space<hbm>>
    %dma_wait3A_2839 = arith.constant 0 : i32
    %dma_wait3A_2840 = tpu.memref_slice %arg24[%mul3A_4, %dma_wait3A_2839] : memref<16384x8xf32, #tpu.memory_space<hbm>> -> memref<512x8xf32, #tpu.memory_space<hbm>>
    tpu.wait_dma2 semaphore(%arg51 : memref<!tpu.dma_semaphore, #tpu.memory_space<semaphore_mem>>) src(%arg44 : memref<512x8xf32, #tpu.memory_space<vmem>>) dst(%dma_wait3A_2840 : memref<512x8xf32, #tpu.memory_space<hbm>>)
    %dma_wait3A_2841 = arith.constant 0 : i32
    %dma_wait3A_2842 = tpu.memref_slice %arg25[%mul3A_4, %dma_wait3A_2841] : memref<16384x8xf32, #tpu.memory_space<hbm>> -> memref<512x8xf32, #tpu.memory_space<hbm>>
    %dma_wait3A_2843 = arith.constant 0 : i32
    %dma_wait3A_2844 = tpu.memref_slice %arg25[%mul3A_4, %dma_wait3A_2843] : memref<16384x8xf32, #tpu.memory_space<hbm>> -> memref<512x8xf32, #tpu.memory_space<hbm>>
    tpu.wait_dma2 semaphore(%arg51 : memref<!tpu.dma_semaphore, #tpu.memory_space<semaphore_mem>>) src(%arg45 : memref<512x8xf32, #tpu.memory_space<vmem>>) dst(%dma_wait3A_2844 : memref<512x8xf32, #tpu.memory_space<hbm>>)
    %dma_wait3A_2845 = arith.constant 0 : i32
    %dma_wait3A_2846 = tpu.memref_slice %arg26[%mul3A_4, %dma_wait3A_2845] : memref<16384x8xf32, #tpu.memory_space<hbm>> -> memref<512x8xf32, #tpu.memory_space<hbm>>
    %dma_wait3A_2847 = arith.constant 0 : i32
    %dma_wait3A_2848 = tpu.memref_slice %arg26[%mul3A_4, %dma_wait3A_2847] : memref<16384x8xf32, #tpu.memory_space<hbm>> -> memref<512x8xf32, #tpu.memory_space<hbm>>
    tpu.wait_dma2 semaphore(%arg51 : memref<!tpu.dma_semaphore, #tpu.memory_space<semaphore_mem>>) src(%arg46 : memref<512x8xf32, #tpu.memory_space<vmem>>) dst(%dma_wait3A_2848 : memref<512x8xf32, #tpu.memory_space<hbm>>)
    %dma_wait3A_2849 = arith.constant 0 : i32
    %dma_wait3A_2850 = tpu.memref_slice %arg27[%mul3A_4, %dma_wait3A_2849] : memref<16384x8xf32, #tpu.memory_space<hbm>> -> memref<512x8xf32, #tpu.memory_space<hbm>>
    %dma_wait3A_2851 = arith.constant 0 : i32
    %dma_wait3A_2852 = tpu.memref_slice %arg27[%mul3A_4, %dma_wait3A_2851] : memref<16384x8xf32, #tpu.memory_space<hbm>> -> memref<512x8xf32, #tpu.memory_space<hbm>>
    tpu.wait_dma2 semaphore(%arg51 : memref<!tpu.dma_semaphore, #tpu.memory_space<semaphore_mem>>) src(%arg47 : memref<512x8xf32, #tpu.memory_space<vmem>>) dst(%dma_wait3A_2852 : memref<512x8xf32, #tpu.memory_space<hbm>>)
    %dma_wait3A_2853 = arith.constant 0 : i32
    %dma_wait3A_2854 = tpu.memref_slice %arg28[%mul3A_4, %dma_wait3A_2853] : memref<16384x8xf32, #tpu.memory_space<hbm>> -> memref<512x8xf32, #tpu.memory_space<hbm>>
    %dma_wait3A_2855 = arith.constant 0 : i32
    %dma_wait3A_2856 = tpu.memref_slice %arg28[%mul3A_4, %dma_wait3A_2855] : memref<16384x8xf32, #tpu.memory_space<hbm>> -> memref<512x8xf32, #tpu.memory_space<hbm>>
    tpu.wait_dma2 semaphore(%arg51 : memref<!tpu.dma_semaphore, #tpu.memory_space<semaphore_mem>>) src(%arg48 : memref<512x8xf32, #tpu.memory_space<vmem>>) dst(%dma_wait3A_2856 : memref<512x8xf32, #tpu.memory_space<hbm>>)
    return
  }
}

module attributes {stable_mosaic.version = 14 : i64} {
  func.func @_lin_body(%arg0: i32, %arg1: memref<16x2048xf32, #tpu.memory_space<vmem>>, %arg2: memref<256x128xf32, #tpu.memory_space<vmem>>) attributes {dimension_semantics = [#tpu.dimension_semantics<arbitrary>], iteration_bounds = array<i64: 489>, scalar_prefetch = 0 : i64, scratch_operands = 0 : i64, tpu.core_type = #tpu.core_type<tc>, window_params = [{transform_indices = @transform_0, window_bounds = array<i64: 16, 2048>}, {transform_indices = @transform_1, window_bounds = array<i64: 256, 128>}]} {
    %get3A = arith.constant 0 : index
    %get3A_0 = arith.constant 0 : index
    %get3A_1 = vector.load %arg1[%get3A, %get3A_0] : memref<16x2048xf32, #tpu.memory_space<vmem>>, vector<16x2048xf32>
    %transpose3A = tpu.transpose %get3A_1, [1, 0] : vector<16x2048xf32> -> vector<2048x16xf32>
    %reshape3A = vector.shape_cast %transpose3A : vector<2048x16xf32> to vector<256x8x16xf32>
    %slice3A = vector.extract_strided_slice %reshape3A {offsets = [0, 0, 0], sizes = [256, 1, 16], strides = [1, 1, 1]} : vector<256x8x16xf32> to vector<256x1x16xf32>
    %squeeze3A = vector.shape_cast %slice3A : vector<256x1x16xf32> to vector<256x16xf32>
    %slice3A_2 = vector.extract_strided_slice %reshape3A {offsets = [0, 1, 0], sizes = [256, 1, 16], strides = [1, 1, 1]} : vector<256x8x16xf32> to vector<256x1x16xf32>
    %squeeze3A_3 = vector.shape_cast %slice3A_2 : vector<256x1x16xf32> to vector<256x16xf32>
    %slice3A_4 = vector.extract_strided_slice %reshape3A {offsets = [0, 2, 0], sizes = [256, 1, 16], strides = [1, 1, 1]} : vector<256x8x16xf32> to vector<256x1x16xf32>
    %squeeze3A_5 = vector.shape_cast %slice3A_4 : vector<256x1x16xf32> to vector<256x16xf32>
    %slice3A_6 = vector.extract_strided_slice %reshape3A {offsets = [0, 3, 0], sizes = [256, 1, 16], strides = [1, 1, 1]} : vector<256x8x16xf32> to vector<256x1x16xf32>
    %squeeze3A_7 = vector.shape_cast %slice3A_6 : vector<256x1x16xf32> to vector<256x16xf32>
    %slice3A_8 = vector.extract_strided_slice %reshape3A {offsets = [0, 4, 0], sizes = [256, 1, 16], strides = [1, 1, 1]} : vector<256x8x16xf32> to vector<256x1x16xf32>
    %squeeze3A_9 = vector.shape_cast %slice3A_8 : vector<256x1x16xf32> to vector<256x16xf32>
    %slice3A_10 = vector.extract_strided_slice %reshape3A {offsets = [0, 5, 0], sizes = [256, 1, 16], strides = [1, 1, 1]} : vector<256x8x16xf32> to vector<256x1x16xf32>
    %squeeze3A_11 = vector.shape_cast %slice3A_10 : vector<256x1x16xf32> to vector<256x16xf32>
    %slice3A_12 = vector.extract_strided_slice %reshape3A {offsets = [0, 6, 0], sizes = [256, 1, 16], strides = [1, 1, 1]} : vector<256x8x16xf32> to vector<256x1x16xf32>
    %squeeze3A_13 = vector.shape_cast %slice3A_12 : vector<256x1x16xf32> to vector<256x16xf32>
    %slice3A_14 = vector.extract_strided_slice %reshape3A {offsets = [0, 7, 0], sizes = [256, 1, 16], strides = [1, 1, 1]} : vector<256x8x16xf32> to vector<256x1x16xf32>
    %squeeze3A_15 = vector.shape_cast %slice3A_14 : vector<256x1x16xf32> to vector<256x16xf32>
    %concatenate3A = tpu.concatenate %squeeze3A, %squeeze3A_3, %squeeze3A_5, %squeeze3A_7, %squeeze3A_9, %squeeze3A_11, %squeeze3A_13, %squeeze3A_15 in 1 : vector<256x16xf32>, vector<256x16xf32>, vector<256x16xf32>, vector<256x16xf32>, vector<256x16xf32>, vector<256x16xf32>, vector<256x16xf32>, vector<256x16xf32> -> vector<256x128xf32>
    %swap3A = arith.constant 0 : index
    %swap3A_16 = arith.constant 0 : index
    %swap3A_17 = vector.load %arg2[%swap3A, %swap3A_16] : memref<256x128xf32, #tpu.memory_space<vmem>>, vector<256x128xf32>
    tpu.vector_store %arg2[%swap3A, %swap3A_16], %concatenate3A {strides = array<i32>} : memref<256x128xf32, #tpu.memory_space<vmem>>, vector<256x128xf32>,
    return
  }
  func.func @transform_0(%arg0: i32) -> (i32, i32) {
    %c0_i32 = arith.constant 0 : i32
    %c0_i32_0 = arith.constant 0 : i32
    return %c0_i32, %arg0 : i32, i32
  }
  func.func @transform_1(%arg0: i32) -> (i32, i32) {
    %c0_i32 = arith.constant 0 : i32
    %c0_i32_0 = arith.constant 0 : i32
    return %arg0, %c0_i32 : i32, i32
  }
}

module attributes {stable_mosaic.version = 14 : i64} {
  func.func @_lin_body(%arg0: i32, %arg1: memref<16x2048xf32, #tpu.memory_space<vmem>>, %arg2: memref<256x128xf32, #tpu.memory_space<vmem>>) attributes {dimension_semantics = [#tpu.dimension_semantics<arbitrary>], iteration_bounds = array<i64: 49>, scalar_prefetch = 0 : i64, scratch_operands = 0 : i64, tpu.core_type = #tpu.core_type<tc>, window_params = [{transform_indices = @transform_0, window_bounds = array<i64: 16, 2048>}, {transform_indices = @transform_1, window_bounds = array<i64: 256, 128>}]} {
    %get3A = arith.constant 0 : index
    %get3A_0 = arith.constant 0 : index
    %get3A_1 = vector.load %arg1[%get3A, %get3A_0] : memref<16x2048xf32, #tpu.memory_space<vmem>>, vector<16x2048xf32>
    %transpose3A = tpu.transpose %get3A_1, [1, 0] : vector<16x2048xf32> -> vector<2048x16xf32>
    %reshape3A = vector.shape_cast %transpose3A : vector<2048x16xf32> to vector<256x8x16xf32>
    %slice3A = vector.extract_strided_slice %reshape3A {offsets = [0, 0, 0], sizes = [256, 1, 16], strides = [1, 1, 1]} : vector<256x8x16xf32> to vector<256x1x16xf32>
    %squeeze3A = vector.shape_cast %slice3A : vector<256x1x16xf32> to vector<256x16xf32>
    %slice3A_2 = vector.extract_strided_slice %reshape3A {offsets = [0, 1, 0], sizes = [256, 1, 16], strides = [1, 1, 1]} : vector<256x8x16xf32> to vector<256x1x16xf32>
    %squeeze3A_3 = vector.shape_cast %slice3A_2 : vector<256x1x16xf32> to vector<256x16xf32>
    %slice3A_4 = vector.extract_strided_slice %reshape3A {offsets = [0, 2, 0], sizes = [256, 1, 16], strides = [1, 1, 1]} : vector<256x8x16xf32> to vector<256x1x16xf32>
    %squeeze3A_5 = vector.shape_cast %slice3A_4 : vector<256x1x16xf32> to vector<256x16xf32>
    %slice3A_6 = vector.extract_strided_slice %reshape3A {offsets = [0, 3, 0], sizes = [256, 1, 16], strides = [1, 1, 1]} : vector<256x8x16xf32> to vector<256x1x16xf32>
    %squeeze3A_7 = vector.shape_cast %slice3A_6 : vector<256x1x16xf32> to vector<256x16xf32>
    %slice3A_8 = vector.extract_strided_slice %reshape3A {offsets = [0, 4, 0], sizes = [256, 1, 16], strides = [1, 1, 1]} : vector<256x8x16xf32> to vector<256x1x16xf32>
    %squeeze3A_9 = vector.shape_cast %slice3A_8 : vector<256x1x16xf32> to vector<256x16xf32>
    %slice3A_10 = vector.extract_strided_slice %reshape3A {offsets = [0, 5, 0], sizes = [256, 1, 16], strides = [1, 1, 1]} : vector<256x8x16xf32> to vector<256x1x16xf32>
    %squeeze3A_11 = vector.shape_cast %slice3A_10 : vector<256x1x16xf32> to vector<256x16xf32>
    %slice3A_12 = vector.extract_strided_slice %reshape3A {offsets = [0, 6, 0], sizes = [256, 1, 16], strides = [1, 1, 1]} : vector<256x8x16xf32> to vector<256x1x16xf32>
    %squeeze3A_13 = vector.shape_cast %slice3A_12 : vector<256x1x16xf32> to vector<256x16xf32>
    %slice3A_14 = vector.extract_strided_slice %reshape3A {offsets = [0, 7, 0], sizes = [256, 1, 16], strides = [1, 1, 1]} : vector<256x8x16xf32> to vector<256x1x16xf32>
    %squeeze3A_15 = vector.shape_cast %slice3A_14 : vector<256x1x16xf32> to vector<256x16xf32>
    %concatenate3A = tpu.concatenate %squeeze3A, %squeeze3A_3, %squeeze3A_5, %squeeze3A_7, %squeeze3A_9, %squeeze3A_11, %squeeze3A_13, %squeeze3A_15 in 1 : vector<256x16xf32>, vector<256x16xf32>, vector<256x16xf32>, vector<256x16xf32>, vector<256x16xf32>, vector<256x16xf32>, vector<256x16xf32>, vector<256x16xf32> -> vector<256x128xf32>
    %swap3A = arith.constant 0 : index
    %swap3A_16 = arith.constant 0 : index
    %swap3A_17 = vector.load %arg2[%swap3A, %swap3A_16] : memref<256x128xf32, #tpu.memory_space<vmem>>, vector<256x128xf32>
    tpu.vector_store %arg2[%swap3A, %swap3A_16], %concatenate3A {strides = array<i32>} : memref<256x128xf32, #tpu.memory_space<vmem>>, vector<256x128xf32>,
    return
  }
  func.func @transform_0(%arg0: i32) -> (i32, i32) {
    %c0_i32 = arith.constant 0 : i32
    %c0_i32_0 = arith.constant 0 : i32
    return %c0_i32, %arg0 : i32, i32
  }
  func.func @transform_1(%arg0: i32) -> (i32, i32) {
    %c0_i32 = arith.constant 0 : i32
    %c0_i32_0 = arith.constant 0 : i32
    return %arg0, %c0_i32 : i32, i32
  }
}

module attributes {stable_mosaic.version = 14 : i64} {
  func.func @_mlp_body(%arg0: i32, %arg1: memref<1024x128xf32, #tpu.memory_space<vmem>>, %arg2: memref<1024x128xf32, #tpu.memory_space<vmem>>, %arg3: memref<1024x1xi32, #tpu.memory_space<vmem>>, %arg4: memref<1024x1xi32, #tpu.memory_space<vmem>>, %arg5: memref<1024x8xf32, #tpu.memory_space<vmem>>, %arg6: memref<1024x8xf32, #tpu.memory_space<vmem>>, %arg7: memref<1024x8xf32, #tpu.memory_space<vmem>>, %arg8: memref<1024x8xf32, #tpu.memory_space<vmem>>, %arg9: memref<1024x8xf32, #tpu.memory_space<vmem>>, %arg10: memref<1024x8xf32, #tpu.memory_space<vmem>>, %arg11: memref<1024x8xf32, #tpu.memory_space<vmem>>, %arg12: memref<1024x1xf32, #tpu.memory_space<vmem>>, %arg13: memref<1024x8xf32, #tpu.memory_space<vmem>>, %arg14: memref<1024x8xf32, #tpu.memory_space<vmem>>, %arg15: memref<1024x8xf32, #tpu.memory_space<vmem>>, %arg16: memref<16x256xf32, #tpu.memory_space<vmem>>, %arg17: memref<16x256xf32, #tpu.memory_space<vmem>>, %arg18: memref<8x256xf32, #tpu.memory_space<vmem>>, %arg19: memref<8x256xf32, #tpu.memory_space<vmem>>, %arg20: memref<8x256xf32, #tpu.memory_space<vmem>>, %arg21: memref<8x256xf32, #tpu.memory_space<vmem>>, %arg22: memref<8x256xf32, #tpu.memory_space<vmem>>, %arg23: memref<8x256xf32, #tpu.memory_space<vmem>>, %arg24: memref<8x256xf32, #tpu.memory_space<vmem>>, %arg25: memref<1x256xf32, #tpu.memory_space<vmem>>, %arg26: memref<1x256xf32, #tpu.memory_space<vmem>>, %arg27: memref<256x128xf32, #tpu.memory_space<vmem>>, %arg28: memref<1x128xf32, #tpu.memory_space<vmem>>, %arg29: memref<128x64xf32, #tpu.memory_space<vmem>>, %arg30: memref<1x64xf32, #tpu.memory_space<vmem>>, %arg31: memref<64x1xf32, #tpu.memory_space<vmem>>, %arg32: memref<1x1xf32, #tpu.memory_space<vmem>>, %arg33: memref<1x3xf32, #tpu.memory_space<vmem>>, %arg34: memref<1x1xf32, #tpu.memory_space<vmem>>, %arg35: memref<1024x1xf32, #tpu.memory_space<vmem>>) attributes {dimension_semantics = [#tpu.dimension_semantics<arbitrary>], iteration_bounds = array<i64: 16>, scalar_prefetch = 0 : i64, scratch_operands = 0 : i64, tpu.core_type = #tpu.core_type<tc>, window_params = [{transform_indices = @transform_0, window_bounds = array<i64: 1024, 128>}, {transform_indices = @transform_1, window_bounds = array<i64: 1024, 128>}, {transform_indices = @transform_2, window_bounds = array<i64: 1024, 1>}, {transform_indices = @transform_3, window_bounds = array<i64: 1024, 1>}, {transform_indices = @transform_4, window_bounds = array<i64: 1024, 8>}, {transform_indices = @transform_5, window_bounds = array<i64: 1024, 8>}, {transform_indices = @transform_6, window_bounds = array<i64: 1024, 8>}, {transform_indices = @transform_7, window_bounds = array<i64: 1024, 8>}, {transform_indices = @transform_8, window_bounds = array<i64: 1024, 8>}, {transform_indices = @transform_9, window_bounds = array<i64: 1024, 8>}, {transform_indices = @transform_10, window_bounds = array<i64: 1024, 8>}, {transform_indices = @transform_11, window_bounds = array<i64: 1024, 1>}, {transform_indices = @transform_12, window_bounds = array<i64: 1024, 8>}, {transform_indices = @transform_13, window_bounds = array<i64: 1024, 8>}, {transform_indices = @transform_14, window_bounds = array<i64: 1024, 8>}, {pipeline_mode = #tpu.pipeline_mode<synchronous>, transform_indices = @transform_15, window_bounds = array<i64: 16, 256>}, {pipeline_mode = #tpu.pipeline_mode<synchronous>, transform_indices = @transform_16, window_bounds = array<i64: 16, 256>}, {pipeline_mode = #tpu.pipeline_mode<synchronous>, transform_indices = @transform_17, window_bounds = array<i64: 8, 256>}, {pipeline_mode = #tpu.pipeline_mode<synchronous>, transform_indices = @transform_18, window_bounds = array<i64: 8, 256>}, {pipeline_mode = #tpu.pipeline_mode<synchronous>, transform_indices = @transform_19, window_bounds = array<i64: 8, 256>}, {pipeline_mode = #tpu.pipeline_mode<synchronous>, transform_indices = @transform_20, window_bounds = array<i64: 8, 256>}, {pipeline_mode = #tpu.pipeline_mode<synchronous>, transform_indices = @transform_21, window_bounds = array<i64: 8, 256>}, {pipeline_mode = #tpu.pipeline_mode<synchronous>, transform_indices = @transform_22, window_bounds = array<i64: 8, 256>}, {pipeline_mode = #tpu.pipeline_mode<synchronous>, transform_indices = @transform_23, window_bounds = array<i64: 8, 256>}, {pipeline_mode = #tpu.pipeline_mode<synchronous>, transform_indices = @transform_24, window_bounds = array<i64: 1, 256>}, {pipeline_mode = #tpu.pipeline_mode<synchronous>, transform_indices = @transform_25, window_bounds = array<i64: 1, 256>}, {pipeline_mode = #tpu.pipeline_mode<synchronous>, transform_indices = @transform_26, window_bounds = array<i64: 256, 128>}, {pipeline_mode = #tpu.pipeline_mode<synchronous>, transform_indices = @transform_27, window_bounds = array<i64: 1, 128>}, {pipeline_mode = #tpu.pipeline_mode<synchronous>, transform_indices = @transform_28, window_bounds = array<i64: 128, 64>}, {pipeline_mode = #tpu.pipeline_mode<synchronous>, transform_indices = @transform_29, window_bounds = array<i64: 1, 64>}, {pipeline_mode = #tpu.pipeline_mode<synchronous>, transform_indices = @transform_30, window_bounds = array<i64: 64, 1>}, {pipeline_mode = #tpu.pipeline_mode<synchronous>, transform_indices = @transform_31, window_bounds = array<i64: 1, 1>}, {pipeline_mode = #tpu.pipeline_mode<synchronous>, transform_indices = @transform_32, window_bounds = array<i64: 1, 3>}, {pipeline_mode = #tpu.pipeline_mode<synchronous>, transform_indices = @transform_33, window_bounds = array<i64: 1, 1>}, {transform_indices = @transform_34, window_bounds = array<i64: 1024, 1>}]} {
    %get3A = arith.constant 0 : index
    %get3A_0 = arith.constant 0 : index
    %get3A_1 = vector.load %arg1[%get3A, %get3A_0] : memref<1024x128xf32, #tpu.memory_space<vmem>>, vector<1024x128xf32>
    %get3A_2 = arith.constant 0 : index
    %get3A_3 = arith.constant 0 : index
    %get3A_4 = vector.load %arg3[%get3A_2, %get3A_3] : memref<1024x1xi32, #tpu.memory_space<vmem>>, vector<1024x1xi32>
    %broadcast_in_dim3A = arith.constant 0.000000e+00 : f32
    %broadcast_in_dim3A_5 = vector.broadcast %broadcast_in_dim3A : f32 to vector<1024x16xf32>
    %eq3A = arith.constant 0 : i32
    %eq3A_6 = vector.broadcast %eq3A : i32 to vector<1024x1xi32>
    %eq3A_7 = arith.cmpi eq, %get3A_4, %eq3A_6 : vector<1024x1xi32>
    %slice3A = vector.extract_strided_slice %get3A_1 {offsets = [0, 0], sizes = [1024, 16], strides = [1, 1]} : vector<1024x128xf32> to vector<1024x16xf32>
    %jit3A = arith.constant 0.000000e+00 : f32
    %broadcast_in_dim3A_8 = vector.shape_cast %eq3A_7 : vector<1024x1xi1> to vector<1024x1xi1>
    %broadcast_in_dim3A_9 = vector.broadcast %broadcast_in_dim3A_8 : vector<1024x1xi1> to vector<1024x16xi1>
    %broadcast_in_dim3A_10 = vector.broadcast %jit3A : f32 to vector<1024x16xf32>
    %select_n3A = arith.select %broadcast_in_dim3A_9, %slice3A, %broadcast_in_dim3A_10 : vector<1024x16xi1>, vector<1024x16xf32>
    %add3A = arith.addf %broadcast_in_dim3A_5, %select_n3A : vector<1024x16xf32>
    %eq3A_11 = arith.constant 1 : i32
    %eq3A_12 = vector.broadcast %eq3A_11 : i32 to vector<1024x1xi32>
    %eq3A_13 = arith.cmpi eq, %get3A_4, %eq3A_12 : vector<1024x1xi32>
    %slice3A_14 = vector.extract_strided_slice %get3A_1 {offsets = [0, 16], sizes = [1024, 16], strides = [1, 1]} : vector<1024x128xf32> to vector<1024x16xf32>
    %jit3A_15 = arith.constant 0.000000e+00 : f32
    %broadcast_in_dim3A_16 = vector.shape_cast %eq3A_13 : vector<1024x1xi1> to vector<1024x1xi1>
    %broadcast_in_dim3A_17 = vector.broadcast %broadcast_in_dim3A_16 : vector<1024x1xi1> to vector<1024x16xi1>
    %broadcast_in_dim3A_18 = vector.broadcast %jit3A_15 : f32 to vector<1024x16xf32>
    %select_n3A_19 = arith.select %broadcast_in_dim3A_17, %slice3A_14, %broadcast_in_dim3A_18 : vector<1024x16xi1>, vector<1024x16xf32>
    %add3A_20 = arith.addf %add3A, %select_n3A_19 : vector<1024x16xf32>
    %eq3A_21 = arith.constant 2 : i32
    %eq3A_22 = vector.broadcast %eq3A_21 : i32 to vector<1024x1xi32>
    %eq3A_23 = arith.cmpi eq, %get3A_4, %eq3A_22 : vector<1024x1xi32>
    %slice3A_24 = vector.extract_strided_slice %get3A_1 {offsets = [0, 32], sizes = [1024, 16], strides = [1, 1]} : vector<1024x128xf32> to vector<1024x16xf32>
    %jit3A_25 = arith.constant 0.000000e+00 : f32
    %broadcast_in_dim3A_26 = vector.shape_cast %eq3A_23 : vector<1024x1xi1> to vector<1024x1xi1>
    %broadcast_in_dim3A_27 = vector.broadcast %broadcast_in_dim3A_26 : vector<1024x1xi1> to vector<1024x16xi1>
    %broadcast_in_dim3A_28 = vector.broadcast %jit3A_25 : f32 to vector<1024x16xf32>
    %select_n3A_29 = arith.select %broadcast_in_dim3A_27, %slice3A_24, %broadcast_in_dim3A_28 : vector<1024x16xi1>, vector<1024x16xf32>
    %add3A_30 = arith.addf %add3A_20, %select_n3A_29 : vector<1024x16xf32>
    %eq3A_31 = arith.constant 3 : i32
    %eq3A_32 = vector.broadcast %eq3A_31 : i32 to vector<1024x1xi32>
    %eq3A_33 = arith.cmpi eq, %get3A_4, %eq3A_32 : vector<1024x1xi32>
    %slice3A_34 = vector.extract_strided_slice %get3A_1 {offsets = [0, 48], sizes = [1024, 16], strides = [1, 1]} : vector<1024x128xf32> to vector<1024x16xf32>
    %jit3A_35 = arith.constant 0.000000e+00 : f32
    %broadcast_in_dim3A_36 = vector.shape_cast %eq3A_33 : vector<1024x1xi1> to vector<1024x1xi1>
    %broadcast_in_dim3A_37 = vector.broadcast %broadcast_in_dim3A_36 : vector<1024x1xi1> to vector<1024x16xi1>
    %broadcast_in_dim3A_38 = vector.broadcast %jit3A_35 : f32 to vector<1024x16xf32>
    %select_n3A_39 = arith.select %broadcast_in_dim3A_37, %slice3A_34, %broadcast_in_dim3A_38 : vector<1024x16xi1>, vector<1024x16xf32>
    %add3A_40 = arith.addf %add3A_30, %select_n3A_39 : vector<1024x16xf32>
    %eq3A_41 = arith.constant 4 : i32
    %eq3A_42 = vector.broadcast %eq3A_41 : i32 to vector<1024x1xi32>
    %eq3A_43 = arith.cmpi eq, %get3A_4, %eq3A_42 : vector<1024x1xi32>
    %slice3A_44 = vector.extract_strided_slice %get3A_1 {offsets = [0, 64], sizes = [1024, 16], strides = [1, 1]} : vector<1024x128xf32> to vector<1024x16xf32>
    %jit3A_45 = arith.constant 0.000000e+00 : f32
    %broadcast_in_dim3A_46 = vector.shape_cast %eq3A_43 : vector<1024x1xi1> to vector<1024x1xi1>
    %broadcast_in_dim3A_47 = vector.broadcast %broadcast_in_dim3A_46 : vector<1024x1xi1> to vector<1024x16xi1>
    %broadcast_in_dim3A_48 = vector.broadcast %jit3A_45 : f32 to vector<1024x16xf32>
    %select_n3A_49 = arith.select %broadcast_in_dim3A_47, %slice3A_44, %broadcast_in_dim3A_48 : vector<1024x16xi1>, vector<1024x16xf32>
    %add3A_50 = arith.addf %add3A_40, %select_n3A_49 : vector<1024x16xf32>
    %eq3A_51 = arith.constant 5 : i32
    %eq3A_52 = vector.broadcast %eq3A_51 : i32 to vector<1024x1xi32>
    %eq3A_53 = arith.cmpi eq, %get3A_4, %eq3A_52 : vector<1024x1xi32>
    %slice3A_54 = vector.extract_strided_slice %get3A_1 {offsets = [0, 80], sizes = [1024, 16], strides = [1, 1]} : vector<1024x128xf32> to vector<1024x16xf32>
    %jit3A_55 = arith.constant 0.000000e+00 : f32
    %broadcast_in_dim3A_56 = vector.shape_cast %eq3A_53 : vector<1024x1xi1> to vector<1024x1xi1>
    %broadcast_in_dim3A_57 = vector.broadcast %broadcast_in_dim3A_56 : vector<1024x1xi1> to vector<1024x16xi1>
    %broadcast_in_dim3A_58 = vector.broadcast %jit3A_55 : f32 to vector<1024x16xf32>
    %select_n3A_59 = arith.select %broadcast_in_dim3A_57, %slice3A_54, %broadcast_in_dim3A_58 : vector<1024x16xi1>, vector<1024x16xf32>
    %add3A_60 = arith.addf %add3A_50, %select_n3A_59 : vector<1024x16xf32>
    %eq3A_61 = arith.constant 6 : i32
    %eq3A_62 = vector.broadcast %eq3A_61 : i32 to vector<1024x1xi32>
    %eq3A_63 = arith.cmpi eq, %get3A_4, %eq3A_62 : vector<1024x1xi32>
    %slice3A_64 = vector.extract_strided_slice %get3A_1 {offsets = [0, 96], sizes = [1024, 16], strides = [1, 1]} : vector<1024x128xf32> to vector<1024x16xf32>
    %jit3A_65 = arith.constant 0.000000e+00 : f32
    %broadcast_in_dim3A_66 = vector.shape_cast %eq3A_63 : vector<1024x1xi1> to vector<1024x1xi1>
    %broadcast_in_dim3A_67 = vector.broadcast %broadcast_in_dim3A_66 : vector<1024x1xi1> to vector<1024x16xi1>
    %broadcast_in_dim3A_68 = vector.broadcast %jit3A_65 : f32 to vector<1024x16xf32>
    %select_n3A_69 = arith.select %broadcast_in_dim3A_67, %slice3A_64, %broadcast_in_dim3A_68 : vector<1024x16xi1>, vector<1024x16xf32>
    %add3A_70 = arith.addf %add3A_60, %select_n3A_69 : vector<1024x16xf32>
    %eq3A_71 = arith.constant 7 : i32
    %eq3A_72 = vector.broadcast %eq3A_71 : i32 to vector<1024x1xi32>
    %eq3A_73 = arith.cmpi eq, %get3A_4, %eq3A_72 : vector<1024x1xi32>
    %slice3A_74 = vector.extract_strided_slice %get3A_1 {offsets = [0, 112], sizes = [1024, 16], strides = [1, 1]} : vector<1024x128xf32> to vector<1024x16xf32>
    %jit3A_75 = arith.constant 0.000000e+00 : f32
    %broadcast_in_dim3A_76 = vector.shape_cast %eq3A_73 : vector<1024x1xi1> to vector<1024x1xi1>
    %broadcast_in_dim3A_77 = vector.broadcast %broadcast_in_dim3A_76 : vector<1024x1xi1> to vector<1024x16xi1>
    %broadcast_in_dim3A_78 = vector.broadcast %jit3A_75 : f32 to vector<1024x16xf32>
    %select_n3A_79 = arith.select %broadcast_in_dim3A_77, %slice3A_74, %broadcast_in_dim3A_78 : vector<1024x16xi1>, vector<1024x16xf32>
    %add3A_80 = arith.addf %add3A_70, %select_n3A_79 : vector<1024x16xf32>
    %get3A_81 = arith.constant 0 : index
    %get3A_82 = arith.constant 0 : index
    %get3A_83 = vector.load %arg2[%get3A_81, %get3A_82] : memref<1024x128xf32, #tpu.memory_space<vmem>>, vector<1024x128xf32>
    %get3A_84 = arith.constant 0 : index
    %get3A_85 = arith.constant 0 : index
    %get3A_86 = vector.load %arg4[%get3A_84, %get3A_85] : memref<1024x1xi32, #tpu.memory_space<vmem>>, vector<1024x1xi32>
    %broadcast_in_dim3A_87 = arith.constant 0.000000e+00 : f32
    %broadcast_in_dim3A_88 = vector.broadcast %broadcast_in_dim3A_87 : f32 to vector<1024x16xf32>
    %eq3A_89 = arith.constant 0 : i32
    %eq3A_90 = vector.broadcast %eq3A_89 : i32 to vector<1024x1xi32>
    %eq3A_91 = arith.cmpi eq, %get3A_86, %eq3A_90 : vector<1024x1xi32>
    %slice3A_92 = vector.extract_strided_slice %get3A_83 {offsets = [0, 0], sizes = [1024, 16], strides = [1, 1]} : vector<1024x128xf32> to vector<1024x16xf32>
    %jit3A_93 = arith.constant 0.000000e+00 : f32
    %broadcast_in_dim3A_94 = vector.shape_cast %eq3A_91 : vector<1024x1xi1> to vector<1024x1xi1>
    %broadcast_in_dim3A_95 = vector.broadcast %broadcast_in_dim3A_94 : vector<1024x1xi1> to vector<1024x16xi1>
    %broadcast_in_dim3A_96 = vector.broadcast %jit3A_93 : f32 to vector<1024x16xf32>
    %select_n3A_97 = arith.select %broadcast_in_dim3A_95, %slice3A_92, %broadcast_in_dim3A_96 : vector<1024x16xi1>, vector<1024x16xf32>
    %add3A_98 = arith.addf %broadcast_in_dim3A_88, %select_n3A_97 : vector<1024x16xf32>
    %eq3A_99 = arith.constant 1 : i32
    %eq3A_100 = vector.broadcast %eq3A_99 : i32 to vector<1024x1xi32>
    %eq3A_101 = arith.cmpi eq, %get3A_86, %eq3A_100 : vector<1024x1xi32>
    %slice3A_102 = vector.extract_strided_slice %get3A_83 {offsets = [0, 16], sizes = [1024, 16], strides = [1, 1]} : vector<1024x128xf32> to vector<1024x16xf32>
    %jit3A_103 = arith.constant 0.000000e+00 : f32
    %broadcast_in_dim3A_104 = vector.shape_cast %eq3A_101 : vector<1024x1xi1> to vector<1024x1xi1>
    %broadcast_in_dim3A_105 = vector.broadcast %broadcast_in_dim3A_104 : vector<1024x1xi1> to vector<1024x16xi1>
    %broadcast_in_dim3A_106 = vector.broadcast %jit3A_103 : f32 to vector<1024x16xf32>
    %select_n3A_107 = arith.select %broadcast_in_dim3A_105, %slice3A_102, %broadcast_in_dim3A_106 : vector<1024x16xi1>, vector<1024x16xf32>
    %add3A_108 = arith.addf %add3A_98, %select_n3A_107 : vector<1024x16xf32>
    %eq3A_109 = arith.constant 2 : i32
    %eq3A_110 = vector.broadcast %eq3A_109 : i32 to vector<1024x1xi32>
    %eq3A_111 = arith.cmpi eq, %get3A_86, %eq3A_110 : vector<1024x1xi32>
    %slice3A_112 = vector.extract_strided_slice %get3A_83 {offsets = [0, 32], sizes = [1024, 16], strides = [1, 1]} : vector<1024x128xf32> to vector<1024x16xf32>
    %jit3A_113 = arith.constant 0.000000e+00 : f32
    %broadcast_in_dim3A_114 = vector.shape_cast %eq3A_111 : vector<1024x1xi1> to vector<1024x1xi1>
    %broadcast_in_dim3A_115 = vector.broadcast %broadcast_in_dim3A_114 : vector<1024x1xi1> to vector<1024x16xi1>
    %broadcast_in_dim3A_116 = vector.broadcast %jit3A_113 : f32 to vector<1024x16xf32>
    %select_n3A_117 = arith.select %broadcast_in_dim3A_115, %slice3A_112, %broadcast_in_dim3A_116 : vector<1024x16xi1>, vector<1024x16xf32>
    %add3A_118 = arith.addf %add3A_108, %select_n3A_117 : vector<1024x16xf32>
    %eq3A_119 = arith.constant 3 : i32
    %eq3A_120 = vector.broadcast %eq3A_119 : i32 to vector<1024x1xi32>
    %eq3A_121 = arith.cmpi eq, %get3A_86, %eq3A_120 : vector<1024x1xi32>
    %slice3A_122 = vector.extract_strided_slice %get3A_83 {offsets = [0, 48], sizes = [1024, 16], strides = [1, 1]} : vector<1024x128xf32> to vector<1024x16xf32>
    %jit3A_123 = arith.constant 0.000000e+00 : f32
    %broadcast_in_dim3A_124 = vector.shape_cast %eq3A_121 : vector<1024x1xi1> to vector<1024x1xi1>
    %broadcast_in_dim3A_125 = vector.broadcast %broadcast_in_dim3A_124 : vector<1024x1xi1> to vector<1024x16xi1>
    %broadcast_in_dim3A_126 = vector.broadcast %jit3A_123 : f32 to vector<1024x16xf32>
    %select_n3A_127 = arith.select %broadcast_in_dim3A_125, %slice3A_122, %broadcast_in_dim3A_126 : vector<1024x16xi1>, vector<1024x16xf32>
    %add3A_128 = arith.addf %add3A_118, %select_n3A_127 : vector<1024x16xf32>
    %eq3A_129 = arith.constant 4 : i32
    %eq3A_130 = vector.broadcast %eq3A_129 : i32 to vector<1024x1xi32>
    %eq3A_131 = arith.cmpi eq, %get3A_86, %eq3A_130 : vector<1024x1xi32>
    %slice3A_132 = vector.extract_strided_slice %get3A_83 {offsets = [0, 64], sizes = [1024, 16], strides = [1, 1]} : vector<1024x128xf32> to vector<1024x16xf32>
    %jit3A_133 = arith.constant 0.000000e+00 : f32
    %broadcast_in_dim3A_134 = vector.shape_cast %eq3A_131 : vector<1024x1xi1> to vector<1024x1xi1>
    %broadcast_in_dim3A_135 = vector.broadcast %broadcast_in_dim3A_134 : vector<1024x1xi1> to vector<1024x16xi1>
    %broadcast_in_dim3A_136 = vector.broadcast %jit3A_133 : f32 to vector<1024x16xf32>
    %select_n3A_137 = arith.select %broadcast_in_dim3A_135, %slice3A_132, %broadcast_in_dim3A_136 : vector<1024x16xi1>, vector<1024x16xf32>
    %add3A_138 = arith.addf %add3A_128, %select_n3A_137 : vector<1024x16xf32>
    %eq3A_139 = arith.constant 5 : i32
    %eq3A_140 = vector.broadcast %eq3A_139 : i32 to vector<1024x1xi32>
    %eq3A_141 = arith.cmpi eq, %get3A_86, %eq3A_140 : vector<1024x1xi32>
    %slice3A_142 = vector.extract_strided_slice %get3A_83 {offsets = [0, 80], sizes = [1024, 16], strides = [1, 1]} : vector<1024x128xf32> to vector<1024x16xf32>
    %jit3A_143 = arith.constant 0.000000e+00 : f32
    %broadcast_in_dim3A_144 = vector.shape_cast %eq3A_141 : vector<1024x1xi1> to vector<1024x1xi1>
    %broadcast_in_dim3A_145 = vector.broadcast %broadcast_in_dim3A_144 : vector<1024x1xi1> to vector<1024x16xi1>
    %broadcast_in_dim3A_146 = vector.broadcast %jit3A_143 : f32 to vector<1024x16xf32>
    %select_n3A_147 = arith.select %broadcast_in_dim3A_145, %slice3A_142, %broadcast_in_dim3A_146 : vector<1024x16xi1>, vector<1024x16xf32>
    %add3A_148 = arith.addf %add3A_138, %select_n3A_147 : vector<1024x16xf32>
    %eq3A_149 = arith.constant 6 : i32
    %eq3A_150 = vector.broadcast %eq3A_149 : i32 to vector<1024x1xi32>
    %eq3A_151 = arith.cmpi eq, %get3A_86, %eq3A_150 : vector<1024x1xi32>
    %slice3A_152 = vector.extract_strided_slice %get3A_83 {offsets = [0, 96], sizes = [1024, 16], strides = [1, 1]} : vector<1024x128xf32> to vector<1024x16xf32>
    %jit3A_153 = arith.constant 0.000000e+00 : f32
    %broadcast_in_dim3A_154 = vector.shape_cast %eq3A_151 : vector<1024x1xi1> to vector<1024x1xi1>
    %broadcast_in_dim3A_155 = vector.broadcast %broadcast_in_dim3A_154 : vector<1024x1xi1> to vector<1024x16xi1>
    %broadcast_in_dim3A_156 = vector.broadcast %jit3A_153 : f32 to vector<1024x16xf32>
    %select_n3A_157 = arith.select %broadcast_in_dim3A_155, %slice3A_152, %broadcast_in_dim3A_156 : vector<1024x16xi1>, vector<1024x16xf32>
    %add3A_158 = arith.addf %add3A_148, %select_n3A_157 : vector<1024x16xf32>
    %eq3A_159 = arith.constant 7 : i32
    %eq3A_160 = vector.broadcast %eq3A_159 : i32 to vector<1024x1xi32>
    %eq3A_161 = arith.cmpi eq, %get3A_86, %eq3A_160 : vector<1024x1xi32>
    %slice3A_162 = vector.extract_strided_slice %get3A_83 {offsets = [0, 112], sizes = [1024, 16], strides = [1, 1]} : vector<1024x128xf32> to vector<1024x16xf32>
    %jit3A_163 = arith.constant 0.000000e+00 : f32
    %broadcast_in_dim3A_164 = vector.shape_cast %eq3A_161 : vector<1024x1xi1> to vector<1024x1xi1>
    %broadcast_in_dim3A_165 = vector.broadcast %broadcast_in_dim3A_164 : vector<1024x1xi1> to vector<1024x16xi1>
    %broadcast_in_dim3A_166 = vector.broadcast %jit3A_163 : f32 to vector<1024x16xf32>
    %select_n3A_167 = arith.select %broadcast_in_dim3A_165, %slice3A_162, %broadcast_in_dim3A_166 : vector<1024x16xi1>, vector<1024x16xf32>
    %add3A_168 = arith.addf %add3A_158, %select_n3A_167 : vector<1024x16xf32>
    %get3A_169 = arith.constant 0 : index
    %get3A_170 = arith.constant 0 : index
    %get3A_171 = vector.load %arg16[%get3A_169, %get3A_170] : memref<16x256xf32, #tpu.memory_space<vmem>>, vector<16x256xf32>
    %dot_general3A = arith.constant dense<0.000000e+00> : vector<1024x256xf32>
    %dot_general3A_172 = tpu.matmul %add3A_80, %get3A_171, %dot_general3A {dimension_numbers = #tpu.dot_dimension_numbers<[1], [0], [0], [1], [0, 0, 1, 1], [], []>, transpose_lhs_hint = false} : vector<1024x16xf32>, vector<16x256xf32>, vector<1024x256xf32> -> vector<1024x256xf32>
    %get3A_173 = arith.constant 0 : index
    %get3A_174 = arith.constant 0 : index
    %get3A_175 = vector.load %arg17[%get3A_173, %get3A_174] : memref<16x256xf32, #tpu.memory_space<vmem>>, vector<16x256xf32>
    %dot_general3A_176 = arith.constant dense<0.000000e+00> : vector<1024x256xf32>
    %dot_general3A_177 = tpu.matmul %add3A_168, %get3A_175, %dot_general3A_176 {dimension_numbers = #tpu.dot_dimension_numbers<[1], [0], [0], [1], [0, 0, 1, 1], [], []>, transpose_lhs_hint = false} : vector<1024x16xf32>, vector<16x256xf32>, vector<1024x256xf32> -> vector<1024x256xf32>
    %add3A_178 = arith.addf %dot_general3A_172, %dot_general3A_177 : vector<1024x256xf32>
    %get3A_179 = arith.constant 0 : index
    %get3A_180 = arith.constant 0 : index
    %get3A_181 = vector.load %arg5[%get3A_179, %get3A_180] : memref<1024x8xf32, #tpu.memory_space<vmem>>, vector<1024x8xf32>
    %get3A_182 = arith.constant 0 : index
    %get3A_183 = arith.constant 0 : index
    %get3A_184 = vector.load %arg18[%get3A_182, %get3A_183] : memref<8x256xf32, #tpu.memory_space<vmem>>, vector<8x256xf32>
    %dot_general3A_185 = arith.constant dense<0.000000e+00> : vector<1024x256xf32>
    %dot_general3A_186 = tpu.matmul %get3A_181, %get3A_184, %dot_general3A_185 {dimension_numbers = #tpu.dot_dimension_numbers<[1], [0], [0], [1], [0, 0, 1, 1], [], []>, transpose_lhs_hint = false} : vector<1024x8xf32>, vector<8x256xf32>, vector<1024x256xf32> -> vector<1024x256xf32>
    %add3A_187 = arith.addf %add3A_178, %dot_general3A_186 : vector<1024x256xf32>
    %get3A_188 = arith.constant 0 : index
    %get3A_189 = arith.constant 0 : index
    %get3A_190 = vector.load %arg6[%get3A_188, %get3A_189] : memref<1024x8xf32, #tpu.memory_space<vmem>>, vector<1024x8xf32>
    %get3A_191 = arith.constant 0 : index
    %get3A_192 = arith.constant 0 : index
    %get3A_193 = vector.load %arg19[%get3A_191, %get3A_192] : memref<8x256xf32, #tpu.memory_space<vmem>>, vector<8x256xf32>
    %dot_general3A_194 = arith.constant dense<0.000000e+00> : vector<1024x256xf32>
    %dot_general3A_195 = tpu.matmul %get3A_190, %get3A_193, %dot_general3A_194 {dimension_numbers = #tpu.dot_dimension_numbers<[1], [0], [0], [1], [0, 0, 1, 1], [], []>, transpose_lhs_hint = false} : vector<1024x8xf32>, vector<8x256xf32>, vector<1024x256xf32> -> vector<1024x256xf32>
    %add3A_196 = arith.addf %add3A_187, %dot_general3A_195 : vector<1024x256xf32>
    %get3A_197 = arith.constant 0 : index
    %get3A_198 = arith.constant 0 : index
    %get3A_199 = vector.load %arg7[%get3A_197, %get3A_198] : memref<1024x8xf32, #tpu.memory_space<vmem>>, vector<1024x8xf32>
    %get3A_200 = arith.constant 0 : index
    %get3A_201 = arith.constant 0 : index
    %get3A_202 = vector.load %arg20[%get3A_200, %get3A_201] : memref<8x256xf32, #tpu.memory_space<vmem>>, vector<8x256xf32>
    %dot_general3A_203 = arith.constant dense<0.000000e+00> : vector<1024x256xf32>
    %dot_general3A_204 = tpu.matmul %get3A_199, %get3A_202, %dot_general3A_203 {dimension_numbers = #tpu.dot_dimension_numbers<[1], [0], [0], [1], [0, 0, 1, 1], [], []>, transpose_lhs_hint = false} : vector<1024x8xf32>, vector<8x256xf32>, vector<1024x256xf32> -> vector<1024x256xf32>
    %add3A_205 = arith.addf %add3A_196, %dot_general3A_204 : vector<1024x256xf32>
    %get3A_206 = arith.constant 0 : index
    %get3A_207 = arith.constant 0 : index
    %get3A_208 = vector.load %arg8[%get3A_206, %get3A_207] : memref<1024x8xf32, #tpu.memory_space<vmem>>, vector<1024x8xf32>
    %get3A_209 = arith.constant 0 : index
    %get3A_210 = arith.constant 0 : index
    %get3A_211 = vector.load %arg21[%get3A_209, %get3A_210] : memref<8x256xf32, #tpu.memory_space<vmem>>, vector<8x256xf32>
    %dot_general3A_212 = arith.constant dense<0.000000e+00> : vector<1024x256xf32>
    %dot_general3A_213 = tpu.matmul %get3A_208, %get3A_211, %dot_general3A_212 {dimension_numbers = #tpu.dot_dimension_numbers<[1], [0], [0], [1], [0, 0, 1, 1], [], []>, transpose_lhs_hint = false} : vector<1024x8xf32>, vector<8x256xf32>, vector<1024x256xf32> -> vector<1024x256xf32>
    %add3A_214 = arith.addf %add3A_205, %dot_general3A_213 : vector<1024x256xf32>
    %get3A_215 = arith.constant 0 : index
    %get3A_216 = arith.constant 0 : index
    %get3A_217 = vector.load %arg9[%get3A_215, %get3A_216] : memref<1024x8xf32, #tpu.memory_space<vmem>>, vector<1024x8xf32>
    %get3A_218 = arith.constant 0 : index
    %get3A_219 = arith.constant 0 : index
    %get3A_220 = vector.load %arg22[%get3A_218, %get3A_219] : memref<8x256xf32, #tpu.memory_space<vmem>>, vector<8x256xf32>
    %dot_general3A_221 = arith.constant dense<0.000000e+00> : vector<1024x256xf32>
    %dot_general3A_222 = tpu.matmul %get3A_217, %get3A_220, %dot_general3A_221 {dimension_numbers = #tpu.dot_dimension_numbers<[1], [0], [0], [1], [0, 0, 1, 1], [], []>, transpose_lhs_hint = false} : vector<1024x8xf32>, vector<8x256xf32>, vector<1024x256xf32> -> vector<1024x256xf32>
    %add3A_223 = arith.addf %add3A_214, %dot_general3A_222 : vector<1024x256xf32>
    %get3A_224 = arith.constant 0 : index
    %get3A_225 = arith.constant 0 : index
    %get3A_226 = vector.load %arg10[%get3A_224, %get3A_225] : memref<1024x8xf32, #tpu.memory_space<vmem>>, vector<1024x8xf32>
    %get3A_227 = arith.constant 0 : index
    %get3A_228 = arith.constant 0 : index
    %get3A_229 = vector.load %arg23[%get3A_227, %get3A_228] : memref<8x256xf32, #tpu.memory_space<vmem>>, vector<8x256xf32>
    %dot_general3A_230 = arith.constant dense<0.000000e+00> : vector<1024x256xf32>
    %dot_general3A_231 = tpu.matmul %get3A_226, %get3A_229, %dot_general3A_230 {dimension_numbers = #tpu.dot_dimension_numbers<[1], [0], [0], [1], [0, 0, 1, 1], [], []>, transpose_lhs_hint = false} : vector<1024x8xf32>, vector<8x256xf32>, vector<1024x256xf32> -> vector<1024x256xf32>
    %add3A_232 = arith.addf %add3A_223, %dot_general3A_231 : vector<1024x256xf32>
    %get3A_233 = arith.constant 0 : index
    %get3A_234 = arith.constant 0 : index
    %get3A_235 = vector.load %arg11[%get3A_233, %get3A_234] : memref<1024x8xf32, #tpu.memory_space<vmem>>, vector<1024x8xf32>
    %get3A_236 = arith.constant 0 : index
    %get3A_237 = arith.constant 0 : index
    %get3A_238 = vector.load %arg24[%get3A_236, %get3A_237] : memref<8x256xf32, #tpu.memory_space<vmem>>, vector<8x256xf32>
    %dot_general3A_239 = arith.constant dense<0.000000e+00> : vector<1024x256xf32>
    %dot_general3A_240 = tpu.matmul %get3A_235, %get3A_238, %dot_general3A_239 {dimension_numbers = #tpu.dot_dimension_numbers<[1], [0], [0], [1], [0, 0, 1, 1], [], []>, transpose_lhs_hint = false} : vector<1024x8xf32>, vector<8x256xf32>, vector<1024x256xf32> -> vector<1024x256xf32>
    %add3A_241 = arith.addf %add3A_232, %dot_general3A_240 : vector<1024x256xf32>
    %get3A_242 = arith.constant 0 : index
    %get3A_243 = arith.constant 0 : index
    %get3A_244 = vector.load %arg12[%get3A_242, %get3A_243] : memref<1024x1xf32, #tpu.memory_space<vmem>>, vector<1024x1xf32>
    %get3A_245 = arith.constant 0 : index
    %get3A_246 = arith.constant 0 : index
    %get3A_247 = vector.load %arg25[%get3A_245, %get3A_246] : memref<1x256xf32, #tpu.memory_space<vmem>>, vector<1x256xf32>
    %mul3A = vector.broadcast %get3A_244 : vector<1024x1xf32> to vector<1024x256xf32>
    %mul3A_248 = vector.broadcast %get3A_247 : vector<1x256xf32> to vector<1024x256xf32>
    %mul3A_249 = arith.mulf %mul3A, %mul3A_248 : vector<1024x256xf32>
    %add3A_250 = arith.addf %add3A_241, %mul3A_249 : vector<1024x256xf32>
    %get3A_251 = arith.constant 0 : index
    %get3A_252 = arith.constant 0 : index
    %get3A_253 = vector.load %arg26[%get3A_251, %get3A_252] : memref<1x256xf32, #tpu.memory_space<vmem>>, vector<1x256xf32>
    %add3A_254 = vector.broadcast %get3A_253 : vector<1x256xf32> to vector<1024x256xf32>
    %add3A_255 = arith.addf %add3A_250, %add3A_254 : vector<1024x256xf32>
    %max3A = arith.constant 0.000000e+00 : f32
    %max3A_256 = vector.broadcast %max3A : f32 to vector<1024x256xf32>
    %max3A_257 = arith.maximumf %add3A_255, %max3A_256 : vector<1024x256xf32>
    %get3A_258 = arith.constant 0 : index
    %get3A_259 = arith.constant 0 : index
    %get3A_260 = vector.load %arg27[%get3A_258, %get3A_259] : memref<256x128xf32, #tpu.memory_space<vmem>>, vector<256x128xf32>
    %dot_general3A_261 = arith.constant dense<0.000000e+00> : vector<1024x128xf32>
    %dot_general3A_262 = tpu.matmul %max3A_257, %get3A_260, %dot_general3A_261 {dimension_numbers = #tpu.dot_dimension_numbers<[1], [0], [0], [1], [0, 0, 1, 1], [], []>, transpose_lhs_hint = false} : vector<1024x256xf32>, vector<256x128xf32>, vector<1024x128xf32> -> vector<1024x128xf32>
    %get3A_263 = arith.constant 0 : index
    %get3A_264 = arith.constant 0 : index
    %get3A_265 = vector.load %arg28[%get3A_263, %get3A_264] : memref<1x128xf32, #tpu.memory_space<vmem>>, vector<1x128xf32>
    %add3A_266 = vector.broadcast %get3A_265 : vector<1x128xf32> to vector<1024x128xf32>
    %add3A_267 = arith.addf %dot_general3A_262, %add3A_266 : vector<1024x128xf32>
    %max3A_268 = arith.constant 0.000000e+00 : f32
    %max3A_269 = vector.broadcast %max3A_268 : f32 to vector<1024x128xf32>
    %max3A_270 = arith.maximumf %add3A_267, %max3A_269 : vector<1024x128xf32>
    %get3A_271 = arith.constant 0 : index
    %get3A_272 = arith.constant 0 : index
    %get3A_273 = vector.load %arg29[%get3A_271, %get3A_272] : memref<128x64xf32, #tpu.memory_space<vmem>>, vector<128x64xf32>
    %dot_general3A_274 = arith.constant dense<0.000000e+00> : vector<1024x64xf32>
    %dot_general3A_275 = tpu.matmul %max3A_270, %get3A_273, %dot_general3A_274 {dimension_numbers = #tpu.dot_dimension_numbers<[1], [0], [0], [1], [0, 0, 1, 1], [], []>, transpose_lhs_hint = false} : vector<1024x128xf32>, vector<128x64xf32>, vector<1024x64xf32> -> vector<1024x64xf32>
    %get3A_276 = arith.constant 0 : index
    %get3A_277 = arith.constant 0 : index
    %get3A_278 = vector.load %arg30[%get3A_276, %get3A_277] : memref<1x64xf32, #tpu.memory_space<vmem>>, vector<1x64xf32>
    %add3A_279 = vector.broadcast %get3A_278 : vector<1x64xf32> to vector<1024x64xf32>
    %add3A_280 = arith.addf %dot_general3A_275, %add3A_279 : vector<1024x64xf32>
    %max3A_281 = arith.constant 0.000000e+00 : f32
    %max3A_282 = vector.broadcast %max3A_281 : f32 to vector<1024x64xf32>
    %max3A_283 = arith.maximumf %add3A_280, %max3A_282 : vector<1024x64xf32>
    %get3A_284 = arith.constant 0 : index
    %get3A_285 = arith.constant 0 : index
    %get3A_286 = vector.load %arg31[%get3A_284, %get3A_285] : memref<64x1xf32, #tpu.memory_space<vmem>>, vector<64x1xf32>
    %dot_general3A_287 = arith.constant dense<0.000000e+00> : vector<1024x1xf32>
    %dot_general3A_288 = tpu.matmul %max3A_283, %get3A_286, %dot_general3A_287 {dimension_numbers = #tpu.dot_dimension_numbers<[1], [0], [0], [1], [0, 0, 1, 1], [], []>, transpose_lhs_hint = false} : vector<1024x64xf32>, vector<64x1xf32>, vector<1024x1xf32> -> vector<1024x1xf32>
    %get3A_289 = arith.constant 0 : index
    %get3A_290 = arith.constant 0 : index
    %get3A_291 = vector.load %arg32[%get3A_289, %get3A_290] : memref<1x1xf32, #tpu.memory_space<vmem>>, vector<1x1xf32>
    %add3A_292 = vector.broadcast %get3A_291 : vector<1x1xf32> to vector<1024x1xf32>
    %add3A_293 = arith.addf %dot_general3A_288, %add3A_292 : vector<1024x1xf32>
    %get3A_294 = arith.constant 0 : index
    %get3A_295 = arith.constant 0 : index
    %get3A_296 = vector.load %arg13[%get3A_294, %get3A_295] : memref<1024x8xf32, #tpu.memory_space<vmem>>, vector<1024x8xf32>
    %reduce_sum3A = arith.constant dense<0.000000e+00> : vector<1024xf32>
    %reduce_sum3A_297 = vector.multi_reduction <add>, %get3A_296, %reduce_sum3A [1] : vector<1024x8xf32> to vector<1024xf32>
    %broadcast_in_dim3A_298 = vector.shape_cast %reduce_sum3A_297 : vector<1024xf32> to vector<1024x1xf32>
    %get3A_299 = arith.constant 0 : index
    %get3A_300 = arith.constant 0 : index
    %get3A_301 = vector.load %arg33[%get3A_299, %get3A_300] : memref<1x3xf32, #tpu.memory_space<vmem>>, vector<1x1xf32>
    %get3A_302 = vector.extract %get3A_301[0, 0] : f32 from vector<1x1xf32>
    %mul3A_303 = vector.broadcast %get3A_302 : f32 to vector<1024x1xf32>
    %mul3A_304 = arith.mulf %broadcast_in_dim3A_298, %mul3A_303 : vector<1024x1xf32>
    %get3A_305 = arith.constant 0 : index
    %get3A_306 = arith.constant 0 : index
    %get3A_307 = vector.load %arg14[%get3A_305, %get3A_306] : memref<1024x8xf32, #tpu.memory_space<vmem>>, vector<1024x8xf32>
    %reduce_sum3A_308 = arith.constant dense<0.000000e+00> : vector<1024xf32>
    %reduce_sum3A_309 = vector.multi_reduction <add>, %get3A_307, %reduce_sum3A_308 [1] : vector<1024x8xf32> to vector<1024xf32>
    %broadcast_in_dim3A_310 = vector.shape_cast %reduce_sum3A_309 : vector<1024xf32> to vector<1024x1xf32>
    %get3A_311 = arith.constant 0 : index
    %get3A_312 = arith.constant 1 : index
    %get3A_313 = vector.load %arg33[%get3A_311, %get3A_312] : memref<1x3xf32, #tpu.memory_space<vmem>>, vector<1x1xf32>
    %get3A_314 = vector.extract %get3A_313[0, 0] : f32 from vector<1x1xf32>
    %mul3A_315 = vector.broadcast %get3A_314 : f32 to vector<1024x1xf32>
    %mul3A_316 = arith.mulf %broadcast_in_dim3A_310, %mul3A_315 : vector<1024x1xf32>
    %add3A_317 = arith.addf %mul3A_304, %mul3A_316 : vector<1024x1xf32>
    %get3A_318 = arith.constant 0 : index
    %get3A_319 = arith.constant 0 : index
    %get3A_320 = vector.load %arg15[%get3A_318, %get3A_319] : memref<1024x8xf32, #tpu.memory_space<vmem>>, vector<1024x8xf32>
    %reduce_sum3A_321 = arith.constant dense<0.000000e+00> : vector<1024xf32>
    %reduce_sum3A_322 = vector.multi_reduction <add>, %get3A_320, %reduce_sum3A_321 [1] : vector<1024x8xf32> to vector<1024xf32>
    %broadcast_in_dim3A_323 = vector.shape_cast %reduce_sum3A_322 : vector<1024xf32> to vector<1024x1xf32>
    %get3A_324 = arith.constant 0 : index
    %get3A_325 = arith.constant 2 : index
    %get3A_326 = vector.load %arg33[%get3A_324, %get3A_325] : memref<1x3xf32, #tpu.memory_space<vmem>>, vector<1x1xf32>
    %get3A_327 = vector.extract %get3A_326[0, 0] : f32 from vector<1x1xf32>
    %mul3A_328 = vector.broadcast %get3A_327 : f32 to vector<1024x1xf32>
    %mul3A_329 = arith.mulf %broadcast_in_dim3A_323, %mul3A_328 : vector<1024x1xf32>
    %add3A_330 = arith.addf %add3A_317, %mul3A_329 : vector<1024x1xf32>
    %get3A_331 = arith.constant 0 : index
    %get3A_332 = arith.constant 0 : index
    %get3A_333 = vector.load %arg34[%get3A_331, %get3A_332] : memref<1x1xf32, #tpu.memory_space<vmem>>, vector<1x1xf32>
    %add3A_334 = vector.broadcast %get3A_333 : vector<1x1xf32> to vector<1024x1xf32>
    %add3A_335 = arith.addf %add3A_330, %add3A_334 : vector<1024x1xf32>
    %add3A_336 = arith.addf %add3A_293, %add3A_335 : vector<1024x1xf32>
    %swap3A = arith.constant 0 : index
    %swap3A_337 = arith.constant 0 : index
    %swap3A_338 = vector.load %arg35[%swap3A, %swap3A_337] : memref<1024x1xf32, #tpu.memory_space<vmem>>, vector<1024x1xf32>
    tpu.vector_store %arg35[%swap3A, %swap3A_337], %add3A_336 {strides = array<i32>} : memref<1024x1xf32, #tpu.memory_space<vmem>>, vector<1024x1xf32>,
    return
  }
  func.func @transform_0(%arg0: i32) -> (i32, i32) {
    %c0_i32 = arith.constant 0 : i32
    %c0_i32_0 = arith.constant 0 : i32
    return %arg0, %c0_i32 : i32, i32
  }
  func.func @transform_1(%arg0: i32) -> (i32, i32) {
    %c0_i32 = arith.constant 0 : i32
    %c0_i32_0 = arith.constant 0 : i32
    return %arg0, %c0_i32 : i32, i32
  }
  func.func @transform_2(%arg0: i32) -> (i32, i32) {
    %c0_i32 = arith.constant 0 : i32
    %c0_i32_0 = arith.constant 0 : i32
    return %arg0, %c0_i32 : i32, i32
  }
  func.func @transform_3(%arg0: i32) -> (i32, i32) {
    %c0_i32 = arith.constant 0 : i32
    %c0_i32_0 = arith.constant 0 : i32
    return %arg0, %c0_i32 : i32, i32
  }
  func.func @transform_4(%arg0: i32) -> (i32, i32) {
    %c0_i32 = arith.constant 0 : i32
    %c0_i32_0 = arith.constant 0 : i32
    return %arg0, %c0_i32 : i32, i32
  }
  func.func @transform_5(%arg0: i32) -> (i32, i32) {
    %c0_i32 = arith.constant 0 : i32
    %c0_i32_0 = arith.constant 0 : i32
    return %arg0, %c0_i32 : i32, i32
  }
  func.func @transform_6(%arg0: i32) -> (i32, i32) {
    %c0_i32 = arith.constant 0 : i32
    %c0_i32_0 = arith.constant 0 : i32
    return %arg0, %c0_i32 : i32, i32
  }
  func.func @transform_7(%arg0: i32) -> (i32, i32) {
    %c0_i32 = arith.constant 0 : i32
    %c0_i32_0 = arith.constant 0 : i32
    return %arg0, %c0_i32 : i32, i32
  }
  func.func @transform_8(%arg0: i32) -> (i32, i32) {
    %c0_i32 = arith.constant 0 : i32
    %c0_i32_0 = arith.constant 0 : i32
    return %arg0, %c0_i32 : i32, i32
  }
  func.func @transform_9(%arg0: i32) -> (i32, i32) {
    %c0_i32 = arith.constant 0 : i32
    %c0_i32_0 = arith.constant 0 : i32
    return %arg0, %c0_i32 : i32, i32
  }
  func.func @transform_10(%arg0: i32) -> (i32, i32) {
    %c0_i32 = arith.constant 0 : i32
    %c0_i32_0 = arith.constant 0 : i32
    return %arg0, %c0_i32 : i32, i32
  }
  func.func @transform_11(%arg0: i32) -> (i32, i32) {
    %c0_i32 = arith.constant 0 : i32
    %c0_i32_0 = arith.constant 0 : i32
    return %arg0, %c0_i32 : i32, i32
  }
  func.func @transform_12(%arg0: i32) -> (i32, i32) {
    %c0_i32 = arith.constant 0 : i32
    %c0_i32_0 = arith.constant 0 : i32
    return %arg0, %c0_i32 : i32, i32
  }
  func.func @transform_13(%arg0: i32) -> (i32, i32) {
    %c0_i32 = arith.constant 0 : i32
    %c0_i32_0 = arith.constant 0 : i32
    return %arg0, %c0_i32 : i32, i32
  }
  func.func @transform_14(%arg0: i32) -> (i32, i32) {
    %c0_i32 = arith.constant 0 : i32
    %c0_i32_0 = arith.constant 0 : i32
    return %arg0, %c0_i32 : i32, i32
  }
  func.func @transform_15(%arg0: i32) -> (i32, i32) {
    %c0_i32 = arith.constant 0 : i32
    %c0_i32_0 = arith.constant 0 : i32
    %c0_i32_1 = arith.constant 0 : i32
    return %c0_i32, %c0_i32_0 : i32, i32
  }
  func.func @transform_16(%arg0: i32) -> (i32, i32) {
    %c0_i32 = arith.constant 0 : i32
    %c0_i32_0 = arith.constant 0 : i32
    %c0_i32_1 = arith.constant 0 : i32
    return %c0_i32, %c0_i32_0 : i32, i32
  }
  func.func @transform_17(%arg0: i32) -> (i32, i32) {
    %c0_i32 = arith.constant 0 : i32
    %c0_i32_0 = arith.constant 0 : i32
    %c0_i32_1 = arith.constant 0 : i32
    return %c0_i32, %c0_i32_0 : i32, i32
  }
  func.func @transform_18(%arg0: i32) -> (i32, i32) {
    %c0_i32 = arith.constant 0 : i32
    %c0_i32_0 = arith.constant 0 : i32
    %c0_i32_1 = arith.constant 0 : i32
    return %c0_i32, %c0_i32_0 : i32, i32
  }
  func.func @transform_19(%arg0: i32) -> (i32, i32) {
    %c0_i32 = arith.constant 0 : i32
    %c0_i32_0 = arith.constant 0 : i32
    %c0_i32_1 = arith.constant 0 : i32
    return %c0_i32, %c0_i32_0 : i32, i32
  }
  func.func @transform_20(%arg0: i32) -> (i32, i32) {
    %c0_i32 = arith.constant 0 : i32
    %c0_i32_0 = arith.constant 0 : i32
    %c0_i32_1 = arith.constant 0 : i32
    return %c0_i32, %c0_i32_0 : i32, i32
  }
  func.func @transform_21(%arg0: i32) -> (i32, i32) {
    %c0_i32 = arith.constant 0 : i32
    %c0_i32_0 = arith.constant 0 : i32
    %c0_i32_1 = arith.constant 0 : i32
    return %c0_i32, %c0_i32_0 : i32, i32
  }
  func.func @transform_22(%arg0: i32) -> (i32, i32) {
    %c0_i32 = arith.constant 0 : i32
    %c0_i32_0 = arith.constant 0 : i32
    %c0_i32_1 = arith.constant 0 : i32
    return %c0_i32, %c0_i32_0 : i32, i32
  }
  func.func @transform_23(%arg0: i32) -> (i32, i32) {
    %c0_i32 = arith.constant 0 : i32
    %c0_i32_0 = arith.constant 0 : i32
    %c0_i32_1 = arith.constant 0 : i32
    return %c0_i32, %c0_i32_0 : i32, i32
  }
  func.func @transform_24(%arg0: i32) -> (i32, i32) {
    %c0_i32 = arith.constant 0 : i32
    %c0_i32_0 = arith.constant 0 : i32
    %c0_i32_1 = arith.constant 0 : i32
    return %c0_i32, %c0_i32_0 : i32, i32
  }
  func.func @transform_25(%arg0: i32) -> (i32, i32) {
    %c0_i32 = arith.constant 0 : i32
    %c0_i32_0 = arith.constant 0 : i32
    %c0_i32_1 = arith.constant 0 : i32
    return %c0_i32, %c0_i32_0 : i32, i32
  }
  func.func @transform_26(%arg0: i32) -> (i32, i32) {
    %c0_i32 = arith.constant 0 : i32
    %c0_i32_0 = arith.constant 0 : i32
    %c0_i32_1 = arith.constant 0 : i32
    return %c0_i32, %c0_i32_0 : i32, i32
  }
  func.func @transform_27(%arg0: i32) -> (i32, i32) {
    %c0_i32 = arith.constant 0 : i32
    %c0_i32_0 = arith.constant 0 : i32
    %c0_i32_1 = arith.constant 0 : i32
    return %c0_i32, %c0_i32_0 : i32, i32
  }
  func.func @transform_28(%arg0: i32) -> (i32, i32) {
    %c0_i32 = arith.constant 0 : i32
    %c0_i32_0 = arith.constant 0 : i32
    %c0_i32_1 = arith.constant 0 : i32
    return %c0_i32, %c0_i32_0 : i32, i32
  }
  func.func @transform_29(%arg0: i32) -> (i32, i32) {
    %c0_i32 = arith.constant 0 : i32
    %c0_i32_0 = arith.constant 0 : i32
    %c0_i32_1 = arith.constant 0 : i32
    return %c0_i32, %c0_i32_0 : i32, i32
  }
  func.func @transform_30(%arg0: i32) -> (i32, i32) {
    %c0_i32 = arith.constant 0 : i32
    %c0_i32_0 = arith.constant 0 : i32
    %c0_i32_1 = arith.constant 0 : i32
    return %c0_i32, %c0_i32_0 : i32, i32
  }
  func.func @transform_31(%arg0: i32) -> (i32, i32) {
    %c0_i32 = arith.constant 0 : i32
    %c0_i32_0 = arith.constant 0 : i32
    %c0_i32_1 = arith.constant 0 : i32
    return %c0_i32, %c0_i32_0 : i32, i32
  }
  func.func @transform_32(%arg0: i32) -> (i32, i32) {
    %c0_i32 = arith.constant 0 : i32
    %c0_i32_0 = arith.constant 0 : i32
    %c0_i32_1 = arith.constant 0 : i32
    return %c0_i32, %c0_i32_0 : i32, i32
  }
  func.func @transform_33(%arg0: i32) -> (i32, i32) {
    %c0_i32 = arith.constant 0 : i32
    %c0_i32_0 = arith.constant 0 : i32
    %c0_i32_1 = arith.constant 0 : i32
    return %c0_i32, %c0_i32_0 : i32, i32
  }
  func.func @transform_34(%arg0: i32) -> (i32, i32) {
    %c0_i32 = arith.constant 0 : i32
    %c0_i32_0 = arith.constant 0 : i32
    return %arg0, %c0_i32 : i32, i32
  }
}

</mosaic_0001>

<sc_bundles>
// kernel: kernel.10.cloned.1.call-start
scs
__scs_entry_jumppad:
0x0: {  	(pc) =	sbr.rel $0x88, $3  }
0x1: {  	(tag) =	ssettag $0x0;
	lr =	simm.s32 $0x1  }
0x2: {  	[smem:$0x3F81] =	sst lr;
	_ =	strace $0xD0000000  }
0x3: {  	_ = 	snop  }
0x4: {  	_ = 	snop  }
0x5: {  	_ = 	snop  }
0x6: {  	_ = 	snop  }
0x7: {  	_ = 	snop  }
__scs_overlays_trampoline_lowered:
0x8: {  	[smem:$0x3F90] =	sst s0  }
0x9: {  	[smem:$0x3F91] =	sst s1  }
0xa: {  	[smem:$0x3F92] =	sst s2  }
0xb: {  	[smem:$0x3F93] =	sst s3  }
0xc: {  	[smem:$0x3F94] =	sst s4  }
0xd: {  	[smem:$0x3F95] =	sst s5  }
0xe: {  	[smem:$0x3F96] =	sst s6  }
0xf: {  	[smem:$0x3F97] =	sst s7  }
0x10: {  	[smem:$0x3F98] =	sst s8  }
0x11: {  	[smem:$0x3F99] =	sst s9;
	s0 =	simm.s32 @!p0 $0x0  }
0x12: {  	s1 =	sld [smem:$0x3F7F];
	s0 =	simm.s32 @p0 $0x1  }
0x13: {  	[smem:$0x3F9A] =	sst s0;
	s0 =	simm.s32 @!p1 $0x0  }
0x14: {  	s2 =	sld [smem:$0x3F7E];
	s0 =	simm.s32 @p1 $0x1  }
0x15: {  	[smem:$0x3F9B] =	sst s0;
	s0 =	simm.s32 @!p2 $0x0  }
0x16: {  	s3 =	sld [smem:$0x3FDB];
	s0 =	simm.s32 @p2 $0x1  }
0x17: {  	s4 =	simm.s32 $0x1BF5;
	[smem:$0x3F9D] =	sst s0  }
0x18: {  	s0 =	sld [smem:$0x3F80];
	_ =	swait.ge [sflag:s4], $0x0  }
0x19: {  	s7 =	sld [smem:$0x3F81]  }
0x1a: {  	s8 =	sadd.s32 $0xFFFFE003, lr  }
0x1b: {  	s9 =	sadd.s32 $0xFFFFFEF7, lr;
	s5 =	simm.s32 $0xFFFFFFFF;
	p2 =	slt.u32 s8, $0xFFFFF086  }
0x1c: {  	p1 =	slt.u32 s9, $0xF7A;
	s5 =	simm.s32 @!p2 $0x0  }
0x1d: {  	s5 =	simm.s32 @p1 $0x1;
	p0 =	seq.s32 s7, s2  }
0x1e: {  	s7 =	smul.u32 @!p0 $0xF7A, s2;
	p2 =	seq.s32 @!p0 s5, $0x0  }
0x1f: {  	s9 =	smul.u32 $0xF7A, s1;
	s8 =	simm.s32 @!p0 $0x1BF5;
	p2 =	por !p2, p0  }
0x20: {  	[sflag:s8] =	ssyncset.s32 @!p0 $0xFFFFF086;
	s6 =	sadd.s32 @!p0 s3, s7;
	s7 =	simm.s32 @!p0 $0x108  }
0x21: {  	s3 =	sadd.s32 s3, s9;
	s6 =	sadd.s32 @!p0 $0x88, s6;
	s7 =	simm.s32 @p2 $0x1082  }
0x22: {  	[simem:s7], [sflag:s8] =	dma.local @!p0 [hbm:s6], $0xF7A  }
0x23: {  	s9 =	sor.u32 $0xD0000000, s2;
	s6 =	simm.s32 $0x108;
	_ =	swait.ge @!p0 [sflag:s8], $0x0  }
0x24: {  	s3 =	sadd.s32 $0x88, s3;
	s6 =	simm.s32 @!p1 $0x1082;
	[sflag:s4] =	ssyncset.s32 $0xFFFFF086  }
0x25: {  	[simem:s6], [sflag:s4] =	dma.local [hbm:s3], $0xF7A  }
0x26: {  	[smem:$0x3F81] =	sst s1;
	(tag) =	ssettag s2;
	_ =	strace s9  }
0x27: {  	s1 =	sld [smem:$0x3F91]  }
0x28: {  	s2 =	sld [smem:$0x3F92]  }
0x29: {  	s4 =	sld [smem:$0x3F94]  }
0x2a: {  	p0 =	seq.s32 s5, $0x0;
	s5 =	sld [smem:$0x3F95]  }
0x2b: {  	s6 =	sld [smem:$0x3F96]  }
0x2c: {  	s7 =	sld [smem:$0x3F97]  }
0x2d: {  	s3 =	simm.s32 $0x108;
	s8 =	sld [smem:$0x3F98]  }
0x2e: {  	s3 =	simm.s32 @!p0 $0x1082;
	s9 =	sld [smem:$0x3F99]  }
0x2f: {  	lr =	sadd.s32 s0, s3;
	s0 =	sld [smem:$0x3F90]  }
0x30: {  	s3 =	sld [smem:$0x3F93]  }
0x31: {  	[smem:$0x3F9C] =	sst s10  }
0x32: {  	s10 =	sld [smem:$0x3F9A];
	_ =	sdelay $0x3  }
0x33: {  	p0 =	seq.s32 s10, $0x1;
	s10 =	sld [smem:$0x3F9C];
	_ =	sdelay $0x3  }
0x34: {  	[smem:$0x3F9C] =	sst s10  }
0x35: {  	s10 =	sld [smem:$0x3F9B];
	_ =	sdelay $0x3  }
0x36: {  	p1 =	seq.s32 s10, $0x1;
	s10 =	sld [smem:$0x3F9C];
	_ =	sdelay $0x3  }
0x37: {  	[smem:$0x3F9C] =	sst s10  }
0x38: {  	s10 =	sld [smem:$0x3F9D]  }
0x39: {  	_ = 	snop;
	(pc) =	sbr.ind lr, $3  }
0x3a: {  	_ = 	snop  }
0x3b: {  	_ = 	snop  }
0x3c: {  	p2 =	seq.s32 s10, $0x1;
	s10 =	sld [smem:$0x3F9C]  }
0x3d: {  	_ =	shalt  }
0x3e: {  	_ =	shalt  }
0x3f: {  	_ =	shalt  }
0x40: {  	_ =	shalt  }
0x41: {  	_ =	shalt  }
0x42: {  	_ =	shalt  }
0x43: {  	_ =	shalt  }
0x44: {  	_ =	shalt  }
0x45: {  	_ =	shalt  }
0x46: {  	_ =	shalt  }
0x47: {  	_ =	shalt  }
0x48: {  	_ =	shalt  }
0x49: {  	_ =	shalt  }
0x4a: {  	_ =	shalt  }
0x4b: {  	_ =	shalt  }
0x4c: {  	_ =	shalt  }
0x4d: {  	_ =	shalt  }
0x4e: {  	_ =	shalt  }
0x4f: {  	_ =	shalt  }
0x50: {  	_ =	shalt  }
0x51: {  	_ =	shalt  }
0x52: {  	_ =	shalt  }
0x53: {  	_ =	shalt  }
0x54: {  	_ =	shalt  }
0x55: {  	_ =	shalt  }
0x56: {  	_ =	shalt  }
0x57: {  	_ =	shalt  }
0x58: {  	_ =	shalt  }
0x59: {  	_ =	shalt  }
0x5a: {  	_ =	shalt  }
0x5b: {  	_ =	shalt  }
0x5c: {  	_ =	shalt  }
0x5d: {  	_ =	shalt  }
0x5e: {  	_ =	shalt  }
0x5f: {  	_ =	shalt  }
0x60: {  	_ =	shalt  }
0x61: {  	_ =	shalt  }
0x62: {  	_ =	shalt  }
0x63: {  	_ =	shalt  }
0x64: {  	_ =	shalt  }
0x65: {  	_ =	shalt  }
0x66: {  	_ =	shalt  }
0x67: {  	_ =	shalt  }
0x68: {  	_ =	shalt  }
0x69: {  	_ =	shalt  }
0x6a: {  	_ =	shalt  }
0x6b: {  	_ =	shalt  }
0x6c: {  	_ =	shalt  }
0x6d: {  	_ =	shalt  }
0x6e: {  	_ =	shalt  }
0x6f: {  	_ =	shalt  }
0x70: {  	_ =	shalt  }
0x71: {  	_ =	shalt  }
0x72: {  	_ =	shalt  }
0x73: {  	_ =	shalt  }
0x74: {  	_ =	shalt  }
0x75: {  	_ =	shalt  }
0x76: {  	_ =	shalt  }
0x77: {  	_ =	shalt  }
0x78: {  	_ =	shalt  }
0x79: {  	_ =	shalt  }
0x7a: {  	_ =	shalt  }
0x7b: {  	_ =	shalt  }
0x7c: {  	_ =	shalt  }
0x7d: {  	_ =	shalt  }
0x7e: {  	_ =	shalt  }
0x7f: {  	_ =	shalt  }
0x80: {  	_ =	shalt  }
0x81: {  	_ =	shalt  }
0x82: {  	_ =	shalt  }
0x83: {  	_ =	shalt  }
0x84: {  	_ =	shalt  }
0x85: {  	_ =	shalt  }
0x86: {  	_ =	shalt  }
0x87: {  	_ =	shalt  }
.Lfunc_end0:
.L_simem_size_0:
called_computation.1_lowered:
.L_overlay_start_0:
0x88: {  	s2 =	sld [smem:$0x3FD9]  }
0x89: {  	s3 =	sld [smem:$0x3FFE];
	_ =	sdelay $0x1  }
0x8a: {  	s1 =	srdreg.scid  }
0x8b: {  	s0 =	sand.u32 $0x1, s1  }
0x8c: {  	s17 =	sshll.u32 s0, $0xA;
	s2 =	sadd.s32 s3, s2  }
0x8d: {  	s2 =	sadd.s32 s2, s17  }
0x8e: {  	[smem:$0x3FA8] =	sst s2  }
0x8f: {  	_ = 	snop  }
0x90: {  	s2 =	sld [smem:$0x3FC7]  }
0x91: {  	s18 =	sld [smem:$0x3FC6]  }
0x92: {  	s4 =	sld [smem:$0x3FC5]  }
0x93: {  	s5 =	sld [smem:$0x3FC4]  }
0x94: {  	s6 =	sld [smem:$0x3FC3]  }
0x95: {  	s7 =	sld [smem:$0x3FC1]  }
0x96: {  	s8 =	sld [smem:$0x3FC0]  }
0x97: {  	s9 =	sld [smem:$0x3FD0];
	(tm) =	ssettm $0x1  }
0x98: {  	s10 =	sld [smem:$0x3FFB];
	_ =	sdelay $0x3  }
0x99: {  	_ =	strace s10  }
0x9a: {  	s10 =	sld [smem:$0x3FFC];
	_ =	sdelay $0x3  }
0x9b: {  	_ =	strace s10  }
0x9c: {  	s10 =	sld [smem:$0x3FFD];
	_ =	sdelay $0x3  }
0x9d: {  	_ =	strace s10  }
0x9e: {  	_ =	strace $0x8FFFFFFF  }
0x9f: {  	s19 =	sld [smem:$0x3FDB];
	_ =	sdelay $0x1  }
0xa0: {  	s11 =	simm.s32 $_scs_section_size  }
0xa1: {  	s12 =	simm.s32 $_size__tile_overlayer_lowered;
	s13 =	simm.s32 $_tile_overlayer_lowered  }
0xa2: {  	s22 =	simm.s32 $0x1BFF;
	s21 =	sshll.u32 s13, $0x1;
	s10 =	sadd.s32 s11, s19  }
0xa3: {  	s14 =	simm.s32 $0x0;
	s20 =	sshll.u32 s12, $0x1;
	s12 =	sadd.s32 s21, s10  }
0xa4: {  	[timem:s14], [sflag:s22] =	dma.local [hbm:s12], s20  }
0xa5: {  	_ =	swait.ge [sflag:s22], s20  }
0xa6: {  	s11 =	ssub.s32 $0x0, s20;
	[sflag:s22] =	ssyncset.done $0x0  }
0xa7: {  	[sflag:s22] =	ssyncadd.s32 s11;
	_ =	sdelay $0x1  }
0xa8: {  	s23 =	simm.s32 $0x1B8B  }
0xa9: {  	_ =	swait.ge [sflag:s23], $0x1  }
0xaa: {  	[sflag:s23] =	ssyncset.done $0x0  }
0xab: {  	s25 =	simm.s32 $0x1B8E;
	s24 =	sld [smem:$0x3FFE];
	[sflag:s23] =	ssyncadd.s32 $0xFFFFFFFF  }
0xac: {  	s26 =	simm.s32 $execute0_lowered;
	[smem:$0x3FD2] =	sst s25  }
0xad: {  	s12 =	sshll.u32 s26, $0x1;
	_ =	strace $0x80000046;
	[dreg:$0x1] =	wrdreg $0xFFFFFFFF  }
0xae: {  	s28 =	simm.s32 $_size_execute0_lowered;
	s10 =	sadd.s32 s10, s12;
	[dreg:$0x0] =	wrdreg $0x0  }
0xaf: {  	s12 =	sshll.u32 s28, $0x1;
	[dreg:$0x2] =	wrdreg s10  }
0xb0: {  	[dreg:$0x3] =	wrdreg s12  }
0xb1: {  	[dreg:$0x4] =	wrdreg $0xC0  }
0xb2: {  	_ =	task [dreg:s14], $0x5FFFF  }
0xb3: {  	[dreg:$0x1] =	wrdreg $0xFFFFFFFF  }
0xb4: {  	[dreg:$0x0] =	wrdreg $0x60  }
0xb5: {  	[dreg:$0x2] =	wrdreg s2  }
0xb6: {  	[dreg:$0x3] =	wrdreg s18  }
0xb7: {  	[dreg:$0x4] =	wrdreg s4  }
0xb8: {  	[dreg:$0x5] =	wrdreg s5  }
0xb9: {  	[dreg:$0x6] =	wrdreg s6  }
0xba: {  	[dreg:$0x7] =	wrdreg s7  }
0xbb: {  	[dreg:$0x8] =	wrdreg s8  }
0xbc: {  	[dreg:$0x9] =	wrdreg s24  }
0xbd: {  	[dreg:$0xa] =	wrdreg s9  }
0xbe: {  	[dreg:$0xb] =	wrdreg $0xA  }
0xbf: {  	_ =	task.clear_ibuf [dreg:s14], $0xCFFFF;
	_ =	strace $0x90000046  }
0xc0: {  	s29 =	simm.s32 $0xA;
	_ =	strace $0x80000048  }
0xc1: {  	_ =	swait.ge [sflag:s29], $0x1  }
0xc2: {  	[sflag:s29] =	ssyncadd.s32 $0xFFFFFFFF  }
0xc3: {  	_ =	strace $0x90000048  }
0xc4: {  	_ =	sfence  }
0xc5: {  	s30 =	sld [smem:$0x0];
	_ =	sdelay $0x2  }
0xc6: {  	s31 =	sshll.u32 s1, $0xD;
	s1 =	sshrl.u32 s1, $0x2  }
0xc7: {  	s3 =	sand.u32 $0x4000, s31;
	s1 =	sadd.s32 s1, s30  }
0xc8: {  	s0 =	sor.u32 s3, s0;
	s1 =	sshll.u32 s1, $0x11  }
0xc9: {  	s0 =	sor.u32 s1, s0  }
0xca: {  	s0 =	sadd.s32 $0x8F2B, s0  }
0xcb: {  	[sflag:s0] =	ssyncadd.remote.s32 $0x1  }
0xcc: {  	_ =	sfence.sel $0xFFFF  }
0xcd: {  	[dreg:$0x0] =	wrdreg $0xFFFFFFFF;
	(pc) =	sbr.abs _section_cstart, $3  }
0xce: {  	[dreg:$0x1] =	wrdreg $0xFFFFFFFF  }
0xcf: {  	_ =	task.clear_ibuf [dreg:s14], $0x2FFFF;
	_ =	strace $0x9FFFFFFF  }
0xd0: {  	(tm) =	ssettm $0x7FFFFFFF  }
0xd1: {  	_ =	shalt  }
tec
execute0_lowered:
.L_overlay_start_1:
0x0: {  	(tag) =	ssettag $0x1  }
0x1: {  	s4 =	rddreg [dreg:$0x0]  }
0x2: {  	s5 =	rddreg [dreg:$0x1]  }
0x3: {  	s6 =	rddreg [dreg:$0x2]  }
0x4: {  	s7 =	rddreg [dreg:$0x3]  }
0x5: {  	s8 =	rddreg [dreg:$0x4]  }
0x6: {  	s9 =	rddreg [dreg:$0x5]  }
0x7: {  	s10 =	rddreg [dreg:$0x6]  }
0x8: {  	s0 =	rddreg [dreg:$0x7];
	s3 =	stileid.u32  }
0x9: {  	s2 =	rddreg [dreg:$0x8];
	s11 =	sshll.u32 s3, $0x1;
	s3 =	simm.s32 $0x0  }
0xa: {  	s23 =	simm.s32 $0x1800;
	[smem:$0x7FF] =	sst s3  }
0xb: {  	s24 =	simm.s32 $0x100;
	_ =	strace $0x80000047;
	[dreg:$0x1b] =	wrdreg s23  }
0xc: {  	s1 =	srdreg.scid;
	s25 =	simm.s32 $0x1C00;
	[dreg:$0x1c] =	wrdreg s24  }
0xd: {  	s1 =	sand.u32 $0x1, s1;
	[dreg:$0x1d] =	wrdreg s25;
	s23 =	simm.s32 $0x5000  }
0xe: {  	s11 =	sor.u32 s1, s11;
	s24 =	simm.s32 $0x880;
	[smem:$0x7D6] =	sst s23  }
0xf: {  	s12 =	sshll.u32 s11, $0x6;
	s25 =	simm.s32 $0x5800;
	[smem:$0x7D7] =	sst s24  }
0x10: {  	s4 =	sadd.s32 s4, s12;
	[smem:$0x7D8] =	sst s25  }
0x11: {  	s26 =	sadd.s32 s5, s12;
	[dreg:$0xa] =	wrdreg s4  }
0x12: {  	s5 =	sadd.s32 s6, s12;
	[dreg:$0xb] =	wrdreg s26  }
0x13: {  	s6 =	sadd.s32 s7, s12;
	[dreg:$0xc] =	wrdreg s5  }
0x14: {  	s7 =	sadd.s32 s8, s12;
	[dreg:$0xd] =	wrdreg s6  }
0x15: {  	s8 =	sshll.u32 s11, $0x9;
	s11 =	sadd.s32 s9, s12;
	[dreg:$0xe] =	wrdreg s7  }
0x16: {  	s12 =	sadd.s32 s10, s12;
	[dreg:$0xf] =	wrdreg s11  }
0x17: {  	s9 =	simm.s32 $0x2C00;
	[dreg:$0x10] =	wrdreg s12  }
0x18: {  	s10 =	simm.s32 $0x380;
	[smem:$0x7C8] =	sst s9  }
0x19: {  	s23 =	simm.s32 $0xF00;
	[smem:$0x7C9] =	sst s10  }
0x1a: {  	s24 =	simm.s32 $0x8C00;
	[smem:$0x7EC] =	sst s23  }
0x1b: {  	s25 =	simm.s32 $0xF80;
	[smem:$0x7ED] =	sst s24  }
0x1c: {  	s26 =	simm.s32 $0x180;
	[smem:$0x7EE] =	sst s25  }
0x1d: {  	s6 =	simm.s32 $0x280;
	[dreg:$0x1e] =	wrdreg s26  }
0x1e: {  	s7 =	simm.s32 $0x2800;
	[smem:$0x7C5] =	sst s6  }
0x1f: {  	s5 =	sadd.s32 s8, s0;
	s8 =	simm.s32 $0x300;
	[smem:$0x7C6] =	sst s7  }
0x20: {  	s11 =	simm.s32 $0x3000;
	[smem:$0x7C7] =	sst s8  }
0x21: {  	s12 =	simm.s32 $0x480;
	[smem:$0x7CA] =	sst s11  }
0x22: {  	s9 =	simm.s32 $0x6800;
	[smem:$0x7CB] =	sst s12  }
0x23: {  	s10 =	simm.s32 $0xB00;
	[smem:$0x7DE] =	sst s9  }
0x24: {  	s23 =	simm.s32 $0x1300;
	[smem:$0x7DF] =	sst s10  }
0x25: {  	s24 =	simm.s32 $0xAC00;
	[smem:$0x7FA] =	sst s23  }
0x26: {  	s25 =	simm.s32 $0x1380;
	[smem:$0x7FB] =	sst s24  }
0x27: {  	s13 =	sadd.s32 $0x8A00, s5;
	[smem:$0x7FC] =	sst s25  }
0x28: {  	s14 =	sadd.s32 $0xCA00, s5;
	[dreg:$0x11] =	wrdreg s13  }
0x29: {  	s15 =	sadd.s32 $0x10A00, s5;
	[dreg:$0x12] =	wrdreg s14  }
0x2a: {  	s16 =	sadd.s32 $0x14A00, s5;
	[dreg:$0x13] =	wrdreg s15  }
0x2b: {  	s17 =	sadd.s32 $0x18A00, s5;
	[dreg:$0x14] =	wrdreg s16  }
0x2c: {  	s18 =	sadd.s32 $0x1CA00, s5;
	[dreg:$0x15] =	wrdreg s17  }
0x2d: {  	s19 =	sadd.s32 $0x20A00, s5;
	[dreg:$0x16] =	wrdreg s18  }
0x2e: {  	s20 =	sadd.s32 $0x24A00, s5;
	[dreg:$0x17] =	wrdreg s19  }
0x2f: {  	s21 =	sadd.s32 $0x28A00, s5;
	[dreg:$0x18] =	wrdreg s20  }
0x30: {  	s22 =	sadd.s32 $0x2CA00, s5;
	[dreg:$0x19] =	wrdreg s21  }
0x31: {  	s5 =	simm.s32 $0x2000;
	[dreg:$0x1a] =	wrdreg s22  }
0x32: {  	s26 =	simm.s32 $0x900;
	[dreg:$0x1f] =	wrdreg s5  }
0x33: {  	s6 =	simm.s32 $0x980;
	[smem:$0x7D9] =	sst s26  }
0x34: {  	s7 =	simm.s32 $0x6000;
	[smem:$0x7DB] =	sst s6  }
0x35: {  	s8 =	simm.s32 $0xA80;
	[smem:$0x7DC] =	sst s7  }
0x36: {  	s11 =	simm.s32 $0x6C00;
	[smem:$0x7DD] =	sst s8  }
0x37: {  	s12 =	simm.s32 $0xB80;
	[smem:$0x7E0] =	sst s11  }
0x38: {  	s13 =	simm.s32 $0x3800;
	[smem:$0x7E1] =	sst s12  }
0x39: {  	s14 =	simm.s32 $0x500;
	[smem:$0x7CC] =	sst s13  }
0x3a: {  	s15 =	simm.s32 $0x3C00;
	[smem:$0x7CD] =	sst s14  }
0x3b: {  	s16 =	simm.s32 $0x580;
	[smem:$0x7CE] =	sst s15  }
0x3c: {  	s17 =	simm.s32 $0x4000;
	[smem:$0x7CF] =	sst s16  }
0x3d: {  	s18 =	simm.s32 $0x680;
	[smem:$0x7D0] =	sst s17  }
0x3e: {  	s19 =	simm.s32 $0x4800;
	[smem:$0x7D1] =	sst s18  }
0x3f: {  	s20 =	simm.s32 $0x700;
	[smem:$0x7D2] =	sst s19  }
0x40: {  	s21 =	simm.s32 $0x4C00;
	[smem:$0x7D3] =	sst s20  }
0x41: {  	s22 =	simm.s32 $0x780;
	[smem:$0x7D4] =	sst s21  }
0x42: {  	s5 =	simm.s32 $0x5C00;
	[smem:$0x7D5] =	sst s22  }
0x43: {  	s26 =	simm.s32 $0x1000;
	[smem:$0x7DA] =	sst s5  }
0x44: {  	s13 =	simm.s32 $0x7000;
	[smem:$0x7F0] =	sst s26  }
0x45: {  	s14 =	simm.s32 $0xC80;
	[smem:$0x7E2] =	sst s13  }
0x46: {  	s15 =	simm.s32 $0x7800;
	[smem:$0x7E3] =	sst s14  }
0x47: {  	s30 =	simm.s32 $0x8400;
	s16 =	simm.s32 $0xD00;
	[smem:$0x7E4] =	sst s15  }
0x48: {  	s31 =	simm.s32 $0x9400;
	s17 =	simm.s32 $0x7C00;
	[smem:$0x7E5] =	sst s16  }
0x49: {  	s28 =	simm.s32 $0x1400;
	s18 =	simm.s32 $0xD80;
	[smem:$0x7E6] =	sst s17  }
0x4a: {  	s29 =	simm.s32 $0x2400;
	s19 =	simm.s32 $0x8000;
	[smem:$0x7E7] =	sst s18  }
0x4b: {  	s1 =	ssub.s32 $0x2, s1;
	s20 =	simm.s32 $0xE00;
	[smem:$0x7E8] =	sst s19  }
0x4c: {  	s4 =	sadd.s32 $0x5200, s0;
	s21 =	simm.s32 $0xE80;
	[smem:$0x7E9] =	sst s20  }
0x4d: {  	s9 =	sadd.s32 $0x8200, s0;
	s22 =	simm.s32 $0x8800;
	[smem:$0x7EA] =	sst s21  }
0x4e: {  	s10 =	sadd.s32 $0x8400, s0;
	s26 =	simm.s32 $0xB000;
	[smem:$0x7EB] =	sst s22  }
0x4f: {  	s6 =	sadd.s32 $0x5600, s0;
	s13 =	simm.s32 $0x9000;
	[smem:$0x7FD] =	sst s26  }
0x50: {  	s7 =	sadd.s32 $0x5800, s0;
	s15 =	simm.s32 $0x9800;
	[smem:$0x7EF] =	sst s13  }
0x51: {  	s8 =	sadd.s32 $0x8000, s0;
	s16 =	simm.s32 $0x1100;
	[smem:$0x7F2] =	sst s15  }
0x52: {  	s11 =	sadd.s32 $0x8600, s0;
	s17 =	simm.s32 $0x9C00;
	[smem:$0x7F3] =	sst s16  }
0x53: {  	s12 =	sadd.s32 $0x8800, s0;
	s18 =	simm.s32 $0x1180;
	[smem:$0x7F4] =	sst s17  }
0x54: {  	s5 =	sadd.s32 $0x5400, s0;
	s19 =	simm.s32 $0xA000;
	[smem:$0x7F5] =	sst s18  }
0x55: {  	s0 =	simm.s32 $0x2;
	s20 =	simm.s32 $0x1200;
	[smem:$0x7F6] =	sst s19  }
0x56: {  	s14 =	sshrl.u32 s1, $0x1;
	s21 =	simm.s32 $0x1280;
	[smem:$0x7F7] =	sst s20  }
0x57: {  	s22 =	simm.s32 $0xA800;
	s26 =	simm.s32 $0xC00;
	[smem:$0x7F8] =	sst s21  }
0x58: {  	s13 =	simm.s32 $0x1080;
	s1 =	ssub.s32 s1, s14;
	[smem:$0x7F9] =	sst s22  }
0x59: {  	s20 =	simm.s32 $0x1;
	s21 =	simm.s32 $0x80;
	s14 =	simm.s32 $0x3  }
0x5a: {  	[smem:$0x7F1] =	sst s13;
	s13 =	smax.u32 s1, $0x1;
	s1 =	simm.s32 $0xA400  }
.LBB2_1:
0x5b: {  	s15 =	rddreg [dreg:$0xa]  }
0x5c: {  	[tilespmem:s3], [sflag:$0x1] =	stream.linear.gather [hbm4b:s15+s3], $0x200, $0x38;
	[tilespmem:$0xB400] =	vst v63  }
0x5d: {  	s16 =	rddreg [dreg:$0xb];
	s19 =	simm.s32 $0x200  }
0x5e: {  	[tilespmem:s19], [sflag:$0x1] =	stream.linear.gather [hbm4b:s16+s3], $0x200, $0x38;
	[tilespmem:$0xB400] =	vst v63  }
0x5f: {  	s23 =	rddreg [dreg:$0xc];
	s22 =	simm.s32 $0x400  }
0x60: {  	[tilespmem:s22], [sflag:$0x1] =	stream.linear.gather [hbm4b:s23+s3], $0x200, $0x38;
	[tilespmem:$0xB400] =	vst v63  }
0x61: {  	s24 =	rddreg [dreg:$0xd];
	s23 =	simm.s32 $0x600  }
0x62: {  	[tilespmem:s23], [sflag:$0x1] =	stream.linear.gather [hbm4b:s24+s3], $0x200, $0x38;
	[tilespmem:$0xB400] =	vst v63  }
0x63: {  	s25 =	rddreg [dreg:$0xe];
	s24 =	simm.s32 $0x800  }
0x64: {  	[tilespmem:s24], [sflag:$0x1] =	stream.linear.gather [hbm4b:s25+s3], $0x200, $0x38;
	[tilespmem:$0xB400] =	vst v63  }
0x65: {  	s17 =	rddreg [dreg:$0xf];
	s25 =	simm.s32 $0xA00  }
0x66: {  	[tilespmem:s25], [sflag:$0x1] =	stream.linear.gather [hbm4b:s17+s3], $0x200, $0x38;
	[tilespmem:$0xB400] =	vst v63  }
0x67: {  	s18 =	rddreg [dreg:$0x10]  }
0x68: {  	[tilespmem:s26], [sflag:$0x1] =	stream.linear.gather [hbm4b:s18+s3], $0x200, $0x38;
	[tilespmem:$0xB400] =	vst v63  }
0x69: {  	_ =	swait.ge [sflag:s20], $0x200  }
0x6a: {  	[sflag:s20] =	ssyncset.done $0x0  }
0x6b: {  	[sflag:s20] =	ssyncadd.s32 $0xFFFFFE00  }
0x6c: {  	_ =	swait.ge [sflag:s20], $0x200  }
0x6d: {  	[sflag:s20] =	ssyncset.done $0x0  }
0x6e: {  	[sflag:s20] =	ssyncadd.s32 $0xFFFFFE00  }
0x6f: {  	_ =	swait.ge [sflag:s20], $0x200  }
0x70: {  	[sflag:s20] =	ssyncset.done $0x0  }
0x71: {  	[sflag:s20] =	ssyncadd.s32 $0xFFFFFE00  }
0x72: {  	_ =	swait.ge [sflag:s20], $0x200  }
0x73: {  	[sflag:s20] =	ssyncset.done $0x0  }
0x74: {  	[sflag:s20] =	ssyncadd.s32 $0xFFFFFE00  }
0x75: {  	_ =	swait.ge [sflag:s20], $0x200  }
0x76: {  	[sflag:s20] =	ssyncset.done $0x0  }
0x77: {  	[sflag:s20] =	ssyncadd.s32 $0xFFFFFE00  }
0x78: {  	_ =	swait.ge [sflag:s20], $0x200  }
0x79: {  	[sflag:s20] =	ssyncset.done $0x0  }
0x7a: {  	[sflag:s20] =	ssyncadd.s32 $0xFFFFFE00  }
0x7b: {  	_ =	swait.ge [sflag:s20], $0x200  }
0x7c: {  	[sflag:s20] =	ssyncset.done $0x0  }
0x7d: {  	[sflag:s20] =	ssyncadd.s32 $0xFFFFFE00  }
0x7e: {  	v0 =	vld [tilespmem:$0x0]  }
0x7f: {  	v1 =	vld [tilespmem:$0x200]  }
0x80: {  	v2 =	vld [tilespmem:$0x10]  }
0x81: {  	v3 =	vld [tilespmem:$0x20]  }
0x82: {  	v4 =	vld [tilespmem:$0x210]  }
0x83: {  	v5 =	vld [tilespmem:$0x220]  }
0x84: {  	v20 =	vld [tilespmem:$0x30]  }
0x85: {  	v21 =	vld [tilespmem:$0x230]  }
0x86: {  	v26 =	vld [tilespmem:$0x40]  }
0x87: {  	v27 =	vld [tilespmem:$0x240]  }
0x88: {  	v32 =	vld [tilespmem:$0x50]  }
0x89: {  	v33 =	vld [tilespmem:$0x250]  }
0x8a: {  	v38 =	vld [tilespmem:$0x60]  }
0x8b: {  	v39 =	vld [tilespmem:$0x260]  }
0x8c: {  	v44 =	vld [tilespmem:$0x70]  }
0x8d: {  	v7 =	vld [tilespmem:$0x2A0]  }
0x8e: {  	v9 =	vld [tilespmem:$0x2B0]  }
0x8f: {  	v6 =	vld [tilespmem:$0xC0]  }
0x90: {  	v11 =	vld [tilespmem:$0x2C0]  }
0x91: {  	v8 =	vld [tilespmem:$0xD0]  }
0x92: {  	v13 =	vld [tilespmem:$0x2D0]  }
0x93: {  	v10 =	vld [tilespmem:$0xE0]  }
0x94: {  	v15 =	vld [tilespmem:$0x2E0]  }
0x95: {  	v12 =	vld [tilespmem:$0xF0]  }
0x96: {  	v17 =	vld [tilespmem:$0x2F0]  }
0x97: {  	v14 =	vld [tilespmem:$0x100]  }
0x98: {  	v19 =	vld [tilespmem:$0x300]  }
0x99: {  	v16 =	vld [tilespmem:$0x110]  }
0x9a: {  	v23 =	vld [tilespmem:$0x310]  }
0x9b: {  	v18 =	vld [tilespmem:$0x120]  }
0x9c: {  	v45 =	vld [tilespmem:$0x320]  }
0x9d: {  	v22 =	vld [tilespmem:$0x130]  }
0x9e: {  	v56 =	vld [tilespmem:$0x330]  }
0x9f: {  	v24 =	vld [tilespmem:$0x140]  }
0xa0: {  	v25 =	vld [tilespmem:$0x150]  }
0xa1: {  	v62 =	vld [tilespmem:$0x350]  }
0xa2: {  	v28 =	vld [tilespmem:$0x160]  }
0xa3: {  	v57 =	vld [tilespmem:$0x360]  }
0xa4: {  	v29 =	vld [tilespmem:$0x170]  }
0xa5: {  	v35 =	vld [tilespmem:$0x370]  }
0xa6: {  	v30 =	vld [tilespmem:$0x180]  }
0xa7: {  	v49 =	vld [tilespmem:$0x210]  }
0xa8: {  	v63 =	vld [tilespmem:$0x380]  }
0xa9: {  	v31 =	vld [tilespmem:$0x190]  }
0xaa: {  	v37 =	vld [tilespmem:$0x390]  }
0xab: {  	v34 =	vld [tilespmem:$0x1A0]  }
0xac: {  	[tilespmem:$0x1FD90] =	vst v49;
	v49 =	vld [tilespmem:$0x230]  }
0xad: {  	v41 =	vld [tilespmem:$0x3A0]  }
0xae: {  	v36 =	vld [tilespmem:$0x1B0]  }
0xaf: {  	v46 =	vld [tilespmem:$0x3B0]  }
0xb0: {  	v40 =	vld [tilespmem:$0x1C0]  }
0xb1: {  	[tilespmem:$0x1FDC0] =	vst v49;
	v49 =	vld [tilespmem:$0x640]  }
0xb2: {  	v48 =	vld [tilespmem:$0x3C0]  }
0xb3: {  	v42 =	vld [tilespmem:$0x1D0]  }
0xb4: {  	v60 =	vld [tilespmem:$0x3D0]  }
0xb5: {  	v43 =	vld [tilespmem:$0x1E0]  }
0xb6: {  	[tilespmem:$0x1FDB0] =	vst v49;
	v49 =	vld [tilespmem:$0x240]  }
0xb7: {  	v58 =	vld [tilespmem:$0x3E0]  }
0xb8: {  	v47 =	vld [tilespmem:$0x1F0]  }
0xb9: {  	v54 =	vld [tilespmem:$0x3F0]  }
0xba: {  	v61 =	vld [tilespmem:$0x600]  }
0xbb: {  	[tilespmem:$0x1FDE0] =	vst v49;
	v49 =	vld [tilespmem:$0x650]  }
0xbc: {  	v53 =	vld [tilespmem:$0x220]  }
0xbd: {  	v59 =	vld [tilespmem:$0x610]  }
0xbe: {  	v55 =	vld [tilespmem:$0x620]  }
0xbf: {  	v50 =	vmul.u32 $0x3, v3;
	v3 =	vld [tilespmem:$0x280]  }
0xc0: {  	[tilespmem:$0x1FDD0] =	vst v49;
	v49 =	vld [tilespmem:$0x250]  }
0xc1: {  	v0 =	vmul.u32 $0x3, v0;
	[tilespmem:$0x1FDA0] =	vst v53;
	v53 =	vld [tilespmem:$0x630]  }
0xc2: {  	v52 =	vadd.s32 v5, v50;
	v50 =	vld [tilespmem:$0x270]  }
0xc3: {  	v0 =	vadd.s32 v1, v0;
	v1 =	vld [tilespmem:$0x90]  }
0xc4: {  	v2 =	vmul.u32 $0x3, v2;
	v5 =	vld [tilespmem:$0x290]  }
0xc5: {  	[tilespmem:$0x1FE00] =	vst v49;
	v49 =	vld [tilespmem:$0x660]  }
0xc6: {  	v51 =	vadd.s32 v4, v2;
	v2 =	vld [tilespmem:$0xA0]  }
0xc7: {  	v4 =	vld [tilespmem:$0xB0];
	[tilespmem:$0xE00] =	vst v0  }
0xc8: {  	[tilespmem:$0xE10] =	vst v51;
	v0 =	vld [tilespmem:$0x80]  }
0xc9: {  	[tilespmem:$0xE20] =	vst v52;
	v51 =	vld [tilespmem:$0x340]  }
0xca: {  	v52 =	vld [tilespmem:$0x200];
	[tilespmem:$0x1FDF0] =	vst v49  }
0xcb: {  	v49 =	vld [tilespmem:$0x260];
	_ =	sdelay $0x4  }
0xcc: {  	[tilespmem:$0x1FE20] =	vst v49;
	v49 =	vld [tilespmem:$0x670];
	_ =	sdelay $0x1  }
0xcd: {  	v20 =	vmul.u32 $0x3, v20;
	_ =	sdelay $0x1  }
0xce: {  	v20 =	vadd.s32 v21, v20;
	v21 =	vmul.u32 $0x3, v32;
	v32 =	vld [tilespmem:$0x740]  }
0xcf: {  	v0 =	vmul.u32 $0x3, v0;
	[tilespmem:$0x1FE10] =	vst v49;
	v49 =	vld [tilespmem:$0x270];
	_ =	sdelay $0x1  }
0xd0: {  	v26 =	vmul.u32 $0x3, v26;
	v0 =	vadd.s32 v3, v0;
	[tilespmem:$0xE30] =	vst v20;
	v20 =	vld [tilespmem:$0x760]  }
0xd1: {  	[tilespmem:$0xE80] =	vst v0;
	v0 =	vld [tilespmem:$0x7F0]  }
0xd2: {  	[tilespmem:$0x1FFB0] =	vst v32;
	v32 =	vadd.s32 v27, v26;
	v26 =	vmul.u32 $0x3, v38;
	v38 =	vld [tilespmem:$0x340]  }
0xd3: {  	[tilespmem:$0x1FE40] =	vst v49;
	v49 =	vld [tilespmem:$0x680]  }
0xd4: {  	v27 =	vld [tilespmem:$0x380]  }
0xd5: {  	[tilespmem:$0xE40] =	vst v32;
	v32 =	vadd.s32 v33, v21;
	v33 =	vmul.u32 $0x3, v44;
	v44 =	vld [tilespmem:$0x350]  }
0xd6: {  	v39 =	vadd.s32 v39, v26;
	v26 =	vld [tilespmem:$0x770]  }
0xd7: {  	v34 =	vmul.u32 $0x3, v34;
	v2 =	vmul.u32 $0x3, v2;
	[tilespmem:$0xE50] =	vst v32;
	v21 =	vadd.s32 v50, v33;
	v50 =	vld [tilespmem:$0x360]  }
0xd8: {  	v32 =	vmul.u32 $0x3, v4;
	[tilespmem:$0x1FE30] =	vst v49;
	v49 =	vld [tilespmem:$0x280]  }
0xd9: {  	v33 =	vadd.s32 v7, v2;
	v2 =	vadd.s32 v41, v34;
	v41 =	vmul.u32 $0x3, v47;
	v47 =	vld [tilespmem:$0x1FD90]  }
0xda: {  	v4 =	vmul.u32 $0x3, v10;
	[tilespmem:$0xE60] =	vst v39;
	v39 =	vadd.s32 v9, v32;
	v32 =	vld [tilespmem:$0x780]  }
0xdb: {  	v10 =	vmul.u32 $0x3, v16;
	v16 =	vmul.u32 $0x3, v24;
	v24 =	vmul.u32 $0x3, v29;
	[tilespmem:$0xEA0] =	vst v33;
	v33 =	vld [tilespmem:$0x390]  }
0xdc: {  	[tilespmem:$0xFA0] =	vst v2;
	v2 =	vld [tilespmem:$0xA00]  }
0xdd: {  	v1 =	vmul.u32 $0x3, v1;
	v29 =	vadd.s32 v35, v24;
	v35 =	vmul.u32 $0x3, v36;
	[tilespmem:$0x1FE60] =	vst v49;
	v49 =	vld [tilespmem:$0x690]  }
0xde: {  	[tilespmem:$0xE70] =	vst v21;
	v36 =	vmul.u32 $0x3, v40;
	v40 =	vmul.u32 $0x3, v43;
	v43 =	vmul.u32 $0x3, v59;
	v59 =	vld [tilespmem:$0x1FDE0]  }
0xdf: {  	v21 =	vadd.s32 v5, v1;
	[tilespmem:$0x1FFD0] =	vst v38;
	v38 =	vld [tilespmem:$0x750]  }
0xe0: {  	[tilespmem:$0xE90] =	vst v21;
	v21 =	vld [tilespmem:$0x370]  }
0xe1: {  	[tilespmem:$0xEB0] =	vst v39;
	v39 =	vld [tilespmem:$0x3A0]  }
0xe2: {  	[tilespmem:$0x1FE50] =	vst v49;
	v49 =	vld [tilespmem:$0x290]  }
0xe3: {  	v7 =	vadd.s32 v15, v4;
	v4 =	vadd.s32 v48, v36;
	v48 =	vmul.u32 $0x3, v53;
	v53 =	vld [tilespmem:$0x1FDB0]  }
0xe4: {  	[tilespmem:$0xEE0] =	vst v7;
	v3 =	vadd.s32 v46, v35;
	v46 =	vmul.u32 $0x3, v55;
	v55 =	vld [tilespmem:$0x1FDC0]  }
0xe5: {  	[tilespmem:$0x1FFE0] =	vst v44;
	v7 =	vadd.s32 v58, v40;
	v58 =	vld [tilespmem:$0x1FDD0]  }
0xe6: {  	[tilespmem:$0xFB0] =	vst v3;
	v3 =	vld [tilespmem:$0xC00]  }
0xe7: {  	[tilespmem:$0x1FE80] =	vst v49;
	v49 =	vld [tilespmem:$0x6A0]  }
0xe8: {  	v44 =	vmul.u32 $0x3, v8;
	v8 =	vmul.u32 $0x3, v14;
	[tilespmem:$0xFC0] =	vst v4;
	v4 =	vld [tilespmem:$0xA10]  }
0xe9: {  	v14 =	vmul.u32 $0x3, v22;
	v22 =	vmul.u32 $0x3, v28;
	v28 =	vmul.u32 $0x3, v30;
	[tilespmem:$0xFE0] =	vst v7;
	v7 =	vld [tilespmem:$0xA20]  }
0xea: {  	v5 =	vadd.s32 v13, v44;
	v44 =	vld [tilespmem:$0x7A0]  }
0xeb: {  	v30 =	vmul.u32 $0x3, v31;
	v31 =	vadd.s32 v63, v28;
	v63 =	vld [tilespmem:$0x3E0]  }
0xec: {  	[tilespmem:$0x1FE70] =	vst v49;
	v49 =	vld [tilespmem:$0x2A0]  }
0xed: {  	v1 =	vadd.s32 v37, v30;
	v37 =	vmul.u32 $0x3, v42;
	v42 =	vmul.u32 $0x3, v61;
	v61 =	vld [tilespmem:$0x1FE00];
	[tilespmem:$0xED0] =	vst v5  }
0xee: {  	v13 =	vadd.s32 v23, v10;
	v10 =	vadd.s32 v47, v43;
	v5 =	vld [tilespmem:$0x7E0];
	[tilespmem:$0xF90] =	vst v1  }
0xef: {  	v1 =	vld [tilespmem:$0x3F0];
	[tilespmem:$0x1010] =	vst v10  }
0xf0: {  	v10 =	vld [tilespmem:$0xC30];
	[tilespmem:$0x1FFC0] =	vst v38  }
0xf1: {  	v38 =	vmul.u32 $0x3, v6;
	v6 =	vmul.u32 $0x3, v12;
	[tilespmem:$0x1FEA0] =	vst v49;
	v49 =	vld [tilespmem:$0x6B0]  }
0xf2: {  	v12 =	vmul.u32 $0x3, v18;
	v18 =	vmul.u32 $0x3, v25;
	v25 =	vadd.s32 v57, v22;
	v57 =	vld [tilespmem:$0x3D0]  }
0xf3: {  	[tilespmem:$0x1FFF0] =	vst v50;
	v50 =	vadd.s32 v11, v38;
	v38 =	vld [tilespmem:$0x790]  }
0xf4: {  	v15 =	vadd.s32 v45, v12;
	v45 =	vld [tilespmem:$0x3B0]  }
0xf5: {  	v9 =	vadd.s32 v17, v6;
	v17 =	vadd.s32 v56, v14;
	v56 =	vld [tilespmem:$0x7C0]  }
0xf6: {  	[tilespmem:$0x1FE90] =	vst v49;
	v49 =	vld [tilespmem:$0x2B0]  }
0xf7: {  	v11 =	vadd.s32 v19, v8;
	v19 =	vadd.s32 v51, v16;
	v51 =	vld [tilespmem:$0x3C0]  }
0xf8: {  	v23 =	vadd.s32 v62, v18;
	v62 =	vld [tilespmem:$0x7D0]  }
0xf9: {  	v14 =	vld [tilespmem:$0xA40]  }
0xfa: {  	v6 =	vadd.s32 v60, v37;
	v60 =	vld [tilespmem:$0x1FDF0]  }
0xfb: {  	[tilespmem:$0x1FEC0] =	vst v49;
	v49 =	vld [tilespmem:$0x6C0]  }
0xfc: {  	v16 =	vld [tilespmem:$0x1FE10]  }
0xfd: {  	[tilespmem:$0xEC0] =	vst v50;
	v50 =	vld [tilespmem:$0x7B0]  }
0xfe: {  	v8 =	vadd.s32 v54, v41;
	[tilespmem:$0xFD0] =	vst v6;
	v6 =	vld [tilespmem:$0xC10]  }
0xff: {  	[tilespmem:$0xFF0] =	vst v8;
	v8 =	vld [tilespmem:$0xC20]  }
0x100: {  	[tilespmem:$0x1FEB0] =	vst v49;
	v49 =	vld [tilespmem:$0x2C0]  }
0x101: {  	[tilespmem:$0xEF0] =	vst v9;
	v9 =	vadd.s32 v52, v42;
	v52 =	vld [tilespmem:$0x1FDA0]  }
0x102: {  	[tilespmem:$0xF20] =	vst v15;
	v15 =	vld [tilespmem:$0xC40]  }
0x103: {  	[tilespmem:$0xF30] =	vst v17;
	v17 =	vld [tilespmem:$0x1FE20]  }
0x104: {  	[tilespmem:$0xF40] =	vst v19;
	v19 =	vld [tilespmem:$0x1FE40]  }
0x105: {  	[tilespmem:$0x1FEE0] =	vst v49;
	v49 =	vld [tilespmem:$0x6D0]  }
0x106: {  	[tilespmem:$0x1000] =	vst v9;
	v9 =	vld [tilespmem:$0xA30];
	v5 =	vmul.u32 $0x3, v5  }
0x107: {  	v18 =	vld [tilespmem:$0x1FE30]  }
0x108: {  	v5 =	vadd.s32 v63, v5;
	v63 =	vshll.u32 v7, $0x2;
	v7 =	vld [tilespmem:$0xD40]  }
0x109: {  	[tilespmem:$0xF10] =	vst v13;
	v13 =	vmul.u32 $0x3, v60;
	v60 =	vld [tilespmem:$0x1FFD0]  }
0x10a: {  	[tilespmem:$0x1FED0] =	vst v49;
	v49 =	vld [tilespmem:$0x2D0]  }
0x10b: {  	[tilespmem:$0x11E0] =	vst v5;
	v5 =	vld [tilespmem:$0xD30]  }
0x10c: {  	[tilespmem:$0xF00] =	vst v11;
	v11 =	vadd.s32 v52, v46;
	v8 =	vadd.s32 v8, v63;
	v63 =	vld [tilespmem:$0xBA0]  }
0x10d: {  	[tilespmem:$0x1020] =	vst v11;
	v11 =	vadd.s32 v55, v48;
	v55 =	vld [tilespmem:$0x1FFB0]  }
0x10e: {  	v54 =	vmul.u32 $0x3, v53;
	[tilespmem:$0x1220] =	vst v8;
	v8 =	vld [tilespmem:$0xB50]  }
0x10f: {  	[tilespmem:$0x1FF00] =	vst v49;
	v49 =	vld [tilespmem:$0x6E0]  }
0x110: {  	v12 =	vmul.u32 $0x3, v58;
	v9 =	vshll.u32 v9, $0x2;
	[tilespmem:$0x1030] =	vst v11;
	v11 =	vadd.s32 v59, v54;
	v59 =	vld [tilespmem:$0x1FFC0]  }
0x111: {  	v10 =	vadd.s32 v10, v9;
	v9 =	vld [tilespmem:$0xD50]  }
0x112: {  	[tilespmem:$0x1040] =	vst v11;
	v11 =	vadd.s32 v61, v12;
	v12 =	vmul.u32 $0x3, v16;
	v16 =	vld [tilespmem:$0xA50]  }
0x113: {  	[tilespmem:$0xF50] =	vst v23;
	v23 =	vld [tilespmem:$0x1FE60]  }
0x114: {  	[tilespmem:$0x1FEF0] =	vst v49;
	v49 =	vld [tilespmem:$0x2E0]  }
0x115: {  	v61 =	vmul.u32 $0x3, v20;
	v20 =	vld [tilespmem:$0xCC0]  }
0x116: {  	[tilespmem:$0x1050] =	vst v11;
	v11 =	vadd.s32 v17, v13;
	v17 =	vld [tilespmem:$0xC50]  }
0x117: {  	v13 =	vmul.u32 $0x3, v18;
	v18 =	vld [tilespmem:$0xA60]  }
0x118: {  	[tilespmem:$0x1060] =	vst v11;
	v11 =	vadd.s32 v19, v12;
	v19 =	vld [tilespmem:$0xC60]  }
0x119: {  	[tilespmem:$0x1FF20] =	vst v49;
	v49 =	vld [tilespmem:$0x6F0]  }
0x11a: {  	v22 =	vld [tilespmem:$0x1FE50]  }
0x11b: {  	[tilespmem:$0x1070] =	vst v11;
	v11 =	vadd.s32 v23, v13;
	v23 =	vld [tilespmem:$0xC70]  }
0x11c: {  	[tilespmem:$0xF60] =	vst v25;
	v25 =	vld [tilespmem:$0x1FE80]  }
0x11d: {  	v24 =	vld [tilespmem:$0x1FE70]  }
0x11e: {  	[tilespmem:$0x1FF10] =	vst v49;
	v49 =	vld [tilespmem:$0x2F0]  }
0x11f: {  	v12 =	vmul.u32 $0x3, v22;
	v22 =	vld [tilespmem:$0xA70]  }
0x120: {  	[tilespmem:$0xF70] =	vst v29;
	v29 =	vld [tilespmem:$0x1FEA0]  }
0x121: {  	[tilespmem:$0x1080] =	vst v11;
	v11 =	vadd.s32 v25, v12;
	v25 =	vld [tilespmem:$0xC80]  }
0x122: {  	v13 =	vmul.u32 $0x3, v24;
	v24 =	vld [tilespmem:$0xA80]  }
0x123: {  	[tilespmem:$0x1FF40] =	vst v49;
	v49 =	vld [tilespmem:$0x700]  }
0x124: {  	v28 =	vld [tilespmem:$0x1FE90]  }
0x125: {  	[tilespmem:$0x1090] =	vst v11;
	v11 =	vadd.s32 v29, v13;
	v29 =	vld [tilespmem:$0xC90]  }
0x126: {  	[tilespmem:$0xF80] =	vst v31;
	v31 =	vld [tilespmem:$0x1FEC0]  }
0x127: {  	v30 =	vld [tilespmem:$0x1FEB0]  }
0x128: {  	[tilespmem:$0x1FF30] =	vst v49;
	v49 =	vld [tilespmem:$0x300]  }
0x129: {  	v12 =	vmul.u32 $0x3, v28;
	v28 =	vld [tilespmem:$0xA90]  }
0x12a: {  	v35 =	vld [tilespmem:$0x1FEE0]  }
0x12b: {  	[tilespmem:$0x10A0] =	vst v11;
	v11 =	vadd.s32 v31, v12;
	v31 =	vld [tilespmem:$0xCA0]  }
0x12c: {  	v13 =	vmul.u32 $0x3, v30;
	v30 =	vld [tilespmem:$0xAA0]  }
0x12d: {  	[tilespmem:$0x1FF60] =	vst v49;
	v49 =	vld [tilespmem:$0x710]  }
0x12e: {  	v34 =	vld [tilespmem:$0x1FED0]  }
0x12f: {  	[tilespmem:$0x10B0] =	vst v11;
	v11 =	vadd.s32 v35, v13;
	v35 =	vld [tilespmem:$0xCB0]  }
0x130: {  	v37 =	vld [tilespmem:$0x1FF00]  }
0x131: {  	v36 =	vld [tilespmem:$0x1FEF0]  }
0x132: {  	[tilespmem:$0x1FF50] =	vst v49;
	v49 =	vld [tilespmem:$0x310]  }
0x133: {  	v12 =	vmul.u32 $0x3, v34;
	v34 =	vld [tilespmem:$0xAB0]  }
0x134: {  	v41 =	vld [tilespmem:$0x1FF20]  }
0x135: {  	v0 =	vmul.u32 $0x3, v0;
	[tilespmem:$0x10C0] =	vst v11;
	v11 =	vadd.s32 v37, v12;
	v37 =	vld [tilespmem:$0x1FFE0]  }
0x136: {  	v40 =	vld [tilespmem:$0x1FF10]  }
0x137: {  	v0 =	vadd.s32 v1, v0;
	v13 =	vmul.u32 $0x3, v36;
	[tilespmem:$0x1FF80] =	vst v49;
	v49 =	vld [tilespmem:$0x720]  }
0x138: {  	[tilespmem:$0x11F0] =	vst v0;
	v14 =	vshll.u32 v14, $0x2;
	v36 =	vld [tilespmem:$0xAC0]  }
0x139: {  	v15 =	vadd.s32 v15, v14;
	[tilespmem:$0x10D0] =	vst v11;
	v11 =	vadd.s32 v41, v13;
	v41 =	vld [tilespmem:$0x1FFF0]  }
0x13a: {  	[tilespmem:$0x1240] =	vst v15;
	v43 =	vld [tilespmem:$0x1FF40]  }
0x13b: {  	[tilespmem:$0x1230] =	vst v10;
	v16 =	vshll.u32 v16, $0x2;
	v12 =	vmul.u32 $0x3, v40;
	v40 =	vmul.u32 $0x3, v26;
	v26 =	vld [tilespmem:$0xAD0]  }
0x13c: {  	v17 =	vadd.s32 v17, v16;
	v18 =	vshll.u32 v18, $0x2;
	[tilespmem:$0x1FF70] =	vst v49;
	v49 =	vld [tilespmem:$0x320]  }
0x13d: {  	[tilespmem:$0x1250] =	vst v17;
	v19 =	vadd.s32 v19, v18;
	v22 =	vshll.u32 v22, $0x2;
	v42 =	vld [tilespmem:$0x1FF30]  }
0x13e: {  	[tilespmem:$0x1260] =	vst v19;
	v23 =	vadd.s32 v23, v22;
	v47 =	vld [tilespmem:$0x1FF60]  }
0x13f: {  	[tilespmem:$0x1270] =	vst v23;
	v46 =	vld [tilespmem:$0x1FF50]  }
0x140: {  	[tilespmem:$0x10E0] =	vst v11;
	v48 =	vld [tilespmem:$0x1FF70]  }
0x141: {  	v11 =	vadd.s32 v43, v12;
	[tilespmem:$0x1FFA0] =	vst v49;
	v49 =	vld [tilespmem:$0x730]  }
0x142: {  	v24 =	vshll.u32 v24, $0x2;
	v43 =	vadd.s32 v21, v40;
	[tilespmem:$0x10F0] =	vst v11;
	v13 =	vmul.u32 $0x3, v42;
	v52 =	vld [tilespmem:$0x1FF80]  }
0x143: {  	v21 =	vld [tilespmem:$0xAE0];
	v40 =	vadd.s32 v25, v24;
	[tilespmem:$0x1170] =	vst v43  }
0x144: {  	[tilespmem:$0x1280] =	vst v40;
	v42 =	vmul.u32 $0x3, v32;
	v11 =	vadd.s32 v47, v13;
	v54 =	vld [tilespmem:$0x1FFA0]  }
0x145: {  	v24 =	vld [tilespmem:$0xDA0];
	[tilespmem:$0x1100] =	vst v11;
	v12 =	vmul.u32 $0x3, v46  }
0x146: {  	v32 =	vld [tilespmem:$0xCD0];
	v47 =	vadd.s32 v27, v42;
	v13 =	vmul.u32 $0x3, v48;
	v48 =	vmul.u32 $0x3, v44;
	[tilespmem:$0x1FF90] =	vst v49  }
0x147: {  	[tilespmem:$0x1180] =	vst v47;
	v11 =	vadd.s32 v52, v12;
	v53 =	vld [tilespmem:$0x1FF90]  }
0x148: {  	v50 =	vmul.u32 $0x3, v50;
	v27 =	vld [tilespmem:$0xCE0];
	[tilespmem:$0x1110] =	vst v11;
	v52 =	vadd.s32 v39, v48  }
0x149: {  	[tilespmem:$0x11A0] =	vst v52;
	v49 =	vld [tilespmem:$0x330];
	v11 =	vadd.s32 v54, v13  }
0x14a: {  	v42 =	vld [tilespmem:$0xD60];
	v13 =	vmul.u32 $0x3, v55;
	v54 =	vadd.s32 v45, v50;
	v50 =	vshll.u32 v36, $0x2;
	[tilespmem:$0x1120] =	vst v11  }
0x14b: {  	v46 =	vmul.u32 $0x3, v38;
	v38 =	vld [tilespmem:$0xB00];
	v44 =	vshll.u32 v30, $0x2;
	[tilespmem:$0x11B0] =	vst v54;
	v52 =	vadd.s32 v20, v50  }
0x14c: {  	v30 =	vld [tilespmem:$0xDB0];
	v50 =	vshll.u32 v63, $0x2;
	v11 =	vadd.s32 v60, v13;
	[tilespmem:$0x12C0] =	vst v52;
	v12 =	vmul.u32 $0x3, v53  }
0x14d: {  	v39 =	vld [tilespmem:$0xB60];
	v52 =	vadd.s32 v24, v50;
	[tilespmem:$0x1140] =	vst v11  }
0x14e: {  	v48 =	vld [tilespmem:$0xD70];
	[tilespmem:$0x13A0] =	vst v52;
	v53 =	vmul.u32 $0x3, v56;
	v58 =	vadd.s32 v49, v12  }
0x14f: {  	v45 =	vld [tilespmem:$0xB70];
	v49 =	vadd.s32 v33, v46;
	[tilespmem:$0x1130] =	vst v58  }
0x150: {  	v55 =	vmul.u32 $0x3, v62;
	v36 =	vld [tilespmem:$0xDC0];
	v56 =	vadd.s32 v51, v53;
	[tilespmem:$0x1190] =	vst v49  }
0x151: {  	v54 =	vld [tilespmem:$0xD80];
	v46 =	vadd.s32 v31, v44;
	[tilespmem:$0x11C0] =	vst v56  }
0x152: {  	v13 =	vld [tilespmem:$0xD00];
	v12 =	vmul.u32 $0x3, v59;
	v59 =	vshll.u32 v2, $0x2;
	v58 =	vadd.s32 v57, v55;
	[tilespmem:$0x12A0] =	vst v46  }
0x153: {  	v47 =	vshll.u32 v34, $0x2;
	v33 =	vld [tilespmem:$0xAF0];
	v60 =	vadd.s32 v3, v59;
	[tilespmem:$0x11D0] =	vst v58  }
0x154: {  	v2 =	vld [tilespmem:$0xB20];
	v53 =	vshll.u32 v26, $0x2;
	v49 =	vadd.s32 v35, v47;
	[tilespmem:$0x1200] =	vst v60  }
0x155: {  	v51 =	vld [tilespmem:$0xB80];
	v55 =	vadd.s32 v32, v53;
	[tilespmem:$0x12B0] =	vst v49  }
0x156: {  	v3 =	vld [tilespmem:$0xD20];
	v56 =	vshll.u32 v21, $0x2;
	v11 =	vadd.s32 v37, v12;
	[tilespmem:$0x12D0] =	vst v55  }
0x157: {  	v57 =	vld [tilespmem:$0xB90];
	v58 =	vadd.s32 v27, v56;
	[tilespmem:$0x1150] =	vst v11  }
0x158: {  	v37 =	vld [tilespmem:$0xCF0];
	v11 =	vadd.s32 v41, v61;
	v61 =	vshll.u32 v4, $0x2;
	[tilespmem:$0x12E0] =	vst v58  }
0x159: {  	v12 =	vld [tilespmem:$0xB10];
	v41 =	vshll.u32 v28, $0x2;
	[tilespmem:$0x1160] =	vst v11;
	v62 =	vadd.s32 v6, v61  }
0x15a: {  	v60 =	vld [tilespmem:$0xD90];
	v43 =	vadd.s32 v29, v41;
	v41 =	vshll.u32 v45, $0x2;
	[tilespmem:$0x1210] =	vst v62  }
0x15b: {  	v27 =	vld [tilespmem:$0xBB0];
	[tilespmem:$0x1290] =	vst v43;
	v62 =	vshll.u32 v38, $0x2;
	v43 =	vadd.s32 v48, v41  }
0x15c: {  	v4 =	vld [tilespmem:$0xB30];
	v26 =	vshll.u32 v2, $0x2;
	v22 =	vadd.s32 v13, v62;
	[tilespmem:$0x1370] =	vst v43  }
0x15d: {  	v11 =	vld [tilespmem:$0xD10];
	v38 =	vshll.u32 v39, $0x2;
	v28 =	vadd.s32 v3, v26;
	[tilespmem:$0x1300] =	vst v22  }
0x15e: {  	v6 =	vld [tilespmem:$0xB40];
	v44 =	vshll.u32 v51, $0x2;
	v40 =	vadd.s32 v42, v38;
	[tilespmem:$0x1320] =	vst v28  }
0x15f: {  	v45 =	vld [tilespmem:$0xBE0];
	v59 =	vshll.u32 v33, $0x2;
	v46 =	vadd.s32 v54, v44;
	[tilespmem:$0x1360] =	vst v40  }
0x160: {  	v35 =	vshll.u32 v8, $0x2;
	v33 =	vld [tilespmem:$0xBC0];
	v61 =	vadd.s32 v37, v59;
	[tilespmem:$0x1380] =	vst v46  }
0x161: {  	v39 =	vld [tilespmem:$0xBD0];
	v47 =	vshll.u32 v57, $0x2;
	v37 =	vadd.s32 v9, v35;
	[tilespmem:$0x12F0] =	vst v61  }
0x162: {  	v48 =	vld [tilespmem:$0xDE0];
	v49 =	vadd.s32 v60, v47;
	v53 =	vshll.u32 v27, $0x2;
	[tilespmem:$0x1350] =	vst v37  }
0x163: {  	v51 =	vld [tilespmem:$0xBF0];
	v23 =	vshll.u32 v12, $0x2;
	[tilespmem:$0x1390] =	vst v49;
	v55 =	vadd.s32 v30, v53  }
0x164: {  	v42 =	vld [tilespmem:$0xDD0];
	v29 =	vshll.u32 v4, $0x2;
	v25 =	vadd.s32 v11, v23;
	[tilespmem:$0x13B0] =	vst v55  }
0x165: {  	v54 =	vld [tilespmem:$0xDF0];
	v31 =	vadd.s32 v5, v29;
	v32 =	vshll.u32 v6, $0x2;
	[tilespmem:$0x1310] =	vst v25  }
0x166: {  	v60 =	vshll.u32 v45, $0x2;
	[tilespmem:$0x1330] =	vst v31;
	v34 =	vadd.s32 v7, v32  }
0x167: {  	v56 =	vshll.u32 v33, $0x2;
	v61 =	vadd.s32 v48, v60;
	[tilespmem:$0x1340] =	vst v34  }
0x168: {  	v58 =	vshll.u32 v39, $0x2;
	v57 =	vadd.s32 v36, v56;
	[tilespmem:$0x13E0] =	vst v61  }
0x169: {  	s16 =	rddreg [dreg:$0x1b];
	v62 =	vshll.u32 v51, $0x2;
	v59 =	vadd.s32 v42, v58;
	[tilespmem:$0x13C0] =	vst v57  }
0x16a: {  	s15 =	rddreg [dreg:$0x1c];
	v63 =	vadd.s32 v54, v62;
	[tilespmem:$0x13D0] =	vst v59  }
0x16b: {  	s17 =	rddreg [dreg:$0x1e];
	[tilespmem:$0x13F0] =	vst v63  }
0x16c: {  	[tilespmem:s28], [sflag:$0x2] =	stream.indirect.gather [hbm4b:s4+s21], $0x8, s3, s21, $0xb8;
	[tilespmem:$0xB400] =	vst v63  }
0x16d: {  	s18 =	rddreg [dreg:$0x1f]  }
0x16e: {  	[tilespmem:s16], [sflag:$0x2] =	stream.indirect.gather [hbm4b:s4+s21], $0x8, s21, s21, $0xb8;
	[tilespmem:$0xB400] =	vst v63  }
0x16f: {  	s16 =	rddreg [dreg:$0x1d]  }
0x170: {  	[tilespmem:s16], [sflag:$0x2] =	stream.indirect.gather [hbm4b:s4+s21], $0x8, s15, s21, $0xb8;
	[tilespmem:$0xB400] =	vst v63  }
0x171: {  	s16 =	sld [smem:$0x7C7]  }
0x172: {  	[tilespmem:s18], [sflag:$0x2] =	stream.indirect.gather [hbm4b:s4+s21], $0x8, s17, s21, $0xb8;
	[tilespmem:$0xB400] =	vst v63  }
0x173: {  	s17 =	sld [smem:$0x7C5]  }
0x174: {  	s18 =	sld [smem:$0x7C6]  }
0x175: {  	[tilespmem:s29], [sflag:$0x2] =	stream.indirect.gather [hbm4b:s5+s21], $0x8, s19, s21, $0xb8;
	[tilespmem:$0xB400] =	vst v63  }
0x176: {  	s15 =	sld [smem:$0x7E5]  }
0x177: {  	[tilespmem:s18], [sflag:$0x2] =	stream.indirect.gather [hbm4b:s5+s21], $0x8, s17, s21, $0xb8;
	[tilespmem:$0xB400] =	vst v63  }
0x178: {  	s17 =	sld [smem:$0x7C8]  }
0x179: {  	s19 =	sld [smem:$0x7CA]  }
0x17a: {  	s18 =	sld [smem:$0x7C9]  }
0x17b: {  	[tilespmem:s17], [sflag:$0x2] =	stream.indirect.gather [hbm4b:s5+s21], $0x8, s16, s21, $0xb8;
	[tilespmem:$0xB400] =	vst v63  }
0x17c: {  	s17 =	sld [smem:$0x7CB]  }
0x17d: {  	[tilespmem:s19], [sflag:$0x2] =	stream.indirect.gather [hbm4b:s5+s21], $0x8, s18, s21, $0xb8;
	[tilespmem:$0xB400] =	vst v63  }
0x17e: {  	s18 =	sld [smem:$0x7CC];
	s19 =	simm.s32 $0x3400  }
0x17f: {  	[tilespmem:s19], [sflag:$0x2] =	stream.indirect.gather [hbm4b:s2+s21], $0x8, s22, s21, $0xb8;
	[tilespmem:$0xB400] =	vst v63  }
0x180: {  	s16 =	sld [smem:$0x7CD]  }
0x181: {  	[tilespmem:s18], [sflag:$0x2] =	stream.indirect.gather [hbm4b:s2+s21], $0x8, s17, s21, $0xb8;
	[tilespmem:$0xB400] =	vst v63  }
0x182: {  	s17 =	sld [smem:$0x7CE]  }
0x183: {  	s22 =	sld [smem:$0x7D0]  }
0x184: {  	s18 =	sld [smem:$0x7CF]  }
0x185: {  	[tilespmem:s17], [sflag:$0x2] =	stream.indirect.gather [hbm4b:s2+s21], $0x8, s16, s21, $0xb8;
	[tilespmem:$0xB400] =	vst v63  }
0x186: {  	s17 =	sld [smem:$0x7D1]  }
0x187: {  	[tilespmem:s22], [sflag:$0x2] =	stream.indirect.gather [hbm4b:s2+s21], $0x8, s18, s21, $0xb8;
	[tilespmem:$0xB400] =	vst v63  }
0x188: {  	s18 =	sld [smem:$0x7D2];
	s22 =	simm.s32 $0x4400  }
0x189: {  	[tilespmem:s22], [sflag:$0x2] =	stream.indirect.gather [hbm4b:s6+s21], $0x8, s23, s21, $0xb8;
	[tilespmem:$0xB400] =	vst v63  }
0x18a: {  	s16 =	sld [smem:$0x7D3]  }
0x18b: {  	[tilespmem:s18], [sflag:$0x2] =	stream.indirect.gather [hbm4b:s6+s21], $0x8, s17, s21, $0xb8;
	[tilespmem:$0xB400] =	vst v63  }
0x18c: {  	s17 =	sld [smem:$0x7D4]  }
0x18d: {  	s23 =	sld [smem:$0x7D6]  }
0x18e: {  	s18 =	sld [smem:$0x7D5]  }
0x18f: {  	[tilespmem:s17], [sflag:$0x2] =	stream.indirect.gather [hbm4b:s6+s21], $0x8, s16, s21, $0xb8;
	[tilespmem:$0xB400] =	vst v63  }
0x190: {  	s17 =	sld [smem:$0x7D7]  }
0x191: {  	[tilespmem:s23], [sflag:$0x2] =	stream.indirect.gather [hbm4b:s6+s21], $0x8, s18, s21, $0xb8;
	[tilespmem:$0xB400] =	vst v63  }
0x192: {  	s18 =	sld [smem:$0x7D8];
	s23 =	simm.s32 $0x5400  }
0x193: {  	[tilespmem:s23], [sflag:$0x2] =	stream.indirect.gather [hbm4b:s7+s21], $0x8, s24, s21, $0xb8;
	[tilespmem:$0xB400] =	vst v63  }
0x194: {  	s16 =	sld [smem:$0x7D9]  }
0x195: {  	[tilespmem:s18], [sflag:$0x2] =	stream.indirect.gather [hbm4b:s7+s21], $0x8, s17, s21, $0xb8;
	[tilespmem:$0xB400] =	vst v63  }
0x196: {  	s17 =	sld [smem:$0x7DA]  }
0x197: {  	s24 =	sld [smem:$0x7DC]  }
0x198: {  	s18 =	sld [smem:$0x7DB]  }
0x199: {  	[tilespmem:s17], [sflag:$0x2] =	stream.indirect.gather [hbm4b:s7+s21], $0x8, s16, s21, $0xb8;
	[tilespmem:$0xB400] =	vst v63  }
0x19a: {  	s17 =	sld [smem:$0x7DD]  }
0x19b: {  	[tilespmem:s24], [sflag:$0x2] =	stream.indirect.gather [hbm4b:s7+s21], $0x8, s18, s21, $0xb8;
	[tilespmem:$0xB400] =	vst v63  }
0x19c: {  	s18 =	sld [smem:$0x7DE];
	s24 =	simm.s32 $0x6400  }
0x19d: {  	[tilespmem:s24], [sflag:$0x2] =	stream.indirect.gather [hbm4b:s8+s21], $0x8, s25, s21, $0xb8;
	[tilespmem:$0xB400] =	vst v63  }
0x19e: {  	s16 =	sld [smem:$0x7DF]  }
0x19f: {  	[tilespmem:s18], [sflag:$0x2] =	stream.indirect.gather [hbm4b:s8+s21], $0x8, s17, s21, $0xb8;
	[tilespmem:$0xB400] =	vst v63  }
0x1a0: {  	s17 =	sld [smem:$0x7E0]  }
0x1a1: {  	s25 =	sld [smem:$0x7E2]  }
0x1a2: {  	s18 =	sld [smem:$0x7E1]  }
0x1a3: {  	[tilespmem:s17], [sflag:$0x2] =	stream.indirect.gather [hbm4b:s8+s21], $0x8, s16, s21, $0xb8;
	[tilespmem:$0xB400] =	vst v63  }
0x1a4: {  	s17 =	sld [smem:$0x7E3]  }
0x1a5: {  	[tilespmem:s25], [sflag:$0x2] =	stream.indirect.gather [hbm4b:s8+s21], $0x8, s18, s21, $0xb8;
	[tilespmem:$0xB400] =	vst v63  }
0x1a6: {  	s18 =	sld [smem:$0x7E4];
	s25 =	simm.s32 $0x7400  }
0x1a7: {  	[tilespmem:s25], [sflag:$0x2] =	stream.indirect.gather [hbm4b:s9+s21], $0x8, s26, s21, $0xb8;
	[tilespmem:$0xB400] =	vst v63  }
0x1a8: {  	s16 =	sld [smem:$0x7E6]  }
0x1a9: {  	[tilespmem:s18], [sflag:$0x2] =	stream.indirect.gather [hbm4b:s9+s21], $0x8, s17, s21, $0xb8;
	[tilespmem:$0xB400] =	vst v63  }
0x1aa: {  	s17 =	sld [smem:$0x7E7]  }
0x1ab: {  	s18 =	sld [smem:$0x7E8]  }
0x1ac: {  	[tilespmem:s16], [sflag:$0x2] =	stream.indirect.gather [hbm4b:s9+s21], $0x8, s15, s21, $0xb8;
	[tilespmem:$0xB400] =	vst v63  }
0x1ad: {  	s16 =	sld [smem:$0x7E9]  }
0x1ae: {  	s15 =	sld [smem:$0x7EC]  }
0x1af: {  	[tilespmem:s18], [sflag:$0x2] =	stream.indirect.gather [hbm4b:s9+s21], $0x8, s17, s21, $0xb8;
	[tilespmem:$0xB400] =	vst v63  }
0x1b0: {  	s17 =	sld [smem:$0x7EA]  }
0x1b1: {  	s18 =	sld [smem:$0x7EB]  }
0x1b2: {  	[tilespmem:s30], [sflag:$0x2] =	stream.indirect.gather [hbm4b:s10+s21], $0x8, s16, s21, $0xb8;
	[tilespmem:$0xB400] =	vst v63  }
0x1b3: {  	s16 =	sld [smem:$0x7ED]  }
0x1b4: {  	[tilespmem:s18], [sflag:$0x2] =	stream.indirect.gather [hbm4b:s10+s21], $0x8, s17, s21, $0xb8;
	[tilespmem:$0xB400] =	vst v63  }
0x1b5: {  	s17 =	sld [smem:$0x7EE]  }
0x1b6: {  	s18 =	sld [smem:$0x7EF]  }
0x1b7: {  	[tilespmem:s16], [sflag:$0x2] =	stream.indirect.gather [hbm4b:s10+s21], $0x8, s15, s21, $0xb8;
	[tilespmem:$0xB400] =	vst v63  }
0x1b8: {  	s16 =	sld [smem:$0x7F0]  }
0x1b9: {  	s15 =	sld [smem:$0x7F3]  }
0x1ba: {  	[tilespmem:s18], [sflag:$0x2] =	stream.indirect.gather [hbm4b:s10+s21], $0x8, s17, s21, $0xb8;
	[tilespmem:$0xB400] =	vst v63  }
0x1bb: {  	s17 =	sld [smem:$0x7F1]  }
0x1bc: {  	s18 =	sld [smem:$0x7F2]  }
0x1bd: {  	[tilespmem:s31], [sflag:$0x2] =	stream.indirect.gather [hbm4b:s11+s21], $0x8, s16, s21, $0xb8;
	[tilespmem:$0xB400] =	vst v63  }
0x1be: {  	s16 =	sld [smem:$0x7F4]  }
0x1bf: {  	[tilespmem:s18], [sflag:$0x2] =	stream.indirect.gather [hbm4b:s11+s21], $0x8, s17, s21, $0xb8;
	[tilespmem:$0xB400] =	vst v63  }
0x1c0: {  	s17 =	sld [smem:$0x7F5]  }
0x1c1: {  	s18 =	sld [smem:$0x7F6]  }
0x1c2: {  	[tilespmem:s16], [sflag:$0x2] =	stream.indirect.gather [hbm4b:s11+s21], $0x8, s15, s21, $0xb8;
	[tilespmem:$0xB400] =	vst v63  }
0x1c3: {  	s16 =	sld [smem:$0x7F7]  }
0x1c4: {  	s15 =	sld [smem:$0x7FA]  }
0x1c5: {  	[tilespmem:s18], [sflag:$0x2] =	stream.indirect.gather [hbm4b:s11+s21], $0x8, s17, s21, $0xb8;
	[tilespmem:$0xB400] =	vst v63  }
0x1c6: {  	s17 =	sld [smem:$0x7F8]  }
0x1c7: {  	s18 =	sld [smem:$0x7F9]  }
0x1c8: {  	[tilespmem:s1], [sflag:$0x2] =	stream.indirect.gather [hbm4b:s12+s21], $0x8, s16, s21, $0xb8;
	[tilespmem:$0xB400] =	vst v63  }
0x1c9: {  	s16 =	sld [smem:$0x7FB]  }
0x1ca: {  	[tilespmem:s18], [sflag:$0x2] =	stream.indirect.gather [hbm4b:s12+s21], $0x8, s17, s21, $0xb8;
	[tilespmem:$0xB400] =	vst v63  }
0x1cb: {  	s17 =	sld [smem:$0x7FC]  }
0x1cc: {  	s18 =	sld [smem:$0x7FD]  }
0x1cd: {  	[tilespmem:s16], [sflag:$0x2] =	stream.indirect.gather [hbm4b:s12+s21], $0x8, s15, s21, $0xb8;
	[tilespmem:$0xB400] =	vst v63  }
0x1ce: {  	_ = 	snop  }
0x1cf: {  	[tilespmem:s18], [sflag:$0x2] =	stream.indirect.gather [hbm4b:s12+s21], $0x8, s17, s21, $0xb8;
	[tilespmem:$0xB400] =	vst v63  }
0x1d0: {  	_ =	swait.ge [sflag:s0], $0x400  }
0x1d1: {  	[sflag:s0] =	ssyncset.done $0x0  }
0x1d2: {  	[sflag:s0] =	ssyncadd.s32 $0xFFFFFC00  }
0x1d3: {  	_ =	swait.ge [sflag:s0], $0x400  }
0x1d4: {  	[sflag:s0] =	ssyncset.done $0x0  }
0x1d5: {  	[sflag:s0] =	ssyncadd.s32 $0xFFFFFC00  }
0x1d6: {  	_ =	swait.ge [sflag:s0], $0x400  }
0x1d7: {  	[sflag:s0] =	ssyncset.done $0x0  }
0x1d8: {  	[sflag:s0] =	ssyncadd.s32 $0xFFFFFC00  }
0x1d9: {  	_ =	swait.ge [sflag:s0], $0x400  }
0x1da: {  	[sflag:s0] =	ssyncset.done $0x0  }
0x1db: {  	[sflag:s0] =	ssyncadd.s32 $0xFFFFFC00  }
0x1dc: {  	_ =	swait.ge [sflag:s0], $0x400  }
0x1dd: {  	[sflag:s0] =	ssyncset.done $0x0  }
0x1de: {  	[sflag:s0] =	ssyncadd.s32 $0xFFFFFC00  }
0x1df: {  	_ =	swait.ge [sflag:s0], $0x400  }
0x1e0: {  	[sflag:s0] =	ssyncset.done $0x0  }
0x1e1: {  	[sflag:s0] =	ssyncadd.s32 $0xFFFFFC00  }
0x1e2: {  	_ =	swait.ge [sflag:s0], $0x400  }
0x1e3: {  	[sflag:s0] =	ssyncset.done $0x0  }
0x1e4: {  	[sflag:s0] =	ssyncadd.s32 $0xFFFFFC00  }
0x1e5: {  	_ =	swait.ge [sflag:s0], $0x400  }
0x1e6: {  	[sflag:s0] =	ssyncset.done $0x0  }
0x1e7: {  	[sflag:s0] =	ssyncadd.s32 $0xFFFFFC00  }
0x1e8: {  	_ =	swait.ge [sflag:s0], $0x400  }
0x1e9: {  	[sflag:s0] =	ssyncset.done $0x0  }
0x1ea: {  	[sflag:s0] =	ssyncadd.s32 $0xFFFFFC00  }
0x1eb: {  	_ =	swait.ge [sflag:s0], $0x400  }
0x1ec: {  	[sflag:s0] =	ssyncset.done $0x0  }
0x1ed: {  	[sflag:s0] =	ssyncadd.s32 $0xFFFFFC00  }
0x1ee: {  	_ =	swait.ge [sflag:s0], $0x400  }
0x1ef: {  	[sflag:s0] =	ssyncset.done $0x0  }
0x1f0: {  	[sflag:s0] =	ssyncadd.s32 $0xFFFFFC00  }
0x1f1: {  	_ =	swait.ge [sflag:s0], $0x400  }
0x1f2: {  	[sflag:s0] =	ssyncset.done $0x0  }
0x1f3: {  	[sflag:s0] =	ssyncadd.s32 $0xFFFFFC00  }
0x1f4: {  	_ =	swait.ge [sflag:s0], $0x400  }
0x1f5: {  	[sflag:s0] =	ssyncset.done $0x0  }
0x1f6: {  	[sflag:s0] =	ssyncadd.s32 $0xFFFFFC00  }
0x1f7: {  	_ =	swait.ge [sflag:s0], $0x400  }
0x1f8: {  	[sflag:s0] =	ssyncset.done $0x0  }
0x1f9: {  	[sflag:s0] =	ssyncadd.s32 $0xFFFFFC00  }
0x1fa: {  	_ =	swait.ge [sflag:s0], $0x400  }
0x1fb: {  	[sflag:s0] =	ssyncset.done $0x0  }
0x1fc: {  	[sflag:s0] =	ssyncadd.s32 $0xFFFFFC00  }
0x1fd: {  	_ =	swait.ge [sflag:s0], $0x400  }
0x1fe: {  	[sflag:s0] =	ssyncset.done $0x0  }
0x1ff: {  	[sflag:s0] =	ssyncadd.s32 $0xFFFFFC00  }
0x200: {  	_ =	swait.ge [sflag:s0], $0x400  }
0x201: {  	[sflag:s0] =	ssyncset.done $0x0  }
0x202: {  	[sflag:s0] =	ssyncadd.s32 $0xFFFFFC00  }
0x203: {  	_ =	swait.ge [sflag:s0], $0x400  }
0x204: {  	[sflag:s0] =	ssyncset.done $0x0  }
0x205: {  	[sflag:s0] =	ssyncadd.s32 $0xFFFFFC00  }
0x206: {  	_ =	swait.ge [sflag:s0], $0x400  }
0x207: {  	[sflag:s0] =	ssyncset.done $0x0  }
0x208: {  	[sflag:s0] =	ssyncadd.s32 $0xFFFFFC00  }
0x209: {  	_ =	swait.ge [sflag:s0], $0x400  }
0x20a: {  	[sflag:s0] =	ssyncset.done $0x0  }
0x20b: {  	[sflag:s0] =	ssyncadd.s32 $0xFFFFFC00  }
0x20c: {  	_ =	swait.ge [sflag:s0], $0x400  }
0x20d: {  	[sflag:s0] =	ssyncset.done $0x0  }
0x20e: {  	[sflag:s0] =	ssyncadd.s32 $0xFFFFFC00  }
0x20f: {  	_ =	swait.ge [sflag:s0], $0x400  }
0x210: {  	[sflag:s0] =	ssyncset.done $0x0  }
0x211: {  	[sflag:s0] =	ssyncadd.s32 $0xFFFFFC00  }
0x212: {  	_ =	swait.ge [sflag:s0], $0x400  }
0x213: {  	[sflag:s0] =	ssyncset.done $0x0  }
0x214: {  	[sflag:s0] =	ssyncadd.s32 $0xFFFFFC00  }
0x215: {  	_ =	swait.ge [sflag:s0], $0x400  }
0x216: {  	[sflag:s0] =	ssyncset.done $0x0  }
0x217: {  	[sflag:s0] =	ssyncadd.s32 $0xFFFFFC00  }
0x218: {  	_ =	swait.ge [sflag:s0], $0x400  }
0x219: {  	[sflag:s0] =	ssyncset.done $0x0  }
0x21a: {  	[sflag:s0] =	ssyncadd.s32 $0xFFFFFC00  }
0x21b: {  	_ =	swait.ge [sflag:s0], $0x400  }
0x21c: {  	[sflag:s0] =	ssyncset.done $0x0  }
0x21d: {  	[sflag:s0] =	ssyncadd.s32 $0xFFFFFC00  }
0x21e: {  	_ =	swait.ge [sflag:s0], $0x400  }
0x21f: {  	[sflag:s0] =	ssyncset.done $0x0  }
0x220: {  	[sflag:s0] =	ssyncadd.s32 $0xFFFFFC00  }
0x221: {  	_ =	swait.ge [sflag:s0], $0x400  }
0x222: {  	[sflag:s0] =	ssyncset.done $0x0  }
0x223: {  	[sflag:s0] =	ssyncadd.s32 $0xFFFFFC00  }
0x224: {  	_ =	swait.ge [sflag:s0], $0x400  }
0x225: {  	[sflag:s0] =	ssyncset.done $0x0  }
0x226: {  	[sflag:s0] =	ssyncadd.s32 $0xFFFFFC00  }
0x227: {  	_ =	swait.ge [sflag:s0], $0x400  }
0x228: {  	[sflag:s0] =	ssyncset.done $0x0  }
0x229: {  	[sflag:s0] =	ssyncadd.s32 $0xFFFFFC00  }
0x22a: {  	_ =	swait.ge [sflag:s0], $0x400  }
0x22b: {  	[sflag:s0] =	ssyncset.done $0x0  }
0x22c: {  	[sflag:s0] =	ssyncadd.s32 $0xFFFFFC00  }
0x22d: {  	_ =	swait.ge [sflag:s0], $0x400  }
0x22e: {  	[sflag:s0] =	ssyncset.done $0x0  }
0x22f: {  	[sflag:s0] =	ssyncadd.s32 $0xFFFFFC00  }
0x230: {  	_ =	swait.ge [sflag:s0], $0x400  }
0x231: {  	[sflag:s0] =	ssyncset.done $0x0  }
0x232: {  	[sflag:s0] =	ssyncadd.s32 $0xFFFFFC00  }
0x233: {  	_ =	swait.ge [sflag:s0], $0x400  }
0x234: {  	[sflag:s0] =	ssyncset.done $0x0  }
0x235: {  	[sflag:s0] =	ssyncadd.s32 $0xFFFFFC00  }
0x236: {  	_ =	swait.ge [sflag:s0], $0x400  }
0x237: {  	[sflag:s0] =	ssyncset.done $0x0  }
0x238: {  	[sflag:s0] =	ssyncadd.s32 $0xFFFFFC00  }
0x239: {  	_ =	swait.ge [sflag:s0], $0x400  }
0x23a: {  	[sflag:s0] =	ssyncset.done $0x0  }
0x23b: {  	[sflag:s0] =	ssyncadd.s32 $0xFFFFFC00  }
0x23c: {  	_ =	swait.ge [sflag:s0], $0x400  }
0x23d: {  	[sflag:s0] =	ssyncset.done $0x0  }
0x23e: {  	[sflag:s0] =	ssyncadd.s32 $0xFFFFFC00  }
0x23f: {  	_ =	swait.ge [sflag:s0], $0x400  }
0x240: {  	[sflag:s0] =	ssyncset.done $0x0  }
0x241: {  	[sflag:s0] =	ssyncadd.s32 $0xFFFFFC00  }
0x242: {  	_ =	swait.ge [sflag:s0], $0x400  }
0x243: {  	[sflag:s0] =	ssyncset.done $0x0  }
0x244: {  	[sflag:s0] =	ssyncadd.s32 $0xFFFFFC00  }
0x245: {  	_ =	swait.ge [sflag:s0], $0x400  }
0x246: {  	[sflag:s0] =	ssyncset.done $0x0  }
0x247: {  	s16 =	rddreg [dreg:$0x11];
	[sflag:s0] =	ssyncadd.s32 $0xFFFFFC00  }
0x248: {  	[hbm4b:s16+s3] =	stream.linear.scatter [tilespmem:s28], [sflag:$0x3], $0x1000, $0x38;
	[tilespmem:$0xB400] =	vst v63  }
0x249: {  	s17 =	rddreg [dreg:$0x12]  }
0x24a: {  	[hbm4b:s17+s3] =	stream.linear.scatter [tilespmem:s29], [sflag:$0x3], $0x1000, $0x38;
	[tilespmem:$0xB400] =	vst v63  }
0x24b: {  	s18 =	rddreg [dreg:$0x13]  }
0x24c: {  	[hbm4b:s18+s3] =	stream.linear.scatter [tilespmem:s19], [sflag:$0x3], $0x1000, $0x38;
	[tilespmem:$0xB400] =	vst v63  }
0x24d: {  	s17 =	rddreg [dreg:$0x14]  }
0x24e: {  	[hbm4b:s17+s3] =	stream.linear.scatter [tilespmem:s22], [sflag:$0x3], $0x1000, $0x38;
	[tilespmem:$0xB400] =	vst v63  }
0x24f: {  	s18 =	rddreg [dreg:$0x15]  }
0x250: {  	[hbm4b:s18+s3] =	stream.linear.scatter [tilespmem:s23], [sflag:$0x3], $0x1000, $0x38;
	[tilespmem:$0xB400] =	vst v63  }
0x251: {  	s19 =	rddreg [dreg:$0x16]  }
0x252: {  	[hbm4b:s19+s3] =	stream.linear.scatter [tilespmem:s24], [sflag:$0x3], $0x1000, $0x38;
	[tilespmem:$0xB400] =	vst v63  }
0x253: {  	s22 =	rddreg [dreg:$0x17]  }
0x254: {  	[hbm4b:s22+s3] =	stream.linear.scatter [tilespmem:s25], [sflag:$0x3], $0x1000, $0x38;
	[tilespmem:$0xB400] =	vst v63  }
0x255: {  	s23 =	rddreg [dreg:$0x18]  }
0x256: {  	[hbm4b:s23+s3] =	stream.linear.scatter [tilespmem:s30], [sflag:$0x3], $0x1000, $0x38;
	[tilespmem:$0xB400] =	vst v63  }
0x257: {  	s24 =	rddreg [dreg:$0x19]  }
0x258: {  	[hbm4b:s24+s3] =	stream.linear.scatter [tilespmem:s31], [sflag:$0x3], $0x1000, $0x38;
	[tilespmem:$0xB400] =	vst v63  }
0x259: {  	s25 =	rddreg [dreg:$0x1a]  }
0x25a: {  	[hbm4b:s25+s3] =	stream.linear.scatter [tilespmem:s1], [sflag:$0x3], $0x1000, $0x38;
	[tilespmem:$0xB400] =	vst v63  }
0x25b: {  	_ =	swait.ge [sflag:s14], $0x1000  }
0x25c: {  	[sflag:s14] =	ssyncset.done $0x0  }
0x25d: {  	[sflag:s14] =	ssyncadd.s32 $0xFFFFF000  }
0x25e: {  	_ =	swait.ge [sflag:s14], $0x1000  }
0x25f: {  	[sflag:s14] =	ssyncset.done $0x0  }
0x260: {  	[sflag:s14] =	ssyncadd.s32 $0xFFFFF000  }
0x261: {  	_ =	swait.ge [sflag:s14], $0x1000  }
0x262: {  	[sflag:s14] =	ssyncset.done $0x0  }
0x263: {  	[sflag:s14] =	ssyncadd.s32 $0xFFFFF000  }
0x264: {  	_ =	swait.ge [sflag:s14], $0x1000  }
0x265: {  	[sflag:s14] =	ssyncset.done $0x0  }
0x266: {  	[sflag:s14] =	ssyncadd.s32 $0xFFFFF000  }
0x267: {  	_ =	swait.ge [sflag:s14], $0x1000  }
0x268: {  	[sflag:s14] =	ssyncset.done $0x0  }
0x269: {  	[sflag:s14] =	ssyncadd.s32 $0xFFFFF000  }
0x26a: {  	_ =	swait.ge [sflag:s14], $0x1000  }
0x26b: {  	[sflag:s14] =	ssyncset.done $0x0  }
0x26c: {  	[sflag:s14] =	ssyncadd.s32 $0xFFFFF000  }
0x26d: {  	_ =	swait.ge [sflag:s14], $0x1000  }
0x26e: {  	[sflag:s14] =	ssyncset.done $0x0  }
0x26f: {  	[sflag:s14] =	ssyncadd.s32 $0xFFFFF000  }
0x270: {  	_ =	swait.ge [sflag:s14], $0x1000  }
0x271: {  	[sflag:s14] =	ssyncset.done $0x0  }
0x272: {  	[sflag:s14] =	ssyncadd.s32 $0xFFFFF000  }
0x273: {  	p0 =	sne.s32 s13, $0x1;
	_ =	swait.ge [sflag:s14], $0x1000  }
.Ltmp0:
0x274: {  	[sflag:s14] =	ssyncset.done $0x0;
	(pc) =	sbr.rel @p0 .LBB2_1-.Ltmp0, $4  }
0x275: {  	[sflag:s14] =	ssyncadd.s32 $0xFFFFF000  }
0x276: {  	_ =	swait.ge [sflag:s14], $0x1000  }
0x277: {  	[sflag:s14] =	ssyncset.done $0x0  }
0x278: {  	s13 =	sadd.s32 $0xFFFFFFFF, s13;
	[sflag:s14] =	ssyncadd.s32 $0xFFFFF000  }
0x279: {  	_ =	sfence.sel $0x180000  }
0x27a: {  	[bflag:$0x0] =	sbarrier.arrive $0xFFFF  }
0x27b: {  	_ =	strace $0x90000047  }
0x27c: {  	s0 =	stileid.u32;
	[bflag:$0x2] =	sbarrier.arrive $0xFFFF  }
0x27d: {  	p0 =	sne.s32 s0, $0x0;
	s0 =	rddreg [dreg:$0x9]  }
0x27e: {  	s0 =	sadd.s32 @!p0 $0x100000, s0  }
0x27f: {  	[sflag:s0] =	ssyncadd.tile.s32 @!p0 $0x1;
	_ =	shalt  }
.Lfunc_end2:
_tile_overlayer_lowered:
.L_overlay_start_2:
0x280: {  	(tag) =	ssettag $0x2  }
0x281: {  	s0 =	rddreg [dreg:$0x0];
	s2 =	stileid.u32  }
0x282: {  	s1 =	rddreg [dreg:$0x1];
	p0 =	sne.s32 s2, $0x0  }
0x283: {  	s3 =	rddreg [dreg:$0x2];
	[bflag:$0x3] =	sbarrier.arrive $0xFFFF;
	s2 =	simm.s32 @!p0 $0x1C04  }
0x284: {  	[timem:s3], [sflag:s2] =	dma.local @!p0 [hbm:s0], s1  }
0x285: {  	s0 =	simm.s32 @!p0 $0x4  }
0x286: {  	_ =	swait.ge @!p0 [sflag:s0], s1  }
0x287: {  	s1 =	ssub.s32 @!p0 $0x0, s1;
	[sflag:s0] =	ssyncset.done @!p0 $0x0  }
0x288: {  	[sflag:s0] =	ssyncadd.s32 @!p0 s1  }
0x289: {  	[bflag:$0x3] =	sbarrier.arrive $0xFFFF  }
0x28a: {  	_ =	shalt  }

// kernel: kernel.7.cloned.1.call-start
scs
__scs_entry_jumppad:
0x0: {  	(pc) =	sbr.rel $0x88, $3  }
0x1: {  	(tag) =	ssettag $0x0;
	lr =	simm.s32 $0x1  }
0x2: {  	[smem:$0x3F81] =	sst lr;
	_ =	strace $0xD0000000  }
0x3: {  	_ = 	snop  }
0x4: {  	_ = 	snop  }
0x5: {  	_ = 	snop  }
0x6: {  	_ = 	snop  }
0x7: {  	_ = 	snop  }
__scs_overlays_trampoline_lowered:
0x8: {  	[smem:$0x3F90] =	sst s0  }
0x9: {  	[smem:$0x3F91] =	sst s1  }
0xa: {  	[smem:$0x3F92] =	sst s2  }
0xb: {  	[smem:$0x3F93] =	sst s3  }
0xc: {  	[smem:$0x3F94] =	sst s4  }
0xd: {  	[smem:$0x3F95] =	sst s5  }
0xe: {  	[smem:$0x3F96] =	sst s6  }
0xf: {  	[smem:$0x3F97] =	sst s7  }
0x10: {  	[smem:$0x3F98] =	sst s8  }
0x11: {  	[smem:$0x3F99] =	sst s9;
	s0 =	simm.s32 @!p0 $0x0  }
0x12: {  	s1 =	sld [smem:$0x3F7F];
	s0 =	simm.s32 @p0 $0x1  }
0x13: {  	[smem:$0x3F9A] =	sst s0;
	s0 =	simm.s32 @!p1 $0x0  }
0x14: {  	s2 =	sld [smem:$0x3F7E];
	s0 =	simm.s32 @p1 $0x1  }
0x15: {  	[smem:$0x3F9B] =	sst s0;
	s0 =	simm.s32 @!p2 $0x0  }
0x16: {  	s3 =	sld [smem:$0x3FDB];
	s0 =	simm.s32 @p2 $0x1  }
0x17: {  	s4 =	simm.s32 $0x1BF5;
	[smem:$0x3F9D] =	sst s0  }
0x18: {  	s0 =	sld [smem:$0x3F80];
	_ =	swait.ge [sflag:s4], $0x0  }
0x19: {  	s7 =	sld [smem:$0x3F81]  }
0x1a: {  	s8 =	sadd.s32 $0xFFFFE003, lr  }
0x1b: {  	s9 =	sadd.s32 $0xFFFFFEF7, lr;
	s5 =	simm.s32 $0xFFFFFFFF;
	p2 =	slt.u32 s8, $0xFFFFF086  }
0x1c: {  	p1 =	slt.u32 s9, $0xF7A;
	s5 =	simm.s32 @!p2 $0x0  }
0x1d: {  	s5 =	simm.s32 @p1 $0x1;
	p0 =	seq.s32 s7, s2  }
0x1e: {  	s7 =	smul.u32 @!p0 $0xF7A, s2;
	p2 =	seq.s32 @!p0 s5, $0x0  }
0x1f: {  	s9 =	smul.u32 $0xF7A, s1;
	s8 =	simm.s32 @!p0 $0x1BF5;
	p2 =	por !p2, p0  }
0x20: {  	[sflag:s8] =	ssyncset.s32 @!p0 $0xFFFFF086;
	s6 =	sadd.s32 @!p0 s3, s7;
	s7 =	simm.s32 @!p0 $0x108  }
0x21: {  	s3 =	sadd.s32 s3, s9;
	s6 =	sadd.s32 @!p0 $0x88, s6;
	s7 =	simm.s32 @p2 $0x1082  }
0x22: {  	[simem:s7], [sflag:s8] =	dma.local @!p0 [hbm:s6], $0xF7A  }
0x23: {  	s9 =	sor.u32 $0xD0000000, s2;
	s6 =	simm.s32 $0x108;
	_ =	swait.ge @!p0 [sflag:s8], $0x0  }
0x24: {  	s3 =	sadd.s32 $0x88, s3;
	s6 =	simm.s32 @!p1 $0x1082;
	[sflag:s4] =	ssyncset.s32 $0xFFFFF086  }
0x25: {  	[simem:s6], [sflag:s4] =	dma.local [hbm:s3], $0xF7A  }
0x26: {  	[smem:$0x3F81] =	sst s1;
	(tag) =	ssettag s2;
	_ =	strace s9  }
0x27: {  	s1 =	sld [smem:$0x3F91]  }
0x28: {  	s2 =	sld [smem:$0x3F92]  }
0x29: {  	s4 =	sld [smem:$0x3F94]  }
0x2a: {  	p0 =	seq.s32 s5, $0x0;
	s5 =	sld [smem:$0x3F95]  }
0x2b: {  	s6 =	sld [smem:$0x3F96]  }
0x2c: {  	s7 =	sld [smem:$0x3F97]  }
0x2d: {  	s3 =	simm.s32 $0x108;
	s8 =	sld [smem:$0x3F98]  }
0x2e: {  	s3 =	simm.s32 @!p0 $0x1082;
	s9 =	sld [smem:$0x3F99]  }
0x2f: {  	lr =	sadd.s32 s0, s3;
	s0 =	sld [smem:$0x3F90]  }
0x30: {  	s3 =	sld [smem:$0x3F93]  }
0x31: {  	[smem:$0x3F9C] =	sst s10  }
0x32: {  	s10 =	sld [smem:$0x3F9A];
	_ =	sdelay $0x3  }
0x33: {  	p0 =	seq.s32 s10, $0x1;
	s10 =	sld [smem:$0x3F9C];
	_ =	sdelay $0x3  }
0x34: {  	[smem:$0x3F9C] =	sst s10  }
0x35: {  	s10 =	sld [smem:$0x3F9B];
	_ =	sdelay $0x3  }
0x36: {  	p1 =	seq.s32 s10, $0x1;
	s10 =	sld [smem:$0x3F9C];
	_ =	sdelay $0x3  }
0x37: {  	[smem:$0x3F9C] =	sst s10  }
0x38: {  	s10 =	sld [smem:$0x3F9D]  }
0x39: {  	_ = 	snop;
	(pc) =	sbr.ind lr, $3  }
0x3a: {  	_ = 	snop  }
0x3b: {  	_ = 	snop  }
0x3c: {  	p2 =	seq.s32 s10, $0x1;
	s10 =	sld [smem:$0x3F9C]  }
0x3d: {  	_ =	shalt  }
0x3e: {  	_ =	shalt  }
0x3f: {  	_ =	shalt  }
0x40: {  	_ =	shalt  }
0x41: {  	_ =	shalt  }
0x42: {  	_ =	shalt  }
0x43: {  	_ =	shalt  }
0x44: {  	_ =	shalt  }
0x45: {  	_ =	shalt  }
0x46: {  	_ =	shalt  }
0x47: {  	_ =	shalt  }
0x48: {  	_ =	shalt  }
0x49: {  	_ =	shalt  }
0x4a: {  	_ =	shalt  }
0x4b: {  	_ =	shalt  }
0x4c: {  	_ =	shalt  }
0x4d: {  	_ =	shalt  }
0x4e: {  	_ =	shalt  }
0x4f: {  	_ =	shalt  }
0x50: {  	_ =	shalt  }
0x51: {  	_ =	shalt  }
0x52: {  	_ =	shalt  }
0x53: {  	_ =	shalt  }
0x54: {  	_ =	shalt  }
0x55: {  	_ =	shalt  }
0x56: {  	_ =	shalt  }
0x57: {  	_ =	shalt  }
0x58: {  	_ =	shalt  }
0x59: {  	_ =	shalt  }
0x5a: {  	_ =	shalt  }
0x5b: {  	_ =	shalt  }
0x5c: {  	_ =	shalt  }
0x5d: {  	_ =	shalt  }
0x5e: {  	_ =	shalt  }
0x5f: {  	_ =	shalt  }
0x60: {  	_ =	shalt  }
0x61: {  	_ =	shalt  }
0x62: {  	_ =	shalt  }
0x63: {  	_ =	shalt  }
0x64: {  	_ =	shalt  }
0x65: {  	_ =	shalt  }
0x66: {  	_ =	shalt  }
0x67: {  	_ =	shalt  }
0x68: {  	_ =	shalt  }
0x69: {  	_ =	shalt  }
0x6a: {  	_ =	shalt  }
0x6b: {  	_ =	shalt  }
0x6c: {  	_ =	shalt  }
0x6d: {  	_ =	shalt  }
0x6e: {  	_ =	shalt  }
0x6f: {  	_ =	shalt  }
0x70: {  	_ =	shalt  }
0x71: {  	_ =	shalt  }
0x72: {  	_ =	shalt  }
0x73: {  	_ =	shalt  }
0x74: {  	_ =	shalt  }
0x75: {  	_ =	shalt  }
0x76: {  	_ =	shalt  }
0x77: {  	_ =	shalt  }
0x78: {  	_ =	shalt  }
0x79: {  	_ =	shalt  }
0x7a: {  	_ =	shalt  }
0x7b: {  	_ =	shalt  }
0x7c: {  	_ =	shalt  }
0x7d: {  	_ =	shalt  }
0x7e: {  	_ =	shalt  }
0x7f: {  	_ =	shalt  }
0x80: {  	_ =	shalt  }
0x81: {  	_ =	shalt  }
0x82: {  	_ =	shalt  }
0x83: {  	_ =	shalt  }
0x84: {  	_ =	shalt  }
0x85: {  	_ =	shalt  }
0x86: {  	_ =	shalt  }
0x87: {  	_ =	shalt  }
.Lfunc_end0:
.L_simem_size_0:
called_computation_lowered:
.L_overlay_start_0:
0x88: {  	s2 =	sld [smem:$0x3FD9]  }
0x89: {  	s3 =	sld [smem:$0x3FFE];
	_ =	sdelay $0x1  }
0x8a: {  	s1 =	srdreg.scid  }
0x8b: {  	s0 =	sand.u32 $0x1, s1  }
0x8c: {  	s17 =	sshll.u32 s0, $0xA;
	s2 =	sadd.s32 s3, s2  }
0x8d: {  	s2 =	sadd.s32 s2, s17  }
0x8e: {  	[smem:$0x3FA8] =	sst s2  }
0x8f: {  	_ = 	snop  }
0x90: {  	s18 =	sld [smem:$0x3FC9]  }
0x91: {  	s4 =	sld [smem:$0x3FC8];
	(tm) =	ssettm $0x1  }
0x92: {  	s19 =	sld [smem:$0x3FFB];
	_ =	sdelay $0x3  }
0x93: {  	_ =	strace s19  }
0x94: {  	s2 =	sld [smem:$0x3FFC];
	_ =	sdelay $0x3  }
0x95: {  	_ =	strace s2  }
0x96: {  	s2 =	sld [smem:$0x3FFD];
	_ =	sdelay $0x3  }
0x97: {  	_ =	strace s2  }
0x98: {  	_ =	strace $0x8FFFFFFF  }
0x99: {  	s20 =	sld [smem:$0x3FDB];
	_ =	sdelay $0x1  }
0x9a: {  	s5 =	simm.s32 $_scs_section_size  }
0x9b: {  	s6 =	simm.s32 $_size__tile_overlayer_lowered;
	s7 =	simm.s32 $_tile_overlayer_lowered  }
0x9c: {  	s8 =	simm.s32 $0x1BFF;
	s21 =	sshll.u32 s7, $0x1;
	s5 =	sadd.s32 s5, s20  }
0x9d: {  	s22 =	simm.s32 $0x0;
	s6 =	sshll.u32 s6, $0x1;
	s7 =	sadd.s32 s21, s5  }
0x9e: {  	[timem:s22], [sflag:s8] =	dma.local [hbm:s7], s6  }
0x9f: {  	_ =	swait.ge [sflag:s8], s6  }
0xa0: {  	s6 =	ssub.s32 $0x0, s6;
	[sflag:s8] =	ssyncset.done $0x0  }
0xa1: {  	[sflag:s8] =	ssyncadd.s32 s6;
	_ =	sdelay $0x1  }
0xa2: {  	s23 =	simm.s32 $0x1B8B  }
0xa3: {  	_ =	swait.ge [sflag:s23], $0x1  }
0xa4: {  	[sflag:s23] =	ssyncset.done $0x0  }
0xa5: {  	[sflag:s23] =	ssyncadd.s32 $0xFFFFFFFF  }
0xa6: {  	s6 =	sld [smem:$0x0]  }
0xa7: {  	s7 =	sand.u32 $0xFFFFFFFE, s1  }
0xa8: {  	p0 =	sne.s32 s1, s7  }
0xa9: {  	s7 =	sshll.u32 @p0 s7, $0xE  }
0xaa: {  	s7 =	sadd.s32 @p0 $0x11B8D, s7;
	s8 =	sshll.u32 @p0 s6, $0x11  }
0xab: {  	s7 =	sor.u32 @p0 s8, s7  }
0xac: {  	[sflag:s7] =	ssyncadd.remote.s32 @p0 $0x1;
	_ =	sdelay $0x1  }
0xad: {  	s7 =	simm.s32 @p0 $0x1B8D  }
0xae: {  	_ =	swait.eq @p0 [sflag:s7], $0x1  }
0xaf: {  	[sflag:s7] =	ssyncadd.s32 @p0 $0xFFFFFFFF  }
0xb0: {  	s8 =	sshll.u32 @!p0 s1, $0xE  }
0xb1: {  	s8 =	sor.u32 @!p0 $0x4000, s8;
	s7 =	simm.s32 @!p0 $0x1B8D  }
0xb2: {  	s6 =	sshll.u32 @!p0 s6, $0x11;
	s8 =	sadd.s32 @!p0 $0x11B8D, s8;
	_ =	swait.eq @!p0 [sflag:s7], $0x1  }
0xb3: {  	s6 =	sor.u32 @!p0 s6, s8;
	[sflag:s7] =	ssyncadd.s32 @!p0 $0xFFFFFFFF  }
0xb4: {  	s25 =	simm.s32 $0x1B8E;
	s24 =	sld [smem:$0x3FFE];
	[sflag:s6] =	ssyncadd.remote.s32 @!p0 $0x1  }
0xb5: {  	s26 =	simm.s32 $execute0_lowered;
	[smem:$0x3FD2] =	sst s25  }
0xb6: {  	s7 =	sshll.u32 s26, $0x1;
	_ =	strace $0x80000049;
	[dreg:$0x1] =	wrdreg $0xFFFFFFFF  }
0xb7: {  	s28 =	simm.s32 $_size_execute0_lowered;
	s5 =	sadd.s32 s5, s7;
	[dreg:$0x0] =	wrdreg $0x0  }
0xb8: {  	s7 =	sshll.u32 s28, $0x1;
	[dreg:$0x2] =	wrdreg s5  }
0xb9: {  	[dreg:$0x3] =	wrdreg s7  }
0xba: {  	[dreg:$0x4] =	wrdreg $0xC0  }
0xbb: {  	_ =	task [dreg:s22], $0x5FFFF  }
0xbc: {  	[dreg:$0x1] =	wrdreg $0xFFFFFFFF  }
0xbd: {  	[dreg:$0x0] =	wrdreg $0x60  }
0xbe: {  	[dreg:$0x2] =	wrdreg s18  }
0xbf: {  	[dreg:$0x3] =	wrdreg s4  }
0xc0: {  	[dreg:$0x4] =	wrdreg s24  }
0xc1: {  	[dreg:$0x5] =	wrdreg $0x9  }
0xc2: {  	_ =	task.clear_ibuf [dreg:s22], $0x6FFFF;
	_ =	strace $0x90000049  }
0xc3: {  	s29 =	simm.s32 $0x9;
	_ =	strace $0x8000004B  }
0xc4: {  	_ =	swait.ge [sflag:s29], $0x1  }
0xc5: {  	[sflag:s29] =	ssyncadd.s32 $0xFFFFFFFF  }
0xc6: {  	_ =	strace $0x9000004B  }
0xc7: {  	_ =	sfence  }
0xc8: {  	s30 =	sld [smem:$0x0];
	_ =	sdelay $0x2  }
0xc9: {  	s31 =	sshll.u32 s1, $0xD;
	s1 =	sshrl.u32 s1, $0x2  }
0xca: {  	s4 =	sand.u32 $0x4000, s31;
	s1 =	sadd.s32 s1, s30  }
0xcb: {  	s0 =	sor.u32 s4, s0;
	s1 =	sshll.u32 s1, $0x11  }
0xcc: {  	s0 =	sor.u32 s1, s0  }
0xcd: {  	s0 =	sadd.s32 $0x8F2B, s0  }
0xce: {  	[sflag:s0] =	ssyncadd.remote.s32 $0x1  }
0xcf: {  	_ =	sfence.sel $0xFFFF  }
0xd0: {  	[dreg:$0x0] =	wrdreg $0xFFFFFFFF;
	(pc) =	sbr.abs _section_cstart, $3  }
0xd1: {  	[dreg:$0x1] =	wrdreg $0xFFFFFFFF  }
0xd2: {  	_ =	task.clear_ibuf [dreg:s22], $0x2FFFF;
	_ =	strace $0x9FFFFFFF  }
0xd3: {  	(tm) =	ssettm $0x7FFFFFFF  }
tec
execute0_lowered:
.L_overlay_start_1:
0x0: {  	(tag) =	ssettag $0x1  }
0x1: {  	s5 =	rddreg [dreg:$0x0]  }
0x2: {  	s6 =	rddreg [dreg:$0x1]  }
0x3: {  	s7 =	rddreg [dreg:$0x2]  }
0x4: {  	s0 =	rddreg [dreg:$0x3];
	s1 =	simm.s32 $0x0  }
0x5: {  	s4 =	srdreg.scid;
	s2 =	stileid.u32;
	s13 =	simm.s32 $0x400  }
0x6: {  	s14 =	simm.s32 $0x800;
	s15 =	simm.s32 $0x480;
	s16 =	simm.s32 $0x4800  }
0x7: {  	s17 =	simm.s32 $0x500;
	s18 =	simm.s32 $0x8800;
	s19 =	simm.s32 $0x580  }
0x8: {  	s20 =	simm.s32 $0xC800;
	s21 =	simm.s32 $0x2;
	s22 =	simm.s32 $0x3  }
0x9: {  	s23 =	simm.s32 $0x600;
	s24 =	simm.s32 $0x680;
	s25 =	simm.s32 $0x700  }
0xa: {  	s26 =	simm.s32 $0x780;
	[smem:$0x7FF] =	sst s1;
	s3 =	sadd.s32 $0x30A00, s7  }
0xb: {  	s8 =	sand.u32 $0x1, s4;
	s4 =	sadd.s32 $0x219000, s7;
	s9 =	sshll.u32 s2, $0xE  }
0xc: {  	s12 =	sshll.u32 s2, $0x7;
	_ =	strace $0x8000004A;
	s10 =	sshll.u32 s8, $0xD  }
0xd: {  	s11 =	ssub.s32 $0x2, s8;
	s8 =	sshll.u32 s8, $0x6;
	s9 =	sor.u32 s10, s9  }
0xe: {  	s31 =	sshrl.u32 s11, $0x1;
	s8 =	sor.u32 s8, s12;
	s12 =	simm.s32 $0x80  }
0xf: {  	s9 =	sadd.s32 s9, s7;
	s10 =	ssub.s32 s11, s31;
	s5 =	sadd.s32 s5, s8  }
0x10: {  	s6 =	sadd.s32 s6, s8;
	s11 =	simm.s32 $0x1;
	s7 =	sadd.s32 $0x249E00, s9  }
0x11: {  	s8 =	sadd.s32 $0x289E00, s9;
	s9 =	smax.u32 s10, $0x1;
	s10 =	simm.s32 $0x200  }
.LBB2_1:
0x12: {  	[tilespmem:s1], [sflag:$0x1] =	stream.linear.gather [hbm4b:s5+s1], $0x200, $0x38;
	[tilespmem:$0x10800] =	vst v63  }
0x13: {  	_ = 	snop  }
0x14: {  	[tilespmem:s10], [sflag:$0x1] =	stream.linear.gather [hbm4b:s6+s1], $0x200, $0x38;
	[tilespmem:$0x10800] =	vst v63  }
0x15: {  	_ =	swait.ge [sflag:s11], $0x200  }
0x16: {  	[sflag:s11] =	ssyncset.done $0x0  }
0x17: {  	[sflag:s11] =	ssyncadd.s32 $0xFFFFFE00  }
0x18: {  	_ =	swait.ge [sflag:s11], $0x200  }
0x19: {  	[sflag:s11] =	ssyncset.done $0x0  }
0x1a: {  	[sflag:s11] =	ssyncadd.s32 $0xFFFFFE00  }
0x1b: {  	v0 =	vld [tilespmem:$0x0]  }
0x1c: {  	v1 =	vld [tilespmem:$0x10]  }
0x1d: {  	v2 =	vld [tilespmem:$0x20]  }
0x1e: {  	v3 =	vld [tilespmem:$0x30]  }
0x1f: {  	v4 =	vld [tilespmem:$0x40]  }
0x20: {  	v5 =	vld [tilespmem:$0x50];
	v0 =	vshrl.u32 v0, $0x3  }
0x21: {  	v57 =	vld [tilespmem:$0x60];
	v56 =	vshrl.u32 v1, $0x3;
	[tilespmem:$0x400] =	vst v0  }
0x22: {  	v59 =	vld [tilespmem:$0x70];
	v58 =	vshrl.u32 v2, $0x3;
	[tilespmem:$0x410] =	vst v56  }
0x23: {  	v61 =	vld [tilespmem:$0x80];
	v60 =	vshrl.u32 v3, $0x3;
	[tilespmem:$0x420] =	vst v58  }
0x24: {  	v63 =	vld [tilespmem:$0x90];
	v62 =	vshrl.u32 v4, $0x3;
	[tilespmem:$0x430] =	vst v60  }
0x25: {  	v9 =	vld [tilespmem:$0xA0];
	v8 =	vshrl.u32 v5, $0x3;
	[tilespmem:$0x440] =	vst v62  }
0x26: {  	v11 =	vld [tilespmem:$0xB0];
	v10 =	vshrl.u32 v57, $0x3;
	[tilespmem:$0x450] =	vst v8  }
0x27: {  	v13 =	vld [tilespmem:$0xC0];
	v12 =	vshrl.u32 v59, $0x3;
	[tilespmem:$0x460] =	vst v10  }
0x28: {  	v15 =	vld [tilespmem:$0xD0];
	v14 =	vshrl.u32 v61, $0x3;
	[tilespmem:$0x470] =	vst v12  }
0x29: {  	v17 =	vld [tilespmem:$0xE0];
	v16 =	vshrl.u32 v63, $0x3;
	[tilespmem:$0x480] =	vst v14  }
0x2a: {  	v19 =	vld [tilespmem:$0xF0];
	v18 =	vshrl.u32 v9, $0x3;
	[tilespmem:$0x490] =	vst v16  }
0x2b: {  	v21 =	vld [tilespmem:$0x100];
	v20 =	vshrl.u32 v11, $0x3;
	[tilespmem:$0x4A0] =	vst v18  }
0x2c: {  	v23 =	vld [tilespmem:$0x110];
	v22 =	vshrl.u32 v13, $0x3;
	[tilespmem:$0x4B0] =	vst v20  }
0x2d: {  	v25 =	vld [tilespmem:$0x120];
	v24 =	vshrl.u32 v15, $0x3;
	[tilespmem:$0x4C0] =	vst v22  }
0x2e: {  	v27 =	vld [tilespmem:$0x130];
	v26 =	vshrl.u32 v17, $0x3;
	[tilespmem:$0x4D0] =	vst v24  }
0x2f: {  	v29 =	vld [tilespmem:$0x140];
	v28 =	vshrl.u32 v19, $0x3;
	[tilespmem:$0x4E0] =	vst v26  }
0x30: {  	v31 =	vld [tilespmem:$0x150];
	v30 =	vshrl.u32 v21, $0x3;
	[tilespmem:$0x4F0] =	vst v28  }
0x31: {  	v33 =	vld [tilespmem:$0x160];
	v32 =	vshrl.u32 v23, $0x3;
	[tilespmem:$0x500] =	vst v30  }
0x32: {  	v35 =	vld [tilespmem:$0x170];
	v34 =	vshrl.u32 v25, $0x3;
	[tilespmem:$0x510] =	vst v32  }
0x33: {  	v37 =	vld [tilespmem:$0x180];
	v36 =	vshrl.u32 v27, $0x3;
	[tilespmem:$0x520] =	vst v34  }
0x34: {  	v39 =	vld [tilespmem:$0x190];
	v38 =	vshrl.u32 v29, $0x3;
	[tilespmem:$0x530] =	vst v36  }
0x35: {  	v41 =	vld [tilespmem:$0x1A0];
	v40 =	vshrl.u32 v31, $0x3;
	[tilespmem:$0x540] =	vst v38  }
0x36: {  	v43 =	vld [tilespmem:$0x1B0];
	v42 =	vshrl.u32 v33, $0x3;
	[tilespmem:$0x550] =	vst v40  }
0x37: {  	v45 =	vld [tilespmem:$0x1C0];
	v44 =	vshrl.u32 v35, $0x3;
	[tilespmem:$0x560] =	vst v42  }
0x38: {  	v55 =	vld [tilespmem:$0x210];
	v46 =	vshrl.u32 v37, $0x3;
	[tilespmem:$0x570] =	vst v44  }
0x39: {  	v47 =	vld [tilespmem:$0x1D0];
	v48 =	vshrl.u32 v39, $0x3;
	[tilespmem:$0x580] =	vst v46  }
0x3a: {  	v49 =	vld [tilespmem:$0x1E0];
	v50 =	vshrl.u32 v41, $0x3;
	[tilespmem:$0x590] =	vst v48  }
0x3b: {  	v51 =	vld [tilespmem:$0x1F0];
	v52 =	vshrl.u32 v43, $0x3;
	[tilespmem:$0x5A0] =	vst v50  }
0x3c: {  	v53 =	vld [tilespmem:$0x200];
	v54 =	vshrl.u32 v45, $0x3;
	[tilespmem:$0x5B0] =	vst v52  }
0x3d: {  	v57 =	vld [tilespmem:$0x220];
	v7 =	vshrl.u32 v55, $0x3;
	[tilespmem:$0x5C0] =	vst v54  }
0x3e: {  	v59 =	vld [tilespmem:$0x230];
	v56 =	vshrl.u32 v47, $0x3;
	[tilespmem:$0x610] =	vst v7  }
0x3f: {  	v61 =	vld [tilespmem:$0x240];
	v58 =	vshrl.u32 v49, $0x3;
	[tilespmem:$0x5D0] =	vst v56  }
0x40: {  	v63 =	vld [tilespmem:$0x250];
	v60 =	vshrl.u32 v51, $0x3;
	[tilespmem:$0x5E0] =	vst v58  }
0x41: {  	v62 =	vshrl.u32 v53, $0x3;
	v8 =	vld [tilespmem:$0x260];
	[tilespmem:$0x5F0] =	vst v60  }
0x42: {  	v10 =	vld [tilespmem:$0x270];
	[tilespmem:$0x600] =	vst v62;
	v9 =	vshrl.u32 v57, $0x3  }
0x43: {  	v12 =	vld [tilespmem:$0x280];
	v11 =	vshrl.u32 v59, $0x3;
	[tilespmem:$0x620] =	vst v9  }
0x44: {  	v14 =	vld [tilespmem:$0x290];
	v13 =	vshrl.u32 v61, $0x3;
	[tilespmem:$0x630] =	vst v11  }
0x45: {  	v16 =	vld [tilespmem:$0x2A0];
	v15 =	vshrl.u32 v63, $0x3;
	[tilespmem:$0x640] =	vst v13  }
0x46: {  	v18 =	vld [tilespmem:$0x2B0];
	[tilespmem:$0x650] =	vst v15;
	v17 =	vshrl.u32 v8, $0x3  }
0x47: {  	v20 =	vld [tilespmem:$0x2C0];
	v19 =	vshrl.u32 v10, $0x3;
	[tilespmem:$0x660] =	vst v17  }
0x48: {  	v22 =	vld [tilespmem:$0x2D0];
	v21 =	vshrl.u32 v12, $0x3;
	[tilespmem:$0x670] =	vst v19  }
0x49: {  	v24 =	vld [tilespmem:$0x2E0];
	v23 =	vshrl.u32 v14, $0x3;
	[tilespmem:$0x680] =	vst v21  }
0x4a: {  	v26 =	vld [tilespmem:$0x2F0];
	v25 =	vshrl.u32 v16, $0x3;
	[tilespmem:$0x690] =	vst v23  }
0x4b: {  	v28 =	vld [tilespmem:$0x300];
	v27 =	vshrl.u32 v18, $0x3;
	[tilespmem:$0x6A0] =	vst v25  }
0x4c: {  	v30 =	vld [tilespmem:$0x310];
	v29 =	vshrl.u32 v20, $0x3;
	[tilespmem:$0x6B0] =	vst v27  }
0x4d: {  	v32 =	vld [tilespmem:$0x320];
	v31 =	vshrl.u32 v22, $0x3;
	[tilespmem:$0x6C0] =	vst v29  }
0x4e: {  	v34 =	vld [tilespmem:$0x330];
	v33 =	vshrl.u32 v24, $0x3;
	[tilespmem:$0x6D0] =	vst v31  }
0x4f: {  	v36 =	vld [tilespmem:$0x340];
	v35 =	vshrl.u32 v26, $0x3;
	[tilespmem:$0x6E0] =	vst v33  }
0x50: {  	v38 =	vld [tilespmem:$0x350];
	v37 =	vshrl.u32 v28, $0x3;
	[tilespmem:$0x6F0] =	vst v35  }
0x51: {  	v40 =	vld [tilespmem:$0x360];
	v39 =	vshrl.u32 v30, $0x3;
	[tilespmem:$0x700] =	vst v37  }
0x52: {  	v42 =	vld [tilespmem:$0x370];
	v41 =	vshrl.u32 v32, $0x3;
	[tilespmem:$0x710] =	vst v39  }
0x53: {  	v44 =	vld [tilespmem:$0x380];
	v43 =	vshrl.u32 v34, $0x3;
	[tilespmem:$0x720] =	vst v41  }
0x54: {  	v46 =	vld [tilespmem:$0x390];
	v45 =	vshrl.u32 v36, $0x3;
	[tilespmem:$0x730] =	vst v43  }
0x55: {  	v48 =	vld [tilespmem:$0x3A0];
	v47 =	vshrl.u32 v38, $0x3;
	[tilespmem:$0x740] =	vst v45  }
0x56: {  	v50 =	vld [tilespmem:$0x3B0];
	v49 =	vshrl.u32 v40, $0x3;
	[tilespmem:$0x750] =	vst v47  }
0x57: {  	v52 =	vld [tilespmem:$0x3C0];
	v51 =	vshrl.u32 v42, $0x3;
	[tilespmem:$0x760] =	vst v49  }
0x58: {  	v54 =	vld [tilespmem:$0x3D0];
	v53 =	vshrl.u32 v44, $0x3;
	[tilespmem:$0x770] =	vst v51  }
0x59: {  	v56 =	vld [tilespmem:$0x3E0];
	v55 =	vshrl.u32 v46, $0x3;
	[tilespmem:$0x780] =	vst v53  }
0x5a: {  	v58 =	vld [tilespmem:$0x3F0];
	v57 =	vshrl.u32 v48, $0x3;
	[tilespmem:$0x790] =	vst v55  }
0x5b: {  	v59 =	vshrl.u32 v50, $0x3;
	[tilespmem:$0x7A0] =	vst v57  }
0x5c: {  	v60 =	vshrl.u32 v52, $0x3;
	[tilespmem:$0x7B0] =	vst v59  }
0x5d: {  	v61 =	vshrl.u32 v54, $0x3;
	[tilespmem:$0x7C0] =	vst v60  }
0x5e: {  	[tilespmem:$0x7D0] =	vst v61;
	v62 =	vshrl.u32 v56, $0x3  }
0x5f: {  	v63 =	vshrl.u32 v58, $0x3;
	[tilespmem:$0x7E0] =	vst v62  }
0x60: {  	[tilespmem:$0x7F0] =	vst v63  }
0x61: {  	[tilespmem:s14], [sflag:$0x2] =	stream.indirect.gather [hbm4b:s3+s12], $0x80, s13, s12, $0xb8;
	[tilespmem:$0x10800] =	vst v63  }
0x62: {  	_ = 	snop  }
0x63: {  	[tilespmem:s16], [sflag:$0x2] =	stream.indirect.gather [hbm4b:s3+s12], $0x80, s15, s12, $0xb8;
	[tilespmem:$0x10800] =	vst v63  }
0x64: {  	_ = 	snop  }
0x65: {  	[tilespmem:s18], [sflag:$0x2] =	stream.indirect.gather [hbm4b:s3+s12], $0x80, s17, s12, $0xb8;
	[tilespmem:$0x10800] =	vst v63  }
0x66: {  	_ = 	snop  }
0x67: {  	[tilespmem:s20], [sflag:$0x2] =	stream.indirect.gather [hbm4b:s3+s12], $0x80, s19, s12, $0xb8;
	[tilespmem:$0x10800] =	vst v63  }
0x68: {  	_ =	swait.ge [sflag:s21], $0x4000  }
0x69: {  	[sflag:s21] =	ssyncset.done $0x0  }
0x6a: {  	[sflag:s21] =	ssyncadd.s32 $0xFFFFC000  }
0x6b: {  	_ =	swait.ge [sflag:s21], $0x4000  }
0x6c: {  	[sflag:s21] =	ssyncset.done $0x0  }
0x6d: {  	[sflag:s21] =	ssyncadd.s32 $0xFFFFC000  }
0x6e: {  	_ =	swait.ge [sflag:s21], $0x4000  }
0x6f: {  	[sflag:s21] =	ssyncset.done $0x0  }
0x70: {  	[sflag:s21] =	ssyncadd.s32 $0xFFFFC000  }
0x71: {  	_ =	swait.ge [sflag:s21], $0x4000  }
0x72: {  	[sflag:s21] =	ssyncset.done $0x0  }
0x73: {  	[sflag:s21] =	ssyncadd.s32 $0xFFFFC000  }
0x74: {  	[hbm4b:s7+s1] =	stream.linear.scatter [tilespmem:s14], [sflag:$0x3], $0x10000, $0x38;
	[tilespmem:$0x10800] =	vst v63  }
0x75: {  	_ =	swait.ge [sflag:s22], $0x10000  }
0x76: {  	[sflag:s22] =	ssyncset.done $0x0  }
0x77: {  	[sflag:s22] =	ssyncadd.s32 $0xFFFF0000  }
0x78: {  	[tilespmem:s14], [sflag:$0x2] =	stream.indirect.gather [hbm4b:s4+s12], $0x80, s23, s12, $0xb8;
	[tilespmem:$0x10800] =	vst v63  }
0x79: {  	_ = 	snop  }
0x7a: {  	[tilespmem:s16], [sflag:$0x2] =	stream.indirect.gather [hbm4b:s4+s12], $0x80, s24, s12, $0xb8;
	[tilespmem:$0x10800] =	vst v63  }
0x7b: {  	_ = 	snop  }
0x7c: {  	[tilespmem:s18], [sflag:$0x2] =	stream.indirect.gather [hbm4b:s4+s12], $0x80, s25, s12, $0xb8;
	[tilespmem:$0x10800] =	vst v63  }
0x7d: {  	_ = 	snop  }
0x7e: {  	[tilespmem:s20], [sflag:$0x2] =	stream.indirect.gather [hbm4b:s4+s12], $0x80, s26, s12, $0xb8;
	[tilespmem:$0x10800] =	vst v63  }
0x7f: {  	_ =	swait.ge [sflag:s21], $0x4000  }
0x80: {  	[sflag:s21] =	ssyncset.done $0x0  }
0x81: {  	[sflag:s21] =	ssyncadd.s32 $0xFFFFC000  }
0x82: {  	_ =	swait.ge [sflag:s21], $0x4000  }
0x83: {  	[sflag:s21] =	ssyncset.done $0x0  }
0x84: {  	[sflag:s21] =	ssyncadd.s32 $0xFFFFC000  }
0x85: {  	_ =	swait.ge [sflag:s21], $0x4000  }
0x86: {  	[sflag:s21] =	ssyncset.done $0x0  }
0x87: {  	[sflag:s21] =	ssyncadd.s32 $0xFFFFC000  }
0x88: {  	_ =	swait.ge [sflag:s21], $0x4000  }
0x89: {  	p0 =	sne.s32 s9, $0x1;
	[sflag:s21] =	ssyncset.done $0x0  }
.Ltmp0:
0x8a: {  	[sflag:s21] =	ssyncadd.s32 $0xFFFFC000;
	(pc) =	sbr.rel @p0 .LBB2_1-.Ltmp0, $4  }
0x8b: {  	[hbm4b:s8+s1] =	stream.linear.scatter [tilespmem:s14], [sflag:$0x3], $0x10000, $0x38;
	[tilespmem:$0x10800] =	vst v63  }
0x8c: {  	_ =	swait.ge [sflag:s22], $0x10000  }
0x8d: {  	[sflag:s22] =	ssyncset.done $0x0  }
0x8e: {  	s9 =	sadd.s32 $0xFFFFFFFF, s9;
	[sflag:s22] =	ssyncadd.s32 $0xFFFF0000  }
0x8f: {  	_ =	sfence.sel $0x180000  }
0x90: {  	[bflag:$0x0] =	sbarrier.arrive $0xFFFF  }
0x91: {  	p0 =	sne.s32 s2, $0x0;
	_ =	strace $0x9000004A  }
0x92: {  	s0 =	sadd.s32 @!p0 $0x100000, s0;
	[bflag:$0x2] =	sbarrier.arrive $0xFFFF  }
0x93: {  	[sflag:s0] =	ssyncadd.tile.s32 @!p0 $0x1;
	_ =	shalt  }
.Lfunc_end2:
_tile_overlayer_lowered:
.L_overlay_start_2:
0x94: {  	(tag) =	ssettag $0x2  }
0x95: {  	s0 =	rddreg [dreg:$0x0];
	s2 =	stileid.u32  }
0x96: {  	s1 =	rddreg [dreg:$0x1];
	p0 =	sne.s32 s2, $0x0  }
0x97: {  	s3 =	rddreg [dreg:$0x2];
	[bflag:$0x3] =	sbarrier.arrive $0xFFFF;
	s2 =	simm.s32 @!p0 $0x1C04  }
0x98: {  	[timem:s3], [sflag:s2] =	dma.local @!p0 [hbm:s0], s1  }
0x99: {  	s0 =	simm.s32 @!p0 $0x4  }
0x9a: {  	_ =	swait.ge @!p0 [sflag:s0], s1  }
0x9b: {  	s1 =	ssub.s32 @!p0 $0x0, s1;
	[sflag:s0] =	ssyncset.done @!p0 $0x0  }
0x9c: {  	[sflag:s0] =	ssyncadd.s32 @!p0 s1  }
0x9d: {  	[bflag:$0x3] =	sbarrier.arrive $0xFFFF  }
0x9e: {  	_ =	shalt  }

</sc_bundles>
